<compile_context>
chip_gen: v7x
topology: tpu7x:2x2x1
jax: 0.10.2.dev20260603
libtpu: 0.0.44.dev20260713+nightly
codegen_flags: <defaults>
</compile_context>

<pallas_src>
import jax
import jax.numpy as jnp
from jax import lax
from jax.experimental import pallas as pl
from jax.experimental.pallas import tpu as pltpu
from jax.experimental.pallas import tpu_sc as plsc

N, D, K, M, S = 10000, 256, 8, 1000, 1250
NEDGE = 125
THPOS = 12
EPS_PD = 1e-6
EPS_COS = 1e-8

NW = 32
NG = K * NEDGE
GPT = 32
FW = 5
RPT = 2000

NB = 5
BLK = N // NB


def _sc_body(node_hbm, idx_hbm, mask_hbm, wval_hbm, f_hbm, wts_hbm,
             idx_v, rows_v, mask_v, flag_v, wval_v,
             sem_i, sem_m, sem_w, sem_g):
    c = lax.axis_index("c")
    s = lax.axis_index("s")
    wid = s * 2 + c

    gbase = wid * GPT
    last = wid == NW - 1

    @pl.when(jnp.logical_not(last))
    def _g_full():
        pltpu.async_copy(idx_hbm.at[pl.ds(gbase, GPT)], idx_v, sem_i).wait()
        pltpu.make_async_copy(node_hbm.at[idx_v], rows_v, sem_g).start()

    @pl.when(last)
    def _g_tail():
        pltpu.async_copy(idx_hbm.at[pl.ds(NG - 8, 8)],
                         idx_v.at[pl.ds(0, 8)], sem_i).wait()
        pltpu.make_async_copy(node_hbm.at[idx_v.at[pl.ds(0, 8)]],
                              rows_v.at[pl.ds(0, 8), :], sem_g).start()

    @pl.when(wid < FW)
    def _flags():
        fbase = wid * RPT
        cm = pltpu.async_copy(mask_hbm, mask_v, sem_m)
        cw = pltpu.async_copy(wval_hbm, wval_v, sem_w)
        ones16 = jnp.ones((16,), jnp.float32)
        for i in range(RPT // 16):
            flag_v[pl.ds(i * 16, 16)] = ones16
        cm.wait()
        cw.wait()
        wv = wval_v[...]
        offsets = [i * 16 for i in range(M // 16)] + [M - 16]
        for o in offsets:
            mv = mask_v[pl.ds(o, 16)]
            off = mv - fbase
            valid = (off >= 0) & (off < RPT)
            offc = jnp.minimum(jnp.maximum(off, 0), RPT - 1)
            plsc.store_scatter(flag_v, [offc], wv, mask=valid)
        pltpu.sync_copy(flag_v, wts_hbm.at[wid, 0, pl.ds(0, RPT)])

    @pl.when(jnp.logical_not(last))
    def _w_full():
        pltpu.make_async_copy(node_hbm.at[idx_v], rows_v, sem_g).wait()
        pltpu.sync_copy(rows_v, f_hbm.at[pl.ds(gbase, GPT)])

    @pl.when(last)
    def _w_tail():
        pltpu.make_async_copy(node_hbm.at[idx_v.at[pl.ds(0, 8)]],
                              rows_v.at[pl.ds(0, 8), :], sem_g).wait()
        pltpu.sync_copy(rows_v.at[pl.ds(0, 8), :], f_hbm.at[pl.ds(NG - 8, 8)])


def _tc_body(nf_ref, lab_ref, cen_ref, wts_ref, f_ref, out_ref, dscr):
    b = pl.program_id(0)

    x = nf_ref[...]
    lab = lab_ref[0, 0, :]
    cen = cen_ref[...]
    oh = (lab[:, None] == lax.broadcasted_iota(jnp.int32, (BLK, K), 1)
          ).astype(jnp.float32)
    csel = lax.dot_general(oh, cen, (((1,), (0,)), ((), ())),
                           preferred_element_type=jnp.float32)
    diff = x - csel + EPS_PD
    d = jnp.sqrt(jnp.sum(diff * diff, axis=1))
    dscr[pl.ds(b, 1), :, :] = d.reshape(1, 1, BLK)

    @pl.when(b == NB - 1)
    def _fin():
        inner = jnp.sum(dscr[...].reshape(NB, BLK) * wts_ref[...].reshape(NB, BLK))

        F = f_ref[...].reshape(K, NEDGE, D)
        fn = jnp.maximum(jnp.sqrt(jnp.sum(F * F, axis=2)), EPS_COS)
        cd = cen[:, None, :] - cen[None, :, :]
        tn = jnp.maximum(jnp.sqrt(jnp.sum(cd * cd, axis=2)), EPS_COS)

        cos_rows = []
        for i in range(K):
            g = lax.dot_general(cen, F[i], (((1,), (1,)), ((), ())),
                                preferred_element_type=jnp.float32)
            num = g[i, :][None, :] - g
            cos = num / (tn[i, :][:, None] * fn[i, :][None, :])
            cos_rows.append(cos.reshape(1, K, NEDGE))
        cos_all = jnp.concatenate(cos_rows, axis=0)

        bits = lax.bitcast_convert_type(cos_all, jnp.int32)
        xm = lax.shift_right_arithmetic(bits, 31) | jnp.int32(-2147483648)
        mu = lax.bitcast_convert_type(bits ^ xm, jnp.uint32)
        r_u = jnp.zeros((K, K, 1), jnp.uint32)
        for bit in range(31, -1, -1):
            cand = r_u | jnp.uint32(1 << bit)
            cless = jnp.sum((mu < cand).astype(jnp.float32), axis=2,
                            keepdims=True)
            r_u = jnp.where(cless <= jnp.float32(THPOS), cand, r_u)
        keep_all = (mu > r_u).astype(jnp.float32)
        cnt_all = jnp.sum(keep_all, axis=2)

        means = []
        cnts = []
        for i in range(K):
            ssum = lax.dot_general(keep_all[i], F[i], (((1,), (0,)), ((), ())),
                                   preferred_element_type=jnp.float32)
            mean = ssum / jnp.maximum(cnt_all[i], 1.0)[:, None]
            means.append(mean)
            cnts.append(cnt_all[i])

        L2 = jnp.float32(0.0)
        for i in range(K):
            for j in range(i + 1, K):
                dd = means[i][j] - means[j][i] + EPS_PD
                dist = jnp.sqrt(jnp.sum(dd * dd))
                ok = (cnts[i][j] > 0.0) & (cnts[j][i] > 0.0)
                L2 = L2 + jnp.where(ok, dist, jnp.float32(0.0))

        out_ref[...] = jnp.broadcast_to(inner - L2, (1, 1))


def kernel(node_fea, clu_label, center_fea, mask_nodes, mask_weight, sort_idx_rst):
    node_fea = node_fea.astype(jnp.float32)
    center_fea = center_fea.astype(jnp.float32)

    idx = sort_idx_rst[:, S - NEDGE:].astype(jnp.int32).reshape(-1)
    mask = mask_nodes.astype(jnp.int32)
    mwf = jnp.asarray(mask_weight, jnp.float32)
    wval = jnp.full((16,), 2.0, jnp.float32) + mwf

    sc_call = pl.kernel(
        _sc_body,
        out_type=[jax.ShapeDtypeStruct((NG, D), jnp.float32),
                  jax.ShapeDtypeStruct((NB, 1, BLK), jnp.float32)],
        mesh=plsc.VectorSubcoreMesh(core_axis_name="c", subcore_axis_name="s"),
        compiler_params=pltpu.CompilerParams(needs_layout_passes=False),
        scratch_types=[
            pltpu.VMEM((GPT,), jnp.int32),
            pltpu.VMEM((GPT, D), jnp.float32),
            pltpu.VMEM((M,), jnp.int32),
            pltpu.VMEM((RPT,), jnp.float32),
            pltpu.VMEM((16,), jnp.float32),
            pltpu.SemaphoreType.DMA,
            pltpu.SemaphoreType.DMA,
            pltpu.SemaphoreType.DMA,
            pltpu.SemaphoreType.DMA,
        ],
    )
    F, wts = sc_call(node_fea, idx, mask, wval)

    labs = clu_label.astype(jnp.int32).reshape(NB, 1, BLK)

    out = pl.pallas_call(
        _tc_body,
        grid=(NB,),
        in_specs=[
            pl.BlockSpec((BLK, D), lambda b: (b, 0)),
            pl.BlockSpec((1, 1, BLK), lambda b: (b, 0, 0)),
            pl.BlockSpec((K, D), lambda b: (0, 0)),
            pl.BlockSpec((NB, 1, BLK), lambda b: (0, 0, 0)),
            pl.BlockSpec((NG, D), lambda b: (0, 0)),
        ],
        out_specs=pl.BlockSpec((1, 1), lambda b: (0, 0)),
        out_shape=jax.ShapeDtypeStruct((1, 1), jnp.float32),
        scratch_shapes=[
            pltpu.VMEM((NB, 1, BLK), jnp.float32),
        ],
    )(node_fea, labs, center_fea, wts, F)
    return out.reshape(1)

# --- scband reference (transcript-rebuilt; emitter-appended) ---
"""Pipeline reference for scband-myloss-16862041604208 (READ-ONLY COPY).

The authoritative reference and input builder live on the scoring server;
editing this copy changes nothing except your own understanding.
"""

import jax, jax.numpy as jnp
import numpy as np

N, D, K, M, S = 10000, 256, 8, 1000, 1250
EPS_PD = 1e-6
EPS_COS = 1e-8


def setup_inputs(seed: int = 0) -> dict:
    key = jax.random.key(seed)
    k1, k2, k3, k4, k5 = jax.random.split(key, 5)
    node_fea = jax.random.normal(k1, (N, D), dtype=jnp.float32)
    clu_label = jax.random.randint(k2, (N,), 0, K)
    center_fea = jax.random.normal(k3, (K, D), dtype=jnp.float32)
    mask_nodes = jax.random.randint(k4, (M,), 0, N)
    sort_idx_rst = jax.random.randint(k5, (K, S), 0, N)
    mask_weight = 1
    return {
        'node_fea': node_fea,
        'clu_label': clu_label,
        'center_fea': center_fea,
        'mask_nodes': mask_nodes,
        'mask_weight': mask_weight,
        'sort_idx_rst': sort_idx_rst,
    }


def _pairwise_dist(a, b):
    # torch.nn.functional.pairwise_distance(p=2, eps=1e-6): ||a - b + eps||_2
    d = a - b + EPS_PD
    return jnp.sqrt(jnp.sum(d * d, axis=-1))


def _cos_sim(t, feas):
    # torch cosine_similarity with eps=1e-8
    tn = jnp.maximum(jnp.linalg.norm(t), EPS_COS)
    fn = jnp.maximum(jnp.linalg.norm(feas, axis=-1), EPS_COS)
    return (feas @ t) / (tn * fn)


def _forward(node_fea, center_fea, clu_label, mask_nodes, mask_weight, sort_idx_rst):
    n = node_fea.shape[0]
    # ---- inner cluster loss ----
    d_i = _pairwise_dist(node_fea, center_fea[clu_label])  # [N]
    base = jnp.sum(d_i)
    is_masked = jnp.isin(jnp.arange(n), mask_nodes)
    masked_sum = jnp.sum(jnp.where(is_masked, d_i, 0.0))
    inner = base + (1 + mask_weight) * masked_sum

    # ---- inter cluster loss ----
    k = center_fea.shape[0]
    s = sort_idx_rst.shape[1]
    n_edge = int(s * 0.1)
    th_pos = int(n_edge * 0.1)
    L2 = jnp.float32(0.0)
    for i in range(k):
        for j in range(i + 1, k):
            t = center_fea[i] - center_fea[j]
            idx_i = sort_idx_rst[i][-n_edge:]
            idx_j = sort_idx_rst[j][-n_edge:]
            fea_i = node_fea[idx_i]  # [n_edge, D]
            fea_j = node_fea[idx_j]
            cos_i = _cos_sim(t, fea_i)
            cos_j = _cos_sim(t, fea_j)
            th_i = jnp.sort(cos_i)[th_pos]
            th_j = jnp.sort(cos_j)[th_pos]
            keep_i = cos_i > th_i
            keep_j = cos_j > th_j
            cnt_i = jnp.sum(keep_i)
            cnt_j = jnp.sum(keep_j)
            mean_i = jnp.sum(fea_i * keep_i[:, None], axis=0) / jnp.maximum(cnt_i, 1)
            mean_j = jnp.sum(fea_j * keep_j[:, None], axis=0) / jnp.maximum(cnt_j, 1)
            dist = _pairwise_dist(mean_i, mean_j)
            L2 = L2 + jnp.where((cnt_i > 0) & (cnt_j > 0), dist, 0.0)
    inter = -L2
    total = inner + inter
    return jnp.reshape(total, (1,))


def reference(node_fea, clu_label, center_fea, mask_nodes, mask_weight, sort_idx_rst):
    return _forward(node_fea, center_fea, clu_label, mask_nodes, mask_weight, sort_idx_rst)

if __name__ == "__main__":
    import jax
    _d = setup_inputs()
    print(jax.jit(kernel)(*tuple(_d.values())))

</pallas_src>

<mosaic_0001>
#map = affine_map<(d0, d1) -> (0, 0)>
#map1 = affine_map<(d0, d1) -> (0)>
#map2 = affine_map<(d0, d1) -> (0, 0, 0)>
module attributes {stable_mosaic.version = 14 : i64} {
  func.func @_sc_body(%arg0: i32, %arg1: i32, %arg2: memref<10000x256xf32, #tpu.memory_space<hbm>>, %arg3: memref<1000xi32, #tpu.memory_space<hbm>>, %arg4: memref<1000xi32, #tpu.memory_space<hbm>>, %arg5: memref<16xf32, #tpu.memory_space<hbm>>, %arg6: memref<1000x256xf32, #tpu.memory_space<hbm>>, %arg7: memref<5x1x2000xf32, #tpu.memory_space<hbm>>, %arg8: memref<32xi32, #tpu.memory_space<vmem>>, %arg9: memref<32x256xf32, #tpu.memory_space<vmem>>, %arg10: memref<1000xi32, #tpu.memory_space<vmem>>, %arg11: memref<2000xf32, #tpu.memory_space<vmem>>, %arg12: memref<16xf32, #tpu.memory_space<vmem>>, %arg13: memref<!tpu.dma_semaphore, #tpu.memory_space<semaphore_mem>>, %arg14: memref<!tpu.dma_semaphore, #tpu.memory_space<semaphore_mem>>, %arg15: memref<!tpu.dma_semaphore, #tpu.memory_space<semaphore_mem>>, %arg16: memref<!tpu.dma_semaphore, #tpu.memory_space<semaphore_mem>>) attributes {dimension_semantics = [#tpu.dimension_semantics<core_parallel>, #tpu.dimension_semantics<subcore_parallel>], iteration_bounds = array<i64: 2, 16>, scalar_prefetch = 0 : i64, scratch_operands = 9 : i64, tpu.core_type = #tpu.core_type<sc_vector_subcore>, window_params = [{transform_indices = #map}, {transform_indices = #map1}, {transform_indices = #map1}, {transform_indices = #map1}, {transform_indices = #map}, {transform_indices = #map2}]} {
    %mul3A = arith.constant 2 : i32
    %mul3A_0 = arith.muli %arg1, %mul3A : i32
    %add3A = arith.addi %mul3A_0, %arg0 : i32
    %mul3A_1 = arith.constant 32 : i32
    %mul3A_2 = arith.muli %add3A, %mul3A_1 : i32
    %eq3A = arith.constant 31 : i32
    %eq3A_3 = arith.cmpi eq, %add3A, %eq3A : i32
    %not3A = arith.constant true
    %not3A_4 = arith.xori %eq3A_3, %not3A : i1
    %convert_element_type3A = arith.extui %not3A_4 : i1 to i32
    %cond3A = arith.constant 0 : i32
    %cond3A_5 = arith.cmpi ne, %convert_element_type3A, %cond3A : i32
    scf.if %cond3A_5 {
      %dma_start3A = tpu.memref_slice %arg3[%mul3A_2] : memref<1000xi32, #tpu.memory_space<hbm>> -> memref<32xi32, #tpu.memory_space<hbm>>
      %dma_start3A_21 = tpu.memref_slice %arg3[%mul3A_2] : memref<1000xi32, #tpu.memory_space<hbm>> -> memref<32xi32, #tpu.memory_space<hbm>>
      tpu.enqueue_dma source(%dma_start3A_21 : memref<32xi32, #tpu.memory_space<hbm>>) target(%arg8 : memref<32xi32, #tpu.memory_space<vmem>>) target_semaphore(%arg13 : memref<!tpu.dma_semaphore, #tpu.memory_space<semaphore_mem>>)
      %dma_wait3A = tpu.memref_slice %arg3[%mul3A_2] : memref<1000xi32, #tpu.memory_space<hbm>> -> memref<32xi32, #tpu.memory_space<hbm>>
      %dma_wait3A_22 = tpu.memref_slice %arg3[%mul3A_2] : memref<1000xi32, #tpu.memory_space<hbm>> -> memref<32xi32, #tpu.memory_space<hbm>>
      tpu.wait_dma2 semaphore(%arg13 : memref<!tpu.dma_semaphore, #tpu.memory_space<semaphore_mem>>) src(%dma_wait3A_22 : memref<32xi32, #tpu.memory_space<hbm>>) dst(%arg8 : memref<32xi32, #tpu.memory_space<vmem>>)
      %dma_start3A_23 = arith.constant 0 : i32
      %dma_start3A_24 = arith.constant 0 : i32
      %dma_start3A_25 = tpu.memref_slice %arg2[%dma_start3A_23, %dma_start3A_24] : memref<10000x256xf32, #tpu.memory_space<hbm>> -> memref<10000x256xf32, #tpu.memory_space<hbm>>
      tpu.enqueue_indirect_dma source(%dma_start3A_25 : memref<10000x256xf32, #tpu.memory_space<hbm>>) target(%arg9 : memref<32x256xf32, #tpu.memory_space<vmem>>) offsets(%arg8 : memref<32xi32, #tpu.memory_space<vmem>>) semaphore(%arg16 : memref<!tpu.dma_semaphore, #tpu.memory_space<semaphore_mem>>)
    } else {
    }
    %convert_element_type3A_6 = arith.extui %eq3A_3 : i1 to i32
    %cond3A_7 = arith.constant 0 : i32
    %cond3A_8 = arith.cmpi ne, %convert_element_type3A_6, %cond3A_7 : i32
    scf.if %cond3A_8 {
      %dma_start3A = arith.constant 0 : i32
      %dma_start3A_21 = tpu.memref_slice %arg8[%dma_start3A] : memref<32xi32, #tpu.memory_space<vmem>> -> memref<8xi32, #tpu.memory_space<vmem>>
      %dma_start3A_22 = arith.constant 992 : i32
      %dma_start3A_23 = tpu.memref_slice %arg3[%dma_start3A_22] : memref<1000xi32, #tpu.memory_space<hbm>> -> memref<8xi32, #tpu.memory_space<hbm>>
      %dma_start3A_24 = arith.constant 0 : i32
      %dma_start3A_25 = tpu.memref_slice %arg8[%dma_start3A_24] : memref<32xi32, #tpu.memory_space<vmem>> -> memref<8xi32, #tpu.memory_space<vmem>>
      %dma_start3A_26 = arith.constant 992 : i32
      %dma_start3A_27 = tpu.memref_slice %arg3[%dma_start3A_26] : memref<1000xi32, #tpu.memory_space<hbm>> -> memref<8xi32, #tpu.memory_space<hbm>>
      tpu.enqueue_dma source(%dma_start3A_27 : memref<8xi32, #tpu.memory_space<hbm>>) target(%dma_start3A_25 : memref<8xi32, #tpu.memory_space<vmem>>) target_semaphore(%arg13 : memref<!tpu.dma_semaphore, #tpu.memory_space<semaphore_mem>>)
      %dma_wait3A = arith.constant 0 : i32
      %dma_wait3A_28 = tpu.memref_slice %arg8[%dma_wait3A] : memref<32xi32, #tpu.memory_space<vmem>> -> memref<8xi32, #tpu.memory_space<vmem>>
      %dma_wait3A_29 = arith.constant 992 : i32
      %dma_wait3A_30 = tpu.memref_slice %arg3[%dma_wait3A_29] : memref<1000xi32, #tpu.memory_space<hbm>> -> memref<8xi32, #tpu.memory_space<hbm>>
      %dma_wait3A_31 = arith.constant 0 : i32
      %dma_wait3A_32 = tpu.memref_slice %arg8[%dma_wait3A_31] : memref<32xi32, #tpu.memory_space<vmem>> -> memref<8xi32, #tpu.memory_space<vmem>>
      %dma_wait3A_33 = arith.constant 992 : i32
      %dma_wait3A_34 = tpu.memref_slice %arg3[%dma_wait3A_33] : memref<1000xi32, #tpu.memory_space<hbm>> -> memref<8xi32, #tpu.memory_space<hbm>>
      tpu.wait_dma2 semaphore(%arg13 : memref<!tpu.dma_semaphore, #tpu.memory_space<semaphore_mem>>) src(%dma_wait3A_34 : memref<8xi32, #tpu.memory_space<hbm>>) dst(%dma_wait3A_32 : memref<8xi32, #tpu.memory_space<vmem>>)
      %dma_start3A_35 = arith.constant 0 : i32
      %dma_start3A_36 = arith.constant 0 : i32
      %dma_start3A_37 = tpu.memref_slice %arg9[%dma_start3A_35, %dma_start3A_36] : memref<32x256xf32, #tpu.memory_space<vmem>> -> memref<8x256xf32, #tpu.memory_space<vmem>>
      %dma_start3A_38 = arith.constant 0 : i32
      %dma_start3A_39 = tpu.memref_slice %arg8[%dma_start3A_38] : memref<32xi32, #tpu.memory_space<vmem>> -> memref<8xi32, #tpu.memory_space<vmem>>
      %dma_start3A_40 = arith.constant 0 : i32
      %dma_start3A_41 = arith.constant 0 : i32
      %dma_start3A_42 = tpu.memref_slice %arg2[%dma_start3A_40, %dma_start3A_41] : memref<10000x256xf32, #tpu.memory_space<hbm>> -> memref<10000x256xf32, #tpu.memory_space<hbm>>
      tpu.enqueue_indirect_dma source(%dma_start3A_42 : memref<10000x256xf32, #tpu.memory_space<hbm>>) target(%dma_start3A_37 : memref<8x256xf32, #tpu.memory_space<vmem>>) offsets(%dma_start3A_39 : memref<8xi32, #tpu.memory_space<vmem>>) semaphore(%arg16 : memref<!tpu.dma_semaphore, #tpu.memory_space<semaphore_mem>>)
    } else {
    }
    %lt3A = arith.constant 5 : i32
    %lt3A_9 = arith.cmpi slt, %add3A, %lt3A : i32
    %convert_element_type3A_10 = arith.extui %lt3A_9 : i1 to i32
    %cond3A_11 = arith.constant 0 : i32
    %cond3A_12 = arith.cmpi ne, %convert_element_type3A_10, %cond3A_11 : i32
    scf.if %cond3A_12 {
      %mul3A_21 = arith.constant 2000 : i32
      %mul3A_22 = arith.muli %add3A, %mul3A_21 : i32
      tpu.enqueue_dma source(%arg4 : memref<1000xi32, #tpu.memory_space<hbm>>) target(%arg10 : memref<1000xi32, #tpu.memory_space<vmem>>) target_semaphore(%arg14 : memref<!tpu.dma_semaphore, #tpu.memory_space<semaphore_mem>>)
      tpu.enqueue_dma source(%arg5 : memref<16xf32, #tpu.memory_space<hbm>>) target(%arg12 : memref<16xf32, #tpu.memory_space<vmem>>) target_semaphore(%arg15 : memref<!tpu.dma_semaphore, #tpu.memory_space<semaphore_mem>>)
      %broadcast_in_dim3A = arith.constant 1.000000e+00 : f32
      %broadcast_in_dim3A_23 = vector.broadcast %broadcast_in_dim3A : f32 to vector<16xf32>
      %swap3A = arith.constant 0 : index
      %swap3A_24 = tpu.vector_load %arg11[%swap3A] {strides = array<i32>} : memref<2000xf32, #tpu.memory_space<vmem>>, vector<16xf32>,
      tpu.vector_store %arg11[%swap3A], %broadcast_in_dim3A_23 {strides = array<i32>} : memref<2000xf32, #tpu.memory_space<vmem>>, vector<16xf32>,
      %swap3A_25 = arith.constant 16 : index
      %swap3A_26 = tpu.vector_load %arg11[%swap3A_25] {strides = array<i32>} : memref<2000xf32, #tpu.memory_space<vmem>>, vector<16xf32>,
      tpu.vector_store %arg11[%swap3A_25], %broadcast_in_dim3A_23 {strides = array<i32>} : memref<2000xf32, #tpu.memory_space<vmem>>, vector<16xf32>,
      %swap3A_27 = arith.constant 32 : index
      %swap3A_28 = tpu.vector_load %arg11[%swap3A_27] {strides = array<i32>} : memref<2000xf32, #tpu.memory_space<vmem>>, vector<16xf32>,
      tpu.vector_store %arg11[%swap3A_27], %broadcast_in_dim3A_23 {strides = array<i32>} : memref<2000xf32, #tpu.memory_space<vmem>>, vector<16xf32>,
      %swap3A_29 = arith.constant 48 : index
      %swap3A_30 = tpu.vector_load %arg11[%swap3A_29] {strides = array<i32>} : memref<2000xf32, #tpu.memory_space<vmem>>, vector<16xf32>,
      tpu.vector_store %arg11[%swap3A_29], %broadcast_in_dim3A_23 {strides = array<i32>} : memref<2000xf32, #tpu.memory_space<vmem>>, vector<16xf32>,
      %swap3A_31 = arith.constant 64 : index
      %swap3A_32 = tpu.vector_load %arg11[%swap3A_31] {strides = array<i32>} : memref<2000xf32, #tpu.memory_space<vmem>>, vector<16xf32>,
      tpu.vector_store %arg11[%swap3A_31], %broadcast_in_dim3A_23 {strides = array<i32>} : memref<2000xf32, #tpu.memory_space<vmem>>, vector<16xf32>,
      %swap3A_33 = arith.constant 80 : index
      %swap3A_34 = tpu.vector_load %arg11[%swap3A_33] {strides = array<i32>} : memref<2000xf32, #tpu.memory_space<vmem>>, vector<16xf32>,
      tpu.vector_store %arg11[%swap3A_33], %broadcast_in_dim3A_23 {strides = array<i32>} : memref<2000xf32, #tpu.memory_space<vmem>>, vector<16xf32>,
      %swap3A_35 = arith.constant 96 : index
      %swap3A_36 = tpu.vector_load %arg11[%swap3A_35] {strides = array<i32>} : memref<2000xf32, #tpu.memory_space<vmem>>, vector<16xf32>,
      tpu.vector_store %arg11[%swap3A_35], %broadcast_in_dim3A_23 {strides = array<i32>} : memref<2000xf32, #tpu.memory_space<vmem>>, vector<16xf32>,
      %swap3A_37 = arith.constant 112 : index
      %swap3A_38 = tpu.vector_load %arg11[%swap3A_37] {strides = array<i32>} : memref<2000xf32, #tpu.memory_space<vmem>>, vector<16xf32>,
      tpu.vector_store %arg11[%swap3A_37], %broadcast_in_dim3A_23 {strides = array<i32>} : memref<2000xf32, #tpu.memory_space<vmem>>, vector<16xf32>,
      %swap3A_39 = arith.constant 128 : index
      %swap3A_40 = tpu.vector_load %arg11[%swap3A_39] {strides = array<i32>} : memref<2000xf32, #tpu.memory_space<vmem>>, vector<16xf32>,
      tpu.vector_store %arg11[%swap3A_39], %broadcast_in_dim3A_23 {strides = array<i32>} : memref<2000xf32, #tpu.memory_space<vmem>>, vector<16xf32>,
      %swap3A_41 = arith.constant 144 : index
      %swap3A_42 = tpu.vector_load %arg11[%swap3A_41] {strides = array<i32>} : memref<2000xf32, #tpu.memory_space<vmem>>, vector<16xf32>,
      tpu.vector_store %arg11[%swap3A_41], %broadcast_in_dim3A_23 {strides = array<i32>} : memref<2000xf32, #tpu.memory_space<vmem>>, vector<16xf32>,
      %swap3A_43 = arith.constant 160 : index
      %swap3A_44 = tpu.vector_load %arg11[%swap3A_43] {strides = array<i32>} : memref<2000xf32, #tpu.memory_space<vmem>>, vector<16xf32>,
      tpu.vector_store %arg11[%swap3A_43], %broadcast_in_dim3A_23 {strides = array<i32>} : memref<2000xf32, #tpu.memory_space<vmem>>, vector<16xf32>,
      %swap3A_45 = arith.constant 176 : index
      %swap3A_46 = tpu.vector_load %arg11[%swap3A_45] {strides = array<i32>} : memref<2000xf32, #tpu.memory_space<vmem>>, vector<16xf32>,
      tpu.vector_store %arg11[%swap3A_45], %broadcast_in_dim3A_23 {strides = array<i32>} : memref<2000xf32, #tpu.memory_space<vmem>>, vector<16xf32>,
      %swap3A_47 = arith.constant 192 : index
      %swap3A_48 = tpu.vector_load %arg11[%swap3A_47] {strides = array<i32>} : memref<2000xf32, #tpu.memory_space<vmem>>, vector<16xf32>,
      tpu.vector_store %arg11[%swap3A_47], %broadcast_in_dim3A_23 {strides = array<i32>} : memref<2000xf32, #tpu.memory_space<vmem>>, vector<16xf32>,
      %swap3A_49 = arith.constant 208 : index
      %swap3A_50 = tpu.vector_load %arg11[%swap3A_49] {strides = array<i32>} : memref<2000xf32, #tpu.memory_space<vmem>>, vector<16xf32>,
      tpu.vector_store %arg11[%swap3A_49], %broadcast_in_dim3A_23 {strides = array<i32>} : memref<2000xf32, #tpu.memory_space<vmem>>, vector<16xf32>,
      %swap3A_51 = arith.constant 224 : index
      %swap3A_52 = tpu.vector_load %arg11[%swap3A_51] {strides = array<i32>} : memref<2000xf32, #tpu.memory_space<vmem>>, vector<16xf32>,
      tpu.vector_store %arg11[%swap3A_51], %broadcast_in_dim3A_23 {strides = array<i32>} : memref<2000xf32, #tpu.memory_space<vmem>>, vector<16xf32>,
      %swap3A_53 = arith.constant 240 : index
      %swap3A_54 = tpu.vector_load %arg11[%swap3A_53] {strides = array<i32>} : memref<2000xf32, #tpu.memory_space<vmem>>, vector<16xf32>,
      tpu.vector_store %arg11[%swap3A_53], %broadcast_in_dim3A_23 {strides = array<i32>} : memref<2000xf32, #tpu.memory_space<vmem>>, vector<16xf32>,
      %swap3A_55 = arith.constant 256 : index
      %swap3A_56 = tpu.vector_load %arg11[%swap3A_55] {strides = array<i32>} : memref<2000xf32, #tpu.memory_space<vmem>>, vector<16xf32>,
      tpu.vector_store %arg11[%swap3A_55], %broadcast_in_dim3A_23 {strides = array<i32>} : memref<2000xf32, #tpu.memory_space<vmem>>, vector<16xf32>,
      %swap3A_57 = arith.constant 272 : index
      %swap3A_58 = tpu.vector_load %arg11[%swap3A_57] {strides = array<i32>} : memref<2000xf32, #tpu.memory_space<vmem>>, vector<16xf32>,
      tpu.vector_store %arg11[%swap3A_57], %broadcast_in_dim3A_23 {strides = array<i32>} : memref<2000xf32, #tpu.memory_space<vmem>>, vector<16xf32>,
      %swap3A_59 = arith.constant 288 : index
      %swap3A_60 = tpu.vector_load %arg11[%swap3A_59] {strides = array<i32>} : memref<2000xf32, #tpu.memory_space<vmem>>, vector<16xf32>,
      tpu.vector_store %arg11[%swap3A_59], %broadcast_in_dim3A_23 {strides = array<i32>} : memref<2000xf32, #tpu.memory_space<vmem>>, vector<16xf32>,
      %swap3A_61 = arith.constant 304 : index
      %swap3A_62 = tpu.vector_load %arg11[%swap3A_61] {strides = array<i32>} : memref<2000xf32, #tpu.memory_space<vmem>>, vector<16xf32>,
      tpu.vector_store %arg11[%swap3A_61], %broadcast_in_dim3A_23 {strides = array<i32>} : memref<2000xf32, #tpu.memory_space<vmem>>, vector<16xf32>,
      %swap3A_63 = arith.constant 320 : index
      %swap3A_64 = tpu.vector_load %arg11[%swap3A_63] {strides = array<i32>} : memref<2000xf32, #tpu.memory_space<vmem>>, vector<16xf32>,
      tpu.vector_store %arg11[%swap3A_63], %broadcast_in_dim3A_23 {strides = array<i32>} : memref<2000xf32, #tpu.memory_space<vmem>>, vector<16xf32>,
      %swap3A_65 = arith.constant 336 : index
      %swap3A_66 = tpu.vector_load %arg11[%swap3A_65] {strides = array<i32>} : memref<2000xf32, #tpu.memory_space<vmem>>, vector<16xf32>,
      tpu.vector_store %arg11[%swap3A_65], %broadcast_in_dim3A_23 {strides = array<i32>} : memref<2000xf32, #tpu.memory_space<vmem>>, vector<16xf32>,
      %swap3A_67 = arith.constant 352 : index
      %swap3A_68 = tpu.vector_load %arg11[%swap3A_67] {strides = array<i32>} : memref<2000xf32, #tpu.memory_space<vmem>>, vector<16xf32>,
      tpu.vector_store %arg11[%swap3A_67], %broadcast_in_dim3A_23 {strides = array<i32>} : memref<2000xf32, #tpu.memory_space<vmem>>, vector<16xf32>,
      %swap3A_69 = arith.constant 368 : index
      %swap3A_70 = tpu.vector_load %arg11[%swap3A_69] {strides = array<i32>} : memref<2000xf32, #tpu.memory_space<vmem>>, vector<16xf32>,
      tpu.vector_store %arg11[%swap3A_69], %broadcast_in_dim3A_23 {strides = array<i32>} : memref<2000xf32, #tpu.memory_space<vmem>>, vector<16xf32>,
      %swap3A_71 = arith.constant 384 : index
      %swap3A_72 = tpu.vector_load %arg11[%swap3A_71] {strides = array<i32>} : memref<2000xf32, #tpu.memory_space<vmem>>, vector<16xf32>,
      tpu.vector_store %arg11[%swap3A_71], %broadcast_in_dim3A_23 {strides = array<i32>} : memref<2000xf32, #tpu.memory_space<vmem>>, vector<16xf32>,
      %swap3A_73 = arith.constant 400 : index
      %swap3A_74 = tpu.vector_load %arg11[%swap3A_73] {strides = array<i32>} : memref<2000xf32, #tpu.memory_space<vmem>>, vector<16xf32>,
      tpu.vector_store %arg11[%swap3A_73], %broadcast_in_dim3A_23 {strides = array<i32>} : memref<2000xf32, #tpu.memory_space<vmem>>, vector<16xf32>,
      %swap3A_75 = arith.constant 416 : index
      %swap3A_76 = tpu.vector_load %arg11[%swap3A_75] {strides = array<i32>} : memref<2000xf32, #tpu.memory_space<vmem>>, vector<16xf32>,
      tpu.vector_store %arg11[%swap3A_75], %broadcast_in_dim3A_23 {strides = array<i32>} : memref<2000xf32, #tpu.memory_space<vmem>>, vector<16xf32>,
      %swap3A_77 = arith.constant 432 : index
      %swap3A_78 = tpu.vector_load %arg11[%swap3A_77] {strides = array<i32>} : memref<2000xf32, #tpu.memory_space<vmem>>, vector<16xf32>,
      tpu.vector_store %arg11[%swap3A_77], %broadcast_in_dim3A_23 {strides = array<i32>} : memref<2000xf32, #tpu.memory_space<vmem>>, vector<16xf32>,
      %swap3A_79 = arith.constant 448 : index
      %swap3A_80 = tpu.vector_load %arg11[%swap3A_79] {strides = array<i32>} : memref<2000xf32, #tpu.memory_space<vmem>>, vector<16xf32>,
      tpu.vector_store %arg11[%swap3A_79], %broadcast_in_dim3A_23 {strides = array<i32>} : memref<2000xf32, #tpu.memory_space<vmem>>, vector<16xf32>,
      %swap3A_81 = arith.constant 464 : index
      %swap3A_82 = tpu.vector_load %arg11[%swap3A_81] {strides = array<i32>} : memref<2000xf32, #tpu.memory_space<vmem>>, vector<16xf32>,
      tpu.vector_store %arg11[%swap3A_81], %broadcast_in_dim3A_23 {strides = array<i32>} : memref<2000xf32, #tpu.memory_space<vmem>>, vector<16xf32>,
      %swap3A_83 = arith.constant 480 : index
      %swap3A_84 = tpu.vector_load %arg11[%swap3A_83] {strides = array<i32>} : memref<2000xf32, #tpu.memory_space<vmem>>, vector<16xf32>,
      tpu.vector_store %arg11[%swap3A_83], %broadcast_in_dim3A_23 {strides = array<i32>} : memref<2000xf32, #tpu.memory_space<vmem>>, vector<16xf32>,
      %swap3A_85 = arith.constant 496 : index
      %swap3A_86 = tpu.vector_load %arg11[%swap3A_85] {strides = array<i32>} : memref<2000xf32, #tpu.memory_space<vmem>>, vector<16xf32>,
      tpu.vector_store %arg11[%swap3A_85], %broadcast_in_dim3A_23 {strides = array<i32>} : memref<2000xf32, #tpu.memory_space<vmem>>, vector<16xf32>,
      %swap3A_87 = arith.constant 512 : index
      %swap3A_88 = tpu.vector_load %arg11[%swap3A_87] {strides = array<i32>} : memref<2000xf32, #tpu.memory_space<vmem>>, vector<16xf32>,
      tpu.vector_store %arg11[%swap3A_87], %broadcast_in_dim3A_23 {strides = array<i32>} : memref<2000xf32, #tpu.memory_space<vmem>>, vector<16xf32>,
      %swap3A_89 = arith.constant 528 : index
      %swap3A_90 = tpu.vector_load %arg11[%swap3A_89] {strides = array<i32>} : memref<2000xf32, #tpu.memory_space<vmem>>, vector<16xf32>,
      tpu.vector_store %arg11[%swap3A_89], %broadcast_in_dim3A_23 {strides = array<i32>} : memref<2000xf32, #tpu.memory_space<vmem>>, vector<16xf32>,
      %swap3A_91 = arith.constant 544 : index
      %swap3A_92 = tpu.vector_load %arg11[%swap3A_91] {strides = array<i32>} : memref<2000xf32, #tpu.memory_space<vmem>>, vector<16xf32>,
      tpu.vector_store %arg11[%swap3A_91], %broadcast_in_dim3A_23 {strides = array<i32>} : memref<2000xf32, #tpu.memory_space<vmem>>, vector<16xf32>,
      %swap3A_93 = arith.constant 560 : index
      %swap3A_94 = tpu.vector_load %arg11[%swap3A_93] {strides = array<i32>} : memref<2000xf32, #tpu.memory_space<vmem>>, vector<16xf32>,
      tpu.vector_store %arg11[%swap3A_93], %broadcast_in_dim3A_23 {strides = array<i32>} : memref<2000xf32, #tpu.memory_space<vmem>>, vector<16xf32>,
      %swap3A_95 = arith.constant 576 : index
      %swap3A_96 = tpu.vector_load %arg11[%swap3A_95] {strides = array<i32>} : memref<2000xf32, #tpu.memory_space<vmem>>, vector<16xf32>,
      tpu.vector_store %arg11[%swap3A_95], %broadcast_in_dim3A_23 {strides = array<i32>} : memref<2000xf32, #tpu.memory_space<vmem>>, vector<16xf32>,
      %swap3A_97 = arith.constant 592 : index
      %swap3A_98 = tpu.vector_load %arg11[%swap3A_97] {strides = array<i32>} : memref<2000xf32, #tpu.memory_space<vmem>>, vector<16xf32>,
      tpu.vector_store %arg11[%swap3A_97], %broadcast_in_dim3A_23 {strides = array<i32>} : memref<2000xf32, #tpu.memory_space<vmem>>, vector<16xf32>,
      %swap3A_99 = arith.constant 608 : index
      %swap3A_100 = tpu.vector_load %arg11[%swap3A_99] {strides = array<i32>} : memref<2000xf32, #tpu.memory_space<vmem>>, vector<16xf32>,
      tpu.vector_store %arg11[%swap3A_99], %broadcast_in_dim3A_23 {strides = array<i32>} : memref<2000xf32, #tpu.memory_space<vmem>>, vector<16xf32>,
      %swap3A_101 = arith.constant 624 : index
      %swap3A_102 = tpu.vector_load %arg11[%swap3A_101] {strides = array<i32>} : memref<2000xf32, #tpu.memory_space<vmem>>, vector<16xf32>,
      tpu.vector_store %arg11[%swap3A_101], %broadcast_in_dim3A_23 {strides = array<i32>} : memref<2000xf32, #tpu.memory_space<vmem>>, vector<16xf32>,
      %swap3A_103 = arith.constant 640 : index
      %swap3A_104 = tpu.vector_load %arg11[%swap3A_103] {strides = array<i32>} : memref<2000xf32, #tpu.memory_space<vmem>>, vector<16xf32>,
      tpu.vector_store %arg11[%swap3A_103], %broadcast_in_dim3A_23 {strides = array<i32>} : memref<2000xf32, #tpu.memory_space<vmem>>, vector<16xf32>,
      %swap3A_105 = arith.constant 656 : index
      %swap3A_106 = tpu.vector_load %arg11[%swap3A_105] {strides = array<i32>} : memref<2000xf32, #tpu.memory_space<vmem>>, vector<16xf32>,
      tpu.vector_store %arg11[%swap3A_105], %broadcast_in_dim3A_23 {strides = array<i32>} : memref<2000xf32, #tpu.memory_space<vmem>>, vector<16xf32>,
      %swap3A_107 = arith.constant 672 : index
      %swap3A_108 = tpu.vector_load %arg11[%swap3A_107] {strides = array<i32>} : memref<2000xf32, #tpu.memory_space<vmem>>, vector<16xf32>,
      tpu.vector_store %arg11[%swap3A_107], %broadcast_in_dim3A_23 {strides = array<i32>} : memref<2000xf32, #tpu.memory_space<vmem>>, vector<16xf32>,
      %swap3A_109 = arith.constant 688 : index
      %swap3A_110 = tpu.vector_load %arg11[%swap3A_109] {strides = array<i32>} : memref<2000xf32, #tpu.memory_space<vmem>>, vector<16xf32>,
      tpu.vector_store %arg11[%swap3A_109], %broadcast_in_dim3A_23 {strides = array<i32>} : memref<2000xf32, #tpu.memory_space<vmem>>, vector<16xf32>,
      %swap3A_111 = arith.constant 704 : index
      %swap3A_112 = tpu.vector_load %arg11[%swap3A_111] {strides = array<i32>} : memref<2000xf32, #tpu.memory_space<vmem>>, vector<16xf32>,
      tpu.vector_store %arg11[%swap3A_111], %broadcast_in_dim3A_23 {strides = array<i32>} : memref<2000xf32, #tpu.memory_space<vmem>>, vector<16xf32>,
      %swap3A_113 = arith.constant 720 : index
      %swap3A_114 = tpu.vector_load %arg11[%swap3A_113] {strides = array<i32>} : memref<2000xf32, #tpu.memory_space<vmem>>, vector<16xf32>,
      tpu.vector_store %arg11[%swap3A_113], %broadcast_in_dim3A_23 {strides = array<i32>} : memref<2000xf32, #tpu.memory_space<vmem>>, vector<16xf32>,
      %swap3A_115 = arith.constant 736 : index
      %swap3A_116 = tpu.vector_load %arg11[%swap3A_115] {strides = array<i32>} : memref<2000xf32, #tpu.memory_space<vmem>>, vector<16xf32>,
      tpu.vector_store %arg11[%swap3A_115], %broadcast_in_dim3A_23 {strides = array<i32>} : memref<2000xf32, #tpu.memory_space<vmem>>, vector<16xf32>,
      %swap3A_117 = arith.constant 752 : index
      %swap3A_118 = tpu.vector_load %arg11[%swap3A_117] {strides = array<i32>} : memref<2000xf32, #tpu.memory_space<vmem>>, vector<16xf32>,
      tpu.vector_store %arg11[%swap3A_117], %broadcast_in_dim3A_23 {strides = array<i32>} : memref<2000xf32, #tpu.memory_space<vmem>>, vector<16xf32>,
      %swap3A_119 = arith.constant 768 : index
      %swap3A_120 = tpu.vector_load %arg11[%swap3A_119] {strides = array<i32>} : memref<2000xf32, #tpu.memory_space<vmem>>, vector<16xf32>,
      tpu.vector_store %arg11[%swap3A_119], %broadcast_in_dim3A_23 {strides = array<i32>} : memref<2000xf32, #tpu.memory_space<vmem>>, vector<16xf32>,
      %swap3A_121 = arith.constant 784 : index
      %swap3A_122 = tpu.vector_load %arg11[%swap3A_121] {strides = array<i32>} : memref<2000xf32, #tpu.memory_space<vmem>>, vector<16xf32>,
      tpu.vector_store %arg11[%swap3A_121], %broadcast_in_dim3A_23 {strides = array<i32>} : memref<2000xf32, #tpu.memory_space<vmem>>, vector<16xf32>,
      %swap3A_123 = arith.constant 800 : index
      %swap3A_124 = tpu.vector_load %arg11[%swap3A_123] {strides = array<i32>} : memref<2000xf32, #tpu.memory_space<vmem>>, vector<16xf32>,
      tpu.vector_store %arg11[%swap3A_123], %broadcast_in_dim3A_23 {strides = array<i32>} : memref<2000xf32, #tpu.memory_space<vmem>>, vector<16xf32>,
      %swap3A_125 = arith.constant 816 : index
      %swap3A_126 = tpu.vector_load %arg11[%swap3A_125] {strides = array<i32>} : memref<2000xf32, #tpu.memory_space<vmem>>, vector<16xf32>,
      tpu.vector_store %arg11[%swap3A_125], %broadcast_in_dim3A_23 {strides = array<i32>} : memref<2000xf32, #tpu.memory_space<vmem>>, vector<16xf32>,
      %swap3A_127 = arith.constant 832 : index
      %swap3A_128 = tpu.vector_load %arg11[%swap3A_127] {strides = array<i32>} : memref<2000xf32, #tpu.memory_space<vmem>>, vector<16xf32>,
      tpu.vector_store %arg11[%swap3A_127], %broadcast_in_dim3A_23 {strides = array<i32>} : memref<2000xf32, #tpu.memory_space<vmem>>, vector<16xf32>,
      %swap3A_129 = arith.constant 848 : index
      %swap3A_130 = tpu.vector_load %arg11[%swap3A_129] {strides = array<i32>} : memref<2000xf32, #tpu.memory_space<vmem>>, vector<16xf32>,
      tpu.vector_store %arg11[%swap3A_129], %broadcast_in_dim3A_23 {strides = array<i32>} : memref<2000xf32, #tpu.memory_space<vmem>>, vector<16xf32>,
      %swap3A_131 = arith.constant 864 : index
      %swap3A_132 = tpu.vector_load %arg11[%swap3A_131] {strides = array<i32>} : memref<2000xf32, #tpu.memory_space<vmem>>, vector<16xf32>,
      tpu.vector_store %arg11[%swap3A_131], %broadcast_in_dim3A_23 {strides = array<i32>} : memref<2000xf32, #tpu.memory_space<vmem>>, vector<16xf32>,
      %swap3A_133 = arith.constant 880 : index
      %swap3A_134 = tpu.vector_load %arg11[%swap3A_133] {strides = array<i32>} : memref<2000xf32, #tpu.memory_space<vmem>>, vector<16xf32>,
      tpu.vector_store %arg11[%swap3A_133], %broadcast_in_dim3A_23 {strides = array<i32>} : memref<2000xf32, #tpu.memory_space<vmem>>, vector<16xf32>,
      %swap3A_135 = arith.constant 896 : index
      %swap3A_136 = tpu.vector_load %arg11[%swap3A_135] {strides = array<i32>} : memref<2000xf32, #tpu.memory_space<vmem>>, vector<16xf32>,
      tpu.vector_store %arg11[%swap3A_135], %broadcast_in_dim3A_23 {strides = array<i32>} : memref<2000xf32, #tpu.memory_space<vmem>>, vector<16xf32>,
      %swap3A_137 = arith.constant 912 : index
      %swap3A_138 = tpu.vector_load %arg11[%swap3A_137] {strides = array<i32>} : memref<2000xf32, #tpu.memory_space<vmem>>, vector<16xf32>,
      tpu.vector_store %arg11[%swap3A_137], %broadcast_in_dim3A_23 {strides = array<i32>} : memref<2000xf32, #tpu.memory_space<vmem>>, vector<16xf32>,
      %swap3A_139 = arith.constant 928 : index
      %swap3A_140 = tpu.vector_load %arg11[%swap3A_139] {strides = array<i32>} : memref<2000xf32, #tpu.memory_space<vmem>>, vector<16xf32>,
      tpu.vector_store %arg11[%swap3A_139], %broadcast_in_dim3A_23 {strides = array<i32>} : memref<2000xf32, #tpu.memory_space<vmem>>, vector<16xf32>,
      %swap3A_141 = arith.constant 944 : index
      %swap3A_142 = tpu.vector_load %arg11[%swap3A_141] {strides = array<i32>} : memref<2000xf32, #tpu.memory_space<vmem>>, vector<16xf32>,
      tpu.vector_store %arg11[%swap3A_141], %broadcast_in_dim3A_23 {strides = array<i32>} : memref<2000xf32, #tpu.memory_space<vmem>>, vector<16xf32>,
      %swap3A_143 = arith.constant 960 : index
      %swap3A_144 = tpu.vector_load %arg11[%swap3A_143] {strides = array<i32>} : memref<2000xf32, #tpu.memory_space<vmem>>, vector<16xf32>,
      tpu.vector_store %arg11[%swap3A_143], %broadcast_in_dim3A_23 {strides = array<i32>} : memref<2000xf32, #tpu.memory_space<vmem>>, vector<16xf32>,
      %swap3A_145 = arith.constant 976 : index
      %swap3A_146 = tpu.vector_load %arg11[%swap3A_145] {strides = array<i32>} : memref<2000xf32, #tpu.memory_space<vmem>>, vector<16xf32>,
      tpu.vector_store %arg11[%swap3A_145], %broadcast_in_dim3A_23 {strides = array<i32>} : memref<2000xf32, #tpu.memory_space<vmem>>, vector<16xf32>,
      %swap3A_147 = arith.constant 992 : index
      %swap3A_148 = tpu.vector_load %arg11[%swap3A_147] {strides = array<i32>} : memref<2000xf32, #tpu.memory_space<vmem>>, vector<16xf32>,
      tpu.vector_store %arg11[%swap3A_147], %broadcast_in_dim3A_23 {strides = array<i32>} : memref<2000xf32, #tpu.memory_space<vmem>>, vector<16xf32>,
      %swap3A_149 = arith.constant 1008 : index
      %swap3A_150 = tpu.vector_load %arg11[%swap3A_149] {strides = array<i32>} : memref<2000xf32, #tpu.memory_space<vmem>>, vector<16xf32>,
      tpu.vector_store %arg11[%swap3A_149], %broadcast_in_dim3A_23 {strides = array<i32>} : memref<2000xf32, #tpu.memory_space<vmem>>, vector<16xf32>,
      %swap3A_151 = arith.constant 1024 : index
      %swap3A_152 = tpu.vector_load %arg11[%swap3A_151] {strides = array<i32>} : memref<2000xf32, #tpu.memory_space<vmem>>, vector<16xf32>,
      tpu.vector_store %arg11[%swap3A_151], %broadcast_in_dim3A_23 {strides = array<i32>} : memref<2000xf32, #tpu.memory_space<vmem>>, vector<16xf32>,
      %swap3A_153 = arith.constant 1040 : index
      %swap3A_154 = tpu.vector_load %arg11[%swap3A_153] {strides = array<i32>} : memref<2000xf32, #tpu.memory_space<vmem>>, vector<16xf32>,
      tpu.vector_store %arg11[%swap3A_153], %broadcast_in_dim3A_23 {strides = array<i32>} : memref<2000xf32, #tpu.memory_space<vmem>>, vector<16xf32>,
      %swap3A_155 = arith.constant 1056 : index
      %swap3A_156 = tpu.vector_load %arg11[%swap3A_155] {strides = array<i32>} : memref<2000xf32, #tpu.memory_space<vmem>>, vector<16xf32>,
      tpu.vector_store %arg11[%swap3A_155], %broadcast_in_dim3A_23 {strides = array<i32>} : memref<2000xf32, #tpu.memory_space<vmem>>, vector<16xf32>,
      %swap3A_157 = arith.constant 1072 : index
      %swap3A_158 = tpu.vector_load %arg11[%swap3A_157] {strides = array<i32>} : memref<2000xf32, #tpu.memory_space<vmem>>, vector<16xf32>,
      tpu.vector_store %arg11[%swap3A_157], %broadcast_in_dim3A_23 {strides = array<i32>} : memref<2000xf32, #tpu.memory_space<vmem>>, vector<16xf32>,
      %swap3A_159 = arith.constant 1088 : index
      %swap3A_160 = tpu.vector_load %arg11[%swap3A_159] {strides = array<i32>} : memref<2000xf32, #tpu.memory_space<vmem>>, vector<16xf32>,
      tpu.vector_store %arg11[%swap3A_159], %broadcast_in_dim3A_23 {strides = array<i32>} : memref<2000xf32, #tpu.memory_space<vmem>>, vector<16xf32>,
      %swap3A_161 = arith.constant 1104 : index
      %swap3A_162 = tpu.vector_load %arg11[%swap3A_161] {strides = array<i32>} : memref<2000xf32, #tpu.memory_space<vmem>>, vector<16xf32>,
      tpu.vector_store %arg11[%swap3A_161], %broadcast_in_dim3A_23 {strides = array<i32>} : memref<2000xf32, #tpu.memory_space<vmem>>, vector<16xf32>,
      %swap3A_163 = arith.constant 1120 : index
      %swap3A_164 = tpu.vector_load %arg11[%swap3A_163] {strides = array<i32>} : memref<2000xf32, #tpu.memory_space<vmem>>, vector<16xf32>,
      tpu.vector_store %arg11[%swap3A_163], %broadcast_in_dim3A_23 {strides = array<i32>} : memref<2000xf32, #tpu.memory_space<vmem>>, vector<16xf32>,
      %swap3A_165 = arith.constant 1136 : index
      %swap3A_166 = tpu.vector_load %arg11[%swap3A_165] {strides = array<i32>} : memref<2000xf32, #tpu.memory_space<vmem>>, vector<16xf32>,
      tpu.vector_store %arg11[%swap3A_165], %broadcast_in_dim3A_23 {strides = array<i32>} : memref<2000xf32, #tpu.memory_space<vmem>>, vector<16xf32>,
      %swap3A_167 = arith.constant 1152 : index
      %swap3A_168 = tpu.vector_load %arg11[%swap3A_167] {strides = array<i32>} : memref<2000xf32, #tpu.memory_space<vmem>>, vector<16xf32>,
      tpu.vector_store %arg11[%swap3A_167], %broadcast_in_dim3A_23 {strides = array<i32>} : memref<2000xf32, #tpu.memory_space<vmem>>, vector<16xf32>,
      %swap3A_169 = arith.constant 1168 : index
      %swap3A_170 = tpu.vector_load %arg11[%swap3A_169] {strides = array<i32>} : memref<2000xf32, #tpu.memory_space<vmem>>, vector<16xf32>,
      tpu.vector_store %arg11[%swap3A_169], %broadcast_in_dim3A_23 {strides = array<i32>} : memref<2000xf32, #tpu.memory_space<vmem>>, vector<16xf32>,
      %swap3A_171 = arith.constant 1184 : index
      %swap3A_172 = tpu.vector_load %arg11[%swap3A_171] {strides = array<i32>} : memref<2000xf32, #tpu.memory_space<vmem>>, vector<16xf32>,
      tpu.vector_store %arg11[%swap3A_171], %broadcast_in_dim3A_23 {strides = array<i32>} : memref<2000xf32, #tpu.memory_space<vmem>>, vector<16xf32>,
      %swap3A_173 = arith.constant 1200 : index
      %swap3A_174 = tpu.vector_load %arg11[%swap3A_173] {strides = array<i32>} : memref<2000xf32, #tpu.memory_space<vmem>>, vector<16xf32>,
      tpu.vector_store %arg11[%swap3A_173], %broadcast_in_dim3A_23 {strides = array<i32>} : memref<2000xf32, #tpu.memory_space<vmem>>, vector<16xf32>,
      %swap3A_175 = arith.constant 1216 : index
      %swap3A_176 = tpu.vector_load %arg11[%swap3A_175] {strides = array<i32>} : memref<2000xf32, #tpu.memory_space<vmem>>, vector<16xf32>,
      tpu.vector_store %arg11[%swap3A_175], %broadcast_in_dim3A_23 {strides = array<i32>} : memref<2000xf32, #tpu.memory_space<vmem>>, vector<16xf32>,
      %swap3A_177 = arith.constant 1232 : index
      %swap3A_178 = tpu.vector_load %arg11[%swap3A_177] {strides = array<i32>} : memref<2000xf32, #tpu.memory_space<vmem>>, vector<16xf32>,
      tpu.vector_store %arg11[%swap3A_177], %broadcast_in_dim3A_23 {strides = array<i32>} : memref<2000xf32, #tpu.memory_space<vmem>>, vector<16xf32>,
      %swap3A_179 = arith.constant 1248 : index
      %swap3A_180 = tpu.vector_load %arg11[%swap3A_179] {strides = array<i32>} : memref<2000xf32, #tpu.memory_space<vmem>>, vector<16xf32>,
      tpu.vector_store %arg11[%swap3A_179], %broadcast_in_dim3A_23 {strides = array<i32>} : memref<2000xf32, #tpu.memory_space<vmem>>, vector<16xf32>,
      %swap3A_181 = arith.constant 1264 : index
      %swap3A_182 = tpu.vector_load %arg11[%swap3A_181] {strides = array<i32>} : memref<2000xf32, #tpu.memory_space<vmem>>, vector<16xf32>,
      tpu.vector_store %arg11[%swap3A_181], %broadcast_in_dim3A_23 {strides = array<i32>} : memref<2000xf32, #tpu.memory_space<vmem>>, vector<16xf32>,
      %swap3A_183 = arith.constant 1280 : index
      %swap3A_184 = tpu.vector_load %arg11[%swap3A_183] {strides = array<i32>} : memref<2000xf32, #tpu.memory_space<vmem>>, vector<16xf32>,
      tpu.vector_store %arg11[%swap3A_183], %broadcast_in_dim3A_23 {strides = array<i32>} : memref<2000xf32, #tpu.memory_space<vmem>>, vector<16xf32>,
      %swap3A_185 = arith.constant 1296 : index
      %swap3A_186 = tpu.vector_load %arg11[%swap3A_185] {strides = array<i32>} : memref<2000xf32, #tpu.memory_space<vmem>>, vector<16xf32>,
      tpu.vector_store %arg11[%swap3A_185], %broadcast_in_dim3A_23 {strides = array<i32>} : memref<2000xf32, #tpu.memory_space<vmem>>, vector<16xf32>,
      %swap3A_187 = arith.constant 1312 : index
      %swap3A_188 = tpu.vector_load %arg11[%swap3A_187] {strides = array<i32>} : memref<2000xf32, #tpu.memory_space<vmem>>, vector<16xf32>,
      tpu.vector_store %arg11[%swap3A_187], %broadcast_in_dim3A_23 {strides = array<i32>} : memref<2000xf32, #tpu.memory_space<vmem>>, vector<16xf32>,
      %swap3A_189 = arith.constant 1328 : index
      %swap3A_190 = tpu.vector_load %arg11[%swap3A_189] {strides = array<i32>} : memref<2000xf32, #tpu.memory_space<vmem>>, vector<16xf32>,
      tpu.vector_store %arg11[%swap3A_189], %broadcast_in_dim3A_23 {strides = array<i32>} : memref<2000xf32, #tpu.memory_space<vmem>>, vector<16xf32>,
      %swap3A_191 = arith.constant 1344 : index
      %swap3A_192 = tpu.vector_load %arg11[%swap3A_191] {strides = array<i32>} : memref<2000xf32, #tpu.memory_space<vmem>>, vector<16xf32>,
      tpu.vector_store %arg11[%swap3A_191], %broadcast_in_dim3A_23 {strides = array<i32>} : memref<2000xf32, #tpu.memory_space<vmem>>, vector<16xf32>,
      %swap3A_193 = arith.constant 1360 : index
      %swap3A_194 = tpu.vector_load %arg11[%swap3A_193] {strides = array<i32>} : memref<2000xf32, #tpu.memory_space<vmem>>, vector<16xf32>,
      tpu.vector_store %arg11[%swap3A_193], %broadcast_in_dim3A_23 {strides = array<i32>} : memref<2000xf32, #tpu.memory_space<vmem>>, vector<16xf32>,
      %swap3A_195 = arith.constant 1376 : index
      %swap3A_196 = tpu.vector_load %arg11[%swap3A_195] {strides = array<i32>} : memref<2000xf32, #tpu.memory_space<vmem>>, vector<16xf32>,
      tpu.vector_store %arg11[%swap3A_195], %broadcast_in_dim3A_23 {strides = array<i32>} : memref<2000xf32, #tpu.memory_space<vmem>>, vector<16xf32>,
      %swap3A_197 = arith.constant 1392 : index
      %swap3A_198 = tpu.vector_load %arg11[%swap3A_197] {strides = array<i32>} : memref<2000xf32, #tpu.memory_space<vmem>>, vector<16xf32>,
      tpu.vector_store %arg11[%swap3A_197], %broadcast_in_dim3A_23 {strides = array<i32>} : memref<2000xf32, #tpu.memory_space<vmem>>, vector<16xf32>,
      %swap3A_199 = arith.constant 1408 : index
      %swap3A_200 = tpu.vector_load %arg11[%swap3A_199] {strides = array<i32>} : memref<2000xf32, #tpu.memory_space<vmem>>, vector<16xf32>,
      tpu.vector_store %arg11[%swap3A_199], %broadcast_in_dim3A_23 {strides = array<i32>} : memref<2000xf32, #tpu.memory_space<vmem>>, vector<16xf32>,
      %swap3A_201 = arith.constant 1424 : index
      %swap3A_202 = tpu.vector_load %arg11[%swap3A_201] {strides = array<i32>} : memref<2000xf32, #tpu.memory_space<vmem>>, vector<16xf32>,
      tpu.vector_store %arg11[%swap3A_201], %broadcast_in_dim3A_23 {strides = array<i32>} : memref<2000xf32, #tpu.memory_space<vmem>>, vector<16xf32>,
      %swap3A_203 = arith.constant 1440 : index
      %swap3A_204 = tpu.vector_load %arg11[%swap3A_203] {strides = array<i32>} : memref<2000xf32, #tpu.memory_space<vmem>>, vector<16xf32>,
      tpu.vector_store %arg11[%swap3A_203], %broadcast_in_dim3A_23 {strides = array<i32>} : memref<2000xf32, #tpu.memory_space<vmem>>, vector<16xf32>,
      %swap3A_205 = arith.constant 1456 : index
      %swap3A_206 = tpu.vector_load %arg11[%swap3A_205] {strides = array<i32>} : memref<2000xf32, #tpu.memory_space<vmem>>, vector<16xf32>,
      tpu.vector_store %arg11[%swap3A_205], %broadcast_in_dim3A_23 {strides = array<i32>} : memref<2000xf32, #tpu.memory_space<vmem>>, vector<16xf32>,
      %swap3A_207 = arith.constant 1472 : index
      %swap3A_208 = tpu.vector_load %arg11[%swap3A_207] {strides = array<i32>} : memref<2000xf32, #tpu.memory_space<vmem>>, vector<16xf32>,
      tpu.vector_store %arg11[%swap3A_207], %broadcast_in_dim3A_23 {strides = array<i32>} : memref<2000xf32, #tpu.memory_space<vmem>>, vector<16xf32>,
      %swap3A_209 = arith.constant 1488 : index
      %swap3A_210 = tpu.vector_load %arg11[%swap3A_209] {strides = array<i32>} : memref<2000xf32, #tpu.memory_space<vmem>>, vector<16xf32>,
      tpu.vector_store %arg11[%swap3A_209], %broadcast_in_dim3A_23 {strides = array<i32>} : memref<2000xf32, #tpu.memory_space<vmem>>, vector<16xf32>,
      %swap3A_211 = arith.constant 1504 : index
      %swap3A_212 = tpu.vector_load %arg11[%swap3A_211] {strides = array<i32>} : memref<2000xf32, #tpu.memory_space<vmem>>, vector<16xf32>,
      tpu.vector_store %arg11[%swap3A_211], %broadcast_in_dim3A_23 {strides = array<i32>} : memref<2000xf32, #tpu.memory_space<vmem>>, vector<16xf32>,
      %swap3A_213 = arith.constant 1520 : index
      %swap3A_214 = tpu.vector_load %arg11[%swap3A_213] {strides = array<i32>} : memref<2000xf32, #tpu.memory_space<vmem>>, vector<16xf32>,
      tpu.vector_store %arg11[%swap3A_213], %broadcast_in_dim3A_23 {strides = array<i32>} : memref<2000xf32, #tpu.memory_space<vmem>>, vector<16xf32>,
      %swap3A_215 = arith.constant 1536 : index
      %swap3A_216 = tpu.vector_load %arg11[%swap3A_215] {strides = array<i32>} : memref<2000xf32, #tpu.memory_space<vmem>>, vector<16xf32>,
      tpu.vector_store %arg11[%swap3A_215], %broadcast_in_dim3A_23 {strides = array<i32>} : memref<2000xf32, #tpu.memory_space<vmem>>, vector<16xf32>,
      %swap3A_217 = arith.constant 1552 : index
      %swap3A_218 = tpu.vector_load %arg11[%swap3A_217] {strides = array<i32>} : memref<2000xf32, #tpu.memory_space<vmem>>, vector<16xf32>,
      tpu.vector_store %arg11[%swap3A_217], %broadcast_in_dim3A_23 {strides = array<i32>} : memref<2000xf32, #tpu.memory_space<vmem>>, vector<16xf32>,
      %swap3A_219 = arith.constant 1568 : index
      %swap3A_220 = tpu.vector_load %arg11[%swap3A_219] {strides = array<i32>} : memref<2000xf32, #tpu.memory_space<vmem>>, vector<16xf32>,
      tpu.vector_store %arg11[%swap3A_219], %broadcast_in_dim3A_23 {strides = array<i32>} : memref<2000xf32, #tpu.memory_space<vmem>>, vector<16xf32>,
      %swap3A_221 = arith.constant 1584 : index
      %swap3A_222 = tpu.vector_load %arg11[%swap3A_221] {strides = array<i32>} : memref<2000xf32, #tpu.memory_space<vmem>>, vector<16xf32>,
      tpu.vector_store %arg11[%swap3A_221], %broadcast_in_dim3A_23 {strides = array<i32>} : memref<2000xf32, #tpu.memory_space<vmem>>, vector<16xf32>,
      %swap3A_223 = arith.constant 1600 : index
      %swap3A_224 = tpu.vector_load %arg11[%swap3A_223] {strides = array<i32>} : memref<2000xf32, #tpu.memory_space<vmem>>, vector<16xf32>,
      tpu.vector_store %arg11[%swap3A_223], %broadcast_in_dim3A_23 {strides = array<i32>} : memref<2000xf32, #tpu.memory_space<vmem>>, vector<16xf32>,
      %swap3A_225 = arith.constant 1616 : index
      %swap3A_226 = tpu.vector_load %arg11[%swap3A_225] {strides = array<i32>} : memref<2000xf32, #tpu.memory_space<vmem>>, vector<16xf32>,
      tpu.vector_store %arg11[%swap3A_225], %broadcast_in_dim3A_23 {strides = array<i32>} : memref<2000xf32, #tpu.memory_space<vmem>>, vector<16xf32>,
      %swap3A_227 = arith.constant 1632 : index
      %swap3A_228 = tpu.vector_load %arg11[%swap3A_227] {strides = array<i32>} : memref<2000xf32, #tpu.memory_space<vmem>>, vector<16xf32>,
      tpu.vector_store %arg11[%swap3A_227], %broadcast_in_dim3A_23 {strides = array<i32>} : memref<2000xf32, #tpu.memory_space<vmem>>, vector<16xf32>,
      %swap3A_229 = arith.constant 1648 : index
      %swap3A_230 = tpu.vector_load %arg11[%swap3A_229] {strides = array<i32>} : memref<2000xf32, #tpu.memory_space<vmem>>, vector<16xf32>,
      tpu.vector_store %arg11[%swap3A_229], %broadcast_in_dim3A_23 {strides = array<i32>} : memref<2000xf32, #tpu.memory_space<vmem>>, vector<16xf32>,
      %swap3A_231 = arith.constant 1664 : index
      %swap3A_232 = tpu.vector_load %arg11[%swap3A_231] {strides = array<i32>} : memref<2000xf32, #tpu.memory_space<vmem>>, vector<16xf32>,
      tpu.vector_store %arg11[%swap3A_231], %broadcast_in_dim3A_23 {strides = array<i32>} : memref<2000xf32, #tpu.memory_space<vmem>>, vector<16xf32>,
      %swap3A_233 = arith.constant 1680 : index
      %swap3A_234 = tpu.vector_load %arg11[%swap3A_233] {strides = array<i32>} : memref<2000xf32, #tpu.memory_space<vmem>>, vector<16xf32>,
      tpu.vector_store %arg11[%swap3A_233], %broadcast_in_dim3A_23 {strides = array<i32>} : memref<2000xf32, #tpu.memory_space<vmem>>, vector<16xf32>,
      %swap3A_235 = arith.constant 1696 : index
      %swap3A_236 = tpu.vector_load %arg11[%swap3A_235] {strides = array<i32>} : memref<2000xf32, #tpu.memory_space<vmem>>, vector<16xf32>,
      tpu.vector_store %arg11[%swap3A_235], %broadcast_in_dim3A_23 {strides = array<i32>} : memref<2000xf32, #tpu.memory_space<vmem>>, vector<16xf32>,
      %swap3A_237 = arith.constant 1712 : index
      %swap3A_238 = tpu.vector_load %arg11[%swap3A_237] {strides = array<i32>} : memref<2000xf32, #tpu.memory_space<vmem>>, vector<16xf32>,
      tpu.vector_store %arg11[%swap3A_237], %broadcast_in_dim3A_23 {strides = array<i32>} : memref<2000xf32, #tpu.memory_space<vmem>>, vector<16xf32>,
      %swap3A_239 = arith.constant 1728 : index
      %swap3A_240 = tpu.vector_load %arg11[%swap3A_239] {strides = array<i32>} : memref<2000xf32, #tpu.memory_space<vmem>>, vector<16xf32>,
      tpu.vector_store %arg11[%swap3A_239], %broadcast_in_dim3A_23 {strides = array<i32>} : memref<2000xf32, #tpu.memory_space<vmem>>, vector<16xf32>,
      %swap3A_241 = arith.constant 1744 : index
      %swap3A_242 = tpu.vector_load %arg11[%swap3A_241] {strides = array<i32>} : memref<2000xf32, #tpu.memory_space<vmem>>, vector<16xf32>,
      tpu.vector_store %arg11[%swap3A_241], %broadcast_in_dim3A_23 {strides = array<i32>} : memref<2000xf32, #tpu.memory_space<vmem>>, vector<16xf32>,
      %swap3A_243 = arith.constant 1760 : index
      %swap3A_244 = tpu.vector_load %arg11[%swap3A_243] {strides = array<i32>} : memref<2000xf32, #tpu.memory_space<vmem>>, vector<16xf32>,
      tpu.vector_store %arg11[%swap3A_243], %broadcast_in_dim3A_23 {strides = array<i32>} : memref<2000xf32, #tpu.memory_space<vmem>>, vector<16xf32>,
      %swap3A_245 = arith.constant 1776 : index
      %swap3A_246 = tpu.vector_load %arg11[%swap3A_245] {strides = array<i32>} : memref<2000xf32, #tpu.memory_space<vmem>>, vector<16xf32>,
      tpu.vector_store %arg11[%swap3A_245], %broadcast_in_dim3A_23 {strides = array<i32>} : memref<2000xf32, #tpu.memory_space<vmem>>, vector<16xf32>,
      %swap3A_247 = arith.constant 1792 : index
      %swap3A_248 = tpu.vector_load %arg11[%swap3A_247] {strides = array<i32>} : memref<2000xf32, #tpu.memory_space<vmem>>, vector<16xf32>,
      tpu.vector_store %arg11[%swap3A_247], %broadcast_in_dim3A_23 {strides = array<i32>} : memref<2000xf32, #tpu.memory_space<vmem>>, vector<16xf32>,
      %swap3A_249 = arith.constant 1808 : index
      %swap3A_250 = tpu.vector_load %arg11[%swap3A_249] {strides = array<i32>} : memref<2000xf32, #tpu.memory_space<vmem>>, vector<16xf32>,
      tpu.vector_store %arg11[%swap3A_249], %broadcast_in_dim3A_23 {strides = array<i32>} : memref<2000xf32, #tpu.memory_space<vmem>>, vector<16xf32>,
      %swap3A_251 = arith.constant 1824 : index
      %swap3A_252 = tpu.vector_load %arg11[%swap3A_251] {strides = array<i32>} : memref<2000xf32, #tpu.memory_space<vmem>>, vector<16xf32>,
      tpu.vector_store %arg11[%swap3A_251], %broadcast_in_dim3A_23 {strides = array<i32>} : memref<2000xf32, #tpu.memory_space<vmem>>, vector<16xf32>,
      %swap3A_253 = arith.constant 1840 : index
      %swap3A_254 = tpu.vector_load %arg11[%swap3A_253] {strides = array<i32>} : memref<2000xf32, #tpu.memory_space<vmem>>, vector<16xf32>,
      tpu.vector_store %arg11[%swap3A_253], %broadcast_in_dim3A_23 {strides = array<i32>} : memref<2000xf32, #tpu.memory_space<vmem>>, vector<16xf32>,
      %swap3A_255 = arith.constant 1856 : index
      %swap3A_256 = tpu.vector_load %arg11[%swap3A_255] {strides = array<i32>} : memref<2000xf32, #tpu.memory_space<vmem>>, vector<16xf32>,
      tpu.vector_store %arg11[%swap3A_255], %broadcast_in_dim3A_23 {strides = array<i32>} : memref<2000xf32, #tpu.memory_space<vmem>>, vector<16xf32>,
      %swap3A_257 = arith.constant 1872 : index
      %swap3A_258 = tpu.vector_load %arg11[%swap3A_257] {strides = array<i32>} : memref<2000xf32, #tpu.memory_space<vmem>>, vector<16xf32>,
      tpu.vector_store %arg11[%swap3A_257], %broadcast_in_dim3A_23 {strides = array<i32>} : memref<2000xf32, #tpu.memory_space<vmem>>, vector<16xf32>,
      %swap3A_259 = arith.constant 1888 : index
      %swap3A_260 = tpu.vector_load %arg11[%swap3A_259] {strides = array<i32>} : memref<2000xf32, #tpu.memory_space<vmem>>, vector<16xf32>,
      tpu.vector_store %arg11[%swap3A_259], %broadcast_in_dim3A_23 {strides = array<i32>} : memref<2000xf32, #tpu.memory_space<vmem>>, vector<16xf32>,
      %swap3A_261 = arith.constant 1904 : index
      %swap3A_262 = tpu.vector_load %arg11[%swap3A_261] {strides = array<i32>} : memref<2000xf32, #tpu.memory_space<vmem>>, vector<16xf32>,
      tpu.vector_store %arg11[%swap3A_261], %broadcast_in_dim3A_23 {strides = array<i32>} : memref<2000xf32, #tpu.memory_space<vmem>>, vector<16xf32>,
      %swap3A_263 = arith.constant 1920 : index
      %swap3A_264 = tpu.vector_load %arg11[%swap3A_263] {strides = array<i32>} : memref<2000xf32, #tpu.memory_space<vmem>>, vector<16xf32>,
      tpu.vector_store %arg11[%swap3A_263], %broadcast_in_dim3A_23 {strides = array<i32>} : memref<2000xf32, #tpu.memory_space<vmem>>, vector<16xf32>,
      %swap3A_265 = arith.constant 1936 : index
      %swap3A_266 = tpu.vector_load %arg11[%swap3A_265] {strides = array<i32>} : memref<2000xf32, #tpu.memory_space<vmem>>, vector<16xf32>,
      tpu.vector_store %arg11[%swap3A_265], %broadcast_in_dim3A_23 {strides = array<i32>} : memref<2000xf32, #tpu.memory_space<vmem>>, vector<16xf32>,
      %swap3A_267 = arith.constant 1952 : index
      %swap3A_268 = tpu.vector_load %arg11[%swap3A_267] {strides = array<i32>} : memref<2000xf32, #tpu.memory_space<vmem>>, vector<16xf32>,
      tpu.vector_store %arg11[%swap3A_267], %broadcast_in_dim3A_23 {strides = array<i32>} : memref<2000xf32, #tpu.memory_space<vmem>>, vector<16xf32>,
      %swap3A_269 = arith.constant 1968 : index
      %swap3A_270 = tpu.vector_load %arg11[%swap3A_269] {strides = array<i32>} : memref<2000xf32, #tpu.memory_space<vmem>>, vector<16xf32>,
      tpu.vector_store %arg11[%swap3A_269], %broadcast_in_dim3A_23 {strides = array<i32>} : memref<2000xf32, #tpu.memory_space<vmem>>, vector<16xf32>,
      %swap3A_271 = arith.constant 1984 : index
      %swap3A_272 = tpu.vector_load %arg11[%swap3A_271] {strides = array<i32>} : memref<2000xf32, #tpu.memory_space<vmem>>, vector<16xf32>,
      tpu.vector_store %arg11[%swap3A_271], %broadcast_in_dim3A_23 {strides = array<i32>} : memref<2000xf32, #tpu.memory_space<vmem>>, vector<16xf32>,
      tpu.wait_dma2 semaphore(%arg14 : memref<!tpu.dma_semaphore, #tpu.memory_space<semaphore_mem>>) src(%arg4 : memref<1000xi32, #tpu.memory_space<hbm>>) dst(%arg10 : memref<1000xi32, #tpu.memory_space<vmem>>)
      tpu.wait_dma2 semaphore(%arg15 : memref<!tpu.dma_semaphore, #tpu.memory_space<semaphore_mem>>) src(%arg5 : memref<16xf32, #tpu.memory_space<hbm>>) dst(%arg12 : memref<16xf32, #tpu.memory_space<vmem>>)
      %get3A = arith.constant 0 : index
      %get3A_273 = tpu.vector_load %arg12[%get3A] {strides = array<i32>} : memref<16xf32, #tpu.memory_space<vmem>>, vector<16xf32>,
      %get3A_274 = arith.constant 0 : index
      %get3A_275 = tpu.vector_load %arg10[%get3A_274] {strides = array<i32>} : memref<1000xi32, #tpu.memory_space<vmem>>, vector<16xi32>,
      %sub3A = vector.broadcast %mul3A_22 : i32 to vector<16xi32>
      %sub3A_276 = arith.subi %get3A_275, %sub3A : vector<16xi32>
      %ge3A = arith.constant 0 : i32
      %ge3A_277 = vector.broadcast %ge3A : i32 to vector<16xi32>
      %ge3A_278 = arith.cmpi sge, %sub3A_276, %ge3A_277 : vector<16xi32>
      %lt3A_279 = arith.constant 2000 : i32
      %lt3A_280 = vector.broadcast %lt3A_279 : i32 to vector<16xi32>
      %lt3A_281 = arith.cmpi slt, %sub3A_276, %lt3A_280 : vector<16xi32>
      %and3A = arith.andi %ge3A_278, %lt3A_281 : vector<16xi1>
      %max3A = arith.constant 0 : i32
      %max3A_282 = vector.broadcast %max3A : i32 to vector<16xi32>
      %max3A_283 = arith.maxsi %sub3A_276, %max3A_282 : vector<16xi32>
      %min3A = arith.constant 1999 : i32
      %min3A_284 = vector.broadcast %min3A : i32 to vector<16xi32>
      %min3A_285 = arith.minsi %max3A_283, %min3A_284 : vector<16xi32>
      tpu.vector_store_idx %arg11[%min3A_285], %get3A_273 masked %and3A : memref<2000xf32, #tpu.memory_space<vmem>>[vector<16xi32>], vector<16xf32>, vector<16xi1>
      %get3A_286 = arith.constant 16 : index
      %get3A_287 = tpu.vector_load %arg10[%get3A_286] {strides = array<i32>} : memref<1000xi32, #tpu.memory_space<vmem>>, vector<16xi32>,
      %sub3A_288 = vector.broadcast %mul3A_22 : i32 to vector<16xi32>
      %sub3A_289 = arith.subi %get3A_287, %sub3A_288 : vector<16xi32>
      %ge3A_290 = arith.constant 0 : i32
      %ge3A_291 = vector.broadcast %ge3A_290 : i32 to vector<16xi32>
      %ge3A_292 = arith.cmpi sge, %sub3A_289, %ge3A_291 : vector<16xi32>
      %lt3A_293 = arith.constant 2000 : i32
      %lt3A_294 = vector.broadcast %lt3A_293 : i32 to vector<16xi32>
      %lt3A_295 = arith.cmpi slt, %sub3A_289, %lt3A_294 : vector<16xi32>
      %and3A_296 = arith.andi %ge3A_292, %lt3A_295 : vector<16xi1>
      %max3A_297 = arith.constant 0 : i32
      %max3A_298 = vector.broadcast %max3A_297 : i32 to vector<16xi32>
      %max3A_299 = arith.maxsi %sub3A_289, %max3A_298 : vector<16xi32>
      %min3A_300 = arith.constant 1999 : i32
      %min3A_301 = vector.broadcast %min3A_300 : i32 to vector<16xi32>
      %min3A_302 = arith.minsi %max3A_299, %min3A_301 : vector<16xi32>
      tpu.vector_store_idx %arg11[%min3A_302], %get3A_273 masked %and3A_296 : memref<2000xf32, #tpu.memory_space<vmem>>[vector<16xi32>], vector<16xf32>, vector<16xi1>
      %get3A_303 = arith.constant 32 : index
      %get3A_304 = tpu.vector_load %arg10[%get3A_303] {strides = array<i32>} : memref<1000xi32, #tpu.memory_space<vmem>>, vector<16xi32>,
      %sub3A_305 = vector.broadcast %mul3A_22 : i32 to vector<16xi32>
      %sub3A_306 = arith.subi %get3A_304, %sub3A_305 : vector<16xi32>
      %ge3A_307 = arith.constant 0 : i32
      %ge3A_308 = vector.broadcast %ge3A_307 : i32 to vector<16xi32>
      %ge3A_309 = arith.cmpi sge, %sub3A_306, %ge3A_308 : vector<16xi32>
      %lt3A_310 = arith.constant 2000 : i32
      %lt3A_311 = vector.broadcast %lt3A_310 : i32 to vector<16xi32>
      %lt3A_312 = arith.cmpi slt, %sub3A_306, %lt3A_311 : vector<16xi32>
      %and3A_313 = arith.andi %ge3A_309, %lt3A_312 : vector<16xi1>
      %max3A_314 = arith.constant 0 : i32
      %max3A_315 = vector.broadcast %max3A_314 : i32 to vector<16xi32>
      %max3A_316 = arith.maxsi %sub3A_306, %max3A_315 : vector<16xi32>
      %min3A_317 = arith.constant 1999 : i32
      %min3A_318 = vector.broadcast %min3A_317 : i32 to vector<16xi32>
      %min3A_319 = arith.minsi %max3A_316, %min3A_318 : vector<16xi32>
      tpu.vector_store_idx %arg11[%min3A_319], %get3A_273 masked %and3A_313 : memref<2000xf32, #tpu.memory_space<vmem>>[vector<16xi32>], vector<16xf32>, vector<16xi1>
      %get3A_320 = arith.constant 48 : index
      %get3A_321 = tpu.vector_load %arg10[%get3A_320] {strides = array<i32>} : memref<1000xi32, #tpu.memory_space<vmem>>, vector<16xi32>,
      %sub3A_322 = vector.broadcast %mul3A_22 : i32 to vector<16xi32>
      %sub3A_323 = arith.subi %get3A_321, %sub3A_322 : vector<16xi32>
      %ge3A_324 = arith.constant 0 : i32
      %ge3A_325 = vector.broadcast %ge3A_324 : i32 to vector<16xi32>
      %ge3A_326 = arith.cmpi sge, %sub3A_323, %ge3A_325 : vector<16xi32>
      %lt3A_327 = arith.constant 2000 : i32
      %lt3A_328 = vector.broadcast %lt3A_327 : i32 to vector<16xi32>
      %lt3A_329 = arith.cmpi slt, %sub3A_323, %lt3A_328 : vector<16xi32>
      %and3A_330 = arith.andi %ge3A_326, %lt3A_329 : vector<16xi1>
      %max3A_331 = arith.constant 0 : i32
      %max3A_332 = vector.broadcast %max3A_331 : i32 to vector<16xi32>
      %max3A_333 = arith.maxsi %sub3A_323, %max3A_332 : vector<16xi32>
      %min3A_334 = arith.constant 1999 : i32
      %min3A_335 = vector.broadcast %min3A_334 : i32 to vector<16xi32>
      %min3A_336 = arith.minsi %max3A_333, %min3A_335 : vector<16xi32>
      tpu.vector_store_idx %arg11[%min3A_336], %get3A_273 masked %and3A_330 : memref<2000xf32, #tpu.memory_space<vmem>>[vector<16xi32>], vector<16xf32>, vector<16xi1>
      %get3A_337 = arith.constant 64 : index
      %get3A_338 = tpu.vector_load %arg10[%get3A_337] {strides = array<i32>} : memref<1000xi32, #tpu.memory_space<vmem>>, vector<16xi32>,
      %sub3A_339 = vector.broadcast %mul3A_22 : i32 to vector<16xi32>
      %sub3A_340 = arith.subi %get3A_338, %sub3A_339 : vector<16xi32>
      %ge3A_341 = arith.constant 0 : i32
      %ge3A_342 = vector.broadcast %ge3A_341 : i32 to vector<16xi32>
      %ge3A_343 = arith.cmpi sge, %sub3A_340, %ge3A_342 : vector<16xi32>
      %lt3A_344 = arith.constant 2000 : i32
      %lt3A_345 = vector.broadcast %lt3A_344 : i32 to vector<16xi32>
      %lt3A_346 = arith.cmpi slt, %sub3A_340, %lt3A_345 : vector<16xi32>
      %and3A_347 = arith.andi %ge3A_343, %lt3A_346 : vector<16xi1>
      %max3A_348 = arith.constant 0 : i32
      %max3A_349 = vector.broadcast %max3A_348 : i32 to vector<16xi32>
      %max3A_350 = arith.maxsi %sub3A_340, %max3A_349 : vector<16xi32>
      %min3A_351 = arith.constant 1999 : i32
      %min3A_352 = vector.broadcast %min3A_351 : i32 to vector<16xi32>
      %min3A_353 = arith.minsi %max3A_350, %min3A_352 : vector<16xi32>
      tpu.vector_store_idx %arg11[%min3A_353], %get3A_273 masked %and3A_347 : memref<2000xf32, #tpu.memory_space<vmem>>[vector<16xi32>], vector<16xf32>, vector<16xi1>
      %get3A_354 = arith.constant 80 : index
      %get3A_355 = tpu.vector_load %arg10[%get3A_354] {strides = array<i32>} : memref<1000xi32, #tpu.memory_space<vmem>>, vector<16xi32>,
      %sub3A_356 = vector.broadcast %mul3A_22 : i32 to vector<16xi32>
      %sub3A_357 = arith.subi %get3A_355, %sub3A_356 : vector<16xi32>
      %ge3A_358 = arith.constant 0 : i32
      %ge3A_359 = vector.broadcast %ge3A_358 : i32 to vector<16xi32>
      %ge3A_360 = arith.cmpi sge, %sub3A_357, %ge3A_359 : vector<16xi32>
      %lt3A_361 = arith.constant 2000 : i32
      %lt3A_362 = vector.broadcast %lt3A_361 : i32 to vector<16xi32>
      %lt3A_363 = arith.cmpi slt, %sub3A_357, %lt3A_362 : vector<16xi32>
      %and3A_364 = arith.andi %ge3A_360, %lt3A_363 : vector<16xi1>
      %max3A_365 = arith.constant 0 : i32
      %max3A_366 = vector.broadcast %max3A_365 : i32 to vector<16xi32>
      %max3A_367 = arith.maxsi %sub3A_357, %max3A_366 : vector<16xi32>
      %min3A_368 = arith.constant 1999 : i32
      %min3A_369 = vector.broadcast %min3A_368 : i32 to vector<16xi32>
      %min3A_370 = arith.minsi %max3A_367, %min3A_369 : vector<16xi32>
      tpu.vector_store_idx %arg11[%min3A_370], %get3A_273 masked %and3A_364 : memref<2000xf32, #tpu.memory_space<vmem>>[vector<16xi32>], vector<16xf32>, vector<16xi1>
      %get3A_371 = arith.constant 96 : index
      %get3A_372 = tpu.vector_load %arg10[%get3A_371] {strides = array<i32>} : memref<1000xi32, #tpu.memory_space<vmem>>, vector<16xi32>,
      %sub3A_373 = vector.broadcast %mul3A_22 : i32 to vector<16xi32>
      %sub3A_374 = arith.subi %get3A_372, %sub3A_373 : vector<16xi32>
      %ge3A_375 = arith.constant 0 : i32
      %ge3A_376 = vector.broadcast %ge3A_375 : i32 to vector<16xi32>
      %ge3A_377 = arith.cmpi sge, %sub3A_374, %ge3A_376 : vector<16xi32>
      %lt3A_378 = arith.constant 2000 : i32
      %lt3A_379 = vector.broadcast %lt3A_378 : i32 to vector<16xi32>
      %lt3A_380 = arith.cmpi slt, %sub3A_374, %lt3A_379 : vector<16xi32>
      %and3A_381 = arith.andi %ge3A_377, %lt3A_380 : vector<16xi1>
      %max3A_382 = arith.constant 0 : i32
      %max3A_383 = vector.broadcast %max3A_382 : i32 to vector<16xi32>
      %max3A_384 = arith.maxsi %sub3A_374, %max3A_383 : vector<16xi32>
      %min3A_385 = arith.constant 1999 : i32
      %min3A_386 = vector.broadcast %min3A_385 : i32 to vector<16xi32>
      %min3A_387 = arith.minsi %max3A_384, %min3A_386 : vector<16xi32>
      tpu.vector_store_idx %arg11[%min3A_387], %get3A_273 masked %and3A_381 : memref<2000xf32, #tpu.memory_space<vmem>>[vector<16xi32>], vector<16xf32>, vector<16xi1>
      %get3A_388 = arith.constant 112 : index
      %get3A_389 = tpu.vector_load %arg10[%get3A_388] {strides = array<i32>} : memref<1000xi32, #tpu.memory_space<vmem>>, vector<16xi32>,
      %sub3A_390 = vector.broadcast %mul3A_22 : i32 to vector<16xi32>
      %sub3A_391 = arith.subi %get3A_389, %sub3A_390 : vector<16xi32>
      %ge3A_392 = arith.constant 0 : i32
      %ge3A_393 = vector.broadcast %ge3A_392 : i32 to vector<16xi32>
      %ge3A_394 = arith.cmpi sge, %sub3A_391, %ge3A_393 : vector<16xi32>
      %lt3A_395 = arith.constant 2000 : i32
      %lt3A_396 = vector.broadcast %lt3A_395 : i32 to vector<16xi32>
      %lt3A_397 = arith.cmpi slt, %sub3A_391, %lt3A_396 : vector<16xi32>
      %and3A_398 = arith.andi %ge3A_394, %lt3A_397 : vector<16xi1>
      %max3A_399 = arith.constant 0 : i32
      %max3A_400 = vector.broadcast %max3A_399 : i32 to vector<16xi32>
      %max3A_401 = arith.maxsi %sub3A_391, %max3A_400 : vector<16xi32>
      %min3A_402 = arith.constant 1999 : i32
      %min3A_403 = vector.broadcast %min3A_402 : i32 to vector<16xi32>
      %min3A_404 = arith.minsi %max3A_401, %min3A_403 : vector<16xi32>
      tpu.vector_store_idx %arg11[%min3A_404], %get3A_273 masked %and3A_398 : memref<2000xf32, #tpu.memory_space<vmem>>[vector<16xi32>], vector<16xf32>, vector<16xi1>
      %get3A_405 = arith.constant 128 : index
      %get3A_406 = tpu.vector_load %arg10[%get3A_405] {strides = array<i32>} : memref<1000xi32, #tpu.memory_space<vmem>>, vector<16xi32>,
      %sub3A_407 = vector.broadcast %mul3A_22 : i32 to vector<16xi32>
      %sub3A_408 = arith.subi %get3A_406, %sub3A_407 : vector<16xi32>
      %ge3A_409 = arith.constant 0 : i32
      %ge3A_410 = vector.broadcast %ge3A_409 : i32 to vector<16xi32>
      %ge3A_411 = arith.cmpi sge, %sub3A_408, %ge3A_410 : vector<16xi32>
      %lt3A_412 = arith.constant 2000 : i32
      %lt3A_413 = vector.broadcast %lt3A_412 : i32 to vector<16xi32>
      %lt3A_414 = arith.cmpi slt, %sub3A_408, %lt3A_413 : vector<16xi32>
      %and3A_415 = arith.andi %ge3A_411, %lt3A_414 : vector<16xi1>
      %max3A_416 = arith.constant 0 : i32
      %max3A_417 = vector.broadcast %max3A_416 : i32 to vector<16xi32>
      %max3A_418 = arith.maxsi %sub3A_408, %max3A_417 : vector<16xi32>
      %min3A_419 = arith.constant 1999 : i32
      %min3A_420 = vector.broadcast %min3A_419 : i32 to vector<16xi32>
      %min3A_421 = arith.minsi %max3A_418, %min3A_420 : vector<16xi32>
      tpu.vector_store_idx %arg11[%min3A_421], %get3A_273 masked %and3A_415 : memref<2000xf32, #tpu.memory_space<vmem>>[vector<16xi32>], vector<16xf32>, vector<16xi1>
      %get3A_422 = arith.constant 144 : index
      %get3A_423 = tpu.vector_load %arg10[%get3A_422] {strides = array<i32>} : memref<1000xi32, #tpu.memory_space<vmem>>, vector<16xi32>,
      %sub3A_424 = vector.broadcast %mul3A_22 : i32 to vector<16xi32>
      %sub3A_425 = arith.subi %get3A_423, %sub3A_424 : vector<16xi32>
      %ge3A_426 = arith.constant 0 : i32
      %ge3A_427 = vector.broadcast %ge3A_426 : i32 to vector<16xi32>
      %ge3A_428 = arith.cmpi sge, %sub3A_425, %ge3A_427 : vector<16xi32>
      %lt3A_429 = arith.constant 2000 : i32
      %lt3A_430 = vector.broadcast %lt3A_429 : i32 to vector<16xi32>
      %lt3A_431 = arith.cmpi slt, %sub3A_425, %lt3A_430 : vector<16xi32>
      %and3A_432 = arith.andi %ge3A_428, %lt3A_431 : vector<16xi1>
      %max3A_433 = arith.constant 0 : i32
      %max3A_434 = vector.broadcast %max3A_433 : i32 to vector<16xi32>
      %max3A_435 = arith.maxsi %sub3A_425, %max3A_434 : vector<16xi32>
      %min3A_436 = arith.constant 1999 : i32
      %min3A_437 = vector.broadcast %min3A_436 : i32 to vector<16xi32>
      %min3A_438 = arith.minsi %max3A_435, %min3A_437 : vector<16xi32>
      tpu.vector_store_idx %arg11[%min3A_438], %get3A_273 masked %and3A_432 : memref<2000xf32, #tpu.memory_space<vmem>>[vector<16xi32>], vector<16xf32>, vector<16xi1>
      %get3A_439 = arith.constant 160 : index
      %get3A_440 = tpu.vector_load %arg10[%get3A_439] {strides = array<i32>} : memref<1000xi32, #tpu.memory_space<vmem>>, vector<16xi32>,
      %sub3A_441 = vector.broadcast %mul3A_22 : i32 to vector<16xi32>
      %sub3A_442 = arith.subi %get3A_440, %sub3A_441 : vector<16xi32>
      %ge3A_443 = arith.constant 0 : i32
      %ge3A_444 = vector.broadcast %ge3A_443 : i32 to vector<16xi32>
      %ge3A_445 = arith.cmpi sge, %sub3A_442, %ge3A_444 : vector<16xi32>
      %lt3A_446 = arith.constant 2000 : i32
      %lt3A_447 = vector.broadcast %lt3A_446 : i32 to vector<16xi32>
      %lt3A_448 = arith.cmpi slt, %sub3A_442, %lt3A_447 : vector<16xi32>
      %and3A_449 = arith.andi %ge3A_445, %lt3A_448 : vector<16xi1>
      %max3A_450 = arith.constant 0 : i32
      %max3A_451 = vector.broadcast %max3A_450 : i32 to vector<16xi32>
      %max3A_452 = arith.maxsi %sub3A_442, %max3A_451 : vector<16xi32>
      %min3A_453 = arith.constant 1999 : i32
      %min3A_454 = vector.broadcast %min3A_453 : i32 to vector<16xi32>
      %min3A_455 = arith.minsi %max3A_452, %min3A_454 : vector<16xi32>
      tpu.vector_store_idx %arg11[%min3A_455], %get3A_273 masked %and3A_449 : memref<2000xf32, #tpu.memory_space<vmem>>[vector<16xi32>], vector<16xf32>, vector<16xi1>
      %get3A_456 = arith.constant 176 : index
      %get3A_457 = tpu.vector_load %arg10[%get3A_456] {strides = array<i32>} : memref<1000xi32, #tpu.memory_space<vmem>>, vector<16xi32>,
      %sub3A_458 = vector.broadcast %mul3A_22 : i32 to vector<16xi32>
      %sub3A_459 = arith.subi %get3A_457, %sub3A_458 : vector<16xi32>
      %ge3A_460 = arith.constant 0 : i32
      %ge3A_461 = vector.broadcast %ge3A_460 : i32 to vector<16xi32>
      %ge3A_462 = arith.cmpi sge, %sub3A_459, %ge3A_461 : vector<16xi32>
      %lt3A_463 = arith.constant 2000 : i32
      %lt3A_464 = vector.broadcast %lt3A_463 : i32 to vector<16xi32>
      %lt3A_465 = arith.cmpi slt, %sub3A_459, %lt3A_464 : vector<16xi32>
      %and3A_466 = arith.andi %ge3A_462, %lt3A_465 : vector<16xi1>
      %max3A_467 = arith.constant 0 : i32
      %max3A_468 = vector.broadcast %max3A_467 : i32 to vector<16xi32>
      %max3A_469 = arith.maxsi %sub3A_459, %max3A_468 : vector<16xi32>
      %min3A_470 = arith.constant 1999 : i32
      %min3A_471 = vector.broadcast %min3A_470 : i32 to vector<16xi32>
      %min3A_472 = arith.minsi %max3A_469, %min3A_471 : vector<16xi32>
      tpu.vector_store_idx %arg11[%min3A_472], %get3A_273 masked %and3A_466 : memref<2000xf32, #tpu.memory_space<vmem>>[vector<16xi32>], vector<16xf32>, vector<16xi1>
      %get3A_473 = arith.constant 192 : index
      %get3A_474 = tpu.vector_load %arg10[%get3A_473] {strides = array<i32>} : memref<1000xi32, #tpu.memory_space<vmem>>, vector<16xi32>,
      %sub3A_475 = vector.broadcast %mul3A_22 : i32 to vector<16xi32>
      %sub3A_476 = arith.subi %get3A_474, %sub3A_475 : vector<16xi32>
      %ge3A_477 = arith.constant 0 : i32
      %ge3A_478 = vector.broadcast %ge3A_477 : i32 to vector<16xi32>
      %ge3A_479 = arith.cmpi sge, %sub3A_476, %ge3A_478 : vector<16xi32>
      %lt3A_480 = arith.constant 2000 : i32
      %lt3A_481 = vector.broadcast %lt3A_480 : i32 to vector<16xi32>
      %lt3A_482 = arith.cmpi slt, %sub3A_476, %lt3A_481 : vector<16xi32>
      %and3A_483 = arith.andi %ge3A_479, %lt3A_482 : vector<16xi1>
      %max3A_484 = arith.constant 0 : i32
      %max3A_485 = vector.broadcast %max3A_484 : i32 to vector<16xi32>
      %max3A_486 = arith.maxsi %sub3A_476, %max3A_485 : vector<16xi32>
      %min3A_487 = arith.constant 1999 : i32
      %min3A_488 = vector.broadcast %min3A_487 : i32 to vector<16xi32>
      %min3A_489 = arith.minsi %max3A_486, %min3A_488 : vector<16xi32>
      tpu.vector_store_idx %arg11[%min3A_489], %get3A_273 masked %and3A_483 : memref<2000xf32, #tpu.memory_space<vmem>>[vector<16xi32>], vector<16xf32>, vector<16xi1>
      %get3A_490 = arith.constant 208 : index
      %get3A_491 = tpu.vector_load %arg10[%get3A_490] {strides = array<i32>} : memref<1000xi32, #tpu.memory_space<vmem>>, vector<16xi32>,
      %sub3A_492 = vector.broadcast %mul3A_22 : i32 to vector<16xi32>
      %sub3A_493 = arith.subi %get3A_491, %sub3A_492 : vector<16xi32>
      %ge3A_494 = arith.constant 0 : i32
      %ge3A_495 = vector.broadcast %ge3A_494 : i32 to vector<16xi32>
      %ge3A_496 = arith.cmpi sge, %sub3A_493, %ge3A_495 : vector<16xi32>
      %lt3A_497 = arith.constant 2000 : i32
      %lt3A_498 = vector.broadcast %lt3A_497 : i32 to vector<16xi32>
      %lt3A_499 = arith.cmpi slt, %sub3A_493, %lt3A_498 : vector<16xi32>
      %and3A_500 = arith.andi %ge3A_496, %lt3A_499 : vector<16xi1>
      %max3A_501 = arith.constant 0 : i32
      %max3A_502 = vector.broadcast %max3A_501 : i32 to vector<16xi32>
      %max3A_503 = arith.maxsi %sub3A_493, %max3A_502 : vector<16xi32>
      %min3A_504 = arith.constant 1999 : i32
      %min3A_505 = vector.broadcast %min3A_504 : i32 to vector<16xi32>
      %min3A_506 = arith.minsi %max3A_503, %min3A_505 : vector<16xi32>
      tpu.vector_store_idx %arg11[%min3A_506], %get3A_273 masked %and3A_500 : memref<2000xf32, #tpu.memory_space<vmem>>[vector<16xi32>], vector<16xf32>, vector<16xi1>
      %get3A_507 = arith.constant 224 : index
      %get3A_508 = tpu.vector_load %arg10[%get3A_507] {strides = array<i32>} : memref<1000xi32, #tpu.memory_space<vmem>>, vector<16xi32>,
      %sub3A_509 = vector.broadcast %mul3A_22 : i32 to vector<16xi32>
      %sub3A_510 = arith.subi %get3A_508, %sub3A_509 : vector<16xi32>
      %ge3A_511 = arith.constant 0 : i32
      %ge3A_512 = vector.broadcast %ge3A_511 : i32 to vector<16xi32>
      %ge3A_513 = arith.cmpi sge, %sub3A_510, %ge3A_512 : vector<16xi32>
      %lt3A_514 = arith.constant 2000 : i32
      %lt3A_515 = vector.broadcast %lt3A_514 : i32 to vector<16xi32>
      %lt3A_516 = arith.cmpi slt, %sub3A_510, %lt3A_515 : vector<16xi32>
      %and3A_517 = arith.andi %ge3A_513, %lt3A_516 : vector<16xi1>
      %max3A_518 = arith.constant 0 : i32
      %max3A_519 = vector.broadcast %max3A_518 : i32 to vector<16xi32>
      %max3A_520 = arith.maxsi %sub3A_510, %max3A_519 : vector<16xi32>
      %min3A_521 = arith.constant 1999 : i32
      %min3A_522 = vector.broadcast %min3A_521 : i32 to vector<16xi32>
      %min3A_523 = arith.minsi %max3A_520, %min3A_522 : vector<16xi32>
      tpu.vector_store_idx %arg11[%min3A_523], %get3A_273 masked %and3A_517 : memref<2000xf32, #tpu.memory_space<vmem>>[vector<16xi32>], vector<16xf32>, vector<16xi1>
      %get3A_524 = arith.constant 240 : index
      %get3A_525 = tpu.vector_load %arg10[%get3A_524] {strides = array<i32>} : memref<1000xi32, #tpu.memory_space<vmem>>, vector<16xi32>,
      %sub3A_526 = vector.broadcast %mul3A_22 : i32 to vector<16xi32>
      %sub3A_527 = arith.subi %get3A_525, %sub3A_526 : vector<16xi32>
      %ge3A_528 = arith.constant 0 : i32
      %ge3A_529 = vector.broadcast %ge3A_528 : i32 to vector<16xi32>
      %ge3A_530 = arith.cmpi sge, %sub3A_527, %ge3A_529 : vector<16xi32>
      %lt3A_531 = arith.constant 2000 : i32
      %lt3A_532 = vector.broadcast %lt3A_531 : i32 to vector<16xi32>
      %lt3A_533 = arith.cmpi slt, %sub3A_527, %lt3A_532 : vector<16xi32>
      %and3A_534 = arith.andi %ge3A_530, %lt3A_533 : vector<16xi1>
      %max3A_535 = arith.constant 0 : i32
      %max3A_536 = vector.broadcast %max3A_535 : i32 to vector<16xi32>
      %max3A_537 = arith.maxsi %sub3A_527, %max3A_536 : vector<16xi32>
      %min3A_538 = arith.constant 1999 : i32
      %min3A_539 = vector.broadcast %min3A_538 : i32 to vector<16xi32>
      %min3A_540 = arith.minsi %max3A_537, %min3A_539 : vector<16xi32>
      tpu.vector_store_idx %arg11[%min3A_540], %get3A_273 masked %and3A_534 : memref<2000xf32, #tpu.memory_space<vmem>>[vector<16xi32>], vector<16xf32>, vector<16xi1>
      %get3A_541 = arith.constant 256 : index
      %get3A_542 = tpu.vector_load %arg10[%get3A_541] {strides = array<i32>} : memref<1000xi32, #tpu.memory_space<vmem>>, vector<16xi32>,
      %sub3A_543 = vector.broadcast %mul3A_22 : i32 to vector<16xi32>
      %sub3A_544 = arith.subi %get3A_542, %sub3A_543 : vector<16xi32>
      %ge3A_545 = arith.constant 0 : i32
      %ge3A_546 = vector.broadcast %ge3A_545 : i32 to vector<16xi32>
      %ge3A_547 = arith.cmpi sge, %sub3A_544, %ge3A_546 : vector<16xi32>
      %lt3A_548 = arith.constant 2000 : i32
      %lt3A_549 = vector.broadcast %lt3A_548 : i32 to vector<16xi32>
      %lt3A_550 = arith.cmpi slt, %sub3A_544, %lt3A_549 : vector<16xi32>
      %and3A_551 = arith.andi %ge3A_547, %lt3A_550 : vector<16xi1>
      %max3A_552 = arith.constant 0 : i32
      %max3A_553 = vector.broadcast %max3A_552 : i32 to vector<16xi32>
      %max3A_554 = arith.maxsi %sub3A_544, %max3A_553 : vector<16xi32>
      %min3A_555 = arith.constant 1999 : i32
      %min3A_556 = vector.broadcast %min3A_555 : i32 to vector<16xi32>
      %min3A_557 = arith.minsi %max3A_554, %min3A_556 : vector<16xi32>
      tpu.vector_store_idx %arg11[%min3A_557], %get3A_273 masked %and3A_551 : memref<2000xf32, #tpu.memory_space<vmem>>[vector<16xi32>], vector<16xf32>, vector<16xi1>
      %get3A_558 = arith.constant 272 : index
      %get3A_559 = tpu.vector_load %arg10[%get3A_558] {strides = array<i32>} : memref<1000xi32, #tpu.memory_space<vmem>>, vector<16xi32>,
      %sub3A_560 = vector.broadcast %mul3A_22 : i32 to vector<16xi32>
      %sub3A_561 = arith.subi %get3A_559, %sub3A_560 : vector<16xi32>
      %ge3A_562 = arith.constant 0 : i32
      %ge3A_563 = vector.broadcast %ge3A_562 : i32 to vector<16xi32>
      %ge3A_564 = arith.cmpi sge, %sub3A_561, %ge3A_563 : vector<16xi32>
      %lt3A_565 = arith.constant 2000 : i32
      %lt3A_566 = vector.broadcast %lt3A_565 : i32 to vector<16xi32>
      %lt3A_567 = arith.cmpi slt, %sub3A_561, %lt3A_566 : vector<16xi32>
      %and3A_568 = arith.andi %ge3A_564, %lt3A_567 : vector<16xi1>
      %max3A_569 = arith.constant 0 : i32
      %max3A_570 = vector.broadcast %max3A_569 : i32 to vector<16xi32>
      %max3A_571 = arith.maxsi %sub3A_561, %max3A_570 : vector<16xi32>
      %min3A_572 = arith.constant 1999 : i32
      %min3A_573 = vector.broadcast %min3A_572 : i32 to vector<16xi32>
      %min3A_574 = arith.minsi %max3A_571, %min3A_573 : vector<16xi32>
      tpu.vector_store_idx %arg11[%min3A_574], %get3A_273 masked %and3A_568 : memref<2000xf32, #tpu.memory_space<vmem>>[vector<16xi32>], vector<16xf32>, vector<16xi1>
      %get3A_575 = arith.constant 288 : index
      %get3A_576 = tpu.vector_load %arg10[%get3A_575] {strides = array<i32>} : memref<1000xi32, #tpu.memory_space<vmem>>, vector<16xi32>,
      %sub3A_577 = vector.broadcast %mul3A_22 : i32 to vector<16xi32>
      %sub3A_578 = arith.subi %get3A_576, %sub3A_577 : vector<16xi32>
      %ge3A_579 = arith.constant 0 : i32
      %ge3A_580 = vector.broadcast %ge3A_579 : i32 to vector<16xi32>
      %ge3A_581 = arith.cmpi sge, %sub3A_578, %ge3A_580 : vector<16xi32>
      %lt3A_582 = arith.constant 2000 : i32
      %lt3A_583 = vector.broadcast %lt3A_582 : i32 to vector<16xi32>
      %lt3A_584 = arith.cmpi slt, %sub3A_578, %lt3A_583 : vector<16xi32>
      %and3A_585 = arith.andi %ge3A_581, %lt3A_584 : vector<16xi1>
      %max3A_586 = arith.constant 0 : i32
      %max3A_587 = vector.broadcast %max3A_586 : i32 to vector<16xi32>
      %max3A_588 = arith.maxsi %sub3A_578, %max3A_587 : vector<16xi32>
      %min3A_589 = arith.constant 1999 : i32
      %min3A_590 = vector.broadcast %min3A_589 : i32 to vector<16xi32>
      %min3A_591 = arith.minsi %max3A_588, %min3A_590 : vector<16xi32>
      tpu.vector_store_idx %arg11[%min3A_591], %get3A_273 masked %and3A_585 : memref<2000xf32, #tpu.memory_space<vmem>>[vector<16xi32>], vector<16xf32>, vector<16xi1>
      %get3A_592 = arith.constant 304 : index
      %get3A_593 = tpu.vector_load %arg10[%get3A_592] {strides = array<i32>} : memref<1000xi32, #tpu.memory_space<vmem>>, vector<16xi32>,
      %sub3A_594 = vector.broadcast %mul3A_22 : i32 to vector<16xi32>
      %sub3A_595 = arith.subi %get3A_593, %sub3A_594 : vector<16xi32>
      %ge3A_596 = arith.constant 0 : i32
      %ge3A_597 = vector.broadcast %ge3A_596 : i32 to vector<16xi32>
      %ge3A_598 = arith.cmpi sge, %sub3A_595, %ge3A_597 : vector<16xi32>
      %lt3A_599 = arith.constant 2000 : i32
      %lt3A_600 = vector.broadcast %lt3A_599 : i32 to vector<16xi32>
      %lt3A_601 = arith.cmpi slt, %sub3A_595, %lt3A_600 : vector<16xi32>
      %and3A_602 = arith.andi %ge3A_598, %lt3A_601 : vector<16xi1>
      %max3A_603 = arith.constant 0 : i32
      %max3A_604 = vector.broadcast %max3A_603 : i32 to vector<16xi32>
      %max3A_605 = arith.maxsi %sub3A_595, %max3A_604 : vector<16xi32>
      %min3A_606 = arith.constant 1999 : i32
      %min3A_607 = vector.broadcast %min3A_606 : i32 to vector<16xi32>
      %min3A_608 = arith.minsi %max3A_605, %min3A_607 : vector<16xi32>
      tpu.vector_store_idx %arg11[%min3A_608], %get3A_273 masked %and3A_602 : memref<2000xf32, #tpu.memory_space<vmem>>[vector<16xi32>], vector<16xf32>, vector<16xi1>
      %get3A_609 = arith.constant 320 : index
      %get3A_610 = tpu.vector_load %arg10[%get3A_609] {strides = array<i32>} : memref<1000xi32, #tpu.memory_space<vmem>>, vector<16xi32>,
      %sub3A_611 = vector.broadcast %mul3A_22 : i32 to vector<16xi32>
      %sub3A_612 = arith.subi %get3A_610, %sub3A_611 : vector<16xi32>
      %ge3A_613 = arith.constant 0 : i32
      %ge3A_614 = vector.broadcast %ge3A_613 : i32 to vector<16xi32>
      %ge3A_615 = arith.cmpi sge, %sub3A_612, %ge3A_614 : vector<16xi32>
      %lt3A_616 = arith.constant 2000 : i32
      %lt3A_617 = vector.broadcast %lt3A_616 : i32 to vector<16xi32>
      %lt3A_618 = arith.cmpi slt, %sub3A_612, %lt3A_617 : vector<16xi32>
      %and3A_619 = arith.andi %ge3A_615, %lt3A_618 : vector<16xi1>
      %max3A_620 = arith.constant 0 : i32
      %max3A_621 = vector.broadcast %max3A_620 : i32 to vector<16xi32>
      %max3A_622 = arith.maxsi %sub3A_612, %max3A_621 : vector<16xi32>
      %min3A_623 = arith.constant 1999 : i32
      %min3A_624 = vector.broadcast %min3A_623 : i32 to vector<16xi32>
      %min3A_625 = arith.minsi %max3A_622, %min3A_624 : vector<16xi32>
      tpu.vector_store_idx %arg11[%min3A_625], %get3A_273 masked %and3A_619 : memref<2000xf32, #tpu.memory_space<vmem>>[vector<16xi32>], vector<16xf32>, vector<16xi1>
      %get3A_626 = arith.constant 336 : index
      %get3A_627 = tpu.vector_load %arg10[%get3A_626] {strides = array<i32>} : memref<1000xi32, #tpu.memory_space<vmem>>, vector<16xi32>,
      %sub3A_628 = vector.broadcast %mul3A_22 : i32 to vector<16xi32>
      %sub3A_629 = arith.subi %get3A_627, %sub3A_628 : vector<16xi32>
      %ge3A_630 = arith.constant 0 : i32
      %ge3A_631 = vector.broadcast %ge3A_630 : i32 to vector<16xi32>
      %ge3A_632 = arith.cmpi sge, %sub3A_629, %ge3A_631 : vector<16xi32>
      %lt3A_633 = arith.constant 2000 : i32
      %lt3A_634 = vector.broadcast %lt3A_633 : i32 to vector<16xi32>
      %lt3A_635 = arith.cmpi slt, %sub3A_629, %lt3A_634 : vector<16xi32>
      %and3A_636 = arith.andi %ge3A_632, %lt3A_635 : vector<16xi1>
      %max3A_637 = arith.constant 0 : i32
      %max3A_638 = vector.broadcast %max3A_637 : i32 to vector<16xi32>
      %max3A_639 = arith.maxsi %sub3A_629, %max3A_638 : vector<16xi32>
      %min3A_640 = arith.constant 1999 : i32
      %min3A_641 = vector.broadcast %min3A_640 : i32 to vector<16xi32>
      %min3A_642 = arith.minsi %max3A_639, %min3A_641 : vector<16xi32>
      tpu.vector_store_idx %arg11[%min3A_642], %get3A_273 masked %and3A_636 : memref<2000xf32, #tpu.memory_space<vmem>>[vector<16xi32>], vector<16xf32>, vector<16xi1>
      %get3A_643 = arith.constant 352 : index
      %get3A_644 = tpu.vector_load %arg10[%get3A_643] {strides = array<i32>} : memref<1000xi32, #tpu.memory_space<vmem>>, vector<16xi32>,
      %sub3A_645 = vector.broadcast %mul3A_22 : i32 to vector<16xi32>
      %sub3A_646 = arith.subi %get3A_644, %sub3A_645 : vector<16xi32>
      %ge3A_647 = arith.constant 0 : i32
      %ge3A_648 = vector.broadcast %ge3A_647 : i32 to vector<16xi32>
      %ge3A_649 = arith.cmpi sge, %sub3A_646, %ge3A_648 : vector<16xi32>
      %lt3A_650 = arith.constant 2000 : i32
      %lt3A_651 = vector.broadcast %lt3A_650 : i32 to vector<16xi32>
      %lt3A_652 = arith.cmpi slt, %sub3A_646, %lt3A_651 : vector<16xi32>
      %and3A_653 = arith.andi %ge3A_649, %lt3A_652 : vector<16xi1>
      %max3A_654 = arith.constant 0 : i32
      %max3A_655 = vector.broadcast %max3A_654 : i32 to vector<16xi32>
      %max3A_656 = arith.maxsi %sub3A_646, %max3A_655 : vector<16xi32>
      %min3A_657 = arith.constant 1999 : i32
      %min3A_658 = vector.broadcast %min3A_657 : i32 to vector<16xi32>
      %min3A_659 = arith.minsi %max3A_656, %min3A_658 : vector<16xi32>
      tpu.vector_store_idx %arg11[%min3A_659], %get3A_273 masked %and3A_653 : memref<2000xf32, #tpu.memory_space<vmem>>[vector<16xi32>], vector<16xf32>, vector<16xi1>
      %get3A_660 = arith.constant 368 : index
      %get3A_661 = tpu.vector_load %arg10[%get3A_660] {strides = array<i32>} : memref<1000xi32, #tpu.memory_space<vmem>>, vector<16xi32>,
      %sub3A_662 = vector.broadcast %mul3A_22 : i32 to vector<16xi32>
      %sub3A_663 = arith.subi %get3A_661, %sub3A_662 : vector<16xi32>
      %ge3A_664 = arith.constant 0 : i32
      %ge3A_665 = vector.broadcast %ge3A_664 : i32 to vector<16xi32>
      %ge3A_666 = arith.cmpi sge, %sub3A_663, %ge3A_665 : vector<16xi32>
      %lt3A_667 = arith.constant 2000 : i32
      %lt3A_668 = vector.broadcast %lt3A_667 : i32 to vector<16xi32>
      %lt3A_669 = arith.cmpi slt, %sub3A_663, %lt3A_668 : vector<16xi32>
      %and3A_670 = arith.andi %ge3A_666, %lt3A_669 : vector<16xi1>
      %max3A_671 = arith.constant 0 : i32
      %max3A_672 = vector.broadcast %max3A_671 : i32 to vector<16xi32>
      %max3A_673 = arith.maxsi %sub3A_663, %max3A_672 : vector<16xi32>
      %min3A_674 = arith.constant 1999 : i32
      %min3A_675 = vector.broadcast %min3A_674 : i32 to vector<16xi32>
      %min3A_676 = arith.minsi %max3A_673, %min3A_675 : vector<16xi32>
      tpu.vector_store_idx %arg11[%min3A_676], %get3A_273 masked %and3A_670 : memref<2000xf32, #tpu.memory_space<vmem>>[vector<16xi32>], vector<16xf32>, vector<16xi1>
      %get3A_677 = arith.constant 384 : index
      %get3A_678 = tpu.vector_load %arg10[%get3A_677] {strides = array<i32>} : memref<1000xi32, #tpu.memory_space<vmem>>, vector<16xi32>,
      %sub3A_679 = vector.broadcast %mul3A_22 : i32 to vector<16xi32>
      %sub3A_680 = arith.subi %get3A_678, %sub3A_679 : vector<16xi32>
      %ge3A_681 = arith.constant 0 : i32
      %ge3A_682 = vector.broadcast %ge3A_681 : i32 to vector<16xi32>
      %ge3A_683 = arith.cmpi sge, %sub3A_680, %ge3A_682 : vector<16xi32>
      %lt3A_684 = arith.constant 2000 : i32
      %lt3A_685 = vector.broadcast %lt3A_684 : i32 to vector<16xi32>
      %lt3A_686 = arith.cmpi slt, %sub3A_680, %lt3A_685 : vector<16xi32>
      %and3A_687 = arith.andi %ge3A_683, %lt3A_686 : vector<16xi1>
      %max3A_688 = arith.constant 0 : i32
      %max3A_689 = vector.broadcast %max3A_688 : i32 to vector<16xi32>
      %max3A_690 = arith.maxsi %sub3A_680, %max3A_689 : vector<16xi32>
      %min3A_691 = arith.constant 1999 : i32
      %min3A_692 = vector.broadcast %min3A_691 : i32 to vector<16xi32>
      %min3A_693 = arith.minsi %max3A_690, %min3A_692 : vector<16xi32>
      tpu.vector_store_idx %arg11[%min3A_693], %get3A_273 masked %and3A_687 : memref<2000xf32, #tpu.memory_space<vmem>>[vector<16xi32>], vector<16xf32>, vector<16xi1>
      %get3A_694 = arith.constant 400 : index
      %get3A_695 = tpu.vector_load %arg10[%get3A_694] {strides = array<i32>} : memref<1000xi32, #tpu.memory_space<vmem>>, vector<16xi32>,
      %sub3A_696 = vector.broadcast %mul3A_22 : i32 to vector<16xi32>
      %sub3A_697 = arith.subi %get3A_695, %sub3A_696 : vector<16xi32>
      %ge3A_698 = arith.constant 0 : i32
      %ge3A_699 = vector.broadcast %ge3A_698 : i32 to vector<16xi32>
      %ge3A_700 = arith.cmpi sge, %sub3A_697, %ge3A_699 : vector<16xi32>
      %lt3A_701 = arith.constant 2000 : i32
      %lt3A_702 = vector.broadcast %lt3A_701 : i32 to vector<16xi32>
      %lt3A_703 = arith.cmpi slt, %sub3A_697, %lt3A_702 : vector<16xi32>
      %and3A_704 = arith.andi %ge3A_700, %lt3A_703 : vector<16xi1>
      %max3A_705 = arith.constant 0 : i32
      %max3A_706 = vector.broadcast %max3A_705 : i32 to vector<16xi32>
      %max3A_707 = arith.maxsi %sub3A_697, %max3A_706 : vector<16xi32>
      %min3A_708 = arith.constant 1999 : i32
      %min3A_709 = vector.broadcast %min3A_708 : i32 to vector<16xi32>
      %min3A_710 = arith.minsi %max3A_707, %min3A_709 : vector<16xi32>
      tpu.vector_store_idx %arg11[%min3A_710], %get3A_273 masked %and3A_704 : memref<2000xf32, #tpu.memory_space<vmem>>[vector<16xi32>], vector<16xf32>, vector<16xi1>
      %get3A_711 = arith.constant 416 : index
      %get3A_712 = tpu.vector_load %arg10[%get3A_711] {strides = array<i32>} : memref<1000xi32, #tpu.memory_space<vmem>>, vector<16xi32>,
      %sub3A_713 = vector.broadcast %mul3A_22 : i32 to vector<16xi32>
      %sub3A_714 = arith.subi %get3A_712, %sub3A_713 : vector<16xi32>
      %ge3A_715 = arith.constant 0 : i32
      %ge3A_716 = vector.broadcast %ge3A_715 : i32 to vector<16xi32>
      %ge3A_717 = arith.cmpi sge, %sub3A_714, %ge3A_716 : vector<16xi32>
      %lt3A_718 = arith.constant 2000 : i32
      %lt3A_719 = vector.broadcast %lt3A_718 : i32 to vector<16xi32>
      %lt3A_720 = arith.cmpi slt, %sub3A_714, %lt3A_719 : vector<16xi32>
      %and3A_721 = arith.andi %ge3A_717, %lt3A_720 : vector<16xi1>
      %max3A_722 = arith.constant 0 : i32
      %max3A_723 = vector.broadcast %max3A_722 : i32 to vector<16xi32>
      %max3A_724 = arith.maxsi %sub3A_714, %max3A_723 : vector<16xi32>
      %min3A_725 = arith.constant 1999 : i32
      %min3A_726 = vector.broadcast %min3A_725 : i32 to vector<16xi32>
      %min3A_727 = arith.minsi %max3A_724, %min3A_726 : vector<16xi32>
      tpu.vector_store_idx %arg11[%min3A_727], %get3A_273 masked %and3A_721 : memref<2000xf32, #tpu.memory_space<vmem>>[vector<16xi32>], vector<16xf32>, vector<16xi1>
      %get3A_728 = arith.constant 432 : index
      %get3A_729 = tpu.vector_load %arg10[%get3A_728] {strides = array<i32>} : memref<1000xi32, #tpu.memory_space<vmem>>, vector<16xi32>,
      %sub3A_730 = vector.broadcast %mul3A_22 : i32 to vector<16xi32>
      %sub3A_731 = arith.subi %get3A_729, %sub3A_730 : vector<16xi32>
      %ge3A_732 = arith.constant 0 : i32
      %ge3A_733 = vector.broadcast %ge3A_732 : i32 to vector<16xi32>
      %ge3A_734 = arith.cmpi sge, %sub3A_731, %ge3A_733 : vector<16xi32>
      %lt3A_735 = arith.constant 2000 : i32
      %lt3A_736 = vector.broadcast %lt3A_735 : i32 to vector<16xi32>
      %lt3A_737 = arith.cmpi slt, %sub3A_731, %lt3A_736 : vector<16xi32>
      %and3A_738 = arith.andi %ge3A_734, %lt3A_737 : vector<16xi1>
      %max3A_739 = arith.constant 0 : i32
      %max3A_740 = vector.broadcast %max3A_739 : i32 to vector<16xi32>
      %max3A_741 = arith.maxsi %sub3A_731, %max3A_740 : vector<16xi32>
      %min3A_742 = arith.constant 1999 : i32
      %min3A_743 = vector.broadcast %min3A_742 : i32 to vector<16xi32>
      %min3A_744 = arith.minsi %max3A_741, %min3A_743 : vector<16xi32>
      tpu.vector_store_idx %arg11[%min3A_744], %get3A_273 masked %and3A_738 : memref<2000xf32, #tpu.memory_space<vmem>>[vector<16xi32>], vector<16xf32>, vector<16xi1>
      %get3A_745 = arith.constant 448 : index
      %get3A_746 = tpu.vector_load %arg10[%get3A_745] {strides = array<i32>} : memref<1000xi32, #tpu.memory_space<vmem>>, vector<16xi32>,
      %sub3A_747 = vector.broadcast %mul3A_22 : i32 to vector<16xi32>
      %sub3A_748 = arith.subi %get3A_746, %sub3A_747 : vector<16xi32>
      %ge3A_749 = arith.constant 0 : i32
      %ge3A_750 = vector.broadcast %ge3A_749 : i32 to vector<16xi32>
      %ge3A_751 = arith.cmpi sge, %sub3A_748, %ge3A_750 : vector<16xi32>
      %lt3A_752 = arith.constant 2000 : i32
      %lt3A_753 = vector.broadcast %lt3A_752 : i32 to vector<16xi32>
      %lt3A_754 = arith.cmpi slt, %sub3A_748, %lt3A_753 : vector<16xi32>
      %and3A_755 = arith.andi %ge3A_751, %lt3A_754 : vector<16xi1>
      %max3A_756 = arith.constant 0 : i32
      %max3A_757 = vector.broadcast %max3A_756 : i32 to vector<16xi32>
      %max3A_758 = arith.maxsi %sub3A_748, %max3A_757 : vector<16xi32>
      %min3A_759 = arith.constant 1999 : i32
      %min3A_760 = vector.broadcast %min3A_759 : i32 to vector<16xi32>
      %min3A_761 = arith.minsi %max3A_758, %min3A_760 : vector<16xi32>
      tpu.vector_store_idx %arg11[%min3A_761], %get3A_273 masked %and3A_755 : memref<2000xf32, #tpu.memory_space<vmem>>[vector<16xi32>], vector<16xf32>, vector<16xi1>
      %get3A_762 = arith.constant 464 : index
      %get3A_763 = tpu.vector_load %arg10[%get3A_762] {strides = array<i32>} : memref<1000xi32, #tpu.memory_space<vmem>>, vector<16xi32>,
      %sub3A_764 = vector.broadcast %mul3A_22 : i32 to vector<16xi32>
      %sub3A_765 = arith.subi %get3A_763, %sub3A_764 : vector<16xi32>
      %ge3A_766 = arith.constant 0 : i32
      %ge3A_767 = vector.broadcast %ge3A_766 : i32 to vector<16xi32>
      %ge3A_768 = arith.cmpi sge, %sub3A_765, %ge3A_767 : vector<16xi32>
      %lt3A_769 = arith.constant 2000 : i32
      %lt3A_770 = vector.broadcast %lt3A_769 : i32 to vector<16xi32>
      %lt3A_771 = arith.cmpi slt, %sub3A_765, %lt3A_770 : vector<16xi32>
      %and3A_772 = arith.andi %ge3A_768, %lt3A_771 : vector<16xi1>
      %max3A_773 = arith.constant 0 : i32
      %max3A_774 = vector.broadcast %max3A_773 : i32 to vector<16xi32>
      %max3A_775 = arith.maxsi %sub3A_765, %max3A_774 : vector<16xi32>
      %min3A_776 = arith.constant 1999 : i32
      %min3A_777 = vector.broadcast %min3A_776 : i32 to vector<16xi32>
      %min3A_778 = arith.minsi %max3A_775, %min3A_777 : vector<16xi32>
      tpu.vector_store_idx %arg11[%min3A_778], %get3A_273 masked %and3A_772 : memref<2000xf32, #tpu.memory_space<vmem>>[vector<16xi32>], vector<16xf32>, vector<16xi1>
      %get3A_779 = arith.constant 480 : index
      %get3A_780 = tpu.vector_load %arg10[%get3A_779] {strides = array<i32>} : memref<1000xi32, #tpu.memory_space<vmem>>, vector<16xi32>,
      %sub3A_781 = vector.broadcast %mul3A_22 : i32 to vector<16xi32>
      %sub3A_782 = arith.subi %get3A_780, %sub3A_781 : vector<16xi32>
      %ge3A_783 = arith.constant 0 : i32
      %ge3A_784 = vector.broadcast %ge3A_783 : i32 to vector<16xi32>
      %ge3A_785 = arith.cmpi sge, %sub3A_782, %ge3A_784 : vector<16xi32>
      %lt3A_786 = arith.constant 2000 : i32
      %lt3A_787 = vector.broadcast %lt3A_786 : i32 to vector<16xi32>
      %lt3A_788 = arith.cmpi slt, %sub3A_782, %lt3A_787 : vector<16xi32>
      %and3A_789 = arith.andi %ge3A_785, %lt3A_788 : vector<16xi1>
      %max3A_790 = arith.constant 0 : i32
      %max3A_791 = vector.broadcast %max3A_790 : i32 to vector<16xi32>
      %max3A_792 = arith.maxsi %sub3A_782, %max3A_791 : vector<16xi32>
      %min3A_793 = arith.constant 1999 : i32
      %min3A_794 = vector.broadcast %min3A_793 : i32 to vector<16xi32>
      %min3A_795 = arith.minsi %max3A_792, %min3A_794 : vector<16xi32>
      tpu.vector_store_idx %arg11[%min3A_795], %get3A_273 masked %and3A_789 : memref<2000xf32, #tpu.memory_space<vmem>>[vector<16xi32>], vector<16xf32>, vector<16xi1>
      %get3A_796 = arith.constant 496 : index
      %get3A_797 = tpu.vector_load %arg10[%get3A_796] {strides = array<i32>} : memref<1000xi32, #tpu.memory_space<vmem>>, vector<16xi32>,
      %sub3A_798 = vector.broadcast %mul3A_22 : i32 to vector<16xi32>
      %sub3A_799 = arith.subi %get3A_797, %sub3A_798 : vector<16xi32>
      %ge3A_800 = arith.constant 0 : i32
      %ge3A_801 = vector.broadcast %ge3A_800 : i32 to vector<16xi32>
      %ge3A_802 = arith.cmpi sge, %sub3A_799, %ge3A_801 : vector<16xi32>
      %lt3A_803 = arith.constant 2000 : i32
      %lt3A_804 = vector.broadcast %lt3A_803 : i32 to vector<16xi32>
      %lt3A_805 = arith.cmpi slt, %sub3A_799, %lt3A_804 : vector<16xi32>
      %and3A_806 = arith.andi %ge3A_802, %lt3A_805 : vector<16xi1>
      %max3A_807 = arith.constant 0 : i32
      %max3A_808 = vector.broadcast %max3A_807 : i32 to vector<16xi32>
      %max3A_809 = arith.maxsi %sub3A_799, %max3A_808 : vector<16xi32>
      %min3A_810 = arith.constant 1999 : i32
      %min3A_811 = vector.broadcast %min3A_810 : i32 to vector<16xi32>
      %min3A_812 = arith.minsi %max3A_809, %min3A_811 : vector<16xi32>
      tpu.vector_store_idx %arg11[%min3A_812], %get3A_273 masked %and3A_806 : memref<2000xf32, #tpu.memory_space<vmem>>[vector<16xi32>], vector<16xf32>, vector<16xi1>
      %get3A_813 = arith.constant 512 : index
      %get3A_814 = tpu.vector_load %arg10[%get3A_813] {strides = array<i32>} : memref<1000xi32, #tpu.memory_space<vmem>>, vector<16xi32>,
      %sub3A_815 = vector.broadcast %mul3A_22 : i32 to vector<16xi32>
      %sub3A_816 = arith.subi %get3A_814, %sub3A_815 : vector<16xi32>
      %ge3A_817 = arith.constant 0 : i32
      %ge3A_818 = vector.broadcast %ge3A_817 : i32 to vector<16xi32>
      %ge3A_819 = arith.cmpi sge, %sub3A_816, %ge3A_818 : vector<16xi32>
      %lt3A_820 = arith.constant 2000 : i32
      %lt3A_821 = vector.broadcast %lt3A_820 : i32 to vector<16xi32>
      %lt3A_822 = arith.cmpi slt, %sub3A_816, %lt3A_821 : vector<16xi32>
      %and3A_823 = arith.andi %ge3A_819, %lt3A_822 : vector<16xi1>
      %max3A_824 = arith.constant 0 : i32
      %max3A_825 = vector.broadcast %max3A_824 : i32 to vector<16xi32>
      %max3A_826 = arith.maxsi %sub3A_816, %max3A_825 : vector<16xi32>
      %min3A_827 = arith.constant 1999 : i32
      %min3A_828 = vector.broadcast %min3A_827 : i32 to vector<16xi32>
      %min3A_829 = arith.minsi %max3A_826, %min3A_828 : vector<16xi32>
      tpu.vector_store_idx %arg11[%min3A_829], %get3A_273 masked %and3A_823 : memref<2000xf32, #tpu.memory_space<vmem>>[vector<16xi32>], vector<16xf32>, vector<16xi1>
      %get3A_830 = arith.constant 528 : index
      %get3A_831 = tpu.vector_load %arg10[%get3A_830] {strides = array<i32>} : memref<1000xi32, #tpu.memory_space<vmem>>, vector<16xi32>,
      %sub3A_832 = vector.broadcast %mul3A_22 : i32 to vector<16xi32>
      %sub3A_833 = arith.subi %get3A_831, %sub3A_832 : vector<16xi32>
      %ge3A_834 = arith.constant 0 : i32
      %ge3A_835 = vector.broadcast %ge3A_834 : i32 to vector<16xi32>
      %ge3A_836 = arith.cmpi sge, %sub3A_833, %ge3A_835 : vector<16xi32>
      %lt3A_837 = arith.constant 2000 : i32
      %lt3A_838 = vector.broadcast %lt3A_837 : i32 to vector<16xi32>
      %lt3A_839 = arith.cmpi slt, %sub3A_833, %lt3A_838 : vector<16xi32>
      %and3A_840 = arith.andi %ge3A_836, %lt3A_839 : vector<16xi1>
      %max3A_841 = arith.constant 0 : i32
      %max3A_842 = vector.broadcast %max3A_841 : i32 to vector<16xi32>
      %max3A_843 = arith.maxsi %sub3A_833, %max3A_842 : vector<16xi32>
      %min3A_844 = arith.constant 1999 : i32
      %min3A_845 = vector.broadcast %min3A_844 : i32 to vector<16xi32>
      %min3A_846 = arith.minsi %max3A_843, %min3A_845 : vector<16xi32>
      tpu.vector_store_idx %arg11[%min3A_846], %get3A_273 masked %and3A_840 : memref<2000xf32, #tpu.memory_space<vmem>>[vector<16xi32>], vector<16xf32>, vector<16xi1>
      %get3A_847 = arith.constant 544 : index
      %get3A_848 = tpu.vector_load %arg10[%get3A_847] {strides = array<i32>} : memref<1000xi32, #tpu.memory_space<vmem>>, vector<16xi32>,
      %sub3A_849 = vector.broadcast %mul3A_22 : i32 to vector<16xi32>
      %sub3A_850 = arith.subi %get3A_848, %sub3A_849 : vector<16xi32>
      %ge3A_851 = arith.constant 0 : i32
      %ge3A_852 = vector.broadcast %ge3A_851 : i32 to vector<16xi32>
      %ge3A_853 = arith.cmpi sge, %sub3A_850, %ge3A_852 : vector<16xi32>
      %lt3A_854 = arith.constant 2000 : i32
      %lt3A_855 = vector.broadcast %lt3A_854 : i32 to vector<16xi32>
      %lt3A_856 = arith.cmpi slt, %sub3A_850, %lt3A_855 : vector<16xi32>
      %and3A_857 = arith.andi %ge3A_853, %lt3A_856 : vector<16xi1>
      %max3A_858 = arith.constant 0 : i32
      %max3A_859 = vector.broadcast %max3A_858 : i32 to vector<16xi32>
      %max3A_860 = arith.maxsi %sub3A_850, %max3A_859 : vector<16xi32>
      %min3A_861 = arith.constant 1999 : i32
      %min3A_862 = vector.broadcast %min3A_861 : i32 to vector<16xi32>
      %min3A_863 = arith.minsi %max3A_860, %min3A_862 : vector<16xi32>
      tpu.vector_store_idx %arg11[%min3A_863], %get3A_273 masked %and3A_857 : memref<2000xf32, #tpu.memory_space<vmem>>[vector<16xi32>], vector<16xf32>, vector<16xi1>
      %get3A_864 = arith.constant 560 : index
      %get3A_865 = tpu.vector_load %arg10[%get3A_864] {strides = array<i32>} : memref<1000xi32, #tpu.memory_space<vmem>>, vector<16xi32>,
      %sub3A_866 = vector.broadcast %mul3A_22 : i32 to vector<16xi32>
      %sub3A_867 = arith.subi %get3A_865, %sub3A_866 : vector<16xi32>
      %ge3A_868 = arith.constant 0 : i32
      %ge3A_869 = vector.broadcast %ge3A_868 : i32 to vector<16xi32>
      %ge3A_870 = arith.cmpi sge, %sub3A_867, %ge3A_869 : vector<16xi32>
      %lt3A_871 = arith.constant 2000 : i32
      %lt3A_872 = vector.broadcast %lt3A_871 : i32 to vector<16xi32>
      %lt3A_873 = arith.cmpi slt, %sub3A_867, %lt3A_872 : vector<16xi32>
      %and3A_874 = arith.andi %ge3A_870, %lt3A_873 : vector<16xi1>
      %max3A_875 = arith.constant 0 : i32
      %max3A_876 = vector.broadcast %max3A_875 : i32 to vector<16xi32>
      %max3A_877 = arith.maxsi %sub3A_867, %max3A_876 : vector<16xi32>
      %min3A_878 = arith.constant 1999 : i32
      %min3A_879 = vector.broadcast %min3A_878 : i32 to vector<16xi32>
      %min3A_880 = arith.minsi %max3A_877, %min3A_879 : vector<16xi32>
      tpu.vector_store_idx %arg11[%min3A_880], %get3A_273 masked %and3A_874 : memref<2000xf32, #tpu.memory_space<vmem>>[vector<16xi32>], vector<16xf32>, vector<16xi1>
      %get3A_881 = arith.constant 576 : index
      %get3A_882 = tpu.vector_load %arg10[%get3A_881] {strides = array<i32>} : memref<1000xi32, #tpu.memory_space<vmem>>, vector<16xi32>,
      %sub3A_883 = vector.broadcast %mul3A_22 : i32 to vector<16xi32>
      %sub3A_884 = arith.subi %get3A_882, %sub3A_883 : vector<16xi32>
      %ge3A_885 = arith.constant 0 : i32
      %ge3A_886 = vector.broadcast %ge3A_885 : i32 to vector<16xi32>
      %ge3A_887 = arith.cmpi sge, %sub3A_884, %ge3A_886 : vector<16xi32>
      %lt3A_888 = arith.constant 2000 : i32
      %lt3A_889 = vector.broadcast %lt3A_888 : i32 to vector<16xi32>
      %lt3A_890 = arith.cmpi slt, %sub3A_884, %lt3A_889 : vector<16xi32>
      %and3A_891 = arith.andi %ge3A_887, %lt3A_890 : vector<16xi1>
      %max3A_892 = arith.constant 0 : i32
      %max3A_893 = vector.broadcast %max3A_892 : i32 to vector<16xi32>
      %max3A_894 = arith.maxsi %sub3A_884, %max3A_893 : vector<16xi32>
      %min3A_895 = arith.constant 1999 : i32
      %min3A_896 = vector.broadcast %min3A_895 : i32 to vector<16xi32>
      %min3A_897 = arith.minsi %max3A_894, %min3A_896 : vector<16xi32>
      tpu.vector_store_idx %arg11[%min3A_897], %get3A_273 masked %and3A_891 : memref<2000xf32, #tpu.memory_space<vmem>>[vector<16xi32>], vector<16xf32>, vector<16xi1>
      %get3A_898 = arith.constant 592 : index
      %get3A_899 = tpu.vector_load %arg10[%get3A_898] {strides = array<i32>} : memref<1000xi32, #tpu.memory_space<vmem>>, vector<16xi32>,
      %sub3A_900 = vector.broadcast %mul3A_22 : i32 to vector<16xi32>
      %sub3A_901 = arith.subi %get3A_899, %sub3A_900 : vector<16xi32>
      %ge3A_902 = arith.constant 0 : i32
      %ge3A_903 = vector.broadcast %ge3A_902 : i32 to vector<16xi32>
      %ge3A_904 = arith.cmpi sge, %sub3A_901, %ge3A_903 : vector<16xi32>
      %lt3A_905 = arith.constant 2000 : i32
      %lt3A_906 = vector.broadcast %lt3A_905 : i32 to vector<16xi32>
      %lt3A_907 = arith.cmpi slt, %sub3A_901, %lt3A_906 : vector<16xi32>
      %and3A_908 = arith.andi %ge3A_904, %lt3A_907 : vector<16xi1>
      %max3A_909 = arith.constant 0 : i32
      %max3A_910 = vector.broadcast %max3A_909 : i32 to vector<16xi32>
      %max3A_911 = arith.maxsi %sub3A_901, %max3A_910 : vector<16xi32>
      %min3A_912 = arith.constant 1999 : i32
      %min3A_913 = vector.broadcast %min3A_912 : i32 to vector<16xi32>
      %min3A_914 = arith.minsi %max3A_911, %min3A_913 : vector<16xi32>
      tpu.vector_store_idx %arg11[%min3A_914], %get3A_273 masked %and3A_908 : memref<2000xf32, #tpu.memory_space<vmem>>[vector<16xi32>], vector<16xf32>, vector<16xi1>
      %get3A_915 = arith.constant 608 : index
      %get3A_916 = tpu.vector_load %arg10[%get3A_915] {strides = array<i32>} : memref<1000xi32, #tpu.memory_space<vmem>>, vector<16xi32>,
      %sub3A_917 = vector.broadcast %mul3A_22 : i32 to vector<16xi32>
      %sub3A_918 = arith.subi %get3A_916, %sub3A_917 : vector<16xi32>
      %ge3A_919 = arith.constant 0 : i32
      %ge3A_920 = vector.broadcast %ge3A_919 : i32 to vector<16xi32>
      %ge3A_921 = arith.cmpi sge, %sub3A_918, %ge3A_920 : vector<16xi32>
      %lt3A_922 = arith.constant 2000 : i32
      %lt3A_923 = vector.broadcast %lt3A_922 : i32 to vector<16xi32>
      %lt3A_924 = arith.cmpi slt, %sub3A_918, %lt3A_923 : vector<16xi32>
      %and3A_925 = arith.andi %ge3A_921, %lt3A_924 : vector<16xi1>
      %max3A_926 = arith.constant 0 : i32
      %max3A_927 = vector.broadcast %max3A_926 : i32 to vector<16xi32>
      %max3A_928 = arith.maxsi %sub3A_918, %max3A_927 : vector<16xi32>
      %min3A_929 = arith.constant 1999 : i32
      %min3A_930 = vector.broadcast %min3A_929 : i32 to vector<16xi32>
      %min3A_931 = arith.minsi %max3A_928, %min3A_930 : vector<16xi32>
      tpu.vector_store_idx %arg11[%min3A_931], %get3A_273 masked %and3A_925 : memref<2000xf32, #tpu.memory_space<vmem>>[vector<16xi32>], vector<16xf32>, vector<16xi1>
      %get3A_932 = arith.constant 624 : index
      %get3A_933 = tpu.vector_load %arg10[%get3A_932] {strides = array<i32>} : memref<1000xi32, #tpu.memory_space<vmem>>, vector<16xi32>,
      %sub3A_934 = vector.broadcast %mul3A_22 : i32 to vector<16xi32>
      %sub3A_935 = arith.subi %get3A_933, %sub3A_934 : vector<16xi32>
      %ge3A_936 = arith.constant 0 : i32
      %ge3A_937 = vector.broadcast %ge3A_936 : i32 to vector<16xi32>
      %ge3A_938 = arith.cmpi sge, %sub3A_935, %ge3A_937 : vector<16xi32>
      %lt3A_939 = arith.constant 2000 : i32
      %lt3A_940 = vector.broadcast %lt3A_939 : i32 to vector<16xi32>
      %lt3A_941 = arith.cmpi slt, %sub3A_935, %lt3A_940 : vector<16xi32>
      %and3A_942 = arith.andi %ge3A_938, %lt3A_941 : vector<16xi1>
      %max3A_943 = arith.constant 0 : i32
      %max3A_944 = vector.broadcast %max3A_943 : i32 to vector<16xi32>
      %max3A_945 = arith.maxsi %sub3A_935, %max3A_944 : vector<16xi32>
      %min3A_946 = arith.constant 1999 : i32
      %min3A_947 = vector.broadcast %min3A_946 : i32 to vector<16xi32>
      %min3A_948 = arith.minsi %max3A_945, %min3A_947 : vector<16xi32>
      tpu.vector_store_idx %arg11[%min3A_948], %get3A_273 masked %and3A_942 : memref<2000xf32, #tpu.memory_space<vmem>>[vector<16xi32>], vector<16xf32>, vector<16xi1>
      %get3A_949 = arith.constant 640 : index
      %get3A_950 = tpu.vector_load %arg10[%get3A_949] {strides = array<i32>} : memref<1000xi32, #tpu.memory_space<vmem>>, vector<16xi32>,
      %sub3A_951 = vector.broadcast %mul3A_22 : i32 to vector<16xi32>
      %sub3A_952 = arith.subi %get3A_950, %sub3A_951 : vector<16xi32>
      %ge3A_953 = arith.constant 0 : i32
      %ge3A_954 = vector.broadcast %ge3A_953 : i32 to vector<16xi32>
      %ge3A_955 = arith.cmpi sge, %sub3A_952, %ge3A_954 : vector<16xi32>
      %lt3A_956 = arith.constant 2000 : i32
      %lt3A_957 = vector.broadcast %lt3A_956 : i32 to vector<16xi32>
      %lt3A_958 = arith.cmpi slt, %sub3A_952, %lt3A_957 : vector<16xi32>
      %and3A_959 = arith.andi %ge3A_955, %lt3A_958 : vector<16xi1>
      %max3A_960 = arith.constant 0 : i32
      %max3A_961 = vector.broadcast %max3A_960 : i32 to vector<16xi32>
      %max3A_962 = arith.maxsi %sub3A_952, %max3A_961 : vector<16xi32>
      %min3A_963 = arith.constant 1999 : i32
      %min3A_964 = vector.broadcast %min3A_963 : i32 to vector<16xi32>
      %min3A_965 = arith.minsi %max3A_962, %min3A_964 : vector<16xi32>
      tpu.vector_store_idx %arg11[%min3A_965], %get3A_273 masked %and3A_959 : memref<2000xf32, #tpu.memory_space<vmem>>[vector<16xi32>], vector<16xf32>, vector<16xi1>
      %get3A_966 = arith.constant 656 : index
      %get3A_967 = tpu.vector_load %arg10[%get3A_966] {strides = array<i32>} : memref<1000xi32, #tpu.memory_space<vmem>>, vector<16xi32>,
      %sub3A_968 = vector.broadcast %mul3A_22 : i32 to vector<16xi32>
      %sub3A_969 = arith.subi %get3A_967, %sub3A_968 : vector<16xi32>
      %ge3A_970 = arith.constant 0 : i32
      %ge3A_971 = vector.broadcast %ge3A_970 : i32 to vector<16xi32>
      %ge3A_972 = arith.cmpi sge, %sub3A_969, %ge3A_971 : vector<16xi32>
      %lt3A_973 = arith.constant 2000 : i32
      %lt3A_974 = vector.broadcast %lt3A_973 : i32 to vector<16xi32>
      %lt3A_975 = arith.cmpi slt, %sub3A_969, %lt3A_974 : vector<16xi32>
      %and3A_976 = arith.andi %ge3A_972, %lt3A_975 : vector<16xi1>
      %max3A_977 = arith.constant 0 : i32
      %max3A_978 = vector.broadcast %max3A_977 : i32 to vector<16xi32>
      %max3A_979 = arith.maxsi %sub3A_969, %max3A_978 : vector<16xi32>
      %min3A_980 = arith.constant 1999 : i32
      %min3A_981 = vector.broadcast %min3A_980 : i32 to vector<16xi32>
      %min3A_982 = arith.minsi %max3A_979, %min3A_981 : vector<16xi32>
      tpu.vector_store_idx %arg11[%min3A_982], %get3A_273 masked %and3A_976 : memref<2000xf32, #tpu.memory_space<vmem>>[vector<16xi32>], vector<16xf32>, vector<16xi1>
      %get3A_983 = arith.constant 672 : index
      %get3A_984 = tpu.vector_load %arg10[%get3A_983] {strides = array<i32>} : memref<1000xi32, #tpu.memory_space<vmem>>, vector<16xi32>,
      %sub3A_985 = vector.broadcast %mul3A_22 : i32 to vector<16xi32>
      %sub3A_986 = arith.subi %get3A_984, %sub3A_985 : vector<16xi32>
      %ge3A_987 = arith.constant 0 : i32
      %ge3A_988 = vector.broadcast %ge3A_987 : i32 to vector<16xi32>
      %ge3A_989 = arith.cmpi sge, %sub3A_986, %ge3A_988 : vector<16xi32>
      %lt3A_990 = arith.constant 2000 : i32
      %lt3A_991 = vector.broadcast %lt3A_990 : i32 to vector<16xi32>
      %lt3A_992 = arith.cmpi slt, %sub3A_986, %lt3A_991 : vector<16xi32>
      %and3A_993 = arith.andi %ge3A_989, %lt3A_992 : vector<16xi1>
      %max3A_994 = arith.constant 0 : i32
      %max3A_995 = vector.broadcast %max3A_994 : i32 to vector<16xi32>
      %max3A_996 = arith.maxsi %sub3A_986, %max3A_995 : vector<16xi32>
      %min3A_997 = arith.constant 1999 : i32
      %min3A_998 = vector.broadcast %min3A_997 : i32 to vector<16xi32>
      %min3A_999 = arith.minsi %max3A_996, %min3A_998 : vector<16xi32>
      tpu.vector_store_idx %arg11[%min3A_999], %get3A_273 masked %and3A_993 : memref<2000xf32, #tpu.memory_space<vmem>>[vector<16xi32>], vector<16xf32>, vector<16xi1>
      %get3A_1000 = arith.constant 688 : index
      %get3A_1001 = tpu.vector_load %arg10[%get3A_1000] {strides = array<i32>} : memref<1000xi32, #tpu.memory_space<vmem>>, vector<16xi32>,
      %sub3A_1002 = vector.broadcast %mul3A_22 : i32 to vector<16xi32>
      %sub3A_1003 = arith.subi %get3A_1001, %sub3A_1002 : vector<16xi32>
      %ge3A_1004 = arith.constant 0 : i32
      %ge3A_1005 = vector.broadcast %ge3A_1004 : i32 to vector<16xi32>
      %ge3A_1006 = arith.cmpi sge, %sub3A_1003, %ge3A_1005 : vector<16xi32>
      %lt3A_1007 = arith.constant 2000 : i32
      %lt3A_1008 = vector.broadcast %lt3A_1007 : i32 to vector<16xi32>
      %lt3A_1009 = arith.cmpi slt, %sub3A_1003, %lt3A_1008 : vector<16xi32>
      %and3A_1010 = arith.andi %ge3A_1006, %lt3A_1009 : vector<16xi1>
      %max3A_1011 = arith.constant 0 : i32
      %max3A_1012 = vector.broadcast %max3A_1011 : i32 to vector<16xi32>
      %max3A_1013 = arith.maxsi %sub3A_1003, %max3A_1012 : vector<16xi32>
      %min3A_1014 = arith.constant 1999 : i32
      %min3A_1015 = vector.broadcast %min3A_1014 : i32 to vector<16xi32>
      %min3A_1016 = arith.minsi %max3A_1013, %min3A_1015 : vector<16xi32>
      tpu.vector_store_idx %arg11[%min3A_1016], %get3A_273 masked %and3A_1010 : memref<2000xf32, #tpu.memory_space<vmem>>[vector<16xi32>], vector<16xf32>, vector<16xi1>
      %get3A_1017 = arith.constant 704 : index
      %get3A_1018 = tpu.vector_load %arg10[%get3A_1017] {strides = array<i32>} : memref<1000xi32, #tpu.memory_space<vmem>>, vector<16xi32>,
      %sub3A_1019 = vector.broadcast %mul3A_22 : i32 to vector<16xi32>
      %sub3A_1020 = arith.subi %get3A_1018, %sub3A_1019 : vector<16xi32>
      %ge3A_1021 = arith.constant 0 : i32
      %ge3A_1022 = vector.broadcast %ge3A_1021 : i32 to vector<16xi32>
      %ge3A_1023 = arith.cmpi sge, %sub3A_1020, %ge3A_1022 : vector<16xi32>
      %lt3A_1024 = arith.constant 2000 : i32
      %lt3A_1025 = vector.broadcast %lt3A_1024 : i32 to vector<16xi32>
      %lt3A_1026 = arith.cmpi slt, %sub3A_1020, %lt3A_1025 : vector<16xi32>
      %and3A_1027 = arith.andi %ge3A_1023, %lt3A_1026 : vector<16xi1>
      %max3A_1028 = arith.constant 0 : i32
      %max3A_1029 = vector.broadcast %max3A_1028 : i32 to vector<16xi32>
      %max3A_1030 = arith.maxsi %sub3A_1020, %max3A_1029 : vector<16xi32>
      %min3A_1031 = arith.constant 1999 : i32
      %min3A_1032 = vector.broadcast %min3A_1031 : i32 to vector<16xi32>
      %min3A_1033 = arith.minsi %max3A_1030, %min3A_1032 : vector<16xi32>
      tpu.vector_store_idx %arg11[%min3A_1033], %get3A_273 masked %and3A_1027 : memref<2000xf32, #tpu.memory_space<vmem>>[vector<16xi32>], vector<16xf32>, vector<16xi1>
      %get3A_1034 = arith.constant 720 : index
      %get3A_1035 = tpu.vector_load %arg10[%get3A_1034] {strides = array<i32>} : memref<1000xi32, #tpu.memory_space<vmem>>, vector<16xi32>,
      %sub3A_1036 = vector.broadcast %mul3A_22 : i32 to vector<16xi32>
      %sub3A_1037 = arith.subi %get3A_1035, %sub3A_1036 : vector<16xi32>
      %ge3A_1038 = arith.constant 0 : i32
      %ge3A_1039 = vector.broadcast %ge3A_1038 : i32 to vector<16xi32>
      %ge3A_1040 = arith.cmpi sge, %sub3A_1037, %ge3A_1039 : vector<16xi32>
      %lt3A_1041 = arith.constant 2000 : i32
      %lt3A_1042 = vector.broadcast %lt3A_1041 : i32 to vector<16xi32>
      %lt3A_1043 = arith.cmpi slt, %sub3A_1037, %lt3A_1042 : vector<16xi32>
      %and3A_1044 = arith.andi %ge3A_1040, %lt3A_1043 : vector<16xi1>
      %max3A_1045 = arith.constant 0 : i32
      %max3A_1046 = vector.broadcast %max3A_1045 : i32 to vector<16xi32>
      %max3A_1047 = arith.maxsi %sub3A_1037, %max3A_1046 : vector<16xi32>
      %min3A_1048 = arith.constant 1999 : i32
      %min3A_1049 = vector.broadcast %min3A_1048 : i32 to vector<16xi32>
      %min3A_1050 = arith.minsi %max3A_1047, %min3A_1049 : vector<16xi32>
      tpu.vector_store_idx %arg11[%min3A_1050], %get3A_273 masked %and3A_1044 : memref<2000xf32, #tpu.memory_space<vmem>>[vector<16xi32>], vector<16xf32>, vector<16xi1>
      %get3A_1051 = arith.constant 736 : index
      %get3A_1052 = tpu.vector_load %arg10[%get3A_1051] {strides = array<i32>} : memref<1000xi32, #tpu.memory_space<vmem>>, vector<16xi32>,
      %sub3A_1053 = vector.broadcast %mul3A_22 : i32 to vector<16xi32>
      %sub3A_1054 = arith.subi %get3A_1052, %sub3A_1053 : vector<16xi32>
      %ge3A_1055 = arith.constant 0 : i32
      %ge3A_1056 = vector.broadcast %ge3A_1055 : i32 to vector<16xi32>
      %ge3A_1057 = arith.cmpi sge, %sub3A_1054, %ge3A_1056 : vector<16xi32>
      %lt3A_1058 = arith.constant 2000 : i32
      %lt3A_1059 = vector.broadcast %lt3A_1058 : i32 to vector<16xi32>
      %lt3A_1060 = arith.cmpi slt, %sub3A_1054, %lt3A_1059 : vector<16xi32>
      %and3A_1061 = arith.andi %ge3A_1057, %lt3A_1060 : vector<16xi1>
      %max3A_1062 = arith.constant 0 : i32
      %max3A_1063 = vector.broadcast %max3A_1062 : i32 to vector<16xi32>
      %max3A_1064 = arith.maxsi %sub3A_1054, %max3A_1063 : vector<16xi32>
      %min3A_1065 = arith.constant 1999 : i32
      %min3A_1066 = vector.broadcast %min3A_1065 : i32 to vector<16xi32>
      %min3A_1067 = arith.minsi %max3A_1064, %min3A_1066 : vector<16xi32>
      tpu.vector_store_idx %arg11[%min3A_1067], %get3A_273 masked %and3A_1061 : memref<2000xf32, #tpu.memory_space<vmem>>[vector<16xi32>], vector<16xf32>, vector<16xi1>
      %get3A_1068 = arith.constant 752 : index
      %get3A_1069 = tpu.vector_load %arg10[%get3A_1068] {strides = array<i32>} : memref<1000xi32, #tpu.memory_space<vmem>>, vector<16xi32>,
      %sub3A_1070 = vector.broadcast %mul3A_22 : i32 to vector<16xi32>
      %sub3A_1071 = arith.subi %get3A_1069, %sub3A_1070 : vector<16xi32>
      %ge3A_1072 = arith.constant 0 : i32
      %ge3A_1073 = vector.broadcast %ge3A_1072 : i32 to vector<16xi32>
      %ge3A_1074 = arith.cmpi sge, %sub3A_1071, %ge3A_1073 : vector<16xi32>
      %lt3A_1075 = arith.constant 2000 : i32
      %lt3A_1076 = vector.broadcast %lt3A_1075 : i32 to vector<16xi32>
      %lt3A_1077 = arith.cmpi slt, %sub3A_1071, %lt3A_1076 : vector<16xi32>
      %and3A_1078 = arith.andi %ge3A_1074, %lt3A_1077 : vector<16xi1>
      %max3A_1079 = arith.constant 0 : i32
      %max3A_1080 = vector.broadcast %max3A_1079 : i32 to vector<16xi32>
      %max3A_1081 = arith.maxsi %sub3A_1071, %max3A_1080 : vector<16xi32>
      %min3A_1082 = arith.constant 1999 : i32
      %min3A_1083 = vector.broadcast %min3A_1082 : i32 to vector<16xi32>
      %min3A_1084 = arith.minsi %max3A_1081, %min3A_1083 : vector<16xi32>
      tpu.vector_store_idx %arg11[%min3A_1084], %get3A_273 masked %and3A_1078 : memref<2000xf32, #tpu.memory_space<vmem>>[vector<16xi32>], vector<16xf32>, vector<16xi1>
      %get3A_1085 = arith.constant 768 : index
      %get3A_1086 = tpu.vector_load %arg10[%get3A_1085] {strides = array<i32>} : memref<1000xi32, #tpu.memory_space<vmem>>, vector<16xi32>,
      %sub3A_1087 = vector.broadcast %mul3A_22 : i32 to vector<16xi32>
      %sub3A_1088 = arith.subi %get3A_1086, %sub3A_1087 : vector<16xi32>
      %ge3A_1089 = arith.constant 0 : i32
      %ge3A_1090 = vector.broadcast %ge3A_1089 : i32 to vector<16xi32>
      %ge3A_1091 = arith.cmpi sge, %sub3A_1088, %ge3A_1090 : vector<16xi32>
      %lt3A_1092 = arith.constant 2000 : i32
      %lt3A_1093 = vector.broadcast %lt3A_1092 : i32 to vector<16xi32>
      %lt3A_1094 = arith.cmpi slt, %sub3A_1088, %lt3A_1093 : vector<16xi32>
      %and3A_1095 = arith.andi %ge3A_1091, %lt3A_1094 : vector<16xi1>
      %max3A_1096 = arith.constant 0 : i32
      %max3A_1097 = vector.broadcast %max3A_1096 : i32 to vector<16xi32>
      %max3A_1098 = arith.maxsi %sub3A_1088, %max3A_1097 : vector<16xi32>
      %min3A_1099 = arith.constant 1999 : i32
      %min3A_1100 = vector.broadcast %min3A_1099 : i32 to vector<16xi32>
      %min3A_1101 = arith.minsi %max3A_1098, %min3A_1100 : vector<16xi32>
      tpu.vector_store_idx %arg11[%min3A_1101], %get3A_273 masked %and3A_1095 : memref<2000xf32, #tpu.memory_space<vmem>>[vector<16xi32>], vector<16xf32>, vector<16xi1>
      %get3A_1102 = arith.constant 784 : index
      %get3A_1103 = tpu.vector_load %arg10[%get3A_1102] {strides = array<i32>} : memref<1000xi32, #tpu.memory_space<vmem>>, vector<16xi32>,
      %sub3A_1104 = vector.broadcast %mul3A_22 : i32 to vector<16xi32>
      %sub3A_1105 = arith.subi %get3A_1103, %sub3A_1104 : vector<16xi32>
      %ge3A_1106 = arith.constant 0 : i32
      %ge3A_1107 = vector.broadcast %ge3A_1106 : i32 to vector<16xi32>
      %ge3A_1108 = arith.cmpi sge, %sub3A_1105, %ge3A_1107 : vector<16xi32>
      %lt3A_1109 = arith.constant 2000 : i32
      %lt3A_1110 = vector.broadcast %lt3A_1109 : i32 to vector<16xi32>
      %lt3A_1111 = arith.cmpi slt, %sub3A_1105, %lt3A_1110 : vector<16xi32>
      %and3A_1112 = arith.andi %ge3A_1108, %lt3A_1111 : vector<16xi1>
      %max3A_1113 = arith.constant 0 : i32
      %max3A_1114 = vector.broadcast %max3A_1113 : i32 to vector<16xi32>
      %max3A_1115 = arith.maxsi %sub3A_1105, %max3A_1114 : vector<16xi32>
      %min3A_1116 = arith.constant 1999 : i32
      %min3A_1117 = vector.broadcast %min3A_1116 : i32 to vector<16xi32>
      %min3A_1118 = arith.minsi %max3A_1115, %min3A_1117 : vector<16xi32>
      tpu.vector_store_idx %arg11[%min3A_1118], %get3A_273 masked %and3A_1112 : memref<2000xf32, #tpu.memory_space<vmem>>[vector<16xi32>], vector<16xf32>, vector<16xi1>
      %get3A_1119 = arith.constant 800 : index
      %get3A_1120 = tpu.vector_load %arg10[%get3A_1119] {strides = array<i32>} : memref<1000xi32, #tpu.memory_space<vmem>>, vector<16xi32>,
      %sub3A_1121 = vector.broadcast %mul3A_22 : i32 to vector<16xi32>
      %sub3A_1122 = arith.subi %get3A_1120, %sub3A_1121 : vector<16xi32>
      %ge3A_1123 = arith.constant 0 : i32
      %ge3A_1124 = vector.broadcast %ge3A_1123 : i32 to vector<16xi32>
      %ge3A_1125 = arith.cmpi sge, %sub3A_1122, %ge3A_1124 : vector<16xi32>
      %lt3A_1126 = arith.constant 2000 : i32
      %lt3A_1127 = vector.broadcast %lt3A_1126 : i32 to vector<16xi32>
      %lt3A_1128 = arith.cmpi slt, %sub3A_1122, %lt3A_1127 : vector<16xi32>
      %and3A_1129 = arith.andi %ge3A_1125, %lt3A_1128 : vector<16xi1>
      %max3A_1130 = arith.constant 0 : i32
      %max3A_1131 = vector.broadcast %max3A_1130 : i32 to vector<16xi32>
      %max3A_1132 = arith.maxsi %sub3A_1122, %max3A_1131 : vector<16xi32>
      %min3A_1133 = arith.constant 1999 : i32
      %min3A_1134 = vector.broadcast %min3A_1133 : i32 to vector<16xi32>
      %min3A_1135 = arith.minsi %max3A_1132, %min3A_1134 : vector<16xi32>
      tpu.vector_store_idx %arg11[%min3A_1135], %get3A_273 masked %and3A_1129 : memref<2000xf32, #tpu.memory_space<vmem>>[vector<16xi32>], vector<16xf32>, vector<16xi1>
      %get3A_1136 = arith.constant 816 : index
      %get3A_1137 = tpu.vector_load %arg10[%get3A_1136] {strides = array<i32>} : memref<1000xi32, #tpu.memory_space<vmem>>, vector<16xi32>,
      %sub3A_1138 = vector.broadcast %mul3A_22 : i32 to vector<16xi32>
      %sub3A_1139 = arith.subi %get3A_1137, %sub3A_1138 : vector<16xi32>
      %ge3A_1140 = arith.constant 0 : i32
      %ge3A_1141 = vector.broadcast %ge3A_1140 : i32 to vector<16xi32>
      %ge3A_1142 = arith.cmpi sge, %sub3A_1139, %ge3A_1141 : vector<16xi32>
      %lt3A_1143 = arith.constant 2000 : i32
      %lt3A_1144 = vector.broadcast %lt3A_1143 : i32 to vector<16xi32>
      %lt3A_1145 = arith.cmpi slt, %sub3A_1139, %lt3A_1144 : vector<16xi32>
      %and3A_1146 = arith.andi %ge3A_1142, %lt3A_1145 : vector<16xi1>
      %max3A_1147 = arith.constant 0 : i32
      %max3A_1148 = vector.broadcast %max3A_1147 : i32 to vector<16xi32>
      %max3A_1149 = arith.maxsi %sub3A_1139, %max3A_1148 : vector<16xi32>
      %min3A_1150 = arith.constant 1999 : i32
      %min3A_1151 = vector.broadcast %min3A_1150 : i32 to vector<16xi32>
      %min3A_1152 = arith.minsi %max3A_1149, %min3A_1151 : vector<16xi32>
      tpu.vector_store_idx %arg11[%min3A_1152], %get3A_273 masked %and3A_1146 : memref<2000xf32, #tpu.memory_space<vmem>>[vector<16xi32>], vector<16xf32>, vector<16xi1>
      %get3A_1153 = arith.constant 832 : index
      %get3A_1154 = tpu.vector_load %arg10[%get3A_1153] {strides = array<i32>} : memref<1000xi32, #tpu.memory_space<vmem>>, vector<16xi32>,
      %sub3A_1155 = vector.broadcast %mul3A_22 : i32 to vector<16xi32>
      %sub3A_1156 = arith.subi %get3A_1154, %sub3A_1155 : vector<16xi32>
      %ge3A_1157 = arith.constant 0 : i32
      %ge3A_1158 = vector.broadcast %ge3A_1157 : i32 to vector<16xi32>
      %ge3A_1159 = arith.cmpi sge, %sub3A_1156, %ge3A_1158 : vector<16xi32>
      %lt3A_1160 = arith.constant 2000 : i32
      %lt3A_1161 = vector.broadcast %lt3A_1160 : i32 to vector<16xi32>
      %lt3A_1162 = arith.cmpi slt, %sub3A_1156, %lt3A_1161 : vector<16xi32>
      %and3A_1163 = arith.andi %ge3A_1159, %lt3A_1162 : vector<16xi1>
      %max3A_1164 = arith.constant 0 : i32
      %max3A_1165 = vector.broadcast %max3A_1164 : i32 to vector<16xi32>
      %max3A_1166 = arith.maxsi %sub3A_1156, %max3A_1165 : vector<16xi32>
      %min3A_1167 = arith.constant 1999 : i32
      %min3A_1168 = vector.broadcast %min3A_1167 : i32 to vector<16xi32>
      %min3A_1169 = arith.minsi %max3A_1166, %min3A_1168 : vector<16xi32>
      tpu.vector_store_idx %arg11[%min3A_1169], %get3A_273 masked %and3A_1163 : memref<2000xf32, #tpu.memory_space<vmem>>[vector<16xi32>], vector<16xf32>, vector<16xi1>
      %get3A_1170 = arith.constant 848 : index
      %get3A_1171 = tpu.vector_load %arg10[%get3A_1170] {strides = array<i32>} : memref<1000xi32, #tpu.memory_space<vmem>>, vector<16xi32>,
      %sub3A_1172 = vector.broadcast %mul3A_22 : i32 to vector<16xi32>
      %sub3A_1173 = arith.subi %get3A_1171, %sub3A_1172 : vector<16xi32>
      %ge3A_1174 = arith.constant 0 : i32
      %ge3A_1175 = vector.broadcast %ge3A_1174 : i32 to vector<16xi32>
      %ge3A_1176 = arith.cmpi sge, %sub3A_1173, %ge3A_1175 : vector<16xi32>
      %lt3A_1177 = arith.constant 2000 : i32
      %lt3A_1178 = vector.broadcast %lt3A_1177 : i32 to vector<16xi32>
      %lt3A_1179 = arith.cmpi slt, %sub3A_1173, %lt3A_1178 : vector<16xi32>
      %and3A_1180 = arith.andi %ge3A_1176, %lt3A_1179 : vector<16xi1>
      %max3A_1181 = arith.constant 0 : i32
      %max3A_1182 = vector.broadcast %max3A_1181 : i32 to vector<16xi32>
      %max3A_1183 = arith.maxsi %sub3A_1173, %max3A_1182 : vector<16xi32>
      %min3A_1184 = arith.constant 1999 : i32
      %min3A_1185 = vector.broadcast %min3A_1184 : i32 to vector<16xi32>
      %min3A_1186 = arith.minsi %max3A_1183, %min3A_1185 : vector<16xi32>
      tpu.vector_store_idx %arg11[%min3A_1186], %get3A_273 masked %and3A_1180 : memref<2000xf32, #tpu.memory_space<vmem>>[vector<16xi32>], vector<16xf32>, vector<16xi1>
      %get3A_1187 = arith.constant 864 : index
      %get3A_1188 = tpu.vector_load %arg10[%get3A_1187] {strides = array<i32>} : memref<1000xi32, #tpu.memory_space<vmem>>, vector<16xi32>,
      %sub3A_1189 = vector.broadcast %mul3A_22 : i32 to vector<16xi32>
      %sub3A_1190 = arith.subi %get3A_1188, %sub3A_1189 : vector<16xi32>
      %ge3A_1191 = arith.constant 0 : i32
      %ge3A_1192 = vector.broadcast %ge3A_1191 : i32 to vector<16xi32>
      %ge3A_1193 = arith.cmpi sge, %sub3A_1190, %ge3A_1192 : vector<16xi32>
      %lt3A_1194 = arith.constant 2000 : i32
      %lt3A_1195 = vector.broadcast %lt3A_1194 : i32 to vector<16xi32>
      %lt3A_1196 = arith.cmpi slt, %sub3A_1190, %lt3A_1195 : vector<16xi32>
      %and3A_1197 = arith.andi %ge3A_1193, %lt3A_1196 : vector<16xi1>
      %max3A_1198 = arith.constant 0 : i32
      %max3A_1199 = vector.broadcast %max3A_1198 : i32 to vector<16xi32>
      %max3A_1200 = arith.maxsi %sub3A_1190, %max3A_1199 : vector<16xi32>
      %min3A_1201 = arith.constant 1999 : i32
      %min3A_1202 = vector.broadcast %min3A_1201 : i32 to vector<16xi32>
      %min3A_1203 = arith.minsi %max3A_1200, %min3A_1202 : vector<16xi32>
      tpu.vector_store_idx %arg11[%min3A_1203], %get3A_273 masked %and3A_1197 : memref<2000xf32, #tpu.memory_space<vmem>>[vector<16xi32>], vector<16xf32>, vector<16xi1>
      %get3A_1204 = arith.constant 880 : index
      %get3A_1205 = tpu.vector_load %arg10[%get3A_1204] {strides = array<i32>} : memref<1000xi32, #tpu.memory_space<vmem>>, vector<16xi32>,
      %sub3A_1206 = vector.broadcast %mul3A_22 : i32 to vector<16xi32>
      %sub3A_1207 = arith.subi %get3A_1205, %sub3A_1206 : vector<16xi32>
      %ge3A_1208 = arith.constant 0 : i32
      %ge3A_1209 = vector.broadcast %ge3A_1208 : i32 to vector<16xi32>
      %ge3A_1210 = arith.cmpi sge, %sub3A_1207, %ge3A_1209 : vector<16xi32>
      %lt3A_1211 = arith.constant 2000 : i32
      %lt3A_1212 = vector.broadcast %lt3A_1211 : i32 to vector<16xi32>
      %lt3A_1213 = arith.cmpi slt, %sub3A_1207, %lt3A_1212 : vector<16xi32>
      %and3A_1214 = arith.andi %ge3A_1210, %lt3A_1213 : vector<16xi1>
      %max3A_1215 = arith.constant 0 : i32
      %max3A_1216 = vector.broadcast %max3A_1215 : i32 to vector<16xi32>
      %max3A_1217 = arith.maxsi %sub3A_1207, %max3A_1216 : vector<16xi32>
      %min3A_1218 = arith.constant 1999 : i32
      %min3A_1219 = vector.broadcast %min3A_1218 : i32 to vector<16xi32>
      %min3A_1220 = arith.minsi %max3A_1217, %min3A_1219 : vector<16xi32>
      tpu.vector_store_idx %arg11[%min3A_1220], %get3A_273 masked %and3A_1214 : memref<2000xf32, #tpu.memory_space<vmem>>[vector<16xi32>], vector<16xf32>, vector<16xi1>
      %get3A_1221 = arith.constant 896 : index
      %get3A_1222 = tpu.vector_load %arg10[%get3A_1221] {strides = array<i32>} : memref<1000xi32, #tpu.memory_space<vmem>>, vector<16xi32>,
      %sub3A_1223 = vector.broadcast %mul3A_22 : i32 to vector<16xi32>
      %sub3A_1224 = arith.subi %get3A_1222, %sub3A_1223 : vector<16xi32>
      %ge3A_1225 = arith.constant 0 : i32
      %ge3A_1226 = vector.broadcast %ge3A_1225 : i32 to vector<16xi32>
      %ge3A_1227 = arith.cmpi sge, %sub3A_1224, %ge3A_1226 : vector<16xi32>
      %lt3A_1228 = arith.constant 2000 : i32
      %lt3A_1229 = vector.broadcast %lt3A_1228 : i32 to vector<16xi32>
      %lt3A_1230 = arith.cmpi slt, %sub3A_1224, %lt3A_1229 : vector<16xi32>
      %and3A_1231 = arith.andi %ge3A_1227, %lt3A_1230 : vector<16xi1>
      %max3A_1232 = arith.constant 0 : i32
      %max3A_1233 = vector.broadcast %max3A_1232 : i32 to vector<16xi32>
      %max3A_1234 = arith.maxsi %sub3A_1224, %max3A_1233 : vector<16xi32>
      %min3A_1235 = arith.constant 1999 : i32
      %min3A_1236 = vector.broadcast %min3A_1235 : i32 to vector<16xi32>
      %min3A_1237 = arith.minsi %max3A_1234, %min3A_1236 : vector<16xi32>
      tpu.vector_store_idx %arg11[%min3A_1237], %get3A_273 masked %and3A_1231 : memref<2000xf32, #tpu.memory_space<vmem>>[vector<16xi32>], vector<16xf32>, vector<16xi1>
      %get3A_1238 = arith.constant 912 : index
      %get3A_1239 = tpu.vector_load %arg10[%get3A_1238] {strides = array<i32>} : memref<1000xi32, #tpu.memory_space<vmem>>, vector<16xi32>,
      %sub3A_1240 = vector.broadcast %mul3A_22 : i32 to vector<16xi32>
      %sub3A_1241 = arith.subi %get3A_1239, %sub3A_1240 : vector<16xi32>
      %ge3A_1242 = arith.constant 0 : i32
      %ge3A_1243 = vector.broadcast %ge3A_1242 : i32 to vector<16xi32>
      %ge3A_1244 = arith.cmpi sge, %sub3A_1241, %ge3A_1243 : vector<16xi32>
      %lt3A_1245 = arith.constant 2000 : i32
      %lt3A_1246 = vector.broadcast %lt3A_1245 : i32 to vector<16xi32>
      %lt3A_1247 = arith.cmpi slt, %sub3A_1241, %lt3A_1246 : vector<16xi32>
      %and3A_1248 = arith.andi %ge3A_1244, %lt3A_1247 : vector<16xi1>
      %max3A_1249 = arith.constant 0 : i32
      %max3A_1250 = vector.broadcast %max3A_1249 : i32 to vector<16xi32>
      %max3A_1251 = arith.maxsi %sub3A_1241, %max3A_1250 : vector<16xi32>
      %min3A_1252 = arith.constant 1999 : i32
      %min3A_1253 = vector.broadcast %min3A_1252 : i32 to vector<16xi32>
      %min3A_1254 = arith.minsi %max3A_1251, %min3A_1253 : vector<16xi32>
      tpu.vector_store_idx %arg11[%min3A_1254], %get3A_273 masked %and3A_1248 : memref<2000xf32, #tpu.memory_space<vmem>>[vector<16xi32>], vector<16xf32>, vector<16xi1>
      %get3A_1255 = arith.constant 928 : index
      %get3A_1256 = tpu.vector_load %arg10[%get3A_1255] {strides = array<i32>} : memref<1000xi32, #tpu.memory_space<vmem>>, vector<16xi32>,
      %sub3A_1257 = vector.broadcast %mul3A_22 : i32 to vector<16xi32>
      %sub3A_1258 = arith.subi %get3A_1256, %sub3A_1257 : vector<16xi32>
      %ge3A_1259 = arith.constant 0 : i32
      %ge3A_1260 = vector.broadcast %ge3A_1259 : i32 to vector<16xi32>
      %ge3A_1261 = arith.cmpi sge, %sub3A_1258, %ge3A_1260 : vector<16xi32>
      %lt3A_1262 = arith.constant 2000 : i32
      %lt3A_1263 = vector.broadcast %lt3A_1262 : i32 to vector<16xi32>
      %lt3A_1264 = arith.cmpi slt, %sub3A_1258, %lt3A_1263 : vector<16xi32>
      %and3A_1265 = arith.andi %ge3A_1261, %lt3A_1264 : vector<16xi1>
      %max3A_1266 = arith.constant 0 : i32
      %max3A_1267 = vector.broadcast %max3A_1266 : i32 to vector<16xi32>
      %max3A_1268 = arith.maxsi %sub3A_1258, %max3A_1267 : vector<16xi32>
      %min3A_1269 = arith.constant 1999 : i32
      %min3A_1270 = vector.broadcast %min3A_1269 : i32 to vector<16xi32>
      %min3A_1271 = arith.minsi %max3A_1268, %min3A_1270 : vector<16xi32>
      tpu.vector_store_idx %arg11[%min3A_1271], %get3A_273 masked %and3A_1265 : memref<2000xf32, #tpu.memory_space<vmem>>[vector<16xi32>], vector<16xf32>, vector<16xi1>
      %get3A_1272 = arith.constant 944 : index
      %get3A_1273 = tpu.vector_load %arg10[%get3A_1272] {strides = array<i32>} : memref<1000xi32, #tpu.memory_space<vmem>>, vector<16xi32>,
      %sub3A_1274 = vector.broadcast %mul3A_22 : i32 to vector<16xi32>
      %sub3A_1275 = arith.subi %get3A_1273, %sub3A_1274 : vector<16xi32>
      %ge3A_1276 = arith.constant 0 : i32
      %ge3A_1277 = vector.broadcast %ge3A_1276 : i32 to vector<16xi32>
      %ge3A_1278 = arith.cmpi sge, %sub3A_1275, %ge3A_1277 : vector<16xi32>
      %lt3A_1279 = arith.constant 2000 : i32
      %lt3A_1280 = vector.broadcast %lt3A_1279 : i32 to vector<16xi32>
      %lt3A_1281 = arith.cmpi slt, %sub3A_1275, %lt3A_1280 : vector<16xi32>
      %and3A_1282 = arith.andi %ge3A_1278, %lt3A_1281 : vector<16xi1>
      %max3A_1283 = arith.constant 0 : i32
      %max3A_1284 = vector.broadcast %max3A_1283 : i32 to vector<16xi32>
      %max3A_1285 = arith.maxsi %sub3A_1275, %max3A_1284 : vector<16xi32>
      %min3A_1286 = arith.constant 1999 : i32
      %min3A_1287 = vector.broadcast %min3A_1286 : i32 to vector<16xi32>
      %min3A_1288 = arith.minsi %max3A_1285, %min3A_1287 : vector<16xi32>
      tpu.vector_store_idx %arg11[%min3A_1288], %get3A_273 masked %and3A_1282 : memref<2000xf32, #tpu.memory_space<vmem>>[vector<16xi32>], vector<16xf32>, vector<16xi1>
      %get3A_1289 = arith.constant 960 : index
      %get3A_1290 = tpu.vector_load %arg10[%get3A_1289] {strides = array<i32>} : memref<1000xi32, #tpu.memory_space<vmem>>, vector<16xi32>,
      %sub3A_1291 = vector.broadcast %mul3A_22 : i32 to vector<16xi32>
      %sub3A_1292 = arith.subi %get3A_1290, %sub3A_1291 : vector<16xi32>
      %ge3A_1293 = arith.constant 0 : i32
      %ge3A_1294 = vector.broadcast %ge3A_1293 : i32 to vector<16xi32>
      %ge3A_1295 = arith.cmpi sge, %sub3A_1292, %ge3A_1294 : vector<16xi32>
      %lt3A_1296 = arith.constant 2000 : i32
      %lt3A_1297 = vector.broadcast %lt3A_1296 : i32 to vector<16xi32>
      %lt3A_1298 = arith.cmpi slt, %sub3A_1292, %lt3A_1297 : vector<16xi32>
      %and3A_1299 = arith.andi %ge3A_1295, %lt3A_1298 : vector<16xi1>
      %max3A_1300 = arith.constant 0 : i32
      %max3A_1301 = vector.broadcast %max3A_1300 : i32 to vector<16xi32>
      %max3A_1302 = arith.maxsi %sub3A_1292, %max3A_1301 : vector<16xi32>
      %min3A_1303 = arith.constant 1999 : i32
      %min3A_1304 = vector.broadcast %min3A_1303 : i32 to vector<16xi32>
      %min3A_1305 = arith.minsi %max3A_1302, %min3A_1304 : vector<16xi32>
      tpu.vector_store_idx %arg11[%min3A_1305], %get3A_273 masked %and3A_1299 : memref<2000xf32, #tpu.memory_space<vmem>>[vector<16xi32>], vector<16xf32>, vector<16xi1>
      %get3A_1306 = arith.constant 976 : index
      %get3A_1307 = tpu.vector_load %arg10[%get3A_1306] {strides = array<i32>} : memref<1000xi32, #tpu.memory_space<vmem>>, vector<16xi32>,
      %sub3A_1308 = vector.broadcast %mul3A_22 : i32 to vector<16xi32>
      %sub3A_1309 = arith.subi %get3A_1307, %sub3A_1308 : vector<16xi32>
      %ge3A_1310 = arith.constant 0 : i32
      %ge3A_1311 = vector.broadcast %ge3A_1310 : i32 to vector<16xi32>
      %ge3A_1312 = arith.cmpi sge, %sub3A_1309, %ge3A_1311 : vector<16xi32>
      %lt3A_1313 = arith.constant 2000 : i32
      %lt3A_1314 = vector.broadcast %lt3A_1313 : i32 to vector<16xi32>
      %lt3A_1315 = arith.cmpi slt, %sub3A_1309, %lt3A_1314 : vector<16xi32>
      %and3A_1316 = arith.andi %ge3A_1312, %lt3A_1315 : vector<16xi1>
      %max3A_1317 = arith.constant 0 : i32
      %max3A_1318 = vector.broadcast %max3A_1317 : i32 to vector<16xi32>
      %max3A_1319 = arith.maxsi %sub3A_1309, %max3A_1318 : vector<16xi32>
      %min3A_1320 = arith.constant 1999 : i32
      %min3A_1321 = vector.broadcast %min3A_1320 : i32 to vector<16xi32>
      %min3A_1322 = arith.minsi %max3A_1319, %min3A_1321 : vector<16xi32>
      tpu.vector_store_idx %arg11[%min3A_1322], %get3A_273 masked %and3A_1316 : memref<2000xf32, #tpu.memory_space<vmem>>[vector<16xi32>], vector<16xf32>, vector<16xi1>
      %get3A_1323 = arith.constant 984 : index
      %get3A_1324 = tpu.vector_load %arg10[%get3A_1323] {strides = array<i32>} : memref<1000xi32, #tpu.memory_space<vmem>>, vector<16xi32>,
      %sub3A_1325 = vector.broadcast %mul3A_22 : i32 to vector<16xi32>
      %sub3A_1326 = arith.subi %get3A_1324, %sub3A_1325 : vector<16xi32>
      %ge3A_1327 = arith.constant 0 : i32
      %ge3A_1328 = vector.broadcast %ge3A_1327 : i32 to vector<16xi32>
      %ge3A_1329 = arith.cmpi sge, %sub3A_1326, %ge3A_1328 : vector<16xi32>
      %lt3A_1330 = arith.constant 2000 : i32
      %lt3A_1331 = vector.broadcast %lt3A_1330 : i32 to vector<16xi32>
      %lt3A_1332 = arith.cmpi slt, %sub3A_1326, %lt3A_1331 : vector<16xi32>
      %and3A_1333 = arith.andi %ge3A_1329, %lt3A_1332 : vector<16xi1>
      %max3A_1334 = arith.constant 0 : i32
      %max3A_1335 = vector.broadcast %max3A_1334 : i32 to vector<16xi32>
      %max3A_1336 = arith.maxsi %sub3A_1326, %max3A_1335 : vector<16xi32>
      %min3A_1337 = arith.constant 1999 : i32
      %min3A_1338 = vector.broadcast %min3A_1337 : i32 to vector<16xi32>
      %min3A_1339 = arith.minsi %max3A_1336, %min3A_1338 : vector<16xi32>
      tpu.vector_store_idx %arg11[%min3A_1339], %get3A_273 masked %and3A_1333 : memref<2000xf32, #tpu.memory_space<vmem>>[vector<16xi32>], vector<16xf32>, vector<16xi1>
      %run_scoped3A = arith.constant 0 : i32
      "tpu.region"() ({
        %run_scoped3A_1340 = tpu.sem_alloc : memref<!tpu.dma_semaphore, #tpu.memory_space<semaphore_mem>>
        %dma_start3A = arith.constant 0 : i32
        %dma_start3A_1341 = tpu.memref_slice %arg7[%add3A, %run_scoped3A, %dma_start3A] : memref<5x1x2000xf32, #tpu.memory_space<hbm>> -> memref<1x1x2000xf32, #tpu.memory_space<hbm>>
        %dma_start3A_1342 = tpu.memref_squeeze %dma_start3A_1341 : memref<1x1x2000xf32, #tpu.memory_space<hbm>> -> memref<2000xf32, #tpu.memory_space<hbm>>
        %dma_start3A_1343 = arith.constant 0 : i32
        %dma_start3A_1344 = tpu.memref_slice %arg7[%add3A, %run_scoped3A, %dma_start3A_1343] : memref<5x1x2000xf32, #tpu.memory_space<hbm>> -> memref<1x1x2000xf32, #tpu.memory_space<hbm>>
        %dma_start3A_1345 = tpu.memref_squeeze %dma_start3A_1344 : memref<1x1x2000xf32, #tpu.memory_space<hbm>> -> memref<2000xf32, #tpu.memory_space<hbm>>
        tpu.enqueue_dma source(%arg11 : memref<2000xf32, #tpu.memory_space<vmem>>) target(%dma_start3A_1345 : memref<2000xf32, #tpu.memory_space<hbm>>) target_semaphore(%run_scoped3A_1340 : memref<!tpu.dma_semaphore, #tpu.memory_space<semaphore_mem>>)
        %dma_wait3A = arith.constant 0 : i32
        %dma_wait3A_1346 = tpu.memref_slice %arg7[%add3A, %run_scoped3A, %dma_wait3A] : memref<5x1x2000xf32, #tpu.memory_space<hbm>> -> memref<1x1x2000xf32, #tpu.memory_space<hbm>>
        %dma_wait3A_1347 = tpu.memref_squeeze %dma_wait3A_1346 : memref<1x1x2000xf32, #tpu.memory_space<hbm>> -> memref<2000xf32, #tpu.memory_space<hbm>>
        %dma_wait3A_1348 = arith.constant 0 : i32
        %dma_wait3A_1349 = tpu.memref_slice %arg7[%add3A, %run_scoped3A, %dma_wait3A_1348] : memref<5x1x2000xf32, #tpu.memory_space<hbm>> -> memref<1x1x2000xf32, #tpu.memory_space<hbm>>
        %dma_wait3A_1350 = tpu.memref_squeeze %dma_wait3A_1349 : memref<1x1x2000xf32, #tpu.memory_space<hbm>> -> memref<2000xf32, #tpu.memory_space<hbm>>
        tpu.wait_dma2 semaphore(%run_scoped3A_1340 : memref<!tpu.dma_semaphore, #tpu.memory_space<semaphore_mem>>) src(%arg11 : memref<2000xf32, #tpu.memory_space<vmem>>) dst(%dma_wait3A_1350 : memref<2000xf32, #tpu.memory_space<hbm>>)
        tpu.yield
      }) : () -> ()
    } else {
    }
    %not3A_13 = arith.constant true
    %not3A_14 = arith.xori %eq3A_3, %not3A_13 : i1
    %convert_element_type3A_15 = arith.extui %not3A_14 : i1 to i32
    %cond3A_16 = arith.constant 0 : i32
    %cond3A_17 = arith.cmpi ne, %convert_element_type3A_15, %cond3A_16 : i32
    scf.if %cond3A_17 {
      %dma_wait3A = arith.constant 0 : i32
      %dma_wait3A_21 = arith.constant 0 : i32
      %dma_wait3A_22 = tpu.memref_slice %arg2[%dma_wait3A, %dma_wait3A_21] : memref<10000x256xf32, #tpu.memory_space<hbm>> -> memref<10000x256xf32, #tpu.memory_space<hbm>>
      tpu.wait_indirect_dma semaphore(%arg16 : memref<!tpu.dma_semaphore, #tpu.memory_space<semaphore_mem>>) src(%dma_wait3A_22 : memref<10000x256xf32, #tpu.memory_space<hbm>>) dst(%arg9 : memref<32x256xf32, #tpu.memory_space<vmem>>)
      "tpu.region"() ({
        %run_scoped3A = tpu.sem_alloc : memref<!tpu.dma_semaphore, #tpu.memory_space<semaphore_mem>>
        %dma_start3A = arith.constant 0 : i32
        %dma_start3A_23 = tpu.memref_slice %arg6[%mul3A_2, %dma_start3A] : memref<1000x256xf32, #tpu.memory_space<hbm>> -> memref<32x256xf32, #tpu.memory_space<hbm>>
        %dma_start3A_24 = arith.constant 0 : i32
        %dma_start3A_25 = tpu.memref_slice %arg6[%mul3A_2, %dma_start3A_24] : memref<1000x256xf32, #tpu.memory_space<hbm>> -> memref<32x256xf32, #tpu.memory_space<hbm>>
        tpu.enqueue_dma source(%arg9 : memref<32x256xf32, #tpu.memory_space<vmem>>) target(%dma_start3A_25 : memref<32x256xf32, #tpu.memory_space<hbm>>) target_semaphore(%run_scoped3A : memref<!tpu.dma_semaphore, #tpu.memory_space<semaphore_mem>>)
        %dma_wait3A_26 = arith.constant 0 : i32
        %dma_wait3A_27 = tpu.memref_slice %arg6[%mul3A_2, %dma_wait3A_26] : memref<1000x256xf32, #tpu.memory_space<hbm>> -> memref<32x256xf32, #tpu.memory_space<hbm>>
        %dma_wait3A_28 = arith.constant 0 : i32
        %dma_wait3A_29 = tpu.memref_slice %arg6[%mul3A_2, %dma_wait3A_28] : memref<1000x256xf32, #tpu.memory_space<hbm>> -> memref<32x256xf32, #tpu.memory_space<hbm>>
        tpu.wait_dma2 semaphore(%run_scoped3A : memref<!tpu.dma_semaphore, #tpu.memory_space<semaphore_mem>>) src(%arg9 : memref<32x256xf32, #tpu.memory_space<vmem>>) dst(%dma_wait3A_29 : memref<32x256xf32, #tpu.memory_space<hbm>>)
        tpu.yield
      }) : () -> ()
    } else {
    }
    %convert_element_type3A_18 = arith.extui %eq3A_3 : i1 to i32
    %cond3A_19 = arith.constant 0 : i32
    %cond3A_20 = arith.cmpi ne, %convert_element_type3A_18, %cond3A_19 : i32
    scf.if %cond3A_20 {
      %dma_wait3A = arith.constant 0 : i32
      %dma_wait3A_21 = arith.constant 0 : i32
      %dma_wait3A_22 = tpu.memref_slice %arg9[%dma_wait3A, %dma_wait3A_21] : memref<32x256xf32, #tpu.memory_space<vmem>> -> memref<8x256xf32, #tpu.memory_space<vmem>>
      %dma_wait3A_23 = arith.constant 0 : i32
      %dma_wait3A_24 = tpu.memref_slice %arg8[%dma_wait3A_23] : memref<32xi32, #tpu.memory_space<vmem>> -> memref<8xi32, #tpu.memory_space<vmem>>
      %dma_wait3A_25 = arith.constant 0 : i32
      %dma_wait3A_26 = arith.constant 0 : i32
      %dma_wait3A_27 = tpu.memref_slice %arg2[%dma_wait3A_25, %dma_wait3A_26] : memref<10000x256xf32, #tpu.memory_space<hbm>> -> memref<10000x256xf32, #tpu.memory_space<hbm>>
      tpu.wait_indirect_dma semaphore(%arg16 : memref<!tpu.dma_semaphore, #tpu.memory_space<semaphore_mem>>) src(%dma_wait3A_27 : memref<10000x256xf32, #tpu.memory_space<hbm>>) dst(%dma_wait3A_22 : memref<8x256xf32, #tpu.memory_space<vmem>>)
      "tpu.region"() ({
        %run_scoped3A = tpu.sem_alloc : memref<!tpu.dma_semaphore, #tpu.memory_space<semaphore_mem>>
        %dma_start3A = arith.constant 0 : i32
        %dma_start3A_28 = arith.constant 0 : i32
        %dma_start3A_29 = tpu.memref_slice %arg9[%dma_start3A, %dma_start3A_28] : memref<32x256xf32, #tpu.memory_space<vmem>> -> memref<8x256xf32, #tpu.memory_space<vmem>>
        %dma_start3A_30 = arith.constant 992 : i32
        %dma_start3A_31 = arith.constant 0 : i32
        %dma_start3A_32 = tpu.memref_slice %arg6[%dma_start3A_30, %dma_start3A_31] : memref<1000x256xf32, #tpu.memory_space<hbm>> -> memref<8x256xf32, #tpu.memory_space<hbm>>
        %dma_start3A_33 = arith.constant 992 : i32
        %dma_start3A_34 = arith.constant 0 : i32
        %dma_start3A_35 = tpu.memref_slice %arg6[%dma_start3A_33, %dma_start3A_34] : memref<1000x256xf32, #tpu.memory_space<hbm>> -> memref<8x256xf32, #tpu.memory_space<hbm>>
        %dma_start3A_36 = arith.constant 0 : i32
        %dma_start3A_37 = arith.constant 0 : i32
        %dma_start3A_38 = tpu.memref_slice %arg9[%dma_start3A_36, %dma_start3A_37] : memref<32x256xf32, #tpu.memory_space<vmem>> -> memref<8x256xf32, #tpu.memory_space<vmem>>
        tpu.enqueue_dma source(%dma_start3A_38 : memref<8x256xf32, #tpu.memory_space<vmem>>) target(%dma_start3A_35 : memref<8x256xf32, #tpu.memory_space<hbm>>) target_semaphore(%run_scoped3A : memref<!tpu.dma_semaphore, #tpu.memory_space<semaphore_mem>>)
        %dma_wait3A_39 = arith.constant 0 : i32
        %dma_wait3A_40 = arith.constant 0 : i32
        %dma_wait3A_41 = tpu.memref_slice %arg9[%dma_wait3A_39, %dma_wait3A_40] : memref<32x256xf32, #tpu.memory_space<vmem>> -> memref<8x256xf32, #tpu.memory_space<vmem>>
        %dma_wait3A_42 = arith.constant 992 : i32
        %dma_wait3A_43 = arith.constant 0 : i32
        %dma_wait3A_44 = tpu.memref_slice %arg6[%dma_wait3A_42, %dma_wait3A_43] : memref<1000x256xf32, #tpu.memory_space<hbm>> -> memref<8x256xf32, #tpu.memory_space<hbm>>
        %dma_wait3A_45 = arith.constant 992 : i32
        %dma_wait3A_46 = arith.constant 0 : i32
        %dma_wait3A_47 = tpu.memref_slice %arg6[%dma_wait3A_45, %dma_wait3A_46] : memref<1000x256xf32, #tpu.memory_space<hbm>> -> memref<8x256xf32, #tpu.memory_space<hbm>>
        %dma_wait3A_48 = arith.constant 0 : i32
        %dma_wait3A_49 = arith.constant 0 : i32
        %dma_wait3A_50 = tpu.memref_slice %arg9[%dma_wait3A_48, %dma_wait3A_49] : memref<32x256xf32, #tpu.memory_space<vmem>> -> memref<8x256xf32, #tpu.memory_space<vmem>>
        tpu.wait_dma2 semaphore(%run_scoped3A : memref<!tpu.dma_semaphore, #tpu.memory_space<semaphore_mem>>) src(%dma_wait3A_50 : memref<8x256xf32, #tpu.memory_space<vmem>>) dst(%dma_wait3A_47 : memref<8x256xf32, #tpu.memory_space<hbm>>)
        tpu.yield
      }) : () -> ()
    } else {
    }
    return
  }
}

module attributes {stable_mosaic.version = 14 : i64} {
  func.func @_tc_body(%arg0: i32, %arg1: memref<2000x256xf32, #tpu.memory_space<vmem>>, %arg2: memref<1x1x2000xi32, #tpu.memory_space<vmem>>, %arg3: memref<8x256xf32, #tpu.memory_space<vmem>>, %arg4: memref<5x1x2000xf32, #tpu.memory_space<vmem>>, %arg5: memref<1000x256xf32, #tpu.memory_space<vmem>>, %arg6: memref<1x1xf32, #tpu.memory_space<vmem>>, %arg7: memref<5x1x2000xf32, #tpu.memory_space<vmem>>) attributes {dimension_semantics = [#tpu.dimension_semantics<arbitrary>], iteration_bounds = array<i64: 5>, scalar_prefetch = 0 : i64, scratch_operands = 1 : i64, tpu.core_type = #tpu.core_type<tc>, window_params = [{transform_indices = @transform_0, window_bounds = array<i64: 2000, 256>}, {transform_indices = @transform_1, window_bounds = array<i64: 1, 1, 2000>}, {pipeline_mode = #tpu.pipeline_mode<synchronous>, transform_indices = @transform_2, window_bounds = array<i64: 8, 256>}, {pipeline_mode = #tpu.pipeline_mode<synchronous>, transform_indices = @transform_3, window_bounds = array<i64: 5, 1, 2000>}, {pipeline_mode = #tpu.pipeline_mode<synchronous>, transform_indices = @transform_4, window_bounds = array<i64: 1000, 256>}, {pipeline_mode = #tpu.pipeline_mode<synchronous>, transform_indices = @transform_5, window_bounds = array<i64: 1, 1>}]} {
    %get3A = arith.constant 0 : index
    %get3A_0 = arith.constant 0 : index
    %get3A_1 = vector.load %arg1[%get3A, %get3A_0] : memref<2000x256xf32, #tpu.memory_space<vmem>>, vector<2000x256xf32>
    %get3A_2 = arith.constant 0 : index
    %get3A_3 = arith.constant 0 : index
    %get3A_4 = arith.constant 0 : index
    %get3A_5 = vector.load %arg2[%get3A_2, %get3A_3, %get3A_4] : memref<1x1x2000xi32, #tpu.memory_space<vmem>>, vector<1x1x2000xi32>
    %get3A_6 = vector.shape_cast %get3A_5 : vector<1x1x2000xi32> to vector<2000xi32>
    %get3A_7 = arith.constant 0 : index
    %get3A_8 = arith.constant 0 : index
    %get3A_9 = vector.load %arg3[%get3A_7, %get3A_8] : memref<8x256xf32, #tpu.memory_space<vmem>>, vector<8x256xf32>
    %broadcast_in_dim3A = vector.shape_cast %get3A_6 : vector<2000xi32> to vector<2000x1xi32>
    %iota3A = tpu.iota {dimensions = array<i32: 1>} : vector<2000x8xi32>
    %eq3A = vector.broadcast %broadcast_in_dim3A : vector<2000x1xi32> to vector<2000x8xi32>
    %eq3A_10 = arith.cmpi eq, %eq3A, %iota3A : vector<2000x8xi32>
    %convert_element_type3A = arith.extui %eq3A_10 : vector<2000x8xi1> to vector<2000x8xi32>
    %convert_element_type3A_11 = arith.sitofp %convert_element_type3A : vector<2000x8xi32> to vector<2000x8xf32>
    %dot_general3A = arith.constant dense<0.000000e+00> : vector<2000x256xf32>
    %dot_general3A_12 = tpu.matmul %convert_element_type3A_11, %get3A_9, %dot_general3A {dimension_numbers = #tpu.dot_dimension_numbers<[1], [0], [0], [1], [0, 0, 1, 1], [], []>, transpose_lhs_hint = false} : vector<2000x8xf32>, vector<8x256xf32>, vector<2000x256xf32> -> vector<2000x256xf32>
    %sub3A = arith.subf %get3A_1, %dot_general3A_12 : vector<2000x256xf32>
    %add3A = arith.constant 9.99999997E-7 : f32
    %add3A_13 = vector.broadcast %add3A : f32 to vector<2000x256xf32>
    %add3A_14 = arith.addf %sub3A, %add3A_13 : vector<2000x256xf32>
    %mul3A = arith.mulf %add3A_14, %add3A_14 : vector<2000x256xf32>
    %reduce_sum3A = arith.constant dense<0.000000e+00> : vector<2000xf32>
    %reduce_sum3A_15 = vector.multi_reduction <add>, %mul3A, %reduce_sum3A [1] : vector<2000x256xf32> to vector<2000xf32>
    %sqrt3A = math.sqrt %reduce_sum3A_15 : vector<2000xf32>
    %reshape3A = vector.shape_cast %sqrt3A : vector<2000xf32> to vector<1x1x2000xf32>
    %swap3A = arith.index_cast %arg0 : i32 to index
    %swap3A_16 = arith.constant 0 : index
    %swap3A_17 = arith.constant 0 : index
    %swap3A_18 = vector.load %arg7[%swap3A, %swap3A_16, %swap3A_17] : memref<5x1x2000xf32, #tpu.memory_space<vmem>>, vector<1x1x2000xf32>
    tpu.vector_store %arg7[%swap3A, %swap3A_16, %swap3A_17], %reshape3A {strides = array<i32>} : memref<5x1x2000xf32, #tpu.memory_space<vmem>>, vector<1x1x2000xf32>,
    %eq3A_19 = arith.constant 4 : i32
    %eq3A_20 = arith.cmpi eq, %arg0, %eq3A_19 : i32
    %convert_element_type3A_21 = arith.extui %eq3A_20 : i1 to i32
    %cond3A = arith.constant 0 : i32
    %cond3A_22 = arith.cmpi ne, %convert_element_type3A_21, %cond3A : i32
    scf.if %cond3A_22 {
      %get3A_23 = arith.constant 0 : index
      %get3A_24 = arith.constant 0 : index
      %get3A_25 = arith.constant 0 : index
      %get3A_26 = vector.load %arg7[%get3A_23, %get3A_24, %get3A_25] : memref<5x1x2000xf32, #tpu.memory_space<vmem>>, vector<5x1x2000xf32>
      %reshape3A_27 = vector.shape_cast %get3A_26 : vector<5x1x2000xf32> to vector<5x2000xf32>
      %get3A_28 = arith.constant 0 : index
      %get3A_29 = arith.constant 0 : index
      %get3A_30 = arith.constant 0 : index
      %get3A_31 = vector.load %arg4[%get3A_28, %get3A_29, %get3A_30] : memref<5x1x2000xf32, #tpu.memory_space<vmem>>, vector<5x1x2000xf32>
      %reshape3A_32 = vector.shape_cast %get3A_31 : vector<5x1x2000xf32> to vector<5x2000xf32>
      %mul3A_33 = arith.mulf %reshape3A_27, %reshape3A_32 : vector<5x2000xf32>
      %reduce_sum3A_34 = vector.shape_cast %mul3A_33 : vector<5x2000xf32> to vector<1x5x2000xf32>
      %reduce_sum3A_35 = arith.constant dense<0.000000e+00> : vector<1xf32>
      %reduce_sum3A_36 = vector.multi_reduction <add>, %reduce_sum3A_34, %reduce_sum3A_35 [1, 2] : vector<1x5x2000xf32> to vector<1xf32>
      %reduce_sum3A_37 = vector.shape_cast %reduce_sum3A_36 : vector<1xf32> to vector<1x1x1xf32>
      %reduce_sum3A_38 = vector.extract %reduce_sum3A_37[0, 0, 0] : f32 from vector<1x1x1xf32>
      %get3A_39 = arith.constant 0 : index
      %get3A_40 = arith.constant 0 : index
      %get3A_41 = vector.load %arg5[%get3A_39, %get3A_40] : memref<1000x256xf32, #tpu.memory_space<vmem>>, vector<1000x256xf32>
      %reshape3A_42 = vector.shape_cast %get3A_41 : vector<1000x256xf32> to vector<8x125x256xf32>
      %mul3A_43 = arith.mulf %reshape3A_42, %reshape3A_42 : vector<8x125x256xf32>
      %reduce_sum3A_44 = arith.constant dense<0.000000e+00> : vector<8x125xf32>
      %reduce_sum3A_45 = vector.multi_reduction <add>, %mul3A_43, %reduce_sum3A_44 [2] : vector<8x125x256xf32> to vector<8x125xf32>
      %sqrt3A_46 = math.sqrt %reduce_sum3A_45 : vector<8x125xf32>
      %max3A = arith.constant 9.99999993E-9 : f32
      %max3A_47 = vector.broadcast %max3A : f32 to vector<8x125xf32>
      %max3A_48 = arith.maximumf %sqrt3A_46, %max3A_47 : vector<8x125xf32>
      %broadcast_in_dim3A_49 = vector.shape_cast %get3A_9 : vector<8x256xf32> to vector<8x1x256xf32>
      %broadcast_in_dim3A_50 = vector.shape_cast %get3A_9 : vector<8x256xf32> to vector<1x8x256xf32>
      %sub3A_51 = vector.broadcast %broadcast_in_dim3A_49 : vector<8x1x256xf32> to vector<8x8x256xf32>
      %sub3A_52 = vector.broadcast %broadcast_in_dim3A_50 : vector<1x8x256xf32> to vector<8x8x256xf32>
      %sub3A_53 = arith.subf %sub3A_51, %sub3A_52 : vector<8x8x256xf32>
      %mul3A_54 = arith.mulf %sub3A_53, %sub3A_53 : vector<8x8x256xf32>
      %reduce_sum3A_55 = arith.constant dense<0.000000e+00> : vector<8x8xf32>
      %reduce_sum3A_56 = vector.multi_reduction <add>, %mul3A_54, %reduce_sum3A_55 [2] : vector<8x8x256xf32> to vector<8x8xf32>
      %sqrt3A_57 = math.sqrt %reduce_sum3A_56 : vector<8x8xf32>
      %max3A_58 = arith.constant 9.99999993E-9 : f32
      %max3A_59 = vector.broadcast %max3A_58 : f32 to vector<8x8xf32>
      %max3A_60 = arith.maximumf %sqrt3A_57, %max3A_59 : vector<8x8xf32>
      %slice3A = vector.extract_strided_slice %reshape3A_42 {offsets = [0, 0, 0], sizes = [1, 125, 256], strides = [1, 1, 1]} : vector<8x125x256xf32> to vector<1x125x256xf32>
      %squeeze3A = vector.shape_cast %slice3A : vector<1x125x256xf32> to vector<125x256xf32>
      %dot_general3A_61 = arith.constant dense<0.000000e+00> : vector<8x125xf32>
      %dot_general3A_62 = tpu.matmul %get3A_9, %squeeze3A, %dot_general3A_61 {dimension_numbers = #tpu.dot_dimension_numbers<[1], [1], [0], [0], [0, 0, 1, 0], [], []>, transpose_lhs_hint = false} : vector<8x256xf32>, vector<125x256xf32>, vector<8x125xf32> -> vector<8x125xf32>
      %slice3A_63 = vector.extract_strided_slice %dot_general3A_62 {offsets = [0, 0], sizes = [1, 125], strides = [1, 1]} : vector<8x125xf32> to vector<1x125xf32>
      %squeeze3A_64 = vector.shape_cast %slice3A_63 : vector<1x125xf32> to vector<125xf32>
      %broadcast_in_dim3A_65 = vector.shape_cast %squeeze3A_64 : vector<125xf32> to vector<1x125xf32>
      %sub3A_66 = vector.broadcast %broadcast_in_dim3A_65 : vector<1x125xf32> to vector<8x125xf32>
      %sub3A_67 = arith.subf %sub3A_66, %dot_general3A_62 : vector<8x125xf32>
      %slice3A_68 = vector.extract_strided_slice %max3A_60 {offsets = [0, 0], sizes = [1, 8], strides = [1, 1]} : vector<8x8xf32> to vector<1x8xf32>
      %squeeze3A_69 = vector.shape_cast %slice3A_68 : vector<1x8xf32> to vector<8xf32>
      %broadcast_in_dim3A_70 = vector.shape_cast %squeeze3A_69 : vector<8xf32> to vector<8x1xf32>
      %slice3A_71 = vector.extract_strided_slice %max3A_48 {offsets = [0, 0], sizes = [1, 125], strides = [1, 1]} : vector<8x125xf32> to vector<1x125xf32>
      %squeeze3A_72 = vector.shape_cast %slice3A_71 : vector<1x125xf32> to vector<125xf32>
      %broadcast_in_dim3A_73 = vector.shape_cast %squeeze3A_72 : vector<125xf32> to vector<1x125xf32>
      %mul3A_74 = vector.broadcast %broadcast_in_dim3A_70 : vector<8x1xf32> to vector<8x125xf32>
      %mul3A_75 = vector.broadcast %broadcast_in_dim3A_73 : vector<1x125xf32> to vector<8x125xf32>
      %mul3A_76 = arith.mulf %mul3A_74, %mul3A_75 : vector<8x125xf32>
      %div3A = arith.divf %sub3A_67, %mul3A_76 : vector<8x125xf32>
      %reshape3A_77 = vector.shape_cast %div3A : vector<8x125xf32> to vector<1x8x125xf32>
      %slice3A_78 = vector.extract_strided_slice %reshape3A_42 {offsets = [1, 0, 0], sizes = [1, 125, 256], strides = [1, 1, 1]} : vector<8x125x256xf32> to vector<1x125x256xf32>
      %squeeze3A_79 = vector.shape_cast %slice3A_78 : vector<1x125x256xf32> to vector<125x256xf32>
      %dot_general3A_80 = arith.constant dense<0.000000e+00> : vector<8x125xf32>
      %dot_general3A_81 = tpu.matmul %get3A_9, %squeeze3A_79, %dot_general3A_80 {dimension_numbers = #tpu.dot_dimension_numbers<[1], [1], [0], [0], [0, 0, 1, 0], [], []>, transpose_lhs_hint = false} : vector<8x256xf32>, vector<125x256xf32>, vector<8x125xf32> -> vector<8x125xf32>
      %slice3A_82 = vector.extract_strided_slice %dot_general3A_81 {offsets = [1, 0], sizes = [1, 125], strides = [1, 1]} : vector<8x125xf32> to vector<1x125xf32>
      %squeeze3A_83 = vector.shape_cast %slice3A_82 : vector<1x125xf32> to vector<125xf32>
      %broadcast_in_dim3A_84 = vector.shape_cast %squeeze3A_83 : vector<125xf32> to vector<1x125xf32>
      %sub3A_85 = vector.broadcast %broadcast_in_dim3A_84 : vector<1x125xf32> to vector<8x125xf32>
      %sub3A_86 = arith.subf %sub3A_85, %dot_general3A_81 : vector<8x125xf32>
      %slice3A_87 = vector.extract_strided_slice %max3A_60 {offsets = [1, 0], sizes = [1, 8], strides = [1, 1]} : vector<8x8xf32> to vector<1x8xf32>
      %squeeze3A_88 = vector.shape_cast %slice3A_87 : vector<1x8xf32> to vector<8xf32>
      %broadcast_in_dim3A_89 = vector.shape_cast %squeeze3A_88 : vector<8xf32> to vector<8x1xf32>
      %slice3A_90 = vector.extract_strided_slice %max3A_48 {offsets = [1, 0], sizes = [1, 125], strides = [1, 1]} : vector<8x125xf32> to vector<1x125xf32>
      %squeeze3A_91 = vector.shape_cast %slice3A_90 : vector<1x125xf32> to vector<125xf32>
      %broadcast_in_dim3A_92 = vector.shape_cast %squeeze3A_91 : vector<125xf32> to vector<1x125xf32>
      %mul3A_93 = vector.broadcast %broadcast_in_dim3A_89 : vector<8x1xf32> to vector<8x125xf32>
      %mul3A_94 = vector.broadcast %broadcast_in_dim3A_92 : vector<1x125xf32> to vector<8x125xf32>
      %mul3A_95 = arith.mulf %mul3A_93, %mul3A_94 : vector<8x125xf32>
      %div3A_96 = arith.divf %sub3A_86, %mul3A_95 : vector<8x125xf32>
      %reshape3A_97 = vector.shape_cast %div3A_96 : vector<8x125xf32> to vector<1x8x125xf32>
      %slice3A_98 = vector.extract_strided_slice %reshape3A_42 {offsets = [2, 0, 0], sizes = [1, 125, 256], strides = [1, 1, 1]} : vector<8x125x256xf32> to vector<1x125x256xf32>
      %squeeze3A_99 = vector.shape_cast %slice3A_98 : vector<1x125x256xf32> to vector<125x256xf32>
      %dot_general3A_100 = arith.constant dense<0.000000e+00> : vector<8x125xf32>
      %dot_general3A_101 = tpu.matmul %get3A_9, %squeeze3A_99, %dot_general3A_100 {dimension_numbers = #tpu.dot_dimension_numbers<[1], [1], [0], [0], [0, 0, 1, 0], [], []>, transpose_lhs_hint = false} : vector<8x256xf32>, vector<125x256xf32>, vector<8x125xf32> -> vector<8x125xf32>
      %slice3A_102 = vector.extract_strided_slice %dot_general3A_101 {offsets = [2, 0], sizes = [1, 125], strides = [1, 1]} : vector<8x125xf32> to vector<1x125xf32>
      %squeeze3A_103 = vector.shape_cast %slice3A_102 : vector<1x125xf32> to vector<125xf32>
      %broadcast_in_dim3A_104 = vector.shape_cast %squeeze3A_103 : vector<125xf32> to vector<1x125xf32>
      %sub3A_105 = vector.broadcast %broadcast_in_dim3A_104 : vector<1x125xf32> to vector<8x125xf32>
      %sub3A_106 = arith.subf %sub3A_105, %dot_general3A_101 : vector<8x125xf32>
      %slice3A_107 = vector.extract_strided_slice %max3A_60 {offsets = [2, 0], sizes = [1, 8], strides = [1, 1]} : vector<8x8xf32> to vector<1x8xf32>
      %squeeze3A_108 = vector.shape_cast %slice3A_107 : vector<1x8xf32> to vector<8xf32>
      %broadcast_in_dim3A_109 = vector.shape_cast %squeeze3A_108 : vector<8xf32> to vector<8x1xf32>
      %slice3A_110 = vector.extract_strided_slice %max3A_48 {offsets = [2, 0], sizes = [1, 125], strides = [1, 1]} : vector<8x125xf32> to vector<1x125xf32>
      %squeeze3A_111 = vector.shape_cast %slice3A_110 : vector<1x125xf32> to vector<125xf32>
      %broadcast_in_dim3A_112 = vector.shape_cast %squeeze3A_111 : vector<125xf32> to vector<1x125xf32>
      %mul3A_113 = vector.broadcast %broadcast_in_dim3A_109 : vector<8x1xf32> to vector<8x125xf32>
      %mul3A_114 = vector.broadcast %broadcast_in_dim3A_112 : vector<1x125xf32> to vector<8x125xf32>
      %mul3A_115 = arith.mulf %mul3A_113, %mul3A_114 : vector<8x125xf32>
      %div3A_116 = arith.divf %sub3A_106, %mul3A_115 : vector<8x125xf32>
      %reshape3A_117 = vector.shape_cast %div3A_116 : vector<8x125xf32> to vector<1x8x125xf32>
      %slice3A_118 = vector.extract_strided_slice %reshape3A_42 {offsets = [3, 0, 0], sizes = [1, 125, 256], strides = [1, 1, 1]} : vector<8x125x256xf32> to vector<1x125x256xf32>
      %squeeze3A_119 = vector.shape_cast %slice3A_118 : vector<1x125x256xf32> to vector<125x256xf32>
      %dot_general3A_120 = arith.constant dense<0.000000e+00> : vector<8x125xf32>
      %dot_general3A_121 = tpu.matmul %get3A_9, %squeeze3A_119, %dot_general3A_120 {dimension_numbers = #tpu.dot_dimension_numbers<[1], [1], [0], [0], [0, 0, 1, 0], [], []>, transpose_lhs_hint = false} : vector<8x256xf32>, vector<125x256xf32>, vector<8x125xf32> -> vector<8x125xf32>
      %slice3A_122 = vector.extract_strided_slice %dot_general3A_121 {offsets = [3, 0], sizes = [1, 125], strides = [1, 1]} : vector<8x125xf32> to vector<1x125xf32>
      %squeeze3A_123 = vector.shape_cast %slice3A_122 : vector<1x125xf32> to vector<125xf32>
      %broadcast_in_dim3A_124 = vector.shape_cast %squeeze3A_123 : vector<125xf32> to vector<1x125xf32>
      %sub3A_125 = vector.broadcast %broadcast_in_dim3A_124 : vector<1x125xf32> to vector<8x125xf32>
      %sub3A_126 = arith.subf %sub3A_125, %dot_general3A_121 : vector<8x125xf32>
      %slice3A_127 = vector.extract_strided_slice %max3A_60 {offsets = [3, 0], sizes = [1, 8], strides = [1, 1]} : vector<8x8xf32> to vector<1x8xf32>
      %squeeze3A_128 = vector.shape_cast %slice3A_127 : vector<1x8xf32> to vector<8xf32>
      %broadcast_in_dim3A_129 = vector.shape_cast %squeeze3A_128 : vector<8xf32> to vector<8x1xf32>
      %slice3A_130 = vector.extract_strided_slice %max3A_48 {offsets = [3, 0], sizes = [1, 125], strides = [1, 1]} : vector<8x125xf32> to vector<1x125xf32>
      %squeeze3A_131 = vector.shape_cast %slice3A_130 : vector<1x125xf32> to vector<125xf32>
      %broadcast_in_dim3A_132 = vector.shape_cast %squeeze3A_131 : vector<125xf32> to vector<1x125xf32>
      %mul3A_133 = vector.broadcast %broadcast_in_dim3A_129 : vector<8x1xf32> to vector<8x125xf32>
      %mul3A_134 = vector.broadcast %broadcast_in_dim3A_132 : vector<1x125xf32> to vector<8x125xf32>
      %mul3A_135 = arith.mulf %mul3A_133, %mul3A_134 : vector<8x125xf32>
      %div3A_136 = arith.divf %sub3A_126, %mul3A_135 : vector<8x125xf32>
      %reshape3A_137 = vector.shape_cast %div3A_136 : vector<8x125xf32> to vector<1x8x125xf32>
      %slice3A_138 = vector.extract_strided_slice %reshape3A_42 {offsets = [4, 0, 0], sizes = [1, 125, 256], strides = [1, 1, 1]} : vector<8x125x256xf32> to vector<1x125x256xf32>
      %squeeze3A_139 = vector.shape_cast %slice3A_138 : vector<1x125x256xf32> to vector<125x256xf32>
      %dot_general3A_140 = arith.constant dense<0.000000e+00> : vector<8x125xf32>
      %dot_general3A_141 = tpu.matmul %get3A_9, %squeeze3A_139, %dot_general3A_140 {dimension_numbers = #tpu.dot_dimension_numbers<[1], [1], [0], [0], [0, 0, 1, 0], [], []>, transpose_lhs_hint = false} : vector<8x256xf32>, vector<125x256xf32>, vector<8x125xf32> -> vector<8x125xf32>
      %slice3A_142 = vector.extract_strided_slice %dot_general3A_141 {offsets = [4, 0], sizes = [1, 125], strides = [1, 1]} : vector<8x125xf32> to vector<1x125xf32>
      %squeeze3A_143 = vector.shape_cast %slice3A_142 : vector<1x125xf32> to vector<125xf32>
      %broadcast_in_dim3A_144 = vector.shape_cast %squeeze3A_143 : vector<125xf32> to vector<1x125xf32>
      %sub3A_145 = vector.broadcast %broadcast_in_dim3A_144 : vector<1x125xf32> to vector<8x125xf32>
      %sub3A_146 = arith.subf %sub3A_145, %dot_general3A_141 : vector<8x125xf32>
      %slice3A_147 = vector.extract_strided_slice %max3A_60 {offsets = [4, 0], sizes = [1, 8], strides = [1, 1]} : vector<8x8xf32> to vector<1x8xf32>
      %squeeze3A_148 = vector.shape_cast %slice3A_147 : vector<1x8xf32> to vector<8xf32>
      %broadcast_in_dim3A_149 = vector.shape_cast %squeeze3A_148 : vector<8xf32> to vector<8x1xf32>
      %slice3A_150 = vector.extract_strided_slice %max3A_48 {offsets = [4, 0], sizes = [1, 125], strides = [1, 1]} : vector<8x125xf32> to vector<1x125xf32>
      %squeeze3A_151 = vector.shape_cast %slice3A_150 : vector<1x125xf32> to vector<125xf32>
      %broadcast_in_dim3A_152 = vector.shape_cast %squeeze3A_151 : vector<125xf32> to vector<1x125xf32>
      %mul3A_153 = vector.broadcast %broadcast_in_dim3A_149 : vector<8x1xf32> to vector<8x125xf32>
      %mul3A_154 = vector.broadcast %broadcast_in_dim3A_152 : vector<1x125xf32> to vector<8x125xf32>
      %mul3A_155 = arith.mulf %mul3A_153, %mul3A_154 : vector<8x125xf32>
      %div3A_156 = arith.divf %sub3A_146, %mul3A_155 : vector<8x125xf32>
      %reshape3A_157 = vector.shape_cast %div3A_156 : vector<8x125xf32> to vector<1x8x125xf32>
      %slice3A_158 = vector.extract_strided_slice %reshape3A_42 {offsets = [5, 0, 0], sizes = [1, 125, 256], strides = [1, 1, 1]} : vector<8x125x256xf32> to vector<1x125x256xf32>
      %squeeze3A_159 = vector.shape_cast %slice3A_158 : vector<1x125x256xf32> to vector<125x256xf32>
      %dot_general3A_160 = arith.constant dense<0.000000e+00> : vector<8x125xf32>
      %dot_general3A_161 = tpu.matmul %get3A_9, %squeeze3A_159, %dot_general3A_160 {dimension_numbers = #tpu.dot_dimension_numbers<[1], [1], [0], [0], [0, 0, 1, 0], [], []>, transpose_lhs_hint = false} : vector<8x256xf32>, vector<125x256xf32>, vector<8x125xf32> -> vector<8x125xf32>
      %slice3A_162 = vector.extract_strided_slice %dot_general3A_161 {offsets = [5, 0], sizes = [1, 125], strides = [1, 1]} : vector<8x125xf32> to vector<1x125xf32>
      %squeeze3A_163 = vector.shape_cast %slice3A_162 : vector<1x125xf32> to vector<125xf32>
      %broadcast_in_dim3A_164 = vector.shape_cast %squeeze3A_163 : vector<125xf32> to vector<1x125xf32>
      %sub3A_165 = vector.broadcast %broadcast_in_dim3A_164 : vector<1x125xf32> to vector<8x125xf32>
      %sub3A_166 = arith.subf %sub3A_165, %dot_general3A_161 : vector<8x125xf32>
      %slice3A_167 = vector.extract_strided_slice %max3A_60 {offsets = [5, 0], sizes = [1, 8], strides = [1, 1]} : vector<8x8xf32> to vector<1x8xf32>
      %squeeze3A_168 = vector.shape_cast %slice3A_167 : vector<1x8xf32> to vector<8xf32>
      %broadcast_in_dim3A_169 = vector.shape_cast %squeeze3A_168 : vector<8xf32> to vector<8x1xf32>
      %slice3A_170 = vector.extract_strided_slice %max3A_48 {offsets = [5, 0], sizes = [1, 125], strides = [1, 1]} : vector<8x125xf32> to vector<1x125xf32>
      %squeeze3A_171 = vector.shape_cast %slice3A_170 : vector<1x125xf32> to vector<125xf32>
      %broadcast_in_dim3A_172 = vector.shape_cast %squeeze3A_171 : vector<125xf32> to vector<1x125xf32>
      %mul3A_173 = vector.broadcast %broadcast_in_dim3A_169 : vector<8x1xf32> to vector<8x125xf32>
      %mul3A_174 = vector.broadcast %broadcast_in_dim3A_172 : vector<1x125xf32> to vector<8x125xf32>
      %mul3A_175 = arith.mulf %mul3A_173, %mul3A_174 : vector<8x125xf32>
      %div3A_176 = arith.divf %sub3A_166, %mul3A_175 : vector<8x125xf32>
      %reshape3A_177 = vector.shape_cast %div3A_176 : vector<8x125xf32> to vector<1x8x125xf32>
      %slice3A_178 = vector.extract_strided_slice %reshape3A_42 {offsets = [6, 0, 0], sizes = [1, 125, 256], strides = [1, 1, 1]} : vector<8x125x256xf32> to vector<1x125x256xf32>
      %squeeze3A_179 = vector.shape_cast %slice3A_178 : vector<1x125x256xf32> to vector<125x256xf32>
      %dot_general3A_180 = arith.constant dense<0.000000e+00> : vector<8x125xf32>
      %dot_general3A_181 = tpu.matmul %get3A_9, %squeeze3A_179, %dot_general3A_180 {dimension_numbers = #tpu.dot_dimension_numbers<[1], [1], [0], [0], [0, 0, 1, 0], [], []>, transpose_lhs_hint = false} : vector<8x256xf32>, vector<125x256xf32>, vector<8x125xf32> -> vector<8x125xf32>
      %slice3A_182 = vector.extract_strided_slice %dot_general3A_181 {offsets = [6, 0], sizes = [1, 125], strides = [1, 1]} : vector<8x125xf32> to vector<1x125xf32>
      %squeeze3A_183 = vector.shape_cast %slice3A_182 : vector<1x125xf32> to vector<125xf32>
      %broadcast_in_dim3A_184 = vector.shape_cast %squeeze3A_183 : vector<125xf32> to vector<1x125xf32>
      %sub3A_185 = vector.broadcast %broadcast_in_dim3A_184 : vector<1x125xf32> to vector<8x125xf32>
      %sub3A_186 = arith.subf %sub3A_185, %dot_general3A_181 : vector<8x125xf32>
      %slice3A_187 = vector.extract_strided_slice %max3A_60 {offsets = [6, 0], sizes = [1, 8], strides = [1, 1]} : vector<8x8xf32> to vector<1x8xf32>
      %squeeze3A_188 = vector.shape_cast %slice3A_187 : vector<1x8xf32> to vector<8xf32>
      %broadcast_in_dim3A_189 = vector.shape_cast %squeeze3A_188 : vector<8xf32> to vector<8x1xf32>
      %slice3A_190 = vector.extract_strided_slice %max3A_48 {offsets = [6, 0], sizes = [1, 125], strides = [1, 1]} : vector<8x125xf32> to vector<1x125xf32>
      %squeeze3A_191 = vector.shape_cast %slice3A_190 : vector<1x125xf32> to vector<125xf32>
      %broadcast_in_dim3A_192 = vector.shape_cast %squeeze3A_191 : vector<125xf32> to vector<1x125xf32>
      %mul3A_193 = vector.broadcast %broadcast_in_dim3A_189 : vector<8x1xf32> to vector<8x125xf32>
      %mul3A_194 = vector.broadcast %broadcast_in_dim3A_192 : vector<1x125xf32> to vector<8x125xf32>
      %mul3A_195 = arith.mulf %mul3A_193, %mul3A_194 : vector<8x125xf32>
      %div3A_196 = arith.divf %sub3A_186, %mul3A_195 : vector<8x125xf32>
      %reshape3A_197 = vector.shape_cast %div3A_196 : vector<8x125xf32> to vector<1x8x125xf32>
      %slice3A_198 = vector.extract_strided_slice %reshape3A_42 {offsets = [7, 0, 0], sizes = [1, 125, 256], strides = [1, 1, 1]} : vector<8x125x256xf32> to vector<1x125x256xf32>
      %squeeze3A_199 = vector.shape_cast %slice3A_198 : vector<1x125x256xf32> to vector<125x256xf32>
      %dot_general3A_200 = arith.constant dense<0.000000e+00> : vector<8x125xf32>
      %dot_general3A_201 = tpu.matmul %get3A_9, %squeeze3A_199, %dot_general3A_200 {dimension_numbers = #tpu.dot_dimension_numbers<[1], [1], [0], [0], [0, 0, 1, 0], [], []>, transpose_lhs_hint = false} : vector<8x256xf32>, vector<125x256xf32>, vector<8x125xf32> -> vector<8x125xf32>
      %slice3A_202 = vector.extract_strided_slice %dot_general3A_201 {offsets = [7, 0], sizes = [1, 125], strides = [1, 1]} : vector<8x125xf32> to vector<1x125xf32>
      %squeeze3A_203 = vector.shape_cast %slice3A_202 : vector<1x125xf32> to vector<125xf32>
      %broadcast_in_dim3A_204 = vector.shape_cast %squeeze3A_203 : vector<125xf32> to vector<1x125xf32>
      %sub3A_205 = vector.broadcast %broadcast_in_dim3A_204 : vector<1x125xf32> to vector<8x125xf32>
      %sub3A_206 = arith.subf %sub3A_205, %dot_general3A_201 : vector<8x125xf32>
      %slice3A_207 = vector.extract_strided_slice %max3A_60 {offsets = [7, 0], sizes = [1, 8], strides = [1, 1]} : vector<8x8xf32> to vector<1x8xf32>
      %squeeze3A_208 = vector.shape_cast %slice3A_207 : vector<1x8xf32> to vector<8xf32>
      %broadcast_in_dim3A_209 = vector.shape_cast %squeeze3A_208 : vector<8xf32> to vector<8x1xf32>
      %slice3A_210 = vector.extract_strided_slice %max3A_48 {offsets = [7, 0], sizes = [1, 125], strides = [1, 1]} : vector<8x125xf32> to vector<1x125xf32>
      %squeeze3A_211 = vector.shape_cast %slice3A_210 : vector<1x125xf32> to vector<125xf32>
      %broadcast_in_dim3A_212 = vector.shape_cast %squeeze3A_211 : vector<125xf32> to vector<1x125xf32>
      %mul3A_213 = vector.broadcast %broadcast_in_dim3A_209 : vector<8x1xf32> to vector<8x125xf32>
      %mul3A_214 = vector.broadcast %broadcast_in_dim3A_212 : vector<1x125xf32> to vector<8x125xf32>
      %mul3A_215 = arith.mulf %mul3A_213, %mul3A_214 : vector<8x125xf32>
      %div3A_216 = arith.divf %sub3A_206, %mul3A_215 : vector<8x125xf32>
      %reshape3A_217 = vector.shape_cast %div3A_216 : vector<8x125xf32> to vector<1x8x125xf32>
      %concatenate3A = tpu.concatenate %reshape3A_77, %reshape3A_97, %reshape3A_117, %reshape3A_137, %reshape3A_157, %reshape3A_177, %reshape3A_197, %reshape3A_217 in 0 : vector<1x8x125xf32>, vector<1x8x125xf32>, vector<1x8x125xf32>, vector<1x8x125xf32>, vector<1x8x125xf32>, vector<1x8x125xf32>, vector<1x8x125xf32>, vector<1x8x125xf32> -> vector<8x8x125xf32>
      %bitcast_convert_type3A = tpu.bitcast %concatenate3A : vector<8x8x125xf32> -> vector<8x8x125xi32>
      %shift_right_arithmetic3A = arith.constant 31 : i32
      %shift_right_arithmetic3A_218 = vector.broadcast %shift_right_arithmetic3A : i32 to vector<8x8x125xi32>
      %shift_right_arithmetic3A_219 = arith.shrsi %bitcast_convert_type3A, %shift_right_arithmetic3A_218 : vector<8x8x125xi32>
      %or3A = arith.constant -2147483648 : i32
      %or3A_220 = vector.broadcast %or3A : i32 to vector<8x8x125xi32>
      %or3A_221 = arith.ori %shift_right_arithmetic3A_219, %or3A_220 : vector<8x8x125xi32>
      %xor3A = arith.xori %bitcast_convert_type3A, %or3A_221 : vector<8x8x125xi32>
      %bitcast_convert_type3A_222 = tpu.bitcast %xor3A : vector<8x8x125xi32> -> vector<8x8x125xi32>
      %broadcast_in_dim3A_223 = arith.constant 0 : i32
      %broadcast_in_dim3A_224 = vector.broadcast %broadcast_in_dim3A_223 : i32 to vector<8x8x1xi32>
      %or3A_225 = arith.constant -2147483648 : i32
      %or3A_226 = vector.broadcast %or3A_225 : i32 to vector<8x8x1xi32>
      %or3A_227 = arith.ori %broadcast_in_dim3A_224, %or3A_226 : vector<8x8x1xi32>
      %lt3A = vector.broadcast %or3A_227 : vector<8x8x1xi32> to vector<8x8x125xi32>
      %lt3A_228 = arith.cmpi ult, %bitcast_convert_type3A_222, %lt3A : vector<8x8x125xi32>
      %convert_element_type3A_229 = arith.extui %lt3A_228 : vector<8x8x125xi1> to vector<8x8x125xi32>
      %convert_element_type3A_230 = arith.sitofp %convert_element_type3A_229 : vector<8x8x125xi32> to vector<8x8x125xf32>
      %reduce_sum3A_231 = arith.constant dense<0.000000e+00> : vector<8x8xf32>
      %reduce_sum3A_232 = vector.multi_reduction <add>, %convert_element_type3A_230, %reduce_sum3A_231 [2] : vector<8x8x125xf32> to vector<8x8xf32>
      %broadcast_in_dim3A_233 = vector.shape_cast %reduce_sum3A_232 : vector<8x8xf32> to vector<8x8x1xf32>
      %le3A = arith.constant 1.200000e+01 : f32
      %le3A_234 = vector.broadcast %le3A : f32 to vector<8x8x1xf32>
      %le3A_235 = arith.cmpf ole, %broadcast_in_dim3A_233, %le3A_234 : vector<8x8x1xf32>
      %select_n3A = arith.select %le3A_235, %or3A_227, %broadcast_in_dim3A_224 : vector<8x8x1xi1>, vector<8x8x1xi32>
      %or3A_236 = arith.constant 1073741824 : i32
      %or3A_237 = vector.broadcast %or3A_236 : i32 to vector<8x8x1xi32>
      %or3A_238 = arith.ori %select_n3A, %or3A_237 : vector<8x8x1xi32>
      %lt3A_239 = vector.broadcast %or3A_238 : vector<8x8x1xi32> to vector<8x8x125xi32>
      %lt3A_240 = arith.cmpi ult, %bitcast_convert_type3A_222, %lt3A_239 : vector<8x8x125xi32>
      %convert_element_type3A_241 = arith.extui %lt3A_240 : vector<8x8x125xi1> to vector<8x8x125xi32>
      %convert_element_type3A_242 = arith.sitofp %convert_element_type3A_241 : vector<8x8x125xi32> to vector<8x8x125xf32>
      %reduce_sum3A_243 = arith.constant dense<0.000000e+00> : vector<8x8xf32>
      %reduce_sum3A_244 = vector.multi_reduction <add>, %convert_element_type3A_242, %reduce_sum3A_243 [2] : vector<8x8x125xf32> to vector<8x8xf32>
      %broadcast_in_dim3A_245 = vector.shape_cast %reduce_sum3A_244 : vector<8x8xf32> to vector<8x8x1xf32>
      %le3A_246 = arith.constant 1.200000e+01 : f32
      %le3A_247 = vector.broadcast %le3A_246 : f32 to vector<8x8x1xf32>
      %le3A_248 = arith.cmpf ole, %broadcast_in_dim3A_245, %le3A_247 : vector<8x8x1xf32>
      %select_n3A_249 = arith.select %le3A_248, %or3A_238, %select_n3A : vector<8x8x1xi1>, vector<8x8x1xi32>
      %or3A_250 = arith.constant 536870912 : i32
      %or3A_251 = vector.broadcast %or3A_250 : i32 to vector<8x8x1xi32>
      %or3A_252 = arith.ori %select_n3A_249, %or3A_251 : vector<8x8x1xi32>
      %lt3A_253 = vector.broadcast %or3A_252 : vector<8x8x1xi32> to vector<8x8x125xi32>
      %lt3A_254 = arith.cmpi ult, %bitcast_convert_type3A_222, %lt3A_253 : vector<8x8x125xi32>
      %convert_element_type3A_255 = arith.extui %lt3A_254 : vector<8x8x125xi1> to vector<8x8x125xi32>
      %convert_element_type3A_256 = arith.sitofp %convert_element_type3A_255 : vector<8x8x125xi32> to vector<8x8x125xf32>
      %reduce_sum3A_257 = arith.constant dense<0.000000e+00> : vector<8x8xf32>
      %reduce_sum3A_258 = vector.multi_reduction <add>, %convert_element_type3A_256, %reduce_sum3A_257 [2] : vector<8x8x125xf32> to vector<8x8xf32>
      %broadcast_in_dim3A_259 = vector.shape_cast %reduce_sum3A_258 : vector<8x8xf32> to vector<8x8x1xf32>
      %le3A_260 = arith.constant 1.200000e+01 : f32
      %le3A_261 = vector.broadcast %le3A_260 : f32 to vector<8x8x1xf32>
      %le3A_262 = arith.cmpf ole, %broadcast_in_dim3A_259, %le3A_261 : vector<8x8x1xf32>
      %select_n3A_263 = arith.select %le3A_262, %or3A_252, %select_n3A_249 : vector<8x8x1xi1>, vector<8x8x1xi32>
      %or3A_264 = arith.constant 268435456 : i32
      %or3A_265 = vector.broadcast %or3A_264 : i32 to vector<8x8x1xi32>
      %or3A_266 = arith.ori %select_n3A_263, %or3A_265 : vector<8x8x1xi32>
      %lt3A_267 = vector.broadcast %or3A_266 : vector<8x8x1xi32> to vector<8x8x125xi32>
      %lt3A_268 = arith.cmpi ult, %bitcast_convert_type3A_222, %lt3A_267 : vector<8x8x125xi32>
      %convert_element_type3A_269 = arith.extui %lt3A_268 : vector<8x8x125xi1> to vector<8x8x125xi32>
      %convert_element_type3A_270 = arith.sitofp %convert_element_type3A_269 : vector<8x8x125xi32> to vector<8x8x125xf32>
      %reduce_sum3A_271 = arith.constant dense<0.000000e+00> : vector<8x8xf32>
      %reduce_sum3A_272 = vector.multi_reduction <add>, %convert_element_type3A_270, %reduce_sum3A_271 [2] : vector<8x8x125xf32> to vector<8x8xf32>
      %broadcast_in_dim3A_273 = vector.shape_cast %reduce_sum3A_272 : vector<8x8xf32> to vector<8x8x1xf32>
      %le3A_274 = arith.constant 1.200000e+01 : f32
      %le3A_275 = vector.broadcast %le3A_274 : f32 to vector<8x8x1xf32>
      %le3A_276 = arith.cmpf ole, %broadcast_in_dim3A_273, %le3A_275 : vector<8x8x1xf32>
      %select_n3A_277 = arith.select %le3A_276, %or3A_266, %select_n3A_263 : vector<8x8x1xi1>, vector<8x8x1xi32>
      %or3A_278 = arith.constant 134217728 : i32
      %or3A_279 = vector.broadcast %or3A_278 : i32 to vector<8x8x1xi32>
      %or3A_280 = arith.ori %select_n3A_277, %or3A_279 : vector<8x8x1xi32>
      %lt3A_281 = vector.broadcast %or3A_280 : vector<8x8x1xi32> to vector<8x8x125xi32>
      %lt3A_282 = arith.cmpi ult, %bitcast_convert_type3A_222, %lt3A_281 : vector<8x8x125xi32>
      %convert_element_type3A_283 = arith.extui %lt3A_282 : vector<8x8x125xi1> to vector<8x8x125xi32>
      %convert_element_type3A_284 = arith.sitofp %convert_element_type3A_283 : vector<8x8x125xi32> to vector<8x8x125xf32>
      %reduce_sum3A_285 = arith.constant dense<0.000000e+00> : vector<8x8xf32>
      %reduce_sum3A_286 = vector.multi_reduction <add>, %convert_element_type3A_284, %reduce_sum3A_285 [2] : vector<8x8x125xf32> to vector<8x8xf32>
      %broadcast_in_dim3A_287 = vector.shape_cast %reduce_sum3A_286 : vector<8x8xf32> to vector<8x8x1xf32>
      %le3A_288 = arith.constant 1.200000e+01 : f32
      %le3A_289 = vector.broadcast %le3A_288 : f32 to vector<8x8x1xf32>
      %le3A_290 = arith.cmpf ole, %broadcast_in_dim3A_287, %le3A_289 : vector<8x8x1xf32>
      %select_n3A_291 = arith.select %le3A_290, %or3A_280, %select_n3A_277 : vector<8x8x1xi1>, vector<8x8x1xi32>
      %or3A_292 = arith.constant 67108864 : i32
      %or3A_293 = vector.broadcast %or3A_292 : i32 to vector<8x8x1xi32>
      %or3A_294 = arith.ori %select_n3A_291, %or3A_293 : vector<8x8x1xi32>
      %lt3A_295 = vector.broadcast %or3A_294 : vector<8x8x1xi32> to vector<8x8x125xi32>
      %lt3A_296 = arith.cmpi ult, %bitcast_convert_type3A_222, %lt3A_295 : vector<8x8x125xi32>
      %convert_element_type3A_297 = arith.extui %lt3A_296 : vector<8x8x125xi1> to vector<8x8x125xi32>
      %convert_element_type3A_298 = arith.sitofp %convert_element_type3A_297 : vector<8x8x125xi32> to vector<8x8x125xf32>
      %reduce_sum3A_299 = arith.constant dense<0.000000e+00> : vector<8x8xf32>
      %reduce_sum3A_300 = vector.multi_reduction <add>, %convert_element_type3A_298, %reduce_sum3A_299 [2] : vector<8x8x125xf32> to vector<8x8xf32>
      %broadcast_in_dim3A_301 = vector.shape_cast %reduce_sum3A_300 : vector<8x8xf32> to vector<8x8x1xf32>
      %le3A_302 = arith.constant 1.200000e+01 : f32
      %le3A_303 = vector.broadcast %le3A_302 : f32 to vector<8x8x1xf32>
      %le3A_304 = arith.cmpf ole, %broadcast_in_dim3A_301, %le3A_303 : vector<8x8x1xf32>
      %select_n3A_305 = arith.select %le3A_304, %or3A_294, %select_n3A_291 : vector<8x8x1xi1>, vector<8x8x1xi32>
      %or3A_306 = arith.constant 33554432 : i32
      %or3A_307 = vector.broadcast %or3A_306 : i32 to vector<8x8x1xi32>
      %or3A_308 = arith.ori %select_n3A_305, %or3A_307 : vector<8x8x1xi32>
      %lt3A_309 = vector.broadcast %or3A_308 : vector<8x8x1xi32> to vector<8x8x125xi32>
      %lt3A_310 = arith.cmpi ult, %bitcast_convert_type3A_222, %lt3A_309 : vector<8x8x125xi32>
      %convert_element_type3A_311 = arith.extui %lt3A_310 : vector<8x8x125xi1> to vector<8x8x125xi32>
      %convert_element_type3A_312 = arith.sitofp %convert_element_type3A_311 : vector<8x8x125xi32> to vector<8x8x125xf32>
      %reduce_sum3A_313 = arith.constant dense<0.000000e+00> : vector<8x8xf32>
      %reduce_sum3A_314 = vector.multi_reduction <add>, %convert_element_type3A_312, %reduce_sum3A_313 [2] : vector<8x8x125xf32> to vector<8x8xf32>
      %broadcast_in_dim3A_315 = vector.shape_cast %reduce_sum3A_314 : vector<8x8xf32> to vector<8x8x1xf32>
      %le3A_316 = arith.constant 1.200000e+01 : f32
      %le3A_317 = vector.broadcast %le3A_316 : f32 to vector<8x8x1xf32>
      %le3A_318 = arith.cmpf ole, %broadcast_in_dim3A_315, %le3A_317 : vector<8x8x1xf32>
      %select_n3A_319 = arith.select %le3A_318, %or3A_308, %select_n3A_305 : vector<8x8x1xi1>, vector<8x8x1xi32>
      %or3A_320 = arith.constant 16777216 : i32
      %or3A_321 = vector.broadcast %or3A_320 : i32 to vector<8x8x1xi32>
      %or3A_322 = arith.ori %select_n3A_319, %or3A_321 : vector<8x8x1xi32>
      %lt3A_323 = vector.broadcast %or3A_322 : vector<8x8x1xi32> to vector<8x8x125xi32>
      %lt3A_324 = arith.cmpi ult, %bitcast_convert_type3A_222, %lt3A_323 : vector<8x8x125xi32>
      %convert_element_type3A_325 = arith.extui %lt3A_324 : vector<8x8x125xi1> to vector<8x8x125xi32>
      %convert_element_type3A_326 = arith.sitofp %convert_element_type3A_325 : vector<8x8x125xi32> to vector<8x8x125xf32>
      %reduce_sum3A_327 = arith.constant dense<0.000000e+00> : vector<8x8xf32>
      %reduce_sum3A_328 = vector.multi_reduction <add>, %convert_element_type3A_326, %reduce_sum3A_327 [2] : vector<8x8x125xf32> to vector<8x8xf32>
      %broadcast_in_dim3A_329 = vector.shape_cast %reduce_sum3A_328 : vector<8x8xf32> to vector<8x8x1xf32>
      %le3A_330 = arith.constant 1.200000e+01 : f32
      %le3A_331 = vector.broadcast %le3A_330 : f32 to vector<8x8x1xf32>
      %le3A_332 = arith.cmpf ole, %broadcast_in_dim3A_329, %le3A_331 : vector<8x8x1xf32>
      %select_n3A_333 = arith.select %le3A_332, %or3A_322, %select_n3A_319 : vector<8x8x1xi1>, vector<8x8x1xi32>
      %or3A_334 = arith.constant 8388608 : i32
      %or3A_335 = vector.broadcast %or3A_334 : i32 to vector<8x8x1xi32>
      %or3A_336 = arith.ori %select_n3A_333, %or3A_335 : vector<8x8x1xi32>
      %lt3A_337 = vector.broadcast %or3A_336 : vector<8x8x1xi32> to vector<8x8x125xi32>
      %lt3A_338 = arith.cmpi ult, %bitcast_convert_type3A_222, %lt3A_337 : vector<8x8x125xi32>
      %convert_element_type3A_339 = arith.extui %lt3A_338 : vector<8x8x125xi1> to vector<8x8x125xi32>
      %convert_element_type3A_340 = arith.sitofp %convert_element_type3A_339 : vector<8x8x125xi32> to vector<8x8x125xf32>
      %reduce_sum3A_341 = arith.constant dense<0.000000e+00> : vector<8x8xf32>
      %reduce_sum3A_342 = vector.multi_reduction <add>, %convert_element_type3A_340, %reduce_sum3A_341 [2] : vector<8x8x125xf32> to vector<8x8xf32>
      %broadcast_in_dim3A_343 = vector.shape_cast %reduce_sum3A_342 : vector<8x8xf32> to vector<8x8x1xf32>
      %le3A_344 = arith.constant 1.200000e+01 : f32
      %le3A_345 = vector.broadcast %le3A_344 : f32 to vector<8x8x1xf32>
      %le3A_346 = arith.cmpf ole, %broadcast_in_dim3A_343, %le3A_345 : vector<8x8x1xf32>
      %select_n3A_347 = arith.select %le3A_346, %or3A_336, %select_n3A_333 : vector<8x8x1xi1>, vector<8x8x1xi32>
      %or3A_348 = arith.constant 4194304 : i32
      %or3A_349 = vector.broadcast %or3A_348 : i32 to vector<8x8x1xi32>
      %or3A_350 = arith.ori %select_n3A_347, %or3A_349 : vector<8x8x1xi32>
      %lt3A_351 = vector.broadcast %or3A_350 : vector<8x8x1xi32> to vector<8x8x125xi32>
      %lt3A_352 = arith.cmpi ult, %bitcast_convert_type3A_222, %lt3A_351 : vector<8x8x125xi32>
      %convert_element_type3A_353 = arith.extui %lt3A_352 : vector<8x8x125xi1> to vector<8x8x125xi32>
      %convert_element_type3A_354 = arith.sitofp %convert_element_type3A_353 : vector<8x8x125xi32> to vector<8x8x125xf32>
      %reduce_sum3A_355 = arith.constant dense<0.000000e+00> : vector<8x8xf32>
      %reduce_sum3A_356 = vector.multi_reduction <add>, %convert_element_type3A_354, %reduce_sum3A_355 [2] : vector<8x8x125xf32> to vector<8x8xf32>
      %broadcast_in_dim3A_357 = vector.shape_cast %reduce_sum3A_356 : vector<8x8xf32> to vector<8x8x1xf32>
      %le3A_358 = arith.constant 1.200000e+01 : f32
      %le3A_359 = vector.broadcast %le3A_358 : f32 to vector<8x8x1xf32>
      %le3A_360 = arith.cmpf ole, %broadcast_in_dim3A_357, %le3A_359 : vector<8x8x1xf32>
      %select_n3A_361 = arith.select %le3A_360, %or3A_350, %select_n3A_347 : vector<8x8x1xi1>, vector<8x8x1xi32>
      %or3A_362 = arith.constant 2097152 : i32
      %or3A_363 = vector.broadcast %or3A_362 : i32 to vector<8x8x1xi32>
      %or3A_364 = arith.ori %select_n3A_361, %or3A_363 : vector<8x8x1xi32>
      %lt3A_365 = vector.broadcast %or3A_364 : vector<8x8x1xi32> to vector<8x8x125xi32>
      %lt3A_366 = arith.cmpi ult, %bitcast_convert_type3A_222, %lt3A_365 : vector<8x8x125xi32>
      %convert_element_type3A_367 = arith.extui %lt3A_366 : vector<8x8x125xi1> to vector<8x8x125xi32>
      %convert_element_type3A_368 = arith.sitofp %convert_element_type3A_367 : vector<8x8x125xi32> to vector<8x8x125xf32>
      %reduce_sum3A_369 = arith.constant dense<0.000000e+00> : vector<8x8xf32>
      %reduce_sum3A_370 = vector.multi_reduction <add>, %convert_element_type3A_368, %reduce_sum3A_369 [2] : vector<8x8x125xf32> to vector<8x8xf32>
      %broadcast_in_dim3A_371 = vector.shape_cast %reduce_sum3A_370 : vector<8x8xf32> to vector<8x8x1xf32>
      %le3A_372 = arith.constant 1.200000e+01 : f32
      %le3A_373 = vector.broadcast %le3A_372 : f32 to vector<8x8x1xf32>
      %le3A_374 = arith.cmpf ole, %broadcast_in_dim3A_371, %le3A_373 : vector<8x8x1xf32>
      %select_n3A_375 = arith.select %le3A_374, %or3A_364, %select_n3A_361 : vector<8x8x1xi1>, vector<8x8x1xi32>
      %or3A_376 = arith.constant 1048576 : i32
      %or3A_377 = vector.broadcast %or3A_376 : i32 to vector<8x8x1xi32>
      %or3A_378 = arith.ori %select_n3A_375, %or3A_377 : vector<8x8x1xi32>
      %lt3A_379 = vector.broadcast %or3A_378 : vector<8x8x1xi32> to vector<8x8x125xi32>
      %lt3A_380 = arith.cmpi ult, %bitcast_convert_type3A_222, %lt3A_379 : vector<8x8x125xi32>
      %convert_element_type3A_381 = arith.extui %lt3A_380 : vector<8x8x125xi1> to vector<8x8x125xi32>
      %convert_element_type3A_382 = arith.sitofp %convert_element_type3A_381 : vector<8x8x125xi32> to vector<8x8x125xf32>
      %reduce_sum3A_383 = arith.constant dense<0.000000e+00> : vector<8x8xf32>
      %reduce_sum3A_384 = vector.multi_reduction <add>, %convert_element_type3A_382, %reduce_sum3A_383 [2] : vector<8x8x125xf32> to vector<8x8xf32>
      %broadcast_in_dim3A_385 = vector.shape_cast %reduce_sum3A_384 : vector<8x8xf32> to vector<8x8x1xf32>
      %le3A_386 = arith.constant 1.200000e+01 : f32
      %le3A_387 = vector.broadcast %le3A_386 : f32 to vector<8x8x1xf32>
      %le3A_388 = arith.cmpf ole, %broadcast_in_dim3A_385, %le3A_387 : vector<8x8x1xf32>
      %select_n3A_389 = arith.select %le3A_388, %or3A_378, %select_n3A_375 : vector<8x8x1xi1>, vector<8x8x1xi32>
      %or3A_390 = arith.constant 524288 : i32
      %or3A_391 = vector.broadcast %or3A_390 : i32 to vector<8x8x1xi32>
      %or3A_392 = arith.ori %select_n3A_389, %or3A_391 : vector<8x8x1xi32>
      %lt3A_393 = vector.broadcast %or3A_392 : vector<8x8x1xi32> to vector<8x8x125xi32>
      %lt3A_394 = arith.cmpi ult, %bitcast_convert_type3A_222, %lt3A_393 : vector<8x8x125xi32>
      %convert_element_type3A_395 = arith.extui %lt3A_394 : vector<8x8x125xi1> to vector<8x8x125xi32>
      %convert_element_type3A_396 = arith.sitofp %convert_element_type3A_395 : vector<8x8x125xi32> to vector<8x8x125xf32>
      %reduce_sum3A_397 = arith.constant dense<0.000000e+00> : vector<8x8xf32>
      %reduce_sum3A_398 = vector.multi_reduction <add>, %convert_element_type3A_396, %reduce_sum3A_397 [2] : vector<8x8x125xf32> to vector<8x8xf32>
      %broadcast_in_dim3A_399 = vector.shape_cast %reduce_sum3A_398 : vector<8x8xf32> to vector<8x8x1xf32>
      %le3A_400 = arith.constant 1.200000e+01 : f32
      %le3A_401 = vector.broadcast %le3A_400 : f32 to vector<8x8x1xf32>
      %le3A_402 = arith.cmpf ole, %broadcast_in_dim3A_399, %le3A_401 : vector<8x8x1xf32>
      %select_n3A_403 = arith.select %le3A_402, %or3A_392, %select_n3A_389 : vector<8x8x1xi1>, vector<8x8x1xi32>
      %or3A_404 = arith.constant 262144 : i32
      %or3A_405 = vector.broadcast %or3A_404 : i32 to vector<8x8x1xi32>
      %or3A_406 = arith.ori %select_n3A_403, %or3A_405 : vector<8x8x1xi32>
      %lt3A_407 = vector.broadcast %or3A_406 : vector<8x8x1xi32> to vector<8x8x125xi32>
      %lt3A_408 = arith.cmpi ult, %bitcast_convert_type3A_222, %lt3A_407 : vector<8x8x125xi32>
      %convert_element_type3A_409 = arith.extui %lt3A_408 : vector<8x8x125xi1> to vector<8x8x125xi32>
      %convert_element_type3A_410 = arith.sitofp %convert_element_type3A_409 : vector<8x8x125xi32> to vector<8x8x125xf32>
      %reduce_sum3A_411 = arith.constant dense<0.000000e+00> : vector<8x8xf32>
      %reduce_sum3A_412 = vector.multi_reduction <add>, %convert_element_type3A_410, %reduce_sum3A_411 [2] : vector<8x8x125xf32> to vector<8x8xf32>
      %broadcast_in_dim3A_413 = vector.shape_cast %reduce_sum3A_412 : vector<8x8xf32> to vector<8x8x1xf32>
      %le3A_414 = arith.constant 1.200000e+01 : f32
      %le3A_415 = vector.broadcast %le3A_414 : f32 to vector<8x8x1xf32>
      %le3A_416 = arith.cmpf ole, %broadcast_in_dim3A_413, %le3A_415 : vector<8x8x1xf32>
      %select_n3A_417 = arith.select %le3A_416, %or3A_406, %select_n3A_403 : vector<8x8x1xi1>, vector<8x8x1xi32>
      %or3A_418 = arith.constant 131072 : i32
      %or3A_419 = vector.broadcast %or3A_418 : i32 to vector<8x8x1xi32>
      %or3A_420 = arith.ori %select_n3A_417, %or3A_419 : vector<8x8x1xi32>
      %lt3A_421 = vector.broadcast %or3A_420 : vector<8x8x1xi32> to vector<8x8x125xi32>
      %lt3A_422 = arith.cmpi ult, %bitcast_convert_type3A_222, %lt3A_421 : vector<8x8x125xi32>
      %convert_element_type3A_423 = arith.extui %lt3A_422 : vector<8x8x125xi1> to vector<8x8x125xi32>
      %convert_element_type3A_424 = arith.sitofp %convert_element_type3A_423 : vector<8x8x125xi32> to vector<8x8x125xf32>
      %reduce_sum3A_425 = arith.constant dense<0.000000e+00> : vector<8x8xf32>
      %reduce_sum3A_426 = vector.multi_reduction <add>, %convert_element_type3A_424, %reduce_sum3A_425 [2] : vector<8x8x125xf32> to vector<8x8xf32>
      %broadcast_in_dim3A_427 = vector.shape_cast %reduce_sum3A_426 : vector<8x8xf32> to vector<8x8x1xf32>
      %le3A_428 = arith.constant 1.200000e+01 : f32
      %le3A_429 = vector.broadcast %le3A_428 : f32 to vector<8x8x1xf32>
      %le3A_430 = arith.cmpf ole, %broadcast_in_dim3A_427, %le3A_429 : vector<8x8x1xf32>
      %select_n3A_431 = arith.select %le3A_430, %or3A_420, %select_n3A_417 : vector<8x8x1xi1>, vector<8x8x1xi32>
      %or3A_432 = arith.constant 65536 : i32
      %or3A_433 = vector.broadcast %or3A_432 : i32 to vector<8x8x1xi32>
      %or3A_434 = arith.ori %select_n3A_431, %or3A_433 : vector<8x8x1xi32>
      %lt3A_435 = vector.broadcast %or3A_434 : vector<8x8x1xi32> to vector<8x8x125xi32>
      %lt3A_436 = arith.cmpi ult, %bitcast_convert_type3A_222, %lt3A_435 : vector<8x8x125xi32>
      %convert_element_type3A_437 = arith.extui %lt3A_436 : vector<8x8x125xi1> to vector<8x8x125xi32>
      %convert_element_type3A_438 = arith.sitofp %convert_element_type3A_437 : vector<8x8x125xi32> to vector<8x8x125xf32>
      %reduce_sum3A_439 = arith.constant dense<0.000000e+00> : vector<8x8xf32>
      %reduce_sum3A_440 = vector.multi_reduction <add>, %convert_element_type3A_438, %reduce_sum3A_439 [2] : vector<8x8x125xf32> to vector<8x8xf32>
      %broadcast_in_dim3A_441 = vector.shape_cast %reduce_sum3A_440 : vector<8x8xf32> to vector<8x8x1xf32>
      %le3A_442 = arith.constant 1.200000e+01 : f32
      %le3A_443 = vector.broadcast %le3A_442 : f32 to vector<8x8x1xf32>
      %le3A_444 = arith.cmpf ole, %broadcast_in_dim3A_441, %le3A_443 : vector<8x8x1xf32>
      %select_n3A_445 = arith.select %le3A_444, %or3A_434, %select_n3A_431 : vector<8x8x1xi1>, vector<8x8x1xi32>
      %or3A_446 = arith.constant 32768 : i32
      %or3A_447 = vector.broadcast %or3A_446 : i32 to vector<8x8x1xi32>
      %or3A_448 = arith.ori %select_n3A_445, %or3A_447 : vector<8x8x1xi32>
      %lt3A_449 = vector.broadcast %or3A_448 : vector<8x8x1xi32> to vector<8x8x125xi32>
      %lt3A_450 = arith.cmpi ult, %bitcast_convert_type3A_222, %lt3A_449 : vector<8x8x125xi32>
      %convert_element_type3A_451 = arith.extui %lt3A_450 : vector<8x8x125xi1> to vector<8x8x125xi32>
      %convert_element_type3A_452 = arith.sitofp %convert_element_type3A_451 : vector<8x8x125xi32> to vector<8x8x125xf32>
      %reduce_sum3A_453 = arith.constant dense<0.000000e+00> : vector<8x8xf32>
      %reduce_sum3A_454 = vector.multi_reduction <add>, %convert_element_type3A_452, %reduce_sum3A_453 [2] : vector<8x8x125xf32> to vector<8x8xf32>
      %broadcast_in_dim3A_455 = vector.shape_cast %reduce_sum3A_454 : vector<8x8xf32> to vector<8x8x1xf32>
      %le3A_456 = arith.constant 1.200000e+01 : f32
      %le3A_457 = vector.broadcast %le3A_456 : f32 to vector<8x8x1xf32>
      %le3A_458 = arith.cmpf ole, %broadcast_in_dim3A_455, %le3A_457 : vector<8x8x1xf32>
      %select_n3A_459 = arith.select %le3A_458, %or3A_448, %select_n3A_445 : vector<8x8x1xi1>, vector<8x8x1xi32>
      %or3A_460 = arith.constant 16384 : i32
      %or3A_461 = vector.broadcast %or3A_460 : i32 to vector<8x8x1xi32>
      %or3A_462 = arith.ori %select_n3A_459, %or3A_461 : vector<8x8x1xi32>
      %lt3A_463 = vector.broadcast %or3A_462 : vector<8x8x1xi32> to vector<8x8x125xi32>
      %lt3A_464 = arith.cmpi ult, %bitcast_convert_type3A_222, %lt3A_463 : vector<8x8x125xi32>
      %convert_element_type3A_465 = arith.extui %lt3A_464 : vector<8x8x125xi1> to vector<8x8x125xi32>
      %convert_element_type3A_466 = arith.sitofp %convert_element_type3A_465 : vector<8x8x125xi32> to vector<8x8x125xf32>
      %reduce_sum3A_467 = arith.constant dense<0.000000e+00> : vector<8x8xf32>
      %reduce_sum3A_468 = vector.multi_reduction <add>, %convert_element_type3A_466, %reduce_sum3A_467 [2] : vector<8x8x125xf32> to vector<8x8xf32>
      %broadcast_in_dim3A_469 = vector.shape_cast %reduce_sum3A_468 : vector<8x8xf32> to vector<8x8x1xf32>
      %le3A_470 = arith.constant 1.200000e+01 : f32
      %le3A_471 = vector.broadcast %le3A_470 : f32 to vector<8x8x1xf32>
      %le3A_472 = arith.cmpf ole, %broadcast_in_dim3A_469, %le3A_471 : vector<8x8x1xf32>
      %select_n3A_473 = arith.select %le3A_472, %or3A_462, %select_n3A_459 : vector<8x8x1xi1>, vector<8x8x1xi32>
      %or3A_474 = arith.constant 8192 : i32
      %or3A_475 = vector.broadcast %or3A_474 : i32 to vector<8x8x1xi32>
      %or3A_476 = arith.ori %select_n3A_473, %or3A_475 : vector<8x8x1xi32>
      %lt3A_477 = vector.broadcast %or3A_476 : vector<8x8x1xi32> to vector<8x8x125xi32>
      %lt3A_478 = arith.cmpi ult, %bitcast_convert_type3A_222, %lt3A_477 : vector<8x8x125xi32>
      %convert_element_type3A_479 = arith.extui %lt3A_478 : vector<8x8x125xi1> to vector<8x8x125xi32>
      %convert_element_type3A_480 = arith.sitofp %convert_element_type3A_479 : vector<8x8x125xi32> to vector<8x8x125xf32>
      %reduce_sum3A_481 = arith.constant dense<0.000000e+00> : vector<8x8xf32>
      %reduce_sum3A_482 = vector.multi_reduction <add>, %convert_element_type3A_480, %reduce_sum3A_481 [2] : vector<8x8x125xf32> to vector<8x8xf32>
      %broadcast_in_dim3A_483 = vector.shape_cast %reduce_sum3A_482 : vector<8x8xf32> to vector<8x8x1xf32>
      %le3A_484 = arith.constant 1.200000e+01 : f32
      %le3A_485 = vector.broadcast %le3A_484 : f32 to vector<8x8x1xf32>
      %le3A_486 = arith.cmpf ole, %broadcast_in_dim3A_483, %le3A_485 : vector<8x8x1xf32>
      %select_n3A_487 = arith.select %le3A_486, %or3A_476, %select_n3A_473 : vector<8x8x1xi1>, vector<8x8x1xi32>
      %or3A_488 = arith.constant 4096 : i32
      %or3A_489 = vector.broadcast %or3A_488 : i32 to vector<8x8x1xi32>
      %or3A_490 = arith.ori %select_n3A_487, %or3A_489 : vector<8x8x1xi32>
      %lt3A_491 = vector.broadcast %or3A_490 : vector<8x8x1xi32> to vector<8x8x125xi32>
      %lt3A_492 = arith.cmpi ult, %bitcast_convert_type3A_222, %lt3A_491 : vector<8x8x125xi32>
      %convert_element_type3A_493 = arith.extui %lt3A_492 : vector<8x8x125xi1> to vector<8x8x125xi32>
      %convert_element_type3A_494 = arith.sitofp %convert_element_type3A_493 : vector<8x8x125xi32> to vector<8x8x125xf32>
      %reduce_sum3A_495 = arith.constant dense<0.000000e+00> : vector<8x8xf32>
      %reduce_sum3A_496 = vector.multi_reduction <add>, %convert_element_type3A_494, %reduce_sum3A_495 [2] : vector<8x8x125xf32> to vector<8x8xf32>
      %broadcast_in_dim3A_497 = vector.shape_cast %reduce_sum3A_496 : vector<8x8xf32> to vector<8x8x1xf32>
      %le3A_498 = arith.constant 1.200000e+01 : f32
      %le3A_499 = vector.broadcast %le3A_498 : f32 to vector<8x8x1xf32>
      %le3A_500 = arith.cmpf ole, %broadcast_in_dim3A_497, %le3A_499 : vector<8x8x1xf32>
      %select_n3A_501 = arith.select %le3A_500, %or3A_490, %select_n3A_487 : vector<8x8x1xi1>, vector<8x8x1xi32>
      %or3A_502 = arith.constant 2048 : i32
      %or3A_503 = vector.broadcast %or3A_502 : i32 to vector<8x8x1xi32>
      %or3A_504 = arith.ori %select_n3A_501, %or3A_503 : vector<8x8x1xi32>
      %lt3A_505 = vector.broadcast %or3A_504 : vector<8x8x1xi32> to vector<8x8x125xi32>
      %lt3A_506 = arith.cmpi ult, %bitcast_convert_type3A_222, %lt3A_505 : vector<8x8x125xi32>
      %convert_element_type3A_507 = arith.extui %lt3A_506 : vector<8x8x125xi1> to vector<8x8x125xi32>
      %convert_element_type3A_508 = arith.sitofp %convert_element_type3A_507 : vector<8x8x125xi32> to vector<8x8x125xf32>
      %reduce_sum3A_509 = arith.constant dense<0.000000e+00> : vector<8x8xf32>
      %reduce_sum3A_510 = vector.multi_reduction <add>, %convert_element_type3A_508, %reduce_sum3A_509 [2] : vector<8x8x125xf32> to vector<8x8xf32>
      %broadcast_in_dim3A_511 = vector.shape_cast %reduce_sum3A_510 : vector<8x8xf32> to vector<8x8x1xf32>
      %le3A_512 = arith.constant 1.200000e+01 : f32
      %le3A_513 = vector.broadcast %le3A_512 : f32 to vector<8x8x1xf32>
      %le3A_514 = arith.cmpf ole, %broadcast_in_dim3A_511, %le3A_513 : vector<8x8x1xf32>
      %select_n3A_515 = arith.select %le3A_514, %or3A_504, %select_n3A_501 : vector<8x8x1xi1>, vector<8x8x1xi32>
      %or3A_516 = arith.constant 1024 : i32
      %or3A_517 = vector.broadcast %or3A_516 : i32 to vector<8x8x1xi32>
      %or3A_518 = arith.ori %select_n3A_515, %or3A_517 : vector<8x8x1xi32>
      %lt3A_519 = vector.broadcast %or3A_518 : vector<8x8x1xi32> to vector<8x8x125xi32>
      %lt3A_520 = arith.cmpi ult, %bitcast_convert_type3A_222, %lt3A_519 : vector<8x8x125xi32>
      %convert_element_type3A_521 = arith.extui %lt3A_520 : vector<8x8x125xi1> to vector<8x8x125xi32>
      %convert_element_type3A_522 = arith.sitofp %convert_element_type3A_521 : vector<8x8x125xi32> to vector<8x8x125xf32>
      %reduce_sum3A_523 = arith.constant dense<0.000000e+00> : vector<8x8xf32>
      %reduce_sum3A_524 = vector.multi_reduction <add>, %convert_element_type3A_522, %reduce_sum3A_523 [2] : vector<8x8x125xf32> to vector<8x8xf32>
      %broadcast_in_dim3A_525 = vector.shape_cast %reduce_sum3A_524 : vector<8x8xf32> to vector<8x8x1xf32>
      %le3A_526 = arith.constant 1.200000e+01 : f32
      %le3A_527 = vector.broadcast %le3A_526 : f32 to vector<8x8x1xf32>
      %le3A_528 = arith.cmpf ole, %broadcast_in_dim3A_525, %le3A_527 : vector<8x8x1xf32>
      %select_n3A_529 = arith.select %le3A_528, %or3A_518, %select_n3A_515 : vector<8x8x1xi1>, vector<8x8x1xi32>
      %or3A_530 = arith.constant 512 : i32
      %or3A_531 = vector.broadcast %or3A_530 : i32 to vector<8x8x1xi32>
      %or3A_532 = arith.ori %select_n3A_529, %or3A_531 : vector<8x8x1xi32>
      %lt3A_533 = vector.broadcast %or3A_532 : vector<8x8x1xi32> to vector<8x8x125xi32>
      %lt3A_534 = arith.cmpi ult, %bitcast_convert_type3A_222, %lt3A_533 : vector<8x8x125xi32>
      %convert_element_type3A_535 = arith.extui %lt3A_534 : vector<8x8x125xi1> to vector<8x8x125xi32>
      %convert_element_type3A_536 = arith.sitofp %convert_element_type3A_535 : vector<8x8x125xi32> to vector<8x8x125xf32>
      %reduce_sum3A_537 = arith.constant dense<0.000000e+00> : vector<8x8xf32>
      %reduce_sum3A_538 = vector.multi_reduction <add>, %convert_element_type3A_536, %reduce_sum3A_537 [2] : vector<8x8x125xf32> to vector<8x8xf32>
      %broadcast_in_dim3A_539 = vector.shape_cast %reduce_sum3A_538 : vector<8x8xf32> to vector<8x8x1xf32>
      %le3A_540 = arith.constant 1.200000e+01 : f32
      %le3A_541 = vector.broadcast %le3A_540 : f32 to vector<8x8x1xf32>
      %le3A_542 = arith.cmpf ole, %broadcast_in_dim3A_539, %le3A_541 : vector<8x8x1xf32>
      %select_n3A_543 = arith.select %le3A_542, %or3A_532, %select_n3A_529 : vector<8x8x1xi1>, vector<8x8x1xi32>
      %or3A_544 = arith.constant 256 : i32
      %or3A_545 = vector.broadcast %or3A_544 : i32 to vector<8x8x1xi32>
      %or3A_546 = arith.ori %select_n3A_543, %or3A_545 : vector<8x8x1xi32>
      %lt3A_547 = vector.broadcast %or3A_546 : vector<8x8x1xi32> to vector<8x8x125xi32>
      %lt3A_548 = arith.cmpi ult, %bitcast_convert_type3A_222, %lt3A_547 : vector<8x8x125xi32>
      %convert_element_type3A_549 = arith.extui %lt3A_548 : vector<8x8x125xi1> to vector<8x8x125xi32>
      %convert_element_type3A_550 = arith.sitofp %convert_element_type3A_549 : vector<8x8x125xi32> to vector<8x8x125xf32>
      %reduce_sum3A_551 = arith.constant dense<0.000000e+00> : vector<8x8xf32>
      %reduce_sum3A_552 = vector.multi_reduction <add>, %convert_element_type3A_550, %reduce_sum3A_551 [2] : vector<8x8x125xf32> to vector<8x8xf32>
      %broadcast_in_dim3A_553 = vector.shape_cast %reduce_sum3A_552 : vector<8x8xf32> to vector<8x8x1xf32>
      %le3A_554 = arith.constant 1.200000e+01 : f32
      %le3A_555 = vector.broadcast %le3A_554 : f32 to vector<8x8x1xf32>
      %le3A_556 = arith.cmpf ole, %broadcast_in_dim3A_553, %le3A_555 : vector<8x8x1xf32>
      %select_n3A_557 = arith.select %le3A_556, %or3A_546, %select_n3A_543 : vector<8x8x1xi1>, vector<8x8x1xi32>
      %or3A_558 = arith.constant 128 : i32
      %or3A_559 = vector.broadcast %or3A_558 : i32 to vector<8x8x1xi32>
      %or3A_560 = arith.ori %select_n3A_557, %or3A_559 : vector<8x8x1xi32>
      %lt3A_561 = vector.broadcast %or3A_560 : vector<8x8x1xi32> to vector<8x8x125xi32>
      %lt3A_562 = arith.cmpi ult, %bitcast_convert_type3A_222, %lt3A_561 : vector<8x8x125xi32>
      %convert_element_type3A_563 = arith.extui %lt3A_562 : vector<8x8x125xi1> to vector<8x8x125xi32>
      %convert_element_type3A_564 = arith.sitofp %convert_element_type3A_563 : vector<8x8x125xi32> to vector<8x8x125xf32>
      %reduce_sum3A_565 = arith.constant dense<0.000000e+00> : vector<8x8xf32>
      %reduce_sum3A_566 = vector.multi_reduction <add>, %convert_element_type3A_564, %reduce_sum3A_565 [2] : vector<8x8x125xf32> to vector<8x8xf32>
      %broadcast_in_dim3A_567 = vector.shape_cast %reduce_sum3A_566 : vector<8x8xf32> to vector<8x8x1xf32>
      %le3A_568 = arith.constant 1.200000e+01 : f32
      %le3A_569 = vector.broadcast %le3A_568 : f32 to vector<8x8x1xf32>
      %le3A_570 = arith.cmpf ole, %broadcast_in_dim3A_567, %le3A_569 : vector<8x8x1xf32>
      %select_n3A_571 = arith.select %le3A_570, %or3A_560, %select_n3A_557 : vector<8x8x1xi1>, vector<8x8x1xi32>
      %or3A_572 = arith.constant 64 : i32
      %or3A_573 = vector.broadcast %or3A_572 : i32 to vector<8x8x1xi32>
      %or3A_574 = arith.ori %select_n3A_571, %or3A_573 : vector<8x8x1xi32>
      %lt3A_575 = vector.broadcast %or3A_574 : vector<8x8x1xi32> to vector<8x8x125xi32>
      %lt3A_576 = arith.cmpi ult, %bitcast_convert_type3A_222, %lt3A_575 : vector<8x8x125xi32>
      %convert_element_type3A_577 = arith.extui %lt3A_576 : vector<8x8x125xi1> to vector<8x8x125xi32>
      %convert_element_type3A_578 = arith.sitofp %convert_element_type3A_577 : vector<8x8x125xi32> to vector<8x8x125xf32>
      %reduce_sum3A_579 = arith.constant dense<0.000000e+00> : vector<8x8xf32>
      %reduce_sum3A_580 = vector.multi_reduction <add>, %convert_element_type3A_578, %reduce_sum3A_579 [2] : vector<8x8x125xf32> to vector<8x8xf32>
      %broadcast_in_dim3A_581 = vector.shape_cast %reduce_sum3A_580 : vector<8x8xf32> to vector<8x8x1xf32>
      %le3A_582 = arith.constant 1.200000e+01 : f32
      %le3A_583 = vector.broadcast %le3A_582 : f32 to vector<8x8x1xf32>
      %le3A_584 = arith.cmpf ole, %broadcast_in_dim3A_581, %le3A_583 : vector<8x8x1xf32>
      %select_n3A_585 = arith.select %le3A_584, %or3A_574, %select_n3A_571 : vector<8x8x1xi1>, vector<8x8x1xi32>
      %or3A_586 = arith.constant 32 : i32
      %or3A_587 = vector.broadcast %or3A_586 : i32 to vector<8x8x1xi32>
      %or3A_588 = arith.ori %select_n3A_585, %or3A_587 : vector<8x8x1xi32>
      %lt3A_589 = vector.broadcast %or3A_588 : vector<8x8x1xi32> to vector<8x8x125xi32>
      %lt3A_590 = arith.cmpi ult, %bitcast_convert_type3A_222, %lt3A_589 : vector<8x8x125xi32>
      %convert_element_type3A_591 = arith.extui %lt3A_590 : vector<8x8x125xi1> to vector<8x8x125xi32>
      %convert_element_type3A_592 = arith.sitofp %convert_element_type3A_591 : vector<8x8x125xi32> to vector<8x8x125xf32>
      %reduce_sum3A_593 = arith.constant dense<0.000000e+00> : vector<8x8xf32>
      %reduce_sum3A_594 = vector.multi_reduction <add>, %convert_element_type3A_592, %reduce_sum3A_593 [2] : vector<8x8x125xf32> to vector<8x8xf32>
      %broadcast_in_dim3A_595 = vector.shape_cast %reduce_sum3A_594 : vector<8x8xf32> to vector<8x8x1xf32>
      %le3A_596 = arith.constant 1.200000e+01 : f32
      %le3A_597 = vector.broadcast %le3A_596 : f32 to vector<8x8x1xf32>
      %le3A_598 = arith.cmpf ole, %broadcast_in_dim3A_595, %le3A_597 : vector<8x8x1xf32>
      %select_n3A_599 = arith.select %le3A_598, %or3A_588, %select_n3A_585 : vector<8x8x1xi1>, vector<8x8x1xi32>
      %or3A_600 = arith.constant 16 : i32
      %or3A_601 = vector.broadcast %or3A_600 : i32 to vector<8x8x1xi32>
      %or3A_602 = arith.ori %select_n3A_599, %or3A_601 : vector<8x8x1xi32>
      %lt3A_603 = vector.broadcast %or3A_602 : vector<8x8x1xi32> to vector<8x8x125xi32>
      %lt3A_604 = arith.cmpi ult, %bitcast_convert_type3A_222, %lt3A_603 : vector<8x8x125xi32>
      %convert_element_type3A_605 = arith.extui %lt3A_604 : vector<8x8x125xi1> to vector<8x8x125xi32>
      %convert_element_type3A_606 = arith.sitofp %convert_element_type3A_605 : vector<8x8x125xi32> to vector<8x8x125xf32>
      %reduce_sum3A_607 = arith.constant dense<0.000000e+00> : vector<8x8xf32>
      %reduce_sum3A_608 = vector.multi_reduction <add>, %convert_element_type3A_606, %reduce_sum3A_607 [2] : vector<8x8x125xf32> to vector<8x8xf32>
      %broadcast_in_dim3A_609 = vector.shape_cast %reduce_sum3A_608 : vector<8x8xf32> to vector<8x8x1xf32>
      %le3A_610 = arith.constant 1.200000e+01 : f32
      %le3A_611 = vector.broadcast %le3A_610 : f32 to vector<8x8x1xf32>
      %le3A_612 = arith.cmpf ole, %broadcast_in_dim3A_609, %le3A_611 : vector<8x8x1xf32>
      %select_n3A_613 = arith.select %le3A_612, %or3A_602, %select_n3A_599 : vector<8x8x1xi1>, vector<8x8x1xi32>
      %or3A_614 = arith.constant 8 : i32
      %or3A_615 = vector.broadcast %or3A_614 : i32 to vector<8x8x1xi32>
      %or3A_616 = arith.ori %select_n3A_613, %or3A_615 : vector<8x8x1xi32>
      %lt3A_617 = vector.broadcast %or3A_616 : vector<8x8x1xi32> to vector<8x8x125xi32>
      %lt3A_618 = arith.cmpi ult, %bitcast_convert_type3A_222, %lt3A_617 : vector<8x8x125xi32>
      %convert_element_type3A_619 = arith.extui %lt3A_618 : vector<8x8x125xi1> to vector<8x8x125xi32>
      %convert_element_type3A_620 = arith.sitofp %convert_element_type3A_619 : vector<8x8x125xi32> to vector<8x8x125xf32>
      %reduce_sum3A_621 = arith.constant dense<0.000000e+00> : vector<8x8xf32>
      %reduce_sum3A_622 = vector.multi_reduction <add>, %convert_element_type3A_620, %reduce_sum3A_621 [2] : vector<8x8x125xf32> to vector<8x8xf32>
      %broadcast_in_dim3A_623 = vector.shape_cast %reduce_sum3A_622 : vector<8x8xf32> to vector<8x8x1xf32>
      %le3A_624 = arith.constant 1.200000e+01 : f32
      %le3A_625 = vector.broadcast %le3A_624 : f32 to vector<8x8x1xf32>
      %le3A_626 = arith.cmpf ole, %broadcast_in_dim3A_623, %le3A_625 : vector<8x8x1xf32>
      %select_n3A_627 = arith.select %le3A_626, %or3A_616, %select_n3A_613 : vector<8x8x1xi1>, vector<8x8x1xi32>
      %or3A_628 = arith.constant 4 : i32
      %or3A_629 = vector.broadcast %or3A_628 : i32 to vector<8x8x1xi32>
      %or3A_630 = arith.ori %select_n3A_627, %or3A_629 : vector<8x8x1xi32>
      %lt3A_631 = vector.broadcast %or3A_630 : vector<8x8x1xi32> to vector<8x8x125xi32>
      %lt3A_632 = arith.cmpi ult, %bitcast_convert_type3A_222, %lt3A_631 : vector<8x8x125xi32>
      %convert_element_type3A_633 = arith.extui %lt3A_632 : vector<8x8x125xi1> to vector<8x8x125xi32>
      %convert_element_type3A_634 = arith.sitofp %convert_element_type3A_633 : vector<8x8x125xi32> to vector<8x8x125xf32>
      %reduce_sum3A_635 = arith.constant dense<0.000000e+00> : vector<8x8xf32>
      %reduce_sum3A_636 = vector.multi_reduction <add>, %convert_element_type3A_634, %reduce_sum3A_635 [2] : vector<8x8x125xf32> to vector<8x8xf32>
      %broadcast_in_dim3A_637 = vector.shape_cast %reduce_sum3A_636 : vector<8x8xf32> to vector<8x8x1xf32>
      %le3A_638 = arith.constant 1.200000e+01 : f32
      %le3A_639 = vector.broadcast %le3A_638 : f32 to vector<8x8x1xf32>
      %le3A_640 = arith.cmpf ole, %broadcast_in_dim3A_637, %le3A_639 : vector<8x8x1xf32>
      %select_n3A_641 = arith.select %le3A_640, %or3A_630, %select_n3A_627 : vector<8x8x1xi1>, vector<8x8x1xi32>
      %or3A_642 = arith.constant 2 : i32
      %or3A_643 = vector.broadcast %or3A_642 : i32 to vector<8x8x1xi32>
      %or3A_644 = arith.ori %select_n3A_641, %or3A_643 : vector<8x8x1xi32>
      %lt3A_645 = vector.broadcast %or3A_644 : vector<8x8x1xi32> to vector<8x8x125xi32>
      %lt3A_646 = arith.cmpi ult, %bitcast_convert_type3A_222, %lt3A_645 : vector<8x8x125xi32>
      %convert_element_type3A_647 = arith.extui %lt3A_646 : vector<8x8x125xi1> to vector<8x8x125xi32>
      %convert_element_type3A_648 = arith.sitofp %convert_element_type3A_647 : vector<8x8x125xi32> to vector<8x8x125xf32>
      %reduce_sum3A_649 = arith.constant dense<0.000000e+00> : vector<8x8xf32>
      %reduce_sum3A_650 = vector.multi_reduction <add>, %convert_element_type3A_648, %reduce_sum3A_649 [2] : vector<8x8x125xf32> to vector<8x8xf32>
      %broadcast_in_dim3A_651 = vector.shape_cast %reduce_sum3A_650 : vector<8x8xf32> to vector<8x8x1xf32>
      %le3A_652 = arith.constant 1.200000e+01 : f32
      %le3A_653 = vector.broadcast %le3A_652 : f32 to vector<8x8x1xf32>
      %le3A_654 = arith.cmpf ole, %broadcast_in_dim3A_651, %le3A_653 : vector<8x8x1xf32>
      %select_n3A_655 = arith.select %le3A_654, %or3A_644, %select_n3A_641 : vector<8x8x1xi1>, vector<8x8x1xi32>
      %or3A_656 = arith.constant 1 : i32
      %or3A_657 = vector.broadcast %or3A_656 : i32 to vector<8x8x1xi32>
      %or3A_658 = arith.ori %select_n3A_655, %or3A_657 : vector<8x8x1xi32>
      %lt3A_659 = vector.broadcast %or3A_658 : vector<8x8x1xi32> to vector<8x8x125xi32>
      %lt3A_660 = arith.cmpi ult, %bitcast_convert_type3A_222, %lt3A_659 : vector<8x8x125xi32>
      %convert_element_type3A_661 = arith.extui %lt3A_660 : vector<8x8x125xi1> to vector<8x8x125xi32>
      %convert_element_type3A_662 = arith.sitofp %convert_element_type3A_661 : vector<8x8x125xi32> to vector<8x8x125xf32>
      %reduce_sum3A_663 = arith.constant dense<0.000000e+00> : vector<8x8xf32>
      %reduce_sum3A_664 = vector.multi_reduction <add>, %convert_element_type3A_662, %reduce_sum3A_663 [2] : vector<8x8x125xf32> to vector<8x8xf32>
      %broadcast_in_dim3A_665 = vector.shape_cast %reduce_sum3A_664 : vector<8x8xf32> to vector<8x8x1xf32>
      %le3A_666 = arith.constant 1.200000e+01 : f32
      %le3A_667 = vector.broadcast %le3A_666 : f32 to vector<8x8x1xf32>
      %le3A_668 = arith.cmpf ole, %broadcast_in_dim3A_665, %le3A_667 : vector<8x8x1xf32>
      %select_n3A_669 = arith.select %le3A_668, %or3A_658, %select_n3A_655 : vector<8x8x1xi1>, vector<8x8x1xi32>
      %gt3A = vector.broadcast %select_n3A_669 : vector<8x8x1xi32> to vector<8x8x125xi32>
      %gt3A_670 = arith.cmpi ugt, %bitcast_convert_type3A_222, %gt3A : vector<8x8x125xi32>
      %convert_element_type3A_671 = arith.extui %gt3A_670 : vector<8x8x125xi1> to vector<8x8x125xi32>
      %convert_element_type3A_672 = arith.sitofp %convert_element_type3A_671 : vector<8x8x125xi32> to vector<8x8x125xf32>
      %reduce_sum3A_673 = arith.constant dense<0.000000e+00> : vector<8x8xf32>
      %reduce_sum3A_674 = vector.multi_reduction <add>, %convert_element_type3A_672, %reduce_sum3A_673 [2] : vector<8x8x125xf32> to vector<8x8xf32>
      %slice3A_675 = vector.extract_strided_slice %convert_element_type3A_672 {offsets = [0, 0, 0], sizes = [1, 8, 125], strides = [1, 1, 1]} : vector<8x8x125xf32> to vector<1x8x125xf32>
      %squeeze3A_676 = vector.shape_cast %slice3A_675 : vector<1x8x125xf32> to vector<8x125xf32>
      %slice3A_677 = vector.extract_strided_slice %reshape3A_42 {offsets = [0, 0, 0], sizes = [1, 125, 256], strides = [1, 1, 1]} : vector<8x125x256xf32> to vector<1x125x256xf32>
      %squeeze3A_678 = vector.shape_cast %slice3A_677 : vector<1x125x256xf32> to vector<125x256xf32>
      %dot_general3A_679 = arith.constant dense<0.000000e+00> : vector<8x256xf32>
      %dot_general3A_680 = tpu.matmul %squeeze3A_676, %squeeze3A_678, %dot_general3A_679 {dimension_numbers = #tpu.dot_dimension_numbers<[1], [0], [0], [1], [0, 0, 1, 1], [], []>, transpose_lhs_hint = false} : vector<8x125xf32>, vector<125x256xf32>, vector<8x256xf32> -> vector<8x256xf32>
      %slice3A_681 = vector.extract_strided_slice %reduce_sum3A_674 {offsets = [0, 0], sizes = [1, 8], strides = [1, 1]} : vector<8x8xf32> to vector<1x8xf32>
      %squeeze3A_682 = vector.shape_cast %slice3A_681 : vector<1x8xf32> to vector<8xf32>
      %max3A_683 = arith.constant 1.000000e+00 : f32
      %max3A_684 = vector.broadcast %max3A_683 : f32 to vector<8xf32>
      %max3A_685 = arith.maximumf %squeeze3A_682, %max3A_684 : vector<8xf32>
      %broadcast_in_dim3A_686 = vector.shape_cast %max3A_685 : vector<8xf32> to vector<8x1xf32>
      %div3A_687 = vector.broadcast %broadcast_in_dim3A_686 : vector<8x1xf32> to vector<8x256xf32>
      %div3A_688 = arith.divf %dot_general3A_680, %div3A_687 : vector<8x256xf32>
      %slice3A_689 = vector.extract_strided_slice %reduce_sum3A_674 {offsets = [0, 0], sizes = [1, 8], strides = [1, 1]} : vector<8x8xf32> to vector<1x8xf32>
      %squeeze3A_690 = vector.shape_cast %slice3A_689 : vector<1x8xf32> to vector<8xf32>
      %slice3A_691 = vector.extract_strided_slice %convert_element_type3A_672 {offsets = [1, 0, 0], sizes = [1, 8, 125], strides = [1, 1, 1]} : vector<8x8x125xf32> to vector<1x8x125xf32>
      %squeeze3A_692 = vector.shape_cast %slice3A_691 : vector<1x8x125xf32> to vector<8x125xf32>
      %slice3A_693 = vector.extract_strided_slice %reshape3A_42 {offsets = [1, 0, 0], sizes = [1, 125, 256], strides = [1, 1, 1]} : vector<8x125x256xf32> to vector<1x125x256xf32>
      %squeeze3A_694 = vector.shape_cast %slice3A_693 : vector<1x125x256xf32> to vector<125x256xf32>
      %dot_general3A_695 = arith.constant dense<0.000000e+00> : vector<8x256xf32>
      %dot_general3A_696 = tpu.matmul %squeeze3A_692, %squeeze3A_694, %dot_general3A_695 {dimension_numbers = #tpu.dot_dimension_numbers<[1], [0], [0], [1], [0, 0, 1, 1], [], []>, transpose_lhs_hint = false} : vector<8x125xf32>, vector<125x256xf32>, vector<8x256xf32> -> vector<8x256xf32>
      %slice3A_697 = vector.extract_strided_slice %reduce_sum3A_674 {offsets = [1, 0], sizes = [1, 8], strides = [1, 1]} : vector<8x8xf32> to vector<1x8xf32>
      %squeeze3A_698 = vector.shape_cast %slice3A_697 : vector<1x8xf32> to vector<8xf32>
      %max3A_699 = arith.constant 1.000000e+00 : f32
      %max3A_700 = vector.broadcast %max3A_699 : f32 to vector<8xf32>
      %max3A_701 = arith.maximumf %squeeze3A_698, %max3A_700 : vector<8xf32>
      %broadcast_in_dim3A_702 = vector.shape_cast %max3A_701 : vector<8xf32> to vector<8x1xf32>
      %div3A_703 = vector.broadcast %broadcast_in_dim3A_702 : vector<8x1xf32> to vector<8x256xf32>
      %div3A_704 = arith.divf %dot_general3A_696, %div3A_703 : vector<8x256xf32>
      %slice3A_705 = vector.extract_strided_slice %reduce_sum3A_674 {offsets = [1, 0], sizes = [1, 8], strides = [1, 1]} : vector<8x8xf32> to vector<1x8xf32>
      %squeeze3A_706 = vector.shape_cast %slice3A_705 : vector<1x8xf32> to vector<8xf32>
      %slice3A_707 = vector.extract_strided_slice %convert_element_type3A_672 {offsets = [2, 0, 0], sizes = [1, 8, 125], strides = [1, 1, 1]} : vector<8x8x125xf32> to vector<1x8x125xf32>
      %squeeze3A_708 = vector.shape_cast %slice3A_707 : vector<1x8x125xf32> to vector<8x125xf32>
      %slice3A_709 = vector.extract_strided_slice %reshape3A_42 {offsets = [2, 0, 0], sizes = [1, 125, 256], strides = [1, 1, 1]} : vector<8x125x256xf32> to vector<1x125x256xf32>
      %squeeze3A_710 = vector.shape_cast %slice3A_709 : vector<1x125x256xf32> to vector<125x256xf32>
      %dot_general3A_711 = arith.constant dense<0.000000e+00> : vector<8x256xf32>
      %dot_general3A_712 = tpu.matmul %squeeze3A_708, %squeeze3A_710, %dot_general3A_711 {dimension_numbers = #tpu.dot_dimension_numbers<[1], [0], [0], [1], [0, 0, 1, 1], [], []>, transpose_lhs_hint = false} : vector<8x125xf32>, vector<125x256xf32>, vector<8x256xf32> -> vector<8x256xf32>
      %slice3A_713 = vector.extract_strided_slice %reduce_sum3A_674 {offsets = [2, 0], sizes = [1, 8], strides = [1, 1]} : vector<8x8xf32> to vector<1x8xf32>
      %squeeze3A_714 = vector.shape_cast %slice3A_713 : vector<1x8xf32> to vector<8xf32>
      %max3A_715 = arith.constant 1.000000e+00 : f32
      %max3A_716 = vector.broadcast %max3A_715 : f32 to vector<8xf32>
      %max3A_717 = arith.maximumf %squeeze3A_714, %max3A_716 : vector<8xf32>
      %broadcast_in_dim3A_718 = vector.shape_cast %max3A_717 : vector<8xf32> to vector<8x1xf32>
      %div3A_719 = vector.broadcast %broadcast_in_dim3A_718 : vector<8x1xf32> to vector<8x256xf32>
      %div3A_720 = arith.divf %dot_general3A_712, %div3A_719 : vector<8x256xf32>
      %slice3A_721 = vector.extract_strided_slice %reduce_sum3A_674 {offsets = [2, 0], sizes = [1, 8], strides = [1, 1]} : vector<8x8xf32> to vector<1x8xf32>
      %squeeze3A_722 = vector.shape_cast %slice3A_721 : vector<1x8xf32> to vector<8xf32>
      %slice3A_723 = vector.extract_strided_slice %convert_element_type3A_672 {offsets = [3, 0, 0], sizes = [1, 8, 125], strides = [1, 1, 1]} : vector<8x8x125xf32> to vector<1x8x125xf32>
      %squeeze3A_724 = vector.shape_cast %slice3A_723 : vector<1x8x125xf32> to vector<8x125xf32>
      %slice3A_725 = vector.extract_strided_slice %reshape3A_42 {offsets = [3, 0, 0], sizes = [1, 125, 256], strides = [1, 1, 1]} : vector<8x125x256xf32> to vector<1x125x256xf32>
      %squeeze3A_726 = vector.shape_cast %slice3A_725 : vector<1x125x256xf32> to vector<125x256xf32>
      %dot_general3A_727 = arith.constant dense<0.000000e+00> : vector<8x256xf32>
      %dot_general3A_728 = tpu.matmul %squeeze3A_724, %squeeze3A_726, %dot_general3A_727 {dimension_numbers = #tpu.dot_dimension_numbers<[1], [0], [0], [1], [0, 0, 1, 1], [], []>, transpose_lhs_hint = false} : vector<8x125xf32>, vector<125x256xf32>, vector<8x256xf32> -> vector<8x256xf32>
      %slice3A_729 = vector.extract_strided_slice %reduce_sum3A_674 {offsets = [3, 0], sizes = [1, 8], strides = [1, 1]} : vector<8x8xf32> to vector<1x8xf32>
      %squeeze3A_730 = vector.shape_cast %slice3A_729 : vector<1x8xf32> to vector<8xf32>
      %max3A_731 = arith.constant 1.000000e+00 : f32
      %max3A_732 = vector.broadcast %max3A_731 : f32 to vector<8xf32>
      %max3A_733 = arith.maximumf %squeeze3A_730, %max3A_732 : vector<8xf32>
      %broadcast_in_dim3A_734 = vector.shape_cast %max3A_733 : vector<8xf32> to vector<8x1xf32>
      %div3A_735 = vector.broadcast %broadcast_in_dim3A_734 : vector<8x1xf32> to vector<8x256xf32>
      %div3A_736 = arith.divf %dot_general3A_728, %div3A_735 : vector<8x256xf32>
      %slice3A_737 = vector.extract_strided_slice %reduce_sum3A_674 {offsets = [3, 0], sizes = [1, 8], strides = [1, 1]} : vector<8x8xf32> to vector<1x8xf32>
      %squeeze3A_738 = vector.shape_cast %slice3A_737 : vector<1x8xf32> to vector<8xf32>
      %slice3A_739 = vector.extract_strided_slice %convert_element_type3A_672 {offsets = [4, 0, 0], sizes = [1, 8, 125], strides = [1, 1, 1]} : vector<8x8x125xf32> to vector<1x8x125xf32>
      %squeeze3A_740 = vector.shape_cast %slice3A_739 : vector<1x8x125xf32> to vector<8x125xf32>
      %slice3A_741 = vector.extract_strided_slice %reshape3A_42 {offsets = [4, 0, 0], sizes = [1, 125, 256], strides = [1, 1, 1]} : vector<8x125x256xf32> to vector<1x125x256xf32>
      %squeeze3A_742 = vector.shape_cast %slice3A_741 : vector<1x125x256xf32> to vector<125x256xf32>
      %dot_general3A_743 = arith.constant dense<0.000000e+00> : vector<8x256xf32>
      %dot_general3A_744 = tpu.matmul %squeeze3A_740, %squeeze3A_742, %dot_general3A_743 {dimension_numbers = #tpu.dot_dimension_numbers<[1], [0], [0], [1], [0, 0, 1, 1], [], []>, transpose_lhs_hint = false} : vector<8x125xf32>, vector<125x256xf32>, vector<8x256xf32> -> vector<8x256xf32>
      %slice3A_745 = vector.extract_strided_slice %reduce_sum3A_674 {offsets = [4, 0], sizes = [1, 8], strides = [1, 1]} : vector<8x8xf32> to vector<1x8xf32>
      %squeeze3A_746 = vector.shape_cast %slice3A_745 : vector<1x8xf32> to vector<8xf32>
      %max3A_747 = arith.constant 1.000000e+00 : f32
      %max3A_748 = vector.broadcast %max3A_747 : f32 to vector<8xf32>
      %max3A_749 = arith.maximumf %squeeze3A_746, %max3A_748 : vector<8xf32>
      %broadcast_in_dim3A_750 = vector.shape_cast %max3A_749 : vector<8xf32> to vector<8x1xf32>
      %div3A_751 = vector.broadcast %broadcast_in_dim3A_750 : vector<8x1xf32> to vector<8x256xf32>
      %div3A_752 = arith.divf %dot_general3A_744, %div3A_751 : vector<8x256xf32>
      %slice3A_753 = vector.extract_strided_slice %reduce_sum3A_674 {offsets = [4, 0], sizes = [1, 8], strides = [1, 1]} : vector<8x8xf32> to vector<1x8xf32>
      %squeeze3A_754 = vector.shape_cast %slice3A_753 : vector<1x8xf32> to vector<8xf32>
      %slice3A_755 = vector.extract_strided_slice %convert_element_type3A_672 {offsets = [5, 0, 0], sizes = [1, 8, 125], strides = [1, 1, 1]} : vector<8x8x125xf32> to vector<1x8x125xf32>
      %squeeze3A_756 = vector.shape_cast %slice3A_755 : vector<1x8x125xf32> to vector<8x125xf32>
      %slice3A_757 = vector.extract_strided_slice %reshape3A_42 {offsets = [5, 0, 0], sizes = [1, 125, 256], strides = [1, 1, 1]} : vector<8x125x256xf32> to vector<1x125x256xf32>
      %squeeze3A_758 = vector.shape_cast %slice3A_757 : vector<1x125x256xf32> to vector<125x256xf32>
      %dot_general3A_759 = arith.constant dense<0.000000e+00> : vector<8x256xf32>
      %dot_general3A_760 = tpu.matmul %squeeze3A_756, %squeeze3A_758, %dot_general3A_759 {dimension_numbers = #tpu.dot_dimension_numbers<[1], [0], [0], [1], [0, 0, 1, 1], [], []>, transpose_lhs_hint = false} : vector<8x125xf32>, vector<125x256xf32>, vector<8x256xf32> -> vector<8x256xf32>
      %slice3A_761 = vector.extract_strided_slice %reduce_sum3A_674 {offsets = [5, 0], sizes = [1, 8], strides = [1, 1]} : vector<8x8xf32> to vector<1x8xf32>
      %squeeze3A_762 = vector.shape_cast %slice3A_761 : vector<1x8xf32> to vector<8xf32>
      %max3A_763 = arith.constant 1.000000e+00 : f32
      %max3A_764 = vector.broadcast %max3A_763 : f32 to vector<8xf32>
      %max3A_765 = arith.maximumf %squeeze3A_762, %max3A_764 : vector<8xf32>
      %broadcast_in_dim3A_766 = vector.shape_cast %max3A_765 : vector<8xf32> to vector<8x1xf32>
      %div3A_767 = vector.broadcast %broadcast_in_dim3A_766 : vector<8x1xf32> to vector<8x256xf32>
      %div3A_768 = arith.divf %dot_general3A_760, %div3A_767 : vector<8x256xf32>
      %slice3A_769 = vector.extract_strided_slice %reduce_sum3A_674 {offsets = [5, 0], sizes = [1, 8], strides = [1, 1]} : vector<8x8xf32> to vector<1x8xf32>
      %squeeze3A_770 = vector.shape_cast %slice3A_769 : vector<1x8xf32> to vector<8xf32>
      %slice3A_771 = vector.extract_strided_slice %convert_element_type3A_672 {offsets = [6, 0, 0], sizes = [1, 8, 125], strides = [1, 1, 1]} : vector<8x8x125xf32> to vector<1x8x125xf32>
      %squeeze3A_772 = vector.shape_cast %slice3A_771 : vector<1x8x125xf32> to vector<8x125xf32>
      %slice3A_773 = vector.extract_strided_slice %reshape3A_42 {offsets = [6, 0, 0], sizes = [1, 125, 256], strides = [1, 1, 1]} : vector<8x125x256xf32> to vector<1x125x256xf32>
      %squeeze3A_774 = vector.shape_cast %slice3A_773 : vector<1x125x256xf32> to vector<125x256xf32>
      %dot_general3A_775 = arith.constant dense<0.000000e+00> : vector<8x256xf32>
      %dot_general3A_776 = tpu.matmul %squeeze3A_772, %squeeze3A_774, %dot_general3A_775 {dimension_numbers = #tpu.dot_dimension_numbers<[1], [0], [0], [1], [0, 0, 1, 1], [], []>, transpose_lhs_hint = false} : vector<8x125xf32>, vector<125x256xf32>, vector<8x256xf32> -> vector<8x256xf32>
      %slice3A_777 = vector.extract_strided_slice %reduce_sum3A_674 {offsets = [6, 0], sizes = [1, 8], strides = [1, 1]} : vector<8x8xf32> to vector<1x8xf32>
      %squeeze3A_778 = vector.shape_cast %slice3A_777 : vector<1x8xf32> to vector<8xf32>
      %max3A_779 = arith.constant 1.000000e+00 : f32
      %max3A_780 = vector.broadcast %max3A_779 : f32 to vector<8xf32>
      %max3A_781 = arith.maximumf %squeeze3A_778, %max3A_780 : vector<8xf32>
      %broadcast_in_dim3A_782 = vector.shape_cast %max3A_781 : vector<8xf32> to vector<8x1xf32>
      %div3A_783 = vector.broadcast %broadcast_in_dim3A_782 : vector<8x1xf32> to vector<8x256xf32>
      %div3A_784 = arith.divf %dot_general3A_776, %div3A_783 : vector<8x256xf32>
      %slice3A_785 = vector.extract_strided_slice %reduce_sum3A_674 {offsets = [6, 0], sizes = [1, 8], strides = [1, 1]} : vector<8x8xf32> to vector<1x8xf32>
      %squeeze3A_786 = vector.shape_cast %slice3A_785 : vector<1x8xf32> to vector<8xf32>
      %slice3A_787 = vector.extract_strided_slice %convert_element_type3A_672 {offsets = [7, 0, 0], sizes = [1, 8, 125], strides = [1, 1, 1]} : vector<8x8x125xf32> to vector<1x8x125xf32>
      %squeeze3A_788 = vector.shape_cast %slice3A_787 : vector<1x8x125xf32> to vector<8x125xf32>
      %slice3A_789 = vector.extract_strided_slice %reshape3A_42 {offsets = [7, 0, 0], sizes = [1, 125, 256], strides = [1, 1, 1]} : vector<8x125x256xf32> to vector<1x125x256xf32>
      %squeeze3A_790 = vector.shape_cast %slice3A_789 : vector<1x125x256xf32> to vector<125x256xf32>
      %dot_general3A_791 = arith.constant dense<0.000000e+00> : vector<8x256xf32>
      %dot_general3A_792 = tpu.matmul %squeeze3A_788, %squeeze3A_790, %dot_general3A_791 {dimension_numbers = #tpu.dot_dimension_numbers<[1], [0], [0], [1], [0, 0, 1, 1], [], []>, transpose_lhs_hint = false} : vector<8x125xf32>, vector<125x256xf32>, vector<8x256xf32> -> vector<8x256xf32>
      %slice3A_793 = vector.extract_strided_slice %reduce_sum3A_674 {offsets = [7, 0], sizes = [1, 8], strides = [1, 1]} : vector<8x8xf32> to vector<1x8xf32>
      %squeeze3A_794 = vector.shape_cast %slice3A_793 : vector<1x8xf32> to vector<8xf32>
      %max3A_795 = arith.constant 1.000000e+00 : f32
      %max3A_796 = vector.broadcast %max3A_795 : f32 to vector<8xf32>
      %max3A_797 = arith.maximumf %squeeze3A_794, %max3A_796 : vector<8xf32>
      %broadcast_in_dim3A_798 = vector.shape_cast %max3A_797 : vector<8xf32> to vector<8x1xf32>
      %div3A_799 = vector.broadcast %broadcast_in_dim3A_798 : vector<8x1xf32> to vector<8x256xf32>
      %div3A_800 = arith.divf %dot_general3A_792, %div3A_799 : vector<8x256xf32>
      %slice3A_801 = vector.extract_strided_slice %reduce_sum3A_674 {offsets = [7, 0], sizes = [1, 8], strides = [1, 1]} : vector<8x8xf32> to vector<1x8xf32>
      %squeeze3A_802 = vector.shape_cast %slice3A_801 : vector<1x8xf32> to vector<8xf32>
      %slice3A_803 = vector.extract_strided_slice %div3A_688 {offsets = [1, 0], sizes = [1, 256], strides = [1, 1]} : vector<8x256xf32> to vector<1x256xf32>
      %squeeze3A_804 = vector.shape_cast %slice3A_803 : vector<1x256xf32> to vector<256xf32>
      %slice3A_805 = vector.extract_strided_slice %div3A_704 {offsets = [0, 0], sizes = [1, 256], strides = [1, 1]} : vector<8x256xf32> to vector<1x256xf32>
      %squeeze3A_806 = vector.shape_cast %slice3A_805 : vector<1x256xf32> to vector<256xf32>
      %sub3A_807 = arith.subf %squeeze3A_804, %squeeze3A_806 : vector<256xf32>
      %add3A_808 = arith.constant 9.99999997E-7 : f32
      %add3A_809 = vector.broadcast %add3A_808 : f32 to vector<256xf32>
      %add3A_810 = arith.addf %sub3A_807, %add3A_809 : vector<256xf32>
      %mul3A_811 = arith.mulf %add3A_810, %add3A_810 : vector<256xf32>
      %reduce_sum3A_812 = vector.shape_cast %mul3A_811 : vector<256xf32> to vector<1x256xf32>
      %reduce_sum3A_813 = arith.constant dense<0.000000e+00> : vector<1xf32>
      %reduce_sum3A_814 = vector.multi_reduction <add>, %reduce_sum3A_812, %reduce_sum3A_813 [1] : vector<1x256xf32> to vector<1xf32>
      %reduce_sum3A_815 = vector.shape_cast %reduce_sum3A_814 : vector<1xf32> to vector<1x1xf32>
      %reduce_sum3A_816 = vector.extract %reduce_sum3A_815[0, 0] : f32 from vector<1x1xf32>
      %sqrt3A_817 = math.sqrt %reduce_sum3A_816 : f32
      %slice3A_818 = vector.extract_strided_slice %squeeze3A_690 {offsets = [1], sizes = [1], strides = [1]} : vector<8xf32> to vector<1xf32>
      %squeeze3A_819 = vector.extract %slice3A_818[0] : f32 from vector<1xf32>
      %gt3A_820 = arith.constant 0.000000e+00 : f32
      %gt3A_821 = arith.cmpf ogt, %squeeze3A_819, %gt3A_820 : f32
      %slice3A_822 = vector.extract_strided_slice %squeeze3A_706 {offsets = [0], sizes = [1], strides = [1]} : vector<8xf32> to vector<1xf32>
      %squeeze3A_823 = vector.extract %slice3A_822[0] : f32 from vector<1xf32>
      %gt3A_824 = arith.constant 0.000000e+00 : f32
      %gt3A_825 = arith.cmpf ogt, %squeeze3A_823, %gt3A_824 : f32
      %and3A = arith.andi %gt3A_821, %gt3A_825 : i1
      %jit3A = arith.constant 0.000000e+00 : f32
      %select_n3A_826 = arith.select %and3A, %sqrt3A_817, %jit3A : f32
      %add3A_827 = arith.constant 0.000000e+00 : f32
      %add3A_828 = arith.addf %add3A_827, %select_n3A_826 : f32
      %slice3A_829 = vector.extract_strided_slice %div3A_688 {offsets = [2, 0], sizes = [1, 256], strides = [1, 1]} : vector<8x256xf32> to vector<1x256xf32>
      %squeeze3A_830 = vector.shape_cast %slice3A_829 : vector<1x256xf32> to vector<256xf32>
      %slice3A_831 = vector.extract_strided_slice %div3A_720 {offsets = [0, 0], sizes = [1, 256], strides = [1, 1]} : vector<8x256xf32> to vector<1x256xf32>
      %squeeze3A_832 = vector.shape_cast %slice3A_831 : vector<1x256xf32> to vector<256xf32>
      %sub3A_833 = arith.subf %squeeze3A_830, %squeeze3A_832 : vector<256xf32>
      %add3A_834 = arith.constant 9.99999997E-7 : f32
      %add3A_835 = vector.broadcast %add3A_834 : f32 to vector<256xf32>
      %add3A_836 = arith.addf %sub3A_833, %add3A_835 : vector<256xf32>
      %mul3A_837 = arith.mulf %add3A_836, %add3A_836 : vector<256xf32>
      %reduce_sum3A_838 = vector.shape_cast %mul3A_837 : vector<256xf32> to vector<1x256xf32>
      %reduce_sum3A_839 = arith.constant dense<0.000000e+00> : vector<1xf32>
      %reduce_sum3A_840 = vector.multi_reduction <add>, %reduce_sum3A_838, %reduce_sum3A_839 [1] : vector<1x256xf32> to vector<1xf32>
      %reduce_sum3A_841 = vector.shape_cast %reduce_sum3A_840 : vector<1xf32> to vector<1x1xf32>
      %reduce_sum3A_842 = vector.extract %reduce_sum3A_841[0, 0] : f32 from vector<1x1xf32>
      %sqrt3A_843 = math.sqrt %reduce_sum3A_842 : f32
      %slice3A_844 = vector.extract_strided_slice %squeeze3A_690 {offsets = [2], sizes = [1], strides = [1]} : vector<8xf32> to vector<1xf32>
      %squeeze3A_845 = vector.extract %slice3A_844[0] : f32 from vector<1xf32>
      %gt3A_846 = arith.constant 0.000000e+00 : f32
      %gt3A_847 = arith.cmpf ogt, %squeeze3A_845, %gt3A_846 : f32
      %slice3A_848 = vector.extract_strided_slice %squeeze3A_722 {offsets = [0], sizes = [1], strides = [1]} : vector<8xf32> to vector<1xf32>
      %squeeze3A_849 = vector.extract %slice3A_848[0] : f32 from vector<1xf32>
      %gt3A_850 = arith.constant 0.000000e+00 : f32
      %gt3A_851 = arith.cmpf ogt, %squeeze3A_849, %gt3A_850 : f32
      %and3A_852 = arith.andi %gt3A_847, %gt3A_851 : i1
      %jit3A_853 = arith.constant 0.000000e+00 : f32
      %select_n3A_854 = arith.select %and3A_852, %sqrt3A_843, %jit3A_853 : f32
      %add3A_855 = arith.addf %add3A_828, %select_n3A_854 : f32
      %slice3A_856 = vector.extract_strided_slice %div3A_688 {offsets = [3, 0], sizes = [1, 256], strides = [1, 1]} : vector<8x256xf32> to vector<1x256xf32>
      %squeeze3A_857 = vector.shape_cast %slice3A_856 : vector<1x256xf32> to vector<256xf32>
      %slice3A_858 = vector.extract_strided_slice %div3A_736 {offsets = [0, 0], sizes = [1, 256], strides = [1, 1]} : vector<8x256xf32> to vector<1x256xf32>
      %squeeze3A_859 = vector.shape_cast %slice3A_858 : vector<1x256xf32> to vector<256xf32>
      %sub3A_860 = arith.subf %squeeze3A_857, %squeeze3A_859 : vector<256xf32>
      %add3A_861 = arith.constant 9.99999997E-7 : f32
      %add3A_862 = vector.broadcast %add3A_861 : f32 to vector<256xf32>
      %add3A_863 = arith.addf %sub3A_860, %add3A_862 : vector<256xf32>
      %mul3A_864 = arith.mulf %add3A_863, %add3A_863 : vector<256xf32>
      %reduce_sum3A_865 = vector.shape_cast %mul3A_864 : vector<256xf32> to vector<1x256xf32>
      %reduce_sum3A_866 = arith.constant dense<0.000000e+00> : vector<1xf32>
      %reduce_sum3A_867 = vector.multi_reduction <add>, %reduce_sum3A_865, %reduce_sum3A_866 [1] : vector<1x256xf32> to vector<1xf32>
      %reduce_sum3A_868 = vector.shape_cast %reduce_sum3A_867 : vector<1xf32> to vector<1x1xf32>
      %reduce_sum3A_869 = vector.extract %reduce_sum3A_868[0, 0] : f32 from vector<1x1xf32>
      %sqrt3A_870 = math.sqrt %reduce_sum3A_869 : f32
      %slice3A_871 = vector.extract_strided_slice %squeeze3A_690 {offsets = [3], sizes = [1], strides = [1]} : vector<8xf32> to vector<1xf32>
      %squeeze3A_872 = vector.extract %slice3A_871[0] : f32 from vector<1xf32>
      %gt3A_873 = arith.constant 0.000000e+00 : f32
      %gt3A_874 = arith.cmpf ogt, %squeeze3A_872, %gt3A_873 : f32
      %slice3A_875 = vector.extract_strided_slice %squeeze3A_738 {offsets = [0], sizes = [1], strides = [1]} : vector<8xf32> to vector<1xf32>
      %squeeze3A_876 = vector.extract %slice3A_875[0] : f32 from vector<1xf32>
      %gt3A_877 = arith.constant 0.000000e+00 : f32
      %gt3A_878 = arith.cmpf ogt, %squeeze3A_876, %gt3A_877 : f32
      %and3A_879 = arith.andi %gt3A_874, %gt3A_878 : i1
      %jit3A_880 = arith.constant 0.000000e+00 : f32
      %select_n3A_881 = arith.select %and3A_879, %sqrt3A_870, %jit3A_880 : f32
      %add3A_882 = arith.addf %add3A_855, %select_n3A_881 : f32
      %slice3A_883 = vector.extract_strided_slice %div3A_688 {offsets = [4, 0], sizes = [1, 256], strides = [1, 1]} : vector<8x256xf32> to vector<1x256xf32>
      %squeeze3A_884 = vector.shape_cast %slice3A_883 : vector<1x256xf32> to vector<256xf32>
      %slice3A_885 = vector.extract_strided_slice %div3A_752 {offsets = [0, 0], sizes = [1, 256], strides = [1, 1]} : vector<8x256xf32> to vector<1x256xf32>
      %squeeze3A_886 = vector.shape_cast %slice3A_885 : vector<1x256xf32> to vector<256xf32>
      %sub3A_887 = arith.subf %squeeze3A_884, %squeeze3A_886 : vector<256xf32>
      %add3A_888 = arith.constant 9.99999997E-7 : f32
      %add3A_889 = vector.broadcast %add3A_888 : f32 to vector<256xf32>
      %add3A_890 = arith.addf %sub3A_887, %add3A_889 : vector<256xf32>
      %mul3A_891 = arith.mulf %add3A_890, %add3A_890 : vector<256xf32>
      %reduce_sum3A_892 = vector.shape_cast %mul3A_891 : vector<256xf32> to vector<1x256xf32>
      %reduce_sum3A_893 = arith.constant dense<0.000000e+00> : vector<1xf32>
      %reduce_sum3A_894 = vector.multi_reduction <add>, %reduce_sum3A_892, %reduce_sum3A_893 [1] : vector<1x256xf32> to vector<1xf32>
      %reduce_sum3A_895 = vector.shape_cast %reduce_sum3A_894 : vector<1xf32> to vector<1x1xf32>
      %reduce_sum3A_896 = vector.extract %reduce_sum3A_895[0, 0] : f32 from vector<1x1xf32>
      %sqrt3A_897 = math.sqrt %reduce_sum3A_896 : f32
      %slice3A_898 = vector.extract_strided_slice %squeeze3A_690 {offsets = [4], sizes = [1], strides = [1]} : vector<8xf32> to vector<1xf32>
      %squeeze3A_899 = vector.extract %slice3A_898[0] : f32 from vector<1xf32>
      %gt3A_900 = arith.constant 0.000000e+00 : f32
      %gt3A_901 = arith.cmpf ogt, %squeeze3A_899, %gt3A_900 : f32
      %slice3A_902 = vector.extract_strided_slice %squeeze3A_754 {offsets = [0], sizes = [1], strides = [1]} : vector<8xf32> to vector<1xf32>
      %squeeze3A_903 = vector.extract %slice3A_902[0] : f32 from vector<1xf32>
      %gt3A_904 = arith.constant 0.000000e+00 : f32
      %gt3A_905 = arith.cmpf ogt, %squeeze3A_903, %gt3A_904 : f32
      %and3A_906 = arith.andi %gt3A_901, %gt3A_905 : i1
      %jit3A_907 = arith.constant 0.000000e+00 : f32
      %select_n3A_908 = arith.select %and3A_906, %sqrt3A_897, %jit3A_907 : f32
      %add3A_909 = arith.addf %add3A_882, %select_n3A_908 : f32
      %slice3A_910 = vector.extract_strided_slice %div3A_688 {offsets = [5, 0], sizes = [1, 256], strides = [1, 1]} : vector<8x256xf32> to vector<1x256xf32>
      %squeeze3A_911 = vector.shape_cast %slice3A_910 : vector<1x256xf32> to vector<256xf32>
      %slice3A_912 = vector.extract_strided_slice %div3A_768 {offsets = [0, 0], sizes = [1, 256], strides = [1, 1]} : vector<8x256xf32> to vector<1x256xf32>
      %squeeze3A_913 = vector.shape_cast %slice3A_912 : vector<1x256xf32> to vector<256xf32>
      %sub3A_914 = arith.subf %squeeze3A_911, %squeeze3A_913 : vector<256xf32>
      %add3A_915 = arith.constant 9.99999997E-7 : f32
      %add3A_916 = vector.broadcast %add3A_915 : f32 to vector<256xf32>
      %add3A_917 = arith.addf %sub3A_914, %add3A_916 : vector<256xf32>
      %mul3A_918 = arith.mulf %add3A_917, %add3A_917 : vector<256xf32>
      %reduce_sum3A_919 = vector.shape_cast %mul3A_918 : vector<256xf32> to vector<1x256xf32>
      %reduce_sum3A_920 = arith.constant dense<0.000000e+00> : vector<1xf32>
      %reduce_sum3A_921 = vector.multi_reduction <add>, %reduce_sum3A_919, %reduce_sum3A_920 [1] : vector<1x256xf32> to vector<1xf32>
      %reduce_sum3A_922 = vector.shape_cast %reduce_sum3A_921 : vector<1xf32> to vector<1x1xf32>
      %reduce_sum3A_923 = vector.extract %reduce_sum3A_922[0, 0] : f32 from vector<1x1xf32>
      %sqrt3A_924 = math.sqrt %reduce_sum3A_923 : f32
      %slice3A_925 = vector.extract_strided_slice %squeeze3A_690 {offsets = [5], sizes = [1], strides = [1]} : vector<8xf32> to vector<1xf32>
      %squeeze3A_926 = vector.extract %slice3A_925[0] : f32 from vector<1xf32>
      %gt3A_927 = arith.constant 0.000000e+00 : f32
      %gt3A_928 = arith.cmpf ogt, %squeeze3A_926, %gt3A_927 : f32
      %slice3A_929 = vector.extract_strided_slice %squeeze3A_770 {offsets = [0], sizes = [1], strides = [1]} : vector<8xf32> to vector<1xf32>
      %squeeze3A_930 = vector.extract %slice3A_929[0] : f32 from vector<1xf32>
      %gt3A_931 = arith.constant 0.000000e+00 : f32
      %gt3A_932 = arith.cmpf ogt, %squeeze3A_930, %gt3A_931 : f32
      %and3A_933 = arith.andi %gt3A_928, %gt3A_932 : i1
      %jit3A_934 = arith.constant 0.000000e+00 : f32
      %select_n3A_935 = arith.select %and3A_933, %sqrt3A_924, %jit3A_934 : f32
      %add3A_936 = arith.addf %add3A_909, %select_n3A_935 : f32
      %slice3A_937 = vector.extract_strided_slice %div3A_688 {offsets = [6, 0], sizes = [1, 256], strides = [1, 1]} : vector<8x256xf32> to vector<1x256xf32>
      %squeeze3A_938 = vector.shape_cast %slice3A_937 : vector<1x256xf32> to vector<256xf32>
      %slice3A_939 = vector.extract_strided_slice %div3A_784 {offsets = [0, 0], sizes = [1, 256], strides = [1, 1]} : vector<8x256xf32> to vector<1x256xf32>
      %squeeze3A_940 = vector.shape_cast %slice3A_939 : vector<1x256xf32> to vector<256xf32>
      %sub3A_941 = arith.subf %squeeze3A_938, %squeeze3A_940 : vector<256xf32>
      %add3A_942 = arith.constant 9.99999997E-7 : f32
      %add3A_943 = vector.broadcast %add3A_942 : f32 to vector<256xf32>
      %add3A_944 = arith.addf %sub3A_941, %add3A_943 : vector<256xf32>
      %mul3A_945 = arith.mulf %add3A_944, %add3A_944 : vector<256xf32>
      %reduce_sum3A_946 = vector.shape_cast %mul3A_945 : vector<256xf32> to vector<1x256xf32>
      %reduce_sum3A_947 = arith.constant dense<0.000000e+00> : vector<1xf32>
      %reduce_sum3A_948 = vector.multi_reduction <add>, %reduce_sum3A_946, %reduce_sum3A_947 [1] : vector<1x256xf32> to vector<1xf32>
      %reduce_sum3A_949 = vector.shape_cast %reduce_sum3A_948 : vector<1xf32> to vector<1x1xf32>
      %reduce_sum3A_950 = vector.extract %reduce_sum3A_949[0, 0] : f32 from vector<1x1xf32>
      %sqrt3A_951 = math.sqrt %reduce_sum3A_950 : f32
      %slice3A_952 = vector.extract_strided_slice %squeeze3A_690 {offsets = [6], sizes = [1], strides = [1]} : vector<8xf32> to vector<1xf32>
      %squeeze3A_953 = vector.extract %slice3A_952[0] : f32 from vector<1xf32>
      %gt3A_954 = arith.constant 0.000000e+00 : f32
      %gt3A_955 = arith.cmpf ogt, %squeeze3A_953, %gt3A_954 : f32
      %slice3A_956 = vector.extract_strided_slice %squeeze3A_786 {offsets = [0], sizes = [1], strides = [1]} : vector<8xf32> to vector<1xf32>
      %squeeze3A_957 = vector.extract %slice3A_956[0] : f32 from vector<1xf32>
      %gt3A_958 = arith.constant 0.000000e+00 : f32
      %gt3A_959 = arith.cmpf ogt, %squeeze3A_957, %gt3A_958 : f32
      %and3A_960 = arith.andi %gt3A_955, %gt3A_959 : i1
      %jit3A_961 = arith.constant 0.000000e+00 : f32
      %select_n3A_962 = arith.select %and3A_960, %sqrt3A_951, %jit3A_961 : f32
      %add3A_963 = arith.addf %add3A_936, %select_n3A_962 : f32
      %slice3A_964 = vector.extract_strided_slice %div3A_688 {offsets = [7, 0], sizes = [1, 256], strides = [1, 1]} : vector<8x256xf32> to vector<1x256xf32>
      %squeeze3A_965 = vector.shape_cast %slice3A_964 : vector<1x256xf32> to vector<256xf32>
      %slice3A_966 = vector.extract_strided_slice %div3A_800 {offsets = [0, 0], sizes = [1, 256], strides = [1, 1]} : vector<8x256xf32> to vector<1x256xf32>
      %squeeze3A_967 = vector.shape_cast %slice3A_966 : vector<1x256xf32> to vector<256xf32>
      %sub3A_968 = arith.subf %squeeze3A_965, %squeeze3A_967 : vector<256xf32>
      %add3A_969 = arith.constant 9.99999997E-7 : f32
      %add3A_970 = vector.broadcast %add3A_969 : f32 to vector<256xf32>
      %add3A_971 = arith.addf %sub3A_968, %add3A_970 : vector<256xf32>
      %mul3A_972 = arith.mulf %add3A_971, %add3A_971 : vector<256xf32>
      %reduce_sum3A_973 = vector.shape_cast %mul3A_972 : vector<256xf32> to vector<1x256xf32>
      %reduce_sum3A_974 = arith.constant dense<0.000000e+00> : vector<1xf32>
      %reduce_sum3A_975 = vector.multi_reduction <add>, %reduce_sum3A_973, %reduce_sum3A_974 [1] : vector<1x256xf32> to vector<1xf32>
      %reduce_sum3A_976 = vector.shape_cast %reduce_sum3A_975 : vector<1xf32> to vector<1x1xf32>
      %reduce_sum3A_977 = vector.extract %reduce_sum3A_976[0, 0] : f32 from vector<1x1xf32>
      %sqrt3A_978 = math.sqrt %reduce_sum3A_977 : f32
      %slice3A_979 = vector.extract_strided_slice %squeeze3A_690 {offsets = [7], sizes = [1], strides = [1]} : vector<8xf32> to vector<1xf32>
      %squeeze3A_980 = vector.extract %slice3A_979[0] : f32 from vector<1xf32>
      %gt3A_981 = arith.constant 0.000000e+00 : f32
      %gt3A_982 = arith.cmpf ogt, %squeeze3A_980, %gt3A_981 : f32
      %slice3A_983 = vector.extract_strided_slice %squeeze3A_802 {offsets = [0], sizes = [1], strides = [1]} : vector<8xf32> to vector<1xf32>
      %squeeze3A_984 = vector.extract %slice3A_983[0] : f32 from vector<1xf32>
      %gt3A_985 = arith.constant 0.000000e+00 : f32
      %gt3A_986 = arith.cmpf ogt, %squeeze3A_984, %gt3A_985 : f32
      %and3A_987 = arith.andi %gt3A_982, %gt3A_986 : i1
      %jit3A_988 = arith.constant 0.000000e+00 : f32
      %select_n3A_989 = arith.select %and3A_987, %sqrt3A_978, %jit3A_988 : f32
      %add3A_990 = arith.addf %add3A_963, %select_n3A_989 : f32
      %slice3A_991 = vector.extract_strided_slice %div3A_704 {offsets = [2, 0], sizes = [1, 256], strides = [1, 1]} : vector<8x256xf32> to vector<1x256xf32>
      %squeeze3A_992 = vector.shape_cast %slice3A_991 : vector<1x256xf32> to vector<256xf32>
      %slice3A_993 = vector.extract_strided_slice %div3A_720 {offsets = [1, 0], sizes = [1, 256], strides = [1, 1]} : vector<8x256xf32> to vector<1x256xf32>
      %squeeze3A_994 = vector.shape_cast %slice3A_993 : vector<1x256xf32> to vector<256xf32>
      %sub3A_995 = arith.subf %squeeze3A_992, %squeeze3A_994 : vector<256xf32>
      %add3A_996 = arith.constant 9.99999997E-7 : f32
      %add3A_997 = vector.broadcast %add3A_996 : f32 to vector<256xf32>
      %add3A_998 = arith.addf %sub3A_995, %add3A_997 : vector<256xf32>
      %mul3A_999 = arith.mulf %add3A_998, %add3A_998 : vector<256xf32>
      %reduce_sum3A_1000 = vector.shape_cast %mul3A_999 : vector<256xf32> to vector<1x256xf32>
      %reduce_sum3A_1001 = arith.constant dense<0.000000e+00> : vector<1xf32>
      %reduce_sum3A_1002 = vector.multi_reduction <add>, %reduce_sum3A_1000, %reduce_sum3A_1001 [1] : vector<1x256xf32> to vector<1xf32>
      %reduce_sum3A_1003 = vector.shape_cast %reduce_sum3A_1002 : vector<1xf32> to vector<1x1xf32>
      %reduce_sum3A_1004 = vector.extract %reduce_sum3A_1003[0, 0] : f32 from vector<1x1xf32>
      %sqrt3A_1005 = math.sqrt %reduce_sum3A_1004 : f32
      %slice3A_1006 = vector.extract_strided_slice %squeeze3A_706 {offsets = [2], sizes = [1], strides = [1]} : vector<8xf32> to vector<1xf32>
      %squeeze3A_1007 = vector.extract %slice3A_1006[0] : f32 from vector<1xf32>
      %gt3A_1008 = arith.constant 0.000000e+00 : f32
      %gt3A_1009 = arith.cmpf ogt, %squeeze3A_1007, %gt3A_1008 : f32
      %slice3A_1010 = vector.extract_strided_slice %squeeze3A_722 {offsets = [1], sizes = [1], strides = [1]} : vector<8xf32> to vector<1xf32>
      %squeeze3A_1011 = vector.extract %slice3A_1010[0] : f32 from vector<1xf32>
      %gt3A_1012 = arith.constant 0.000000e+00 : f32
      %gt3A_1013 = arith.cmpf ogt, %squeeze3A_1011, %gt3A_1012 : f32
      %and3A_1014 = arith.andi %gt3A_1009, %gt3A_1013 : i1
      %jit3A_1015 = arith.constant 0.000000e+00 : f32
      %select_n3A_1016 = arith.select %and3A_1014, %sqrt3A_1005, %jit3A_1015 : f32
      %add3A_1017 = arith.addf %add3A_990, %select_n3A_1016 : f32
      %slice3A_1018 = vector.extract_strided_slice %div3A_704 {offsets = [3, 0], sizes = [1, 256], strides = [1, 1]} : vector<8x256xf32> to vector<1x256xf32>
      %squeeze3A_1019 = vector.shape_cast %slice3A_1018 : vector<1x256xf32> to vector<256xf32>
      %slice3A_1020 = vector.extract_strided_slice %div3A_736 {offsets = [1, 0], sizes = [1, 256], strides = [1, 1]} : vector<8x256xf32> to vector<1x256xf32>
      %squeeze3A_1021 = vector.shape_cast %slice3A_1020 : vector<1x256xf32> to vector<256xf32>
      %sub3A_1022 = arith.subf %squeeze3A_1019, %squeeze3A_1021 : vector<256xf32>
      %add3A_1023 = arith.constant 9.99999997E-7 : f32
      %add3A_1024 = vector.broadcast %add3A_1023 : f32 to vector<256xf32>
      %add3A_1025 = arith.addf %sub3A_1022, %add3A_1024 : vector<256xf32>
      %mul3A_1026 = arith.mulf %add3A_1025, %add3A_1025 : vector<256xf32>
      %reduce_sum3A_1027 = vector.shape_cast %mul3A_1026 : vector<256xf32> to vector<1x256xf32>
      %reduce_sum3A_1028 = arith.constant dense<0.000000e+00> : vector<1xf32>
      %reduce_sum3A_1029 = vector.multi_reduction <add>, %reduce_sum3A_1027, %reduce_sum3A_1028 [1] : vector<1x256xf32> to vector<1xf32>
      %reduce_sum3A_1030 = vector.shape_cast %reduce_sum3A_1029 : vector<1xf32> to vector<1x1xf32>
      %reduce_sum3A_1031 = vector.extract %reduce_sum3A_1030[0, 0] : f32 from vector<1x1xf32>
      %sqrt3A_1032 = math.sqrt %reduce_sum3A_1031 : f32
      %slice3A_1033 = vector.extract_strided_slice %squeeze3A_706 {offsets = [3], sizes = [1], strides = [1]} : vector<8xf32> to vector<1xf32>
      %squeeze3A_1034 = vector.extract %slice3A_1033[0] : f32 from vector<1xf32>
      %gt3A_1035 = arith.constant 0.000000e+00 : f32
      %gt3A_1036 = arith.cmpf ogt, %squeeze3A_1034, %gt3A_1035 : f32
      %slice3A_1037 = vector.extract_strided_slice %squeeze3A_738 {offsets = [1], sizes = [1], strides = [1]} : vector<8xf32> to vector<1xf32>
      %squeeze3A_1038 = vector.extract %slice3A_1037[0] : f32 from vector<1xf32>
      %gt3A_1039 = arith.constant 0.000000e+00 : f32
      %gt3A_1040 = arith.cmpf ogt, %squeeze3A_1038, %gt3A_1039 : f32
      %and3A_1041 = arith.andi %gt3A_1036, %gt3A_1040 : i1
      %jit3A_1042 = arith.constant 0.000000e+00 : f32
      %select_n3A_1043 = arith.select %and3A_1041, %sqrt3A_1032, %jit3A_1042 : f32
      %add3A_1044 = arith.addf %add3A_1017, %select_n3A_1043 : f32
      %slice3A_1045 = vector.extract_strided_slice %div3A_704 {offsets = [4, 0], sizes = [1, 256], strides = [1, 1]} : vector<8x256xf32> to vector<1x256xf32>
      %squeeze3A_1046 = vector.shape_cast %slice3A_1045 : vector<1x256xf32> to vector<256xf32>
      %slice3A_1047 = vector.extract_strided_slice %div3A_752 {offsets = [1, 0], sizes = [1, 256], strides = [1, 1]} : vector<8x256xf32> to vector<1x256xf32>
      %squeeze3A_1048 = vector.shape_cast %slice3A_1047 : vector<1x256xf32> to vector<256xf32>
      %sub3A_1049 = arith.subf %squeeze3A_1046, %squeeze3A_1048 : vector<256xf32>
      %add3A_1050 = arith.constant 9.99999997E-7 : f32
      %add3A_1051 = vector.broadcast %add3A_1050 : f32 to vector<256xf32>
      %add3A_1052 = arith.addf %sub3A_1049, %add3A_1051 : vector<256xf32>
      %mul3A_1053 = arith.mulf %add3A_1052, %add3A_1052 : vector<256xf32>
      %reduce_sum3A_1054 = vector.shape_cast %mul3A_1053 : vector<256xf32> to vector<1x256xf32>
      %reduce_sum3A_1055 = arith.constant dense<0.000000e+00> : vector<1xf32>
      %reduce_sum3A_1056 = vector.multi_reduction <add>, %reduce_sum3A_1054, %reduce_sum3A_1055 [1] : vector<1x256xf32> to vector<1xf32>
      %reduce_sum3A_1057 = vector.shape_cast %reduce_sum3A_1056 : vector<1xf32> to vector<1x1xf32>
      %reduce_sum3A_1058 = vector.extract %reduce_sum3A_1057[0, 0] : f32 from vector<1x1xf32>
      %sqrt3A_1059 = math.sqrt %reduce_sum3A_1058 : f32
      %slice3A_1060 = vector.extract_strided_slice %squeeze3A_706 {offsets = [4], sizes = [1], strides = [1]} : vector<8xf32> to vector<1xf32>
      %squeeze3A_1061 = vector.extract %slice3A_1060[0] : f32 from vector<1xf32>
      %gt3A_1062 = arith.constant 0.000000e+00 : f32
      %gt3A_1063 = arith.cmpf ogt, %squeeze3A_1061, %gt3A_1062 : f32
      %slice3A_1064 = vector.extract_strided_slice %squeeze3A_754 {offsets = [1], sizes = [1], strides = [1]} : vector<8xf32> to vector<1xf32>
      %squeeze3A_1065 = vector.extract %slice3A_1064[0] : f32 from vector<1xf32>
      %gt3A_1066 = arith.constant 0.000000e+00 : f32
      %gt3A_1067 = arith.cmpf ogt, %squeeze3A_1065, %gt3A_1066 : f32
      %and3A_1068 = arith.andi %gt3A_1063, %gt3A_1067 : i1
      %jit3A_1069 = arith.constant 0.000000e+00 : f32
      %select_n3A_1070 = arith.select %and3A_1068, %sqrt3A_1059, %jit3A_1069 : f32
      %add3A_1071 = arith.addf %add3A_1044, %select_n3A_1070 : f32
      %slice3A_1072 = vector.extract_strided_slice %div3A_704 {offsets = [5, 0], sizes = [1, 256], strides = [1, 1]} : vector<8x256xf32> to vector<1x256xf32>
      %squeeze3A_1073 = vector.shape_cast %slice3A_1072 : vector<1x256xf32> to vector<256xf32>
      %slice3A_1074 = vector.extract_strided_slice %div3A_768 {offsets = [1, 0], sizes = [1, 256], strides = [1, 1]} : vector<8x256xf32> to vector<1x256xf32>
      %squeeze3A_1075 = vector.shape_cast %slice3A_1074 : vector<1x256xf32> to vector<256xf32>
      %sub3A_1076 = arith.subf %squeeze3A_1073, %squeeze3A_1075 : vector<256xf32>
      %add3A_1077 = arith.constant 9.99999997E-7 : f32
      %add3A_1078 = vector.broadcast %add3A_1077 : f32 to vector<256xf32>
      %add3A_1079 = arith.addf %sub3A_1076, %add3A_1078 : vector<256xf32>
      %mul3A_1080 = arith.mulf %add3A_1079, %add3A_1079 : vector<256xf32>
      %reduce_sum3A_1081 = vector.shape_cast %mul3A_1080 : vector<256xf32> to vector<1x256xf32>
      %reduce_sum3A_1082 = arith.constant dense<0.000000e+00> : vector<1xf32>
      %reduce_sum3A_1083 = vector.multi_reduction <add>, %reduce_sum3A_1081, %reduce_sum3A_1082 [1] : vector<1x256xf32> to vector<1xf32>
      %reduce_sum3A_1084 = vector.shape_cast %reduce_sum3A_1083 : vector<1xf32> to vector<1x1xf32>
      %reduce_sum3A_1085 = vector.extract %reduce_sum3A_1084[0, 0] : f32 from vector<1x1xf32>
      %sqrt3A_1086 = math.sqrt %reduce_sum3A_1085 : f32
      %slice3A_1087 = vector.extract_strided_slice %squeeze3A_706 {offsets = [5], sizes = [1], strides = [1]} : vector<8xf32> to vector<1xf32>
      %squeeze3A_1088 = vector.extract %slice3A_1087[0] : f32 from vector<1xf32>
      %gt3A_1089 = arith.constant 0.000000e+00 : f32
      %gt3A_1090 = arith.cmpf ogt, %squeeze3A_1088, %gt3A_1089 : f32
      %slice3A_1091 = vector.extract_strided_slice %squeeze3A_770 {offsets = [1], sizes = [1], strides = [1]} : vector<8xf32> to vector<1xf32>
      %squeeze3A_1092 = vector.extract %slice3A_1091[0] : f32 from vector<1xf32>
      %gt3A_1093 = arith.constant 0.000000e+00 : f32
      %gt3A_1094 = arith.cmpf ogt, %squeeze3A_1092, %gt3A_1093 : f32
      %and3A_1095 = arith.andi %gt3A_1090, %gt3A_1094 : i1
      %jit3A_1096 = arith.constant 0.000000e+00 : f32
      %select_n3A_1097 = arith.select %and3A_1095, %sqrt3A_1086, %jit3A_1096 : f32
      %add3A_1098 = arith.addf %add3A_1071, %select_n3A_1097 : f32
      %slice3A_1099 = vector.extract_strided_slice %div3A_704 {offsets = [6, 0], sizes = [1, 256], strides = [1, 1]} : vector<8x256xf32> to vector<1x256xf32>
      %squeeze3A_1100 = vector.shape_cast %slice3A_1099 : vector<1x256xf32> to vector<256xf32>
      %slice3A_1101 = vector.extract_strided_slice %div3A_784 {offsets = [1, 0], sizes = [1, 256], strides = [1, 1]} : vector<8x256xf32> to vector<1x256xf32>
      %squeeze3A_1102 = vector.shape_cast %slice3A_1101 : vector<1x256xf32> to vector<256xf32>
      %sub3A_1103 = arith.subf %squeeze3A_1100, %squeeze3A_1102 : vector<256xf32>
      %add3A_1104 = arith.constant 9.99999997E-7 : f32
      %add3A_1105 = vector.broadcast %add3A_1104 : f32 to vector<256xf32>
      %add3A_1106 = arith.addf %sub3A_1103, %add3A_1105 : vector<256xf32>
      %mul3A_1107 = arith.mulf %add3A_1106, %add3A_1106 : vector<256xf32>
      %reduce_sum3A_1108 = vector.shape_cast %mul3A_1107 : vector<256xf32> to vector<1x256xf32>
      %reduce_sum3A_1109 = arith.constant dense<0.000000e+00> : vector<1xf32>
      %reduce_sum3A_1110 = vector.multi_reduction <add>, %reduce_sum3A_1108, %reduce_sum3A_1109 [1] : vector<1x256xf32> to vector<1xf32>
      %reduce_sum3A_1111 = vector.shape_cast %reduce_sum3A_1110 : vector<1xf32> to vector<1x1xf32>
      %reduce_sum3A_1112 = vector.extract %reduce_sum3A_1111[0, 0] : f32 from vector<1x1xf32>
      %sqrt3A_1113 = math.sqrt %reduce_sum3A_1112 : f32
      %slice3A_1114 = vector.extract_strided_slice %squeeze3A_706 {offsets = [6], sizes = [1], strides = [1]} : vector<8xf32> to vector<1xf32>
      %squeeze3A_1115 = vector.extract %slice3A_1114[0] : f32 from vector<1xf32>
      %gt3A_1116 = arith.constant 0.000000e+00 : f32
      %gt3A_1117 = arith.cmpf ogt, %squeeze3A_1115, %gt3A_1116 : f32
      %slice3A_1118 = vector.extract_strided_slice %squeeze3A_786 {offsets = [1], sizes = [1], strides = [1]} : vector<8xf32> to vector<1xf32>
      %squeeze3A_1119 = vector.extract %slice3A_1118[0] : f32 from vector<1xf32>
      %gt3A_1120 = arith.constant 0.000000e+00 : f32
      %gt3A_1121 = arith.cmpf ogt, %squeeze3A_1119, %gt3A_1120 : f32
      %and3A_1122 = arith.andi %gt3A_1117, %gt3A_1121 : i1
      %jit3A_1123 = arith.constant 0.000000e+00 : f32
      %select_n3A_1124 = arith.select %and3A_1122, %sqrt3A_1113, %jit3A_1123 : f32
      %add3A_1125 = arith.addf %add3A_1098, %select_n3A_1124 : f32
      %slice3A_1126 = vector.extract_strided_slice %div3A_704 {offsets = [7, 0], sizes = [1, 256], strides = [1, 1]} : vector<8x256xf32> to vector<1x256xf32>
      %squeeze3A_1127 = vector.shape_cast %slice3A_1126 : vector<1x256xf32> to vector<256xf32>
      %slice3A_1128 = vector.extract_strided_slice %div3A_800 {offsets = [1, 0], sizes = [1, 256], strides = [1, 1]} : vector<8x256xf32> to vector<1x256xf32>
      %squeeze3A_1129 = vector.shape_cast %slice3A_1128 : vector<1x256xf32> to vector<256xf32>
      %sub3A_1130 = arith.subf %squeeze3A_1127, %squeeze3A_1129 : vector<256xf32>
      %add3A_1131 = arith.constant 9.99999997E-7 : f32
      %add3A_1132 = vector.broadcast %add3A_1131 : f32 to vector<256xf32>
      %add3A_1133 = arith.addf %sub3A_1130, %add3A_1132 : vector<256xf32>
      %mul3A_1134 = arith.mulf %add3A_1133, %add3A_1133 : vector<256xf32>
      %reduce_sum3A_1135 = vector.shape_cast %mul3A_1134 : vector<256xf32> to vector<1x256xf32>
      %reduce_sum3A_1136 = arith.constant dense<0.000000e+00> : vector<1xf32>
      %reduce_sum3A_1137 = vector.multi_reduction <add>, %reduce_sum3A_1135, %reduce_sum3A_1136 [1] : vector<1x256xf32> to vector<1xf32>
      %reduce_sum3A_1138 = vector.shape_cast %reduce_sum3A_1137 : vector<1xf32> to vector<1x1xf32>
      %reduce_sum3A_1139 = vector.extract %reduce_sum3A_1138[0, 0] : f32 from vector<1x1xf32>
      %sqrt3A_1140 = math.sqrt %reduce_sum3A_1139 : f32
      %slice3A_1141 = vector.extract_strided_slice %squeeze3A_706 {offsets = [7], sizes = [1], strides = [1]} : vector<8xf32> to vector<1xf32>
      %squeeze3A_1142 = vector.extract %slice3A_1141[0] : f32 from vector<1xf32>
      %gt3A_1143 = arith.constant 0.000000e+00 : f32
      %gt3A_1144 = arith.cmpf ogt, %squeeze3A_1142, %gt3A_1143 : f32
      %slice3A_1145 = vector.extract_strided_slice %squeeze3A_802 {offsets = [1], sizes = [1], strides = [1]} : vector<8xf32> to vector<1xf32>
      %squeeze3A_1146 = vector.extract %slice3A_1145[0] : f32 from vector<1xf32>
      %gt3A_1147 = arith.constant 0.000000e+00 : f32
      %gt3A_1148 = arith.cmpf ogt, %squeeze3A_1146, %gt3A_1147 : f32
      %and3A_1149 = arith.andi %gt3A_1144, %gt3A_1148 : i1
      %jit3A_1150 = arith.constant 0.000000e+00 : f32
      %select_n3A_1151 = arith.select %and3A_1149, %sqrt3A_1140, %jit3A_1150 : f32
      %add3A_1152 = arith.addf %add3A_1125, %select_n3A_1151 : f32
      %slice3A_1153 = vector.extract_strided_slice %div3A_720 {offsets = [3, 0], sizes = [1, 256], strides = [1, 1]} : vector<8x256xf32> to vector<1x256xf32>
      %squeeze3A_1154 = vector.shape_cast %slice3A_1153 : vector<1x256xf32> to vector<256xf32>
      %slice3A_1155 = vector.extract_strided_slice %div3A_736 {offsets = [2, 0], sizes = [1, 256], strides = [1, 1]} : vector<8x256xf32> to vector<1x256xf32>
      %squeeze3A_1156 = vector.shape_cast %slice3A_1155 : vector<1x256xf32> to vector<256xf32>
      %sub3A_1157 = arith.subf %squeeze3A_1154, %squeeze3A_1156 : vector<256xf32>
      %add3A_1158 = arith.constant 9.99999997E-7 : f32
      %add3A_1159 = vector.broadcast %add3A_1158 : f32 to vector<256xf32>
      %add3A_1160 = arith.addf %sub3A_1157, %add3A_1159 : vector<256xf32>
      %mul3A_1161 = arith.mulf %add3A_1160, %add3A_1160 : vector<256xf32>
      %reduce_sum3A_1162 = vector.shape_cast %mul3A_1161 : vector<256xf32> to vector<1x256xf32>
      %reduce_sum3A_1163 = arith.constant dense<0.000000e+00> : vector<1xf32>
      %reduce_sum3A_1164 = vector.multi_reduction <add>, %reduce_sum3A_1162, %reduce_sum3A_1163 [1] : vector<1x256xf32> to vector<1xf32>
      %reduce_sum3A_1165 = vector.shape_cast %reduce_sum3A_1164 : vector<1xf32> to vector<1x1xf32>
      %reduce_sum3A_1166 = vector.extract %reduce_sum3A_1165[0, 0] : f32 from vector<1x1xf32>
      %sqrt3A_1167 = math.sqrt %reduce_sum3A_1166 : f32
      %slice3A_1168 = vector.extract_strided_slice %squeeze3A_722 {offsets = [3], sizes = [1], strides = [1]} : vector<8xf32> to vector<1xf32>
      %squeeze3A_1169 = vector.extract %slice3A_1168[0] : f32 from vector<1xf32>
      %gt3A_1170 = arith.constant 0.000000e+00 : f32
      %gt3A_1171 = arith.cmpf ogt, %squeeze3A_1169, %gt3A_1170 : f32
      %slice3A_1172 = vector.extract_strided_slice %squeeze3A_738 {offsets = [2], sizes = [1], strides = [1]} : vector<8xf32> to vector<1xf32>
      %squeeze3A_1173 = vector.extract %slice3A_1172[0] : f32 from vector<1xf32>
      %gt3A_1174 = arith.constant 0.000000e+00 : f32
      %gt3A_1175 = arith.cmpf ogt, %squeeze3A_1173, %gt3A_1174 : f32
      %and3A_1176 = arith.andi %gt3A_1171, %gt3A_1175 : i1
      %jit3A_1177 = arith.constant 0.000000e+00 : f32
      %select_n3A_1178 = arith.select %and3A_1176, %sqrt3A_1167, %jit3A_1177 : f32
      %add3A_1179 = arith.addf %add3A_1152, %select_n3A_1178 : f32
      %slice3A_1180 = vector.extract_strided_slice %div3A_720 {offsets = [4, 0], sizes = [1, 256], strides = [1, 1]} : vector<8x256xf32> to vector<1x256xf32>
      %squeeze3A_1181 = vector.shape_cast %slice3A_1180 : vector<1x256xf32> to vector<256xf32>
      %slice3A_1182 = vector.extract_strided_slice %div3A_752 {offsets = [2, 0], sizes = [1, 256], strides = [1, 1]} : vector<8x256xf32> to vector<1x256xf32>
      %squeeze3A_1183 = vector.shape_cast %slice3A_1182 : vector<1x256xf32> to vector<256xf32>
      %sub3A_1184 = arith.subf %squeeze3A_1181, %squeeze3A_1183 : vector<256xf32>
      %add3A_1185 = arith.constant 9.99999997E-7 : f32
      %add3A_1186 = vector.broadcast %add3A_1185 : f32 to vector<256xf32>
      %add3A_1187 = arith.addf %sub3A_1184, %add3A_1186 : vector<256xf32>
      %mul3A_1188 = arith.mulf %add3A_1187, %add3A_1187 : vector<256xf32>
      %reduce_sum3A_1189 = vector.shape_cast %mul3A_1188 : vector<256xf32> to vector<1x256xf32>
      %reduce_sum3A_1190 = arith.constant dense<0.000000e+00> : vector<1xf32>
      %reduce_sum3A_1191 = vector.multi_reduction <add>, %reduce_sum3A_1189, %reduce_sum3A_1190 [1] : vector<1x256xf32> to vector<1xf32>
      %reduce_sum3A_1192 = vector.shape_cast %reduce_sum3A_1191 : vector<1xf32> to vector<1x1xf32>
      %reduce_sum3A_1193 = vector.extract %reduce_sum3A_1192[0, 0] : f32 from vector<1x1xf32>
      %sqrt3A_1194 = math.sqrt %reduce_sum3A_1193 : f32
      %slice3A_1195 = vector.extract_strided_slice %squeeze3A_722 {offsets = [4], sizes = [1], strides = [1]} : vector<8xf32> to vector<1xf32>
      %squeeze3A_1196 = vector.extract %slice3A_1195[0] : f32 from vector<1xf32>
      %gt3A_1197 = arith.constant 0.000000e+00 : f32
      %gt3A_1198 = arith.cmpf ogt, %squeeze3A_1196, %gt3A_1197 : f32
      %slice3A_1199 = vector.extract_strided_slice %squeeze3A_754 {offsets = [2], sizes = [1], strides = [1]} : vector<8xf32> to vector<1xf32>
      %squeeze3A_1200 = vector.extract %slice3A_1199[0] : f32 from vector<1xf32>
      %gt3A_1201 = arith.constant 0.000000e+00 : f32
      %gt3A_1202 = arith.cmpf ogt, %squeeze3A_1200, %gt3A_1201 : f32
      %and3A_1203 = arith.andi %gt3A_1198, %gt3A_1202 : i1
      %jit3A_1204 = arith.constant 0.000000e+00 : f32
      %select_n3A_1205 = arith.select %and3A_1203, %sqrt3A_1194, %jit3A_1204 : f32
      %add3A_1206 = arith.addf %add3A_1179, %select_n3A_1205 : f32
      %slice3A_1207 = vector.extract_strided_slice %div3A_720 {offsets = [5, 0], sizes = [1, 256], strides = [1, 1]} : vector<8x256xf32> to vector<1x256xf32>
      %squeeze3A_1208 = vector.shape_cast %slice3A_1207 : vector<1x256xf32> to vector<256xf32>
      %slice3A_1209 = vector.extract_strided_slice %div3A_768 {offsets = [2, 0], sizes = [1, 256], strides = [1, 1]} : vector<8x256xf32> to vector<1x256xf32>
      %squeeze3A_1210 = vector.shape_cast %slice3A_1209 : vector<1x256xf32> to vector<256xf32>
      %sub3A_1211 = arith.subf %squeeze3A_1208, %squeeze3A_1210 : vector<256xf32>
      %add3A_1212 = arith.constant 9.99999997E-7 : f32
      %add3A_1213 = vector.broadcast %add3A_1212 : f32 to vector<256xf32>
      %add3A_1214 = arith.addf %sub3A_1211, %add3A_1213 : vector<256xf32>
      %mul3A_1215 = arith.mulf %add3A_1214, %add3A_1214 : vector<256xf32>
      %reduce_sum3A_1216 = vector.shape_cast %mul3A_1215 : vector<256xf32> to vector<1x256xf32>
      %reduce_sum3A_1217 = arith.constant dense<0.000000e+00> : vector<1xf32>
      %reduce_sum3A_1218 = vector.multi_reduction <add>, %reduce_sum3A_1216, %reduce_sum3A_1217 [1] : vector<1x256xf32> to vector<1xf32>
      %reduce_sum3A_1219 = vector.shape_cast %reduce_sum3A_1218 : vector<1xf32> to vector<1x1xf32>
      %reduce_sum3A_1220 = vector.extract %reduce_sum3A_1219[0, 0] : f32 from vector<1x1xf32>
      %sqrt3A_1221 = math.sqrt %reduce_sum3A_1220 : f32
      %slice3A_1222 = vector.extract_strided_slice %squeeze3A_722 {offsets = [5], sizes = [1], strides = [1]} : vector<8xf32> to vector<1xf32>
      %squeeze3A_1223 = vector.extract %slice3A_1222[0] : f32 from vector<1xf32>
      %gt3A_1224 = arith.constant 0.000000e+00 : f32
      %gt3A_1225 = arith.cmpf ogt, %squeeze3A_1223, %gt3A_1224 : f32
      %slice3A_1226 = vector.extract_strided_slice %squeeze3A_770 {offsets = [2], sizes = [1], strides = [1]} : vector<8xf32> to vector<1xf32>
      %squeeze3A_1227 = vector.extract %slice3A_1226[0] : f32 from vector<1xf32>
      %gt3A_1228 = arith.constant 0.000000e+00 : f32
      %gt3A_1229 = arith.cmpf ogt, %squeeze3A_1227, %gt3A_1228 : f32
      %and3A_1230 = arith.andi %gt3A_1225, %gt3A_1229 : i1
      %jit3A_1231 = arith.constant 0.000000e+00 : f32
      %select_n3A_1232 = arith.select %and3A_1230, %sqrt3A_1221, %jit3A_1231 : f32
      %add3A_1233 = arith.addf %add3A_1206, %select_n3A_1232 : f32
      %slice3A_1234 = vector.extract_strided_slice %div3A_720 {offsets = [6, 0], sizes = [1, 256], strides = [1, 1]} : vector<8x256xf32> to vector<1x256xf32>
      %squeeze3A_1235 = vector.shape_cast %slice3A_1234 : vector<1x256xf32> to vector<256xf32>
      %slice3A_1236 = vector.extract_strided_slice %div3A_784 {offsets = [2, 0], sizes = [1, 256], strides = [1, 1]} : vector<8x256xf32> to vector<1x256xf32>
      %squeeze3A_1237 = vector.shape_cast %slice3A_1236 : vector<1x256xf32> to vector<256xf32>
      %sub3A_1238 = arith.subf %squeeze3A_1235, %squeeze3A_1237 : vector<256xf32>
      %add3A_1239 = arith.constant 9.99999997E-7 : f32
      %add3A_1240 = vector.broadcast %add3A_1239 : f32 to vector<256xf32>
      %add3A_1241 = arith.addf %sub3A_1238, %add3A_1240 : vector<256xf32>
      %mul3A_1242 = arith.mulf %add3A_1241, %add3A_1241 : vector<256xf32>
      %reduce_sum3A_1243 = vector.shape_cast %mul3A_1242 : vector<256xf32> to vector<1x256xf32>
      %reduce_sum3A_1244 = arith.constant dense<0.000000e+00> : vector<1xf32>
      %reduce_sum3A_1245 = vector.multi_reduction <add>, %reduce_sum3A_1243, %reduce_sum3A_1244 [1] : vector<1x256xf32> to vector<1xf32>
      %reduce_sum3A_1246 = vector.shape_cast %reduce_sum3A_1245 : vector<1xf32> to vector<1x1xf32>
      %reduce_sum3A_1247 = vector.extract %reduce_sum3A_1246[0, 0] : f32 from vector<1x1xf32>
      %sqrt3A_1248 = math.sqrt %reduce_sum3A_1247 : f32
      %slice3A_1249 = vector.extract_strided_slice %squeeze3A_722 {offsets = [6], sizes = [1], strides = [1]} : vector<8xf32> to vector<1xf32>
      %squeeze3A_1250 = vector.extract %slice3A_1249[0] : f32 from vector<1xf32>
      %gt3A_1251 = arith.constant 0.000000e+00 : f32
      %gt3A_1252 = arith.cmpf ogt, %squeeze3A_1250, %gt3A_1251 : f32
      %slice3A_1253 = vector.extract_strided_slice %squeeze3A_786 {offsets = [2], sizes = [1], strides = [1]} : vector<8xf32> to vector<1xf32>
      %squeeze3A_1254 = vector.extract %slice3A_1253[0] : f32 from vector<1xf32>
      %gt3A_1255 = arith.constant 0.000000e+00 : f32
      %gt3A_1256 = arith.cmpf ogt, %squeeze3A_1254, %gt3A_1255 : f32
      %and3A_1257 = arith.andi %gt3A_1252, %gt3A_1256 : i1
      %jit3A_1258 = arith.constant 0.000000e+00 : f32
      %select_n3A_1259 = arith.select %and3A_1257, %sqrt3A_1248, %jit3A_1258 : f32
      %add3A_1260 = arith.addf %add3A_1233, %select_n3A_1259 : f32
      %slice3A_1261 = vector.extract_strided_slice %div3A_720 {offsets = [7, 0], sizes = [1, 256], strides = [1, 1]} : vector<8x256xf32> to vector<1x256xf32>
      %squeeze3A_1262 = vector.shape_cast %slice3A_1261 : vector<1x256xf32> to vector<256xf32>
      %slice3A_1263 = vector.extract_strided_slice %div3A_800 {offsets = [2, 0], sizes = [1, 256], strides = [1, 1]} : vector<8x256xf32> to vector<1x256xf32>
      %squeeze3A_1264 = vector.shape_cast %slice3A_1263 : vector<1x256xf32> to vector<256xf32>
      %sub3A_1265 = arith.subf %squeeze3A_1262, %squeeze3A_1264 : vector<256xf32>
      %add3A_1266 = arith.constant 9.99999997E-7 : f32
      %add3A_1267 = vector.broadcast %add3A_1266 : f32 to vector<256xf32>
      %add3A_1268 = arith.addf %sub3A_1265, %add3A_1267 : vector<256xf32>
      %mul3A_1269 = arith.mulf %add3A_1268, %add3A_1268 : vector<256xf32>
      %reduce_sum3A_1270 = vector.shape_cast %mul3A_1269 : vector<256xf32> to vector<1x256xf32>
      %reduce_sum3A_1271 = arith.constant dense<0.000000e+00> : vector<1xf32>
      %reduce_sum3A_1272 = vector.multi_reduction <add>, %reduce_sum3A_1270, %reduce_sum3A_1271 [1] : vector<1x256xf32> to vector<1xf32>
      %reduce_sum3A_1273 = vector.shape_cast %reduce_sum3A_1272 : vector<1xf32> to vector<1x1xf32>
      %reduce_sum3A_1274 = vector.extract %reduce_sum3A_1273[0, 0] : f32 from vector<1x1xf32>
      %sqrt3A_1275 = math.sqrt %reduce_sum3A_1274 : f32
      %slice3A_1276 = vector.extract_strided_slice %squeeze3A_722 {offsets = [7], sizes = [1], strides = [1]} : vector<8xf32> to vector<1xf32>
      %squeeze3A_1277 = vector.extract %slice3A_1276[0] : f32 from vector<1xf32>
      %gt3A_1278 = arith.constant 0.000000e+00 : f32
      %gt3A_1279 = arith.cmpf ogt, %squeeze3A_1277, %gt3A_1278 : f32
      %slice3A_1280 = vector.extract_strided_slice %squeeze3A_802 {offsets = [2], sizes = [1], strides = [1]} : vector<8xf32> to vector<1xf32>
      %squeeze3A_1281 = vector.extract %slice3A_1280[0] : f32 from vector<1xf32>
      %gt3A_1282 = arith.constant 0.000000e+00 : f32
      %gt3A_1283 = arith.cmpf ogt, %squeeze3A_1281, %gt3A_1282 : f32
      %and3A_1284 = arith.andi %gt3A_1279, %gt3A_1283 : i1
      %jit3A_1285 = arith.constant 0.000000e+00 : f32
      %select_n3A_1286 = arith.select %and3A_1284, %sqrt3A_1275, %jit3A_1285 : f32
      %add3A_1287 = arith.addf %add3A_1260, %select_n3A_1286 : f32
      %slice3A_1288 = vector.extract_strided_slice %div3A_736 {offsets = [4, 0], sizes = [1, 256], strides = [1, 1]} : vector<8x256xf32> to vector<1x256xf32>
      %squeeze3A_1289 = vector.shape_cast %slice3A_1288 : vector<1x256xf32> to vector<256xf32>
      %slice3A_1290 = vector.extract_strided_slice %div3A_752 {offsets = [3, 0], sizes = [1, 256], strides = [1, 1]} : vector<8x256xf32> to vector<1x256xf32>
      %squeeze3A_1291 = vector.shape_cast %slice3A_1290 : vector<1x256xf32> to vector<256xf32>
      %sub3A_1292 = arith.subf %squeeze3A_1289, %squeeze3A_1291 : vector<256xf32>
      %add3A_1293 = arith.constant 9.99999997E-7 : f32
      %add3A_1294 = vector.broadcast %add3A_1293 : f32 to vector<256xf32>
      %add3A_1295 = arith.addf %sub3A_1292, %add3A_1294 : vector<256xf32>
      %mul3A_1296 = arith.mulf %add3A_1295, %add3A_1295 : vector<256xf32>
      %reduce_sum3A_1297 = vector.shape_cast %mul3A_1296 : vector<256xf32> to vector<1x256xf32>
      %reduce_sum3A_1298 = arith.constant dense<0.000000e+00> : vector<1xf32>
      %reduce_sum3A_1299 = vector.multi_reduction <add>, %reduce_sum3A_1297, %reduce_sum3A_1298 [1] : vector<1x256xf32> to vector<1xf32>
      %reduce_sum3A_1300 = vector.shape_cast %reduce_sum3A_1299 : vector<1xf32> to vector<1x1xf32>
      %reduce_sum3A_1301 = vector.extract %reduce_sum3A_1300[0, 0] : f32 from vector<1x1xf32>
      %sqrt3A_1302 = math.sqrt %reduce_sum3A_1301 : f32
      %slice3A_1303 = vector.extract_strided_slice %squeeze3A_738 {offsets = [4], sizes = [1], strides = [1]} : vector<8xf32> to vector<1xf32>
      %squeeze3A_1304 = vector.extract %slice3A_1303[0] : f32 from vector<1xf32>
      %gt3A_1305 = arith.constant 0.000000e+00 : f32
      %gt3A_1306 = arith.cmpf ogt, %squeeze3A_1304, %gt3A_1305 : f32
      %slice3A_1307 = vector.extract_strided_slice %squeeze3A_754 {offsets = [3], sizes = [1], strides = [1]} : vector<8xf32> to vector<1xf32>
      %squeeze3A_1308 = vector.extract %slice3A_1307[0] : f32 from vector<1xf32>
      %gt3A_1309 = arith.constant 0.000000e+00 : f32
      %gt3A_1310 = arith.cmpf ogt, %squeeze3A_1308, %gt3A_1309 : f32
      %and3A_1311 = arith.andi %gt3A_1306, %gt3A_1310 : i1
      %jit3A_1312 = arith.constant 0.000000e+00 : f32
      %select_n3A_1313 = arith.select %and3A_1311, %sqrt3A_1302, %jit3A_1312 : f32
      %add3A_1314 = arith.addf %add3A_1287, %select_n3A_1313 : f32
      %slice3A_1315 = vector.extract_strided_slice %div3A_736 {offsets = [5, 0], sizes = [1, 256], strides = [1, 1]} : vector<8x256xf32> to vector<1x256xf32>
      %squeeze3A_1316 = vector.shape_cast %slice3A_1315 : vector<1x256xf32> to vector<256xf32>
      %slice3A_1317 = vector.extract_strided_slice %div3A_768 {offsets = [3, 0], sizes = [1, 256], strides = [1, 1]} : vector<8x256xf32> to vector<1x256xf32>
      %squeeze3A_1318 = vector.shape_cast %slice3A_1317 : vector<1x256xf32> to vector<256xf32>
      %sub3A_1319 = arith.subf %squeeze3A_1316, %squeeze3A_1318 : vector<256xf32>
      %add3A_1320 = arith.constant 9.99999997E-7 : f32
      %add3A_1321 = vector.broadcast %add3A_1320 : f32 to vector<256xf32>
      %add3A_1322 = arith.addf %sub3A_1319, %add3A_1321 : vector<256xf32>
      %mul3A_1323 = arith.mulf %add3A_1322, %add3A_1322 : vector<256xf32>
      %reduce_sum3A_1324 = vector.shape_cast %mul3A_1323 : vector<256xf32> to vector<1x256xf32>
      %reduce_sum3A_1325 = arith.constant dense<0.000000e+00> : vector<1xf32>
      %reduce_sum3A_1326 = vector.multi_reduction <add>, %reduce_sum3A_1324, %reduce_sum3A_1325 [1] : vector<1x256xf32> to vector<1xf32>
      %reduce_sum3A_1327 = vector.shape_cast %reduce_sum3A_1326 : vector<1xf32> to vector<1x1xf32>
      %reduce_sum3A_1328 = vector.extract %reduce_sum3A_1327[0, 0] : f32 from vector<1x1xf32>
      %sqrt3A_1329 = math.sqrt %reduce_sum3A_1328 : f32
      %slice3A_1330 = vector.extract_strided_slice %squeeze3A_738 {offsets = [5], sizes = [1], strides = [1]} : vector<8xf32> to vector<1xf32>
      %squeeze3A_1331 = vector.extract %slice3A_1330[0] : f32 from vector<1xf32>
      %gt3A_1332 = arith.constant 0.000000e+00 : f32
      %gt3A_1333 = arith.cmpf ogt, %squeeze3A_1331, %gt3A_1332 : f32
      %slice3A_1334 = vector.extract_strided_slice %squeeze3A_770 {offsets = [3], sizes = [1], strides = [1]} : vector<8xf32> to vector<1xf32>
      %squeeze3A_1335 = vector.extract %slice3A_1334[0] : f32 from vector<1xf32>
      %gt3A_1336 = arith.constant 0.000000e+00 : f32
      %gt3A_1337 = arith.cmpf ogt, %squeeze3A_1335, %gt3A_1336 : f32
      %and3A_1338 = arith.andi %gt3A_1333, %gt3A_1337 : i1
      %jit3A_1339 = arith.constant 0.000000e+00 : f32
      %select_n3A_1340 = arith.select %and3A_1338, %sqrt3A_1329, %jit3A_1339 : f32
      %add3A_1341 = arith.addf %add3A_1314, %select_n3A_1340 : f32
      %slice3A_1342 = vector.extract_strided_slice %div3A_736 {offsets = [6, 0], sizes = [1, 256], strides = [1, 1]} : vector<8x256xf32> to vector<1x256xf32>
      %squeeze3A_1343 = vector.shape_cast %slice3A_1342 : vector<1x256xf32> to vector<256xf32>
      %slice3A_1344 = vector.extract_strided_slice %div3A_784 {offsets = [3, 0], sizes = [1, 256], strides = [1, 1]} : vector<8x256xf32> to vector<1x256xf32>
      %squeeze3A_1345 = vector.shape_cast %slice3A_1344 : vector<1x256xf32> to vector<256xf32>
      %sub3A_1346 = arith.subf %squeeze3A_1343, %squeeze3A_1345 : vector<256xf32>
      %add3A_1347 = arith.constant 9.99999997E-7 : f32
      %add3A_1348 = vector.broadcast %add3A_1347 : f32 to vector<256xf32>
      %add3A_1349 = arith.addf %sub3A_1346, %add3A_1348 : vector<256xf32>
      %mul3A_1350 = arith.mulf %add3A_1349, %add3A_1349 : vector<256xf32>
      %reduce_sum3A_1351 = vector.shape_cast %mul3A_1350 : vector<256xf32> to vector<1x256xf32>
      %reduce_sum3A_1352 = arith.constant dense<0.000000e+00> : vector<1xf32>
      %reduce_sum3A_1353 = vector.multi_reduction <add>, %reduce_sum3A_1351, %reduce_sum3A_1352 [1] : vector<1x256xf32> to vector<1xf32>
      %reduce_sum3A_1354 = vector.shape_cast %reduce_sum3A_1353 : vector<1xf32> to vector<1x1xf32>
      %reduce_sum3A_1355 = vector.extract %reduce_sum3A_1354[0, 0] : f32 from vector<1x1xf32>
      %sqrt3A_1356 = math.sqrt %reduce_sum3A_1355 : f32
      %slice3A_1357 = vector.extract_strided_slice %squeeze3A_738 {offsets = [6], sizes = [1], strides = [1]} : vector<8xf32> to vector<1xf32>
      %squeeze3A_1358 = vector.extract %slice3A_1357[0] : f32 from vector<1xf32>
      %gt3A_1359 = arith.constant 0.000000e+00 : f32
      %gt3A_1360 = arith.cmpf ogt, %squeeze3A_1358, %gt3A_1359 : f32
      %slice3A_1361 = vector.extract_strided_slice %squeeze3A_786 {offsets = [3], sizes = [1], strides = [1]} : vector<8xf32> to vector<1xf32>
      %squeeze3A_1362 = vector.extract %slice3A_1361[0] : f32 from vector<1xf32>
      %gt3A_1363 = arith.constant 0.000000e+00 : f32
      %gt3A_1364 = arith.cmpf ogt, %squeeze3A_1362, %gt3A_1363 : f32
      %and3A_1365 = arith.andi %gt3A_1360, %gt3A_1364 : i1
      %jit3A_1366 = arith.constant 0.000000e+00 : f32
      %select_n3A_1367 = arith.select %and3A_1365, %sqrt3A_1356, %jit3A_1366 : f32
      %add3A_1368 = arith.addf %add3A_1341, %select_n3A_1367 : f32
      %slice3A_1369 = vector.extract_strided_slice %div3A_736 {offsets = [7, 0], sizes = [1, 256], strides = [1, 1]} : vector<8x256xf32> to vector<1x256xf32>
      %squeeze3A_1370 = vector.shape_cast %slice3A_1369 : vector<1x256xf32> to vector<256xf32>
      %slice3A_1371 = vector.extract_strided_slice %div3A_800 {offsets = [3, 0], sizes = [1, 256], strides = [1, 1]} : vector<8x256xf32> to vector<1x256xf32>
      %squeeze3A_1372 = vector.shape_cast %slice3A_1371 : vector<1x256xf32> to vector<256xf32>
      %sub3A_1373 = arith.subf %squeeze3A_1370, %squeeze3A_1372 : vector<256xf32>
      %add3A_1374 = arith.constant 9.99999997E-7 : f32
      %add3A_1375 = vector.broadcast %add3A_1374 : f32 to vector<256xf32>
      %add3A_1376 = arith.addf %sub3A_1373, %add3A_1375 : vector<256xf32>
      %mul3A_1377 = arith.mulf %add3A_1376, %add3A_1376 : vector<256xf32>
      %reduce_sum3A_1378 = vector.shape_cast %mul3A_1377 : vector<256xf32> to vector<1x256xf32>
      %reduce_sum3A_1379 = arith.constant dense<0.000000e+00> : vector<1xf32>
      %reduce_sum3A_1380 = vector.multi_reduction <add>, %reduce_sum3A_1378, %reduce_sum3A_1379 [1] : vector<1x256xf32> to vector<1xf32>
      %reduce_sum3A_1381 = vector.shape_cast %reduce_sum3A_1380 : vector<1xf32> to vector<1x1xf32>
      %reduce_sum3A_1382 = vector.extract %reduce_sum3A_1381[0, 0] : f32 from vector<1x1xf32>
      %sqrt3A_1383 = math.sqrt %reduce_sum3A_1382 : f32
      %slice3A_1384 = vector.extract_strided_slice %squeeze3A_738 {offsets = [7], sizes = [1], strides = [1]} : vector<8xf32> to vector<1xf32>
      %squeeze3A_1385 = vector.extract %slice3A_1384[0] : f32 from vector<1xf32>
      %gt3A_1386 = arith.constant 0.000000e+00 : f32
      %gt3A_1387 = arith.cmpf ogt, %squeeze3A_1385, %gt3A_1386 : f32
      %slice3A_1388 = vector.extract_strided_slice %squeeze3A_802 {offsets = [3], sizes = [1], strides = [1]} : vector<8xf32> to vector<1xf32>
      %squeeze3A_1389 = vector.extract %slice3A_1388[0] : f32 from vector<1xf32>
      %gt3A_1390 = arith.constant 0.000000e+00 : f32
      %gt3A_1391 = arith.cmpf ogt, %squeeze3A_1389, %gt3A_1390 : f32
      %and3A_1392 = arith.andi %gt3A_1387, %gt3A_1391 : i1
      %jit3A_1393 = arith.constant 0.000000e+00 : f32
      %select_n3A_1394 = arith.select %and3A_1392, %sqrt3A_1383, %jit3A_1393 : f32
      %add3A_1395 = arith.addf %add3A_1368, %select_n3A_1394 : f32
      %slice3A_1396 = vector.extract_strided_slice %div3A_752 {offsets = [5, 0], sizes = [1, 256], strides = [1, 1]} : vector<8x256xf32> to vector<1x256xf32>
      %squeeze3A_1397 = vector.shape_cast %slice3A_1396 : vector<1x256xf32> to vector<256xf32>
      %slice3A_1398 = vector.extract_strided_slice %div3A_768 {offsets = [4, 0], sizes = [1, 256], strides = [1, 1]} : vector<8x256xf32> to vector<1x256xf32>
      %squeeze3A_1399 = vector.shape_cast %slice3A_1398 : vector<1x256xf32> to vector<256xf32>
      %sub3A_1400 = arith.subf %squeeze3A_1397, %squeeze3A_1399 : vector<256xf32>
      %add3A_1401 = arith.constant 9.99999997E-7 : f32
      %add3A_1402 = vector.broadcast %add3A_1401 : f32 to vector<256xf32>
      %add3A_1403 = arith.addf %sub3A_1400, %add3A_1402 : vector<256xf32>
      %mul3A_1404 = arith.mulf %add3A_1403, %add3A_1403 : vector<256xf32>
      %reduce_sum3A_1405 = vector.shape_cast %mul3A_1404 : vector<256xf32> to vector<1x256xf32>
      %reduce_sum3A_1406 = arith.constant dense<0.000000e+00> : vector<1xf32>
      %reduce_sum3A_1407 = vector.multi_reduction <add>, %reduce_sum3A_1405, %reduce_sum3A_1406 [1] : vector<1x256xf32> to vector<1xf32>
      %reduce_sum3A_1408 = vector.shape_cast %reduce_sum3A_1407 : vector<1xf32> to vector<1x1xf32>
      %reduce_sum3A_1409 = vector.extract %reduce_sum3A_1408[0, 0] : f32 from vector<1x1xf32>
      %sqrt3A_1410 = math.sqrt %reduce_sum3A_1409 : f32
      %slice3A_1411 = vector.extract_strided_slice %squeeze3A_754 {offsets = [5], sizes = [1], strides = [1]} : vector<8xf32> to vector<1xf32>
      %squeeze3A_1412 = vector.extract %slice3A_1411[0] : f32 from vector<1xf32>
      %gt3A_1413 = arith.constant 0.000000e+00 : f32
      %gt3A_1414 = arith.cmpf ogt, %squeeze3A_1412, %gt3A_1413 : f32
      %slice3A_1415 = vector.extract_strided_slice %squeeze3A_770 {offsets = [4], sizes = [1], strides = [1]} : vector<8xf32> to vector<1xf32>
      %squeeze3A_1416 = vector.extract %slice3A_1415[0] : f32 from vector<1xf32>
      %gt3A_1417 = arith.constant 0.000000e+00 : f32
      %gt3A_1418 = arith.cmpf ogt, %squeeze3A_1416, %gt3A_1417 : f32
      %and3A_1419 = arith.andi %gt3A_1414, %gt3A_1418 : i1
      %jit3A_1420 = arith.constant 0.000000e+00 : f32
      %select_n3A_1421 = arith.select %and3A_1419, %sqrt3A_1410, %jit3A_1420 : f32
      %add3A_1422 = arith.addf %add3A_1395, %select_n3A_1421 : f32
      %slice3A_1423 = vector.extract_strided_slice %div3A_752 {offsets = [6, 0], sizes = [1, 256], strides = [1, 1]} : vector<8x256xf32> to vector<1x256xf32>
      %squeeze3A_1424 = vector.shape_cast %slice3A_1423 : vector<1x256xf32> to vector<256xf32>
      %slice3A_1425 = vector.extract_strided_slice %div3A_784 {offsets = [4, 0], sizes = [1, 256], strides = [1, 1]} : vector<8x256xf32> to vector<1x256xf32>
      %squeeze3A_1426 = vector.shape_cast %slice3A_1425 : vector<1x256xf32> to vector<256xf32>
      %sub3A_1427 = arith.subf %squeeze3A_1424, %squeeze3A_1426 : vector<256xf32>
      %add3A_1428 = arith.constant 9.99999997E-7 : f32
      %add3A_1429 = vector.broadcast %add3A_1428 : f32 to vector<256xf32>
      %add3A_1430 = arith.addf %sub3A_1427, %add3A_1429 : vector<256xf32>
      %mul3A_1431 = arith.mulf %add3A_1430, %add3A_1430 : vector<256xf32>
      %reduce_sum3A_1432 = vector.shape_cast %mul3A_1431 : vector<256xf32> to vector<1x256xf32>
      %reduce_sum3A_1433 = arith.constant dense<0.000000e+00> : vector<1xf32>
      %reduce_sum3A_1434 = vector.multi_reduction <add>, %reduce_sum3A_1432, %reduce_sum3A_1433 [1] : vector<1x256xf32> to vector<1xf32>
      %reduce_sum3A_1435 = vector.shape_cast %reduce_sum3A_1434 : vector<1xf32> to vector<1x1xf32>
      %reduce_sum3A_1436 = vector.extract %reduce_sum3A_1435[0, 0] : f32 from vector<1x1xf32>
      %sqrt3A_1437 = math.sqrt %reduce_sum3A_1436 : f32
      %slice3A_1438 = vector.extract_strided_slice %squeeze3A_754 {offsets = [6], sizes = [1], strides = [1]} : vector<8xf32> to vector<1xf32>
      %squeeze3A_1439 = vector.extract %slice3A_1438[0] : f32 from vector<1xf32>
      %gt3A_1440 = arith.constant 0.000000e+00 : f32
      %gt3A_1441 = arith.cmpf ogt, %squeeze3A_1439, %gt3A_1440 : f32
      %slice3A_1442 = vector.extract_strided_slice %squeeze3A_786 {offsets = [4], sizes = [1], strides = [1]} : vector<8xf32> to vector<1xf32>
      %squeeze3A_1443 = vector.extract %slice3A_1442[0] : f32 from vector<1xf32>
      %gt3A_1444 = arith.constant 0.000000e+00 : f32
      %gt3A_1445 = arith.cmpf ogt, %squeeze3A_1443, %gt3A_1444 : f32
      %and3A_1446 = arith.andi %gt3A_1441, %gt3A_1445 : i1
      %jit3A_1447 = arith.constant 0.000000e+00 : f32
      %select_n3A_1448 = arith.select %and3A_1446, %sqrt3A_1437, %jit3A_1447 : f32
      %add3A_1449 = arith.addf %add3A_1422, %select_n3A_1448 : f32
      %slice3A_1450 = vector.extract_strided_slice %div3A_752 {offsets = [7, 0], sizes = [1, 256], strides = [1, 1]} : vector<8x256xf32> to vector<1x256xf32>
      %squeeze3A_1451 = vector.shape_cast %slice3A_1450 : vector<1x256xf32> to vector<256xf32>
      %slice3A_1452 = vector.extract_strided_slice %div3A_800 {offsets = [4, 0], sizes = [1, 256], strides = [1, 1]} : vector<8x256xf32> to vector<1x256xf32>
      %squeeze3A_1453 = vector.shape_cast %slice3A_1452 : vector<1x256xf32> to vector<256xf32>
      %sub3A_1454 = arith.subf %squeeze3A_1451, %squeeze3A_1453 : vector<256xf32>
      %add3A_1455 = arith.constant 9.99999997E-7 : f32
      %add3A_1456 = vector.broadcast %add3A_1455 : f32 to vector<256xf32>
      %add3A_1457 = arith.addf %sub3A_1454, %add3A_1456 : vector<256xf32>
      %mul3A_1458 = arith.mulf %add3A_1457, %add3A_1457 : vector<256xf32>
      %reduce_sum3A_1459 = vector.shape_cast %mul3A_1458 : vector<256xf32> to vector<1x256xf32>
      %reduce_sum3A_1460 = arith.constant dense<0.000000e+00> : vector<1xf32>
      %reduce_sum3A_1461 = vector.multi_reduction <add>, %reduce_sum3A_1459, %reduce_sum3A_1460 [1] : vector<1x256xf32> to vector<1xf32>
      %reduce_sum3A_1462 = vector.shape_cast %reduce_sum3A_1461 : vector<1xf32> to vector<1x1xf32>
      %reduce_sum3A_1463 = vector.extract %reduce_sum3A_1462[0, 0] : f32 from vector<1x1xf32>
      %sqrt3A_1464 = math.sqrt %reduce_sum3A_1463 : f32
      %slice3A_1465 = vector.extract_strided_slice %squeeze3A_754 {offsets = [7], sizes = [1], strides = [1]} : vector<8xf32> to vector<1xf32>
      %squeeze3A_1466 = vector.extract %slice3A_1465[0] : f32 from vector<1xf32>
      %gt3A_1467 = arith.constant 0.000000e+00 : f32
      %gt3A_1468 = arith.cmpf ogt, %squeeze3A_1466, %gt3A_1467 : f32
      %slice3A_1469 = vector.extract_strided_slice %squeeze3A_802 {offsets = [4], sizes = [1], strides = [1]} : vector<8xf32> to vector<1xf32>
      %squeeze3A_1470 = vector.extract %slice3A_1469[0] : f32 from vector<1xf32>
      %gt3A_1471 = arith.constant 0.000000e+00 : f32
      %gt3A_1472 = arith.cmpf ogt, %squeeze3A_1470, %gt3A_1471 : f32
      %and3A_1473 = arith.andi %gt3A_1468, %gt3A_1472 : i1
      %jit3A_1474 = arith.constant 0.000000e+00 : f32
      %select_n3A_1475 = arith.select %and3A_1473, %sqrt3A_1464, %jit3A_1474 : f32
      %add3A_1476 = arith.addf %add3A_1449, %select_n3A_1475 : f32
      %slice3A_1477 = vector.extract_strided_slice %div3A_768 {offsets = [6, 0], sizes = [1, 256], strides = [1, 1]} : vector<8x256xf32> to vector<1x256xf32>
      %squeeze3A_1478 = vector.shape_cast %slice3A_1477 : vector<1x256xf32> to vector<256xf32>
      %slice3A_1479 = vector.extract_strided_slice %div3A_784 {offsets = [5, 0], sizes = [1, 256], strides = [1, 1]} : vector<8x256xf32> to vector<1x256xf32>
      %squeeze3A_1480 = vector.shape_cast %slice3A_1479 : vector<1x256xf32> to vector<256xf32>
      %sub3A_1481 = arith.subf %squeeze3A_1478, %squeeze3A_1480 : vector<256xf32>
      %add3A_1482 = arith.constant 9.99999997E-7 : f32
      %add3A_1483 = vector.broadcast %add3A_1482 : f32 to vector<256xf32>
      %add3A_1484 = arith.addf %sub3A_1481, %add3A_1483 : vector<256xf32>
      %mul3A_1485 = arith.mulf %add3A_1484, %add3A_1484 : vector<256xf32>
      %reduce_sum3A_1486 = vector.shape_cast %mul3A_1485 : vector<256xf32> to vector<1x256xf32>
      %reduce_sum3A_1487 = arith.constant dense<0.000000e+00> : vector<1xf32>
      %reduce_sum3A_1488 = vector.multi_reduction <add>, %reduce_sum3A_1486, %reduce_sum3A_1487 [1] : vector<1x256xf32> to vector<1xf32>
      %reduce_sum3A_1489 = vector.shape_cast %reduce_sum3A_1488 : vector<1xf32> to vector<1x1xf32>
      %reduce_sum3A_1490 = vector.extract %reduce_sum3A_1489[0, 0] : f32 from vector<1x1xf32>
      %sqrt3A_1491 = math.sqrt %reduce_sum3A_1490 : f32
      %slice3A_1492 = vector.extract_strided_slice %squeeze3A_770 {offsets = [6], sizes = [1], strides = [1]} : vector<8xf32> to vector<1xf32>
      %squeeze3A_1493 = vector.extract %slice3A_1492[0] : f32 from vector<1xf32>
      %gt3A_1494 = arith.constant 0.000000e+00 : f32
      %gt3A_1495 = arith.cmpf ogt, %squeeze3A_1493, %gt3A_1494 : f32
      %slice3A_1496 = vector.extract_strided_slice %squeeze3A_786 {offsets = [5], sizes = [1], strides = [1]} : vector<8xf32> to vector<1xf32>
      %squeeze3A_1497 = vector.extract %slice3A_1496[0] : f32 from vector<1xf32>
      %gt3A_1498 = arith.constant 0.000000e+00 : f32
      %gt3A_1499 = arith.cmpf ogt, %squeeze3A_1497, %gt3A_1498 : f32
      %and3A_1500 = arith.andi %gt3A_1495, %gt3A_1499 : i1
      %jit3A_1501 = arith.constant 0.000000e+00 : f32
      %select_n3A_1502 = arith.select %and3A_1500, %sqrt3A_1491, %jit3A_1501 : f32
      %add3A_1503 = arith.addf %add3A_1476, %select_n3A_1502 : f32
      %slice3A_1504 = vector.extract_strided_slice %div3A_768 {offsets = [7, 0], sizes = [1, 256], strides = [1, 1]} : vector<8x256xf32> to vector<1x256xf32>
      %squeeze3A_1505 = vector.shape_cast %slice3A_1504 : vector<1x256xf32> to vector<256xf32>
      %slice3A_1506 = vector.extract_strided_slice %div3A_800 {offsets = [5, 0], sizes = [1, 256], strides = [1, 1]} : vector<8x256xf32> to vector<1x256xf32>
      %squeeze3A_1507 = vector.shape_cast %slice3A_1506 : vector<1x256xf32> to vector<256xf32>
      %sub3A_1508 = arith.subf %squeeze3A_1505, %squeeze3A_1507 : vector<256xf32>
      %add3A_1509 = arith.constant 9.99999997E-7 : f32
      %add3A_1510 = vector.broadcast %add3A_1509 : f32 to vector<256xf32>
      %add3A_1511 = arith.addf %sub3A_1508, %add3A_1510 : vector<256xf32>
      %mul3A_1512 = arith.mulf %add3A_1511, %add3A_1511 : vector<256xf32>
      %reduce_sum3A_1513 = vector.shape_cast %mul3A_1512 : vector<256xf32> to vector<1x256xf32>
      %reduce_sum3A_1514 = arith.constant dense<0.000000e+00> : vector<1xf32>
      %reduce_sum3A_1515 = vector.multi_reduction <add>, %reduce_sum3A_1513, %reduce_sum3A_1514 [1] : vector<1x256xf32> to vector<1xf32>
      %reduce_sum3A_1516 = vector.shape_cast %reduce_sum3A_1515 : vector<1xf32> to vector<1x1xf32>
      %reduce_sum3A_1517 = vector.extract %reduce_sum3A_1516[0, 0] : f32 from vector<1x1xf32>
      %sqrt3A_1518 = math.sqrt %reduce_sum3A_1517 : f32
      %slice3A_1519 = vector.extract_strided_slice %squeeze3A_770 {offsets = [7], sizes = [1], strides = [1]} : vector<8xf32> to vector<1xf32>
      %squeeze3A_1520 = vector.extract %slice3A_1519[0] : f32 from vector<1xf32>
      %gt3A_1521 = arith.constant 0.000000e+00 : f32
      %gt3A_1522 = arith.cmpf ogt, %squeeze3A_1520, %gt3A_1521 : f32
      %slice3A_1523 = vector.extract_strided_slice %squeeze3A_802 {offsets = [5], sizes = [1], strides = [1]} : vector<8xf32> to vector<1xf32>
      %squeeze3A_1524 = vector.extract %slice3A_1523[0] : f32 from vector<1xf32>
      %gt3A_1525 = arith.constant 0.000000e+00 : f32
      %gt3A_1526 = arith.cmpf ogt, %squeeze3A_1524, %gt3A_1525 : f32
      %and3A_1527 = arith.andi %gt3A_1522, %gt3A_1526 : i1
      %jit3A_1528 = arith.constant 0.000000e+00 : f32
      %select_n3A_1529 = arith.select %and3A_1527, %sqrt3A_1518, %jit3A_1528 : f32
      %add3A_1530 = arith.addf %add3A_1503, %select_n3A_1529 : f32
      %slice3A_1531 = vector.extract_strided_slice %div3A_784 {offsets = [7, 0], sizes = [1, 256], strides = [1, 1]} : vector<8x256xf32> to vector<1x256xf32>
      %squeeze3A_1532 = vector.shape_cast %slice3A_1531 : vector<1x256xf32> to vector<256xf32>
      %slice3A_1533 = vector.extract_strided_slice %div3A_800 {offsets = [6, 0], sizes = [1, 256], strides = [1, 1]} : vector<8x256xf32> to vector<1x256xf32>
      %squeeze3A_1534 = vector.shape_cast %slice3A_1533 : vector<1x256xf32> to vector<256xf32>
      %sub3A_1535 = arith.subf %squeeze3A_1532, %squeeze3A_1534 : vector<256xf32>
      %add3A_1536 = arith.constant 9.99999997E-7 : f32
      %add3A_1537 = vector.broadcast %add3A_1536 : f32 to vector<256xf32>
      %add3A_1538 = arith.addf %sub3A_1535, %add3A_1537 : vector<256xf32>
      %mul3A_1539 = arith.mulf %add3A_1538, %add3A_1538 : vector<256xf32>
      %reduce_sum3A_1540 = vector.shape_cast %mul3A_1539 : vector<256xf32> to vector<1x256xf32>
      %reduce_sum3A_1541 = arith.constant dense<0.000000e+00> : vector<1xf32>
      %reduce_sum3A_1542 = vector.multi_reduction <add>, %reduce_sum3A_1540, %reduce_sum3A_1541 [1] : vector<1x256xf32> to vector<1xf32>
      %reduce_sum3A_1543 = vector.shape_cast %reduce_sum3A_1542 : vector<1xf32> to vector<1x1xf32>
      %reduce_sum3A_1544 = vector.extract %reduce_sum3A_1543[0, 0] : f32 from vector<1x1xf32>
      %sqrt3A_1545 = math.sqrt %reduce_sum3A_1544 : f32
      %slice3A_1546 = vector.extract_strided_slice %squeeze3A_786 {offsets = [7], sizes = [1], strides = [1]} : vector<8xf32> to vector<1xf32>
      %squeeze3A_1547 = vector.extract %slice3A_1546[0] : f32 from vector<1xf32>
      %gt3A_1548 = arith.constant 0.000000e+00 : f32
      %gt3A_1549 = arith.cmpf ogt, %squeeze3A_1547, %gt3A_1548 : f32
      %slice3A_1550 = vector.extract_strided_slice %squeeze3A_802 {offsets = [6], sizes = [1], strides = [1]} : vector<8xf32> to vector<1xf32>
      %squeeze3A_1551 = vector.extract %slice3A_1550[0] : f32 from vector<1xf32>
      %gt3A_1552 = arith.constant 0.000000e+00 : f32
      %gt3A_1553 = arith.cmpf ogt, %squeeze3A_1551, %gt3A_1552 : f32
      %and3A_1554 = arith.andi %gt3A_1549, %gt3A_1553 : i1
      %jit3A_1555 = arith.constant 0.000000e+00 : f32
      %select_n3A_1556 = arith.select %and3A_1554, %sqrt3A_1545, %jit3A_1555 : f32
      %add3A_1557 = arith.addf %add3A_1530, %select_n3A_1556 : f32
      %sub3A_1558 = arith.subf %reduce_sum3A_38, %add3A_1557 : f32
      %broadcast_in_dim3A_1559 = vector.broadcast %sub3A_1558 : f32 to vector<1x1xf32>
      %swap3A_1560 = arith.constant 0 : index
      %swap3A_1561 = arith.constant 0 : index
      %swap3A_1562 = vector.load %arg6[%swap3A_1560, %swap3A_1561] : memref<1x1xf32, #tpu.memory_space<vmem>>, vector<1x1xf32>
      tpu.vector_store %arg6[%swap3A_1560, %swap3A_1561], %broadcast_in_dim3A_1559 {strides = array<i32>} : memref<1x1xf32, #tpu.memory_space<vmem>>, vector<1x1xf32>,
    } else {
    }
    return
  }
  func.func @transform_0(%arg0: i32) -> (i32, i32) {
    %c0_i32 = arith.constant 0 : i32
    %c0_i32_0 = arith.constant 0 : i32
    return %arg0, %c0_i32 : i32, i32
  }
  func.func @transform_1(%arg0: i32) -> (i32, i32, i32) {
    %c0_i32 = arith.constant 0 : i32
    %c0_i32_0 = arith.constant 0 : i32
    %c0_i32_1 = arith.constant 0 : i32
    return %arg0, %c0_i32, %c0_i32_0 : i32, i32, i32
  }
  func.func @transform_2(%arg0: i32) -> (i32, i32) {
    %c0_i32 = arith.constant 0 : i32
    %c0_i32_0 = arith.constant 0 : i32
    %c0_i32_1 = arith.constant 0 : i32
    return %c0_i32, %c0_i32_0 : i32, i32
  }
  func.func @transform_3(%arg0: i32) -> (i32, i32, i32) {
    %c0_i32 = arith.constant 0 : i32
    %c0_i32_0 = arith.constant 0 : i32
    %c0_i32_1 = arith.constant 0 : i32
    %c0_i32_2 = arith.constant 0 : i32
    return %c0_i32, %c0_i32_0, %c0_i32_1 : i32, i32, i32
  }
  func.func @transform_4(%arg0: i32) -> (i32, i32) {
    %c0_i32 = arith.constant 0 : i32
    %c0_i32_0 = arith.constant 0 : i32
    %c0_i32_1 = arith.constant 0 : i32
    return %c0_i32, %c0_i32_0 : i32, i32
  }
  func.func @transform_5(%arg0: i32) -> (i32, i32) {
    %c0_i32 = arith.constant 0 : i32
    %c0_i32_0 = arith.constant 0 : i32
    %c0_i32_1 = arith.constant 0 : i32
    return %c0_i32, %c0_i32_0 : i32, i32
  }
}

</mosaic_0001>

<sc_bundles>
// kernel: kernel.4.cloned.1.call-start
scs
__scs_entry_jumppad:
0x0: {  	(pc) =	sbr.rel $0x88, $3  }
0x1: {  	(tag) =	ssettag $0x0;
	lr =	simm.s32 $0x1  }
0x2: {  	[smem:$0x3F9B] =	sst lr;
	_ =	strace $0xD0000000  }
0x3: {  	_ = 	snop  }
0x4: {  	_ = 	snop  }
0x5: {  	_ = 	snop  }
0x6: {  	_ = 	snop  }
0x7: {  	_ = 	snop  }
__scs_overlays_trampoline_lowered:
0x8: {  	[smem:$0x3FAA] =	sst s0  }
0x9: {  	[smem:$0x3FAB] =	sst s1  }
0xa: {  	[smem:$0x3FAC] =	sst s2  }
0xb: {  	[smem:$0x3FAD] =	sst s3  }
0xc: {  	[smem:$0x3FAE] =	sst s4  }
0xd: {  	[smem:$0x3FAF] =	sst s5  }
0xe: {  	[smem:$0x3FB0] =	sst s6  }
0xf: {  	[smem:$0x3FB1] =	sst s7  }
0x10: {  	[smem:$0x3FB2] =	sst s8  }
0x11: {  	[smem:$0x3FB3] =	sst s9;
	s0 =	simm.s32 @!p0 $0x0  }
0x12: {  	s1 =	sld [smem:$0x3F99];
	s0 =	simm.s32 @p0 $0x1  }
0x13: {  	[smem:$0x3FB4] =	sst s0;
	s0 =	simm.s32 @!p1 $0x0  }
0x14: {  	s2 =	sld [smem:$0x3F98];
	s0 =	simm.s32 @p1 $0x1  }
0x15: {  	[smem:$0x3FB5] =	sst s0;
	s0 =	simm.s32 @!p2 $0x0  }
0x16: {  	s3 =	sld [smem:$0x3FDB];
	s0 =	simm.s32 @p2 $0x1  }
0x17: {  	s4 =	simm.s32 $0x1BF5;
	[smem:$0x3FB7] =	sst s0  }
0x18: {  	s0 =	sld [smem:$0x3F9A];
	_ =	swait.ge [sflag:s4], $0x0  }
0x19: {  	s7 =	sld [smem:$0x3F9B]  }
0x1a: {  	s8 =	sadd.s32 $0xFFFFE003, lr  }
0x1b: {  	s9 =	sadd.s32 $0xFFFFFEF7, lr;
	s5 =	simm.s32 $0xFFFFFFFF;
	p2 =	slt.u32 s8, $0xFFFFF086  }
0x1c: {  	p1 =	slt.u32 s9, $0xF7A;
	s5 =	simm.s32 @!p2 $0x0  }
0x1d: {  	s5 =	simm.s32 @p1 $0x1;
	p0 =	seq.s32 s7, s2  }
0x1e: {  	s7 =	smul.u32 @!p0 $0xF7A, s2;
	p2 =	seq.s32 @!p0 s5, $0x0  }
0x1f: {  	s9 =	smul.u32 $0xF7A, s1;
	s8 =	simm.s32 @!p0 $0x1BF5;
	p2 =	por !p2, p0  }
0x20: {  	[sflag:s8] =	ssyncset.s32 @!p0 $0xFFFFF086;
	s6 =	sadd.s32 @!p0 s3, s7;
	s7 =	simm.s32 @!p0 $0x108  }
0x21: {  	s3 =	sadd.s32 s3, s9;
	s6 =	sadd.s32 @!p0 $0x88, s6;
	s7 =	simm.s32 @p2 $0x1082  }
0x22: {  	[simem:s7], [sflag:s8] =	dma.local @!p0 [hbm:s6], $0xF7A  }
0x23: {  	s9 =	sor.u32 $0xD0000000, s2;
	s6 =	simm.s32 $0x108;
	_ =	swait.ge @!p0 [sflag:s8], $0x0  }
0x24: {  	s3 =	sadd.s32 $0x88, s3;
	s6 =	simm.s32 @!p1 $0x1082;
	[sflag:s4] =	ssyncset.s32 $0xFFFFF086  }
0x25: {  	[simem:s6], [sflag:s4] =	dma.local [hbm:s3], $0xF7A  }
0x26: {  	[smem:$0x3F9B] =	sst s1;
	(tag) =	ssettag s2;
	_ =	strace s9  }
0x27: {  	s1 =	sld [smem:$0x3FAB]  }
0x28: {  	s2 =	sld [smem:$0x3FAC]  }
0x29: {  	s4 =	sld [smem:$0x3FAE]  }
0x2a: {  	p0 =	seq.s32 s5, $0x0;
	s5 =	sld [smem:$0x3FAF]  }
0x2b: {  	s6 =	sld [smem:$0x3FB0]  }
0x2c: {  	s7 =	sld [smem:$0x3FB1]  }
0x2d: {  	s3 =	simm.s32 $0x108;
	s8 =	sld [smem:$0x3FB2]  }
0x2e: {  	s3 =	simm.s32 @!p0 $0x1082;
	s9 =	sld [smem:$0x3FB3]  }
0x2f: {  	lr =	sadd.s32 s0, s3;
	s0 =	sld [smem:$0x3FAA]  }
0x30: {  	s3 =	sld [smem:$0x3FAD]  }
0x31: {  	[smem:$0x3FB6] =	sst s10  }
0x32: {  	s10 =	sld [smem:$0x3FB4];
	_ =	sdelay $0x3  }
0x33: {  	p0 =	seq.s32 s10, $0x1;
	s10 =	sld [smem:$0x3FB6];
	_ =	sdelay $0x3  }
0x34: {  	[smem:$0x3FB6] =	sst s10  }
0x35: {  	s10 =	sld [smem:$0x3FB5];
	_ =	sdelay $0x3  }
0x36: {  	p1 =	seq.s32 s10, $0x1;
	s10 =	sld [smem:$0x3FB6];
	_ =	sdelay $0x3  }
0x37: {  	[smem:$0x3FB6] =	sst s10  }
0x38: {  	s10 =	sld [smem:$0x3FB7]  }
0x39: {  	_ = 	snop;
	(pc) =	sbr.ind lr, $3  }
0x3a: {  	_ = 	snop  }
0x3b: {  	_ = 	snop  }
0x3c: {  	p2 =	seq.s32 s10, $0x1;
	s10 =	sld [smem:$0x3FB6]  }
0x3d: {  	_ =	shalt  }
0x3e: {  	_ =	shalt  }
0x3f: {  	_ =	shalt  }
0x40: {  	_ =	shalt  }
0x41: {  	_ =	shalt  }
0x42: {  	_ =	shalt  }
0x43: {  	_ =	shalt  }
0x44: {  	_ =	shalt  }
0x45: {  	_ =	shalt  }
0x46: {  	_ =	shalt  }
0x47: {  	_ =	shalt  }
0x48: {  	_ =	shalt  }
0x49: {  	_ =	shalt  }
0x4a: {  	_ =	shalt  }
0x4b: {  	_ =	shalt  }
0x4c: {  	_ =	shalt  }
0x4d: {  	_ =	shalt  }
0x4e: {  	_ =	shalt  }
0x4f: {  	_ =	shalt  }
0x50: {  	_ =	shalt  }
0x51: {  	_ =	shalt  }
0x52: {  	_ =	shalt  }
0x53: {  	_ =	shalt  }
0x54: {  	_ =	shalt  }
0x55: {  	_ =	shalt  }
0x56: {  	_ =	shalt  }
0x57: {  	_ =	shalt  }
0x58: {  	_ =	shalt  }
0x59: {  	_ =	shalt  }
0x5a: {  	_ =	shalt  }
0x5b: {  	_ =	shalt  }
0x5c: {  	_ =	shalt  }
0x5d: {  	_ =	shalt  }
0x5e: {  	_ =	shalt  }
0x5f: {  	_ =	shalt  }
0x60: {  	_ =	shalt  }
0x61: {  	_ =	shalt  }
0x62: {  	_ =	shalt  }
0x63: {  	_ =	shalt  }
0x64: {  	_ =	shalt  }
0x65: {  	_ =	shalt  }
0x66: {  	_ =	shalt  }
0x67: {  	_ =	shalt  }
0x68: {  	_ =	shalt  }
0x69: {  	_ =	shalt  }
0x6a: {  	_ =	shalt  }
0x6b: {  	_ =	shalt  }
0x6c: {  	_ =	shalt  }
0x6d: {  	_ =	shalt  }
0x6e: {  	_ =	shalt  }
0x6f: {  	_ =	shalt  }
0x70: {  	_ =	shalt  }
0x71: {  	_ =	shalt  }
0x72: {  	_ =	shalt  }
0x73: {  	_ =	shalt  }
0x74: {  	_ =	shalt  }
0x75: {  	_ =	shalt  }
0x76: {  	_ =	shalt  }
0x77: {  	_ =	shalt  }
0x78: {  	_ =	shalt  }
0x79: {  	_ =	shalt  }
0x7a: {  	_ =	shalt  }
0x7b: {  	_ =	shalt  }
0x7c: {  	_ =	shalt  }
0x7d: {  	_ =	shalt  }
0x7e: {  	_ =	shalt  }
0x7f: {  	_ =	shalt  }
0x80: {  	_ =	shalt  }
0x81: {  	_ =	shalt  }
0x82: {  	_ =	shalt  }
0x83: {  	_ =	shalt  }
0x84: {  	_ =	shalt  }
0x85: {  	_ =	shalt  }
0x86: {  	_ =	shalt  }
0x87: {  	_ =	shalt  }
.Lfunc_end0:
.L_simem_size_0:
called_computation_lowered:
.L_overlay_start_0:
0x88: {  	s2 =	sld [smem:$0x3FD9]  }
0x89: {  	s3 =	sld [smem:$0x3FFE];
	_ =	sdelay $0x1  }
0x8a: {  	s1 =	srdreg.scid  }
0x8b: {  	s0 =	sand.u32 $0x1, s1  }
0x8c: {  	s17 =	sshll.u32 s0, $0xA;
	s2 =	sadd.s32 s3, s2  }
0x8d: {  	s2 =	sadd.s32 s2, s17  }
0x8e: {  	[smem:$0x3FC2] =	sst s2  }
0x8f: {  	_ = 	snop  }
0x90: {  	s2 =	sld [smem:$0x3FC9]  }
0x91: {  	s18 =	sld [smem:$0x3FC6]  }
0x92: {  	s4 =	sld [smem:$0x3FD0];
	(tm) =	ssettm $0x1  }
0x93: {  	s5 =	sld [smem:$0x3FFB];
	_ =	sdelay $0x3  }
0x94: {  	_ =	strace s5  }
0x95: {  	s5 =	sld [smem:$0x3FFC];
	_ =	sdelay $0x3  }
0x96: {  	_ =	strace s5  }
0x97: {  	s5 =	sld [smem:$0x3FFD];
	_ =	sdelay $0x3  }
0x98: {  	_ =	strace s5  }
0x99: {  	_ =	strace $0x8FFFFFFF  }
0x9a: {  	s19 =	sld [smem:$0x3FDB];
	_ =	sdelay $0x1  }
0x9b: {  	s6 =	simm.s32 $_scs_section_size  }
0x9c: {  	s7 =	simm.s32 $_size__tile_overlayer_lowered;
	s8 =	simm.s32 $_tile_overlayer_lowered  }
0x9d: {  	s22 =	simm.s32 $0x1BFF;
	s21 =	sshll.u32 s8, $0x1;
	s5 =	sadd.s32 s6, s19  }
0x9e: {  	s9 =	simm.s32 $0x0;
	s20 =	sshll.u32 s7, $0x1;
	s7 =	sadd.s32 s21, s5  }
0x9f: {  	[timem:s9], [sflag:s22] =	dma.local [hbm:s7], s20  }
0xa0: {  	_ =	swait.ge [sflag:s22], s20  }
0xa1: {  	s6 =	ssub.s32 $0x0, s20;
	[sflag:s22] =	ssyncset.done $0x0  }
0xa2: {  	[sflag:s22] =	ssyncadd.s32 s6;
	_ =	sdelay $0x1  }
0xa3: {  	s23 =	simm.s32 $0x1B8B  }
0xa4: {  	_ =	swait.ge [sflag:s23], $0x1  }
0xa5: {  	[sflag:s23] =	ssyncset.done $0x0  }
0xa6: {  	s25 =	simm.s32 $0x1B8E;
	s24 =	sld [smem:$0x3FFE];
	[sflag:s23] =	ssyncadd.s32 $0xFFFFFFFF  }
0xa7: {  	s26 =	simm.s32 $execute0_lowered;
	[smem:$0x3FD2] =	sst s25  }
0xa8: {  	s7 =	sshll.u32 s26, $0x1;
	_ =	strace $0x80000046;
	[dreg:$0x1] =	wrdreg $0xFFFFFFFF  }
0xa9: {  	s28 =	simm.s32 $_size_execute0_lowered;
	s5 =	sadd.s32 s5, s7;
	[dreg:$0x0] =	wrdreg $0x0  }
0xaa: {  	s7 =	sshll.u32 s28, $0x1;
	[dreg:$0x2] =	wrdreg s5  }
0xab: {  	[dreg:$0x3] =	wrdreg s7  }
0xac: {  	[dreg:$0x4] =	wrdreg $0xC0  }
0xad: {  	_ =	task [dreg:s9], $0x5FFFF  }
0xae: {  	[dreg:$0x1] =	wrdreg $0xFFFFFFFF  }
0xaf: {  	[dreg:$0x0] =	wrdreg $0x60  }
0xb0: {  	[dreg:$0x2] =	wrdreg s2  }
0xb1: {  	[dreg:$0x3] =	wrdreg s24  }
0xb2: {  	[dreg:$0x4] =	wrdreg s18  }
0xb3: {  	[dreg:$0x5] =	wrdreg s4  }
0xb4: {  	[dreg:$0x6] =	wrdreg $0x9  }
0xb5: {  	_ =	task.clear_ibuf [dreg:s9], $0x7FFFF;
	_ =	strace $0x90000046  }
0xb6: {  	s29 =	simm.s32 $0x9;
	_ =	strace $0x80000048  }
0xb7: {  	_ =	swait.ge [sflag:s29], $0x1  }
0xb8: {  	[sflag:s29] =	ssyncadd.s32 $0xFFFFFFFF  }
0xb9: {  	_ =	strace $0x90000048  }
0xba: {  	_ =	sfence  }
0xbb: {  	s30 =	sld [smem:$0x0];
	_ =	sdelay $0x2  }
0xbc: {  	s31 =	sshll.u32 s1, $0xD;
	s1 =	sshrl.u32 s1, $0x2  }
0xbd: {  	s3 =	sand.u32 $0x4000, s31;
	s1 =	sadd.s32 s1, s30  }
0xbe: {  	s0 =	sor.u32 s3, s0;
	s1 =	sshll.u32 s1, $0x11  }
0xbf: {  	s0 =	sor.u32 s1, s0  }
0xc0: {  	s0 =	sadd.s32 $0x8F2B, s0  }
0xc1: {  	[sflag:s0] =	ssyncadd.remote.s32 $0x1  }
0xc2: {  	_ =	sfence.sel $0xFFFF  }
0xc3: {  	[dreg:$0x0] =	wrdreg $0xFFFFFFFF;
	(pc) =	sbr.abs _section_cstart, $3  }
0xc4: {  	[dreg:$0x1] =	wrdreg $0xFFFFFFFF  }
0xc5: {  	_ =	task.clear_ibuf [dreg:s9], $0x2FFFF;
	_ =	strace $0x9FFFFFFF  }
0xc6: {  	(tm) =	ssettm $0x7FFFFFFF  }
0xc7: {  	_ =	shalt  }
tec
execute0_lowered:
.L_overlay_start_1:
0x0: {  	(tag) =	ssettag $0x1  }
0x1: {  	s1 =	rddreg [dreg:$0x0]  }
0x2: {  	s10 =	rddreg [dreg:$0x1]  }
0x3: {  	s3 =	rddreg [dreg:$0x2]  }
0x4: {  	s2 =	srdreg.scid;
	s0 =	stileid.u32  }
0x5: {  	s4 =	rddreg [dreg:$0x3];
	s5 =	simm.s32 $0x0;
	s12 =	simm.s32 $0x1  }
0x6: {  	s13 =	simm.s32 $0x80;
	s14 =	simm.s32 $0x4;
	s15 =	simm.s32 $0x5  }
0x7: {  	s17 =	simm.s32 $0x1080;
	s19 =	simm.s32 $0x2080;
	s20 =	simm.s32 $0x2C80  }
0x8: {  	s21 =	simm.s32 $0x2;
	s22 =	simm.s32 $0x3;
	s23 =	simm.s32 $0x2480  }
0x9: {  	s6 =	sand.u32 $0x1, s2;
	s7 =	sshll.u32 s0, $0x1;
	[smem:$0x7FF] =	sst s5  }
0xa: {  	s2 =	rddreg [dreg:$0x4];
	s16 =	sor.u32 s6, s7;
	_ =	strace $0x80000047  }
0xb: {  	s6 =	ssub.s32 $0x2, s6;
	s7 =	sshll.u32 s16, $0x2;
	s8 =	sshll.u32 s16, $0xA  }
0xc: {  	s9 =	sshll.u32 s16, $0x8;
	s11 =	sshrl.u32 s6, $0x1;
	s18 =	smul.u32 $0x7D0, s16  }
.Ltmp0:
0xd: {  	p0 =	seq.s32 s16, $0x1F;
	p1 =	sgt.u32 s16, $0x4;
	(pc) =	sbr.rel .LBB2_1-.Ltmp0, $4  }
0xe: {  	s16 =	simm.s32 $0x880;
	s7 =	sadd.s32 s7, s10;
	s8 =	sadd.s32 s8, s10  }
0xf: {  	v3 =	vlaneseq.u32;
	vm0 =	vmmov $0xffff;
	s9 =	sadd.s32 s9, s10;
	s11 =	ssub.s32 s6, s11;
	s6 =	sadd.s32 $0x1200, s7  }
0x10: {  	v4 =	vimm.f32 $1.000000000e+00;
	v2 =	vshrl.u32 v3, $0x3;
	v1 =	vand.u32 $0x7, v3;
	s7 =	sadd.s32 $0x9200, s9;
	s8 =	sadd.s32 $0x1400, s8;
	s9 =	sadd.s32 $0x127C, s10  }
0x11: {  	v3 =	vor.u32 $0x8, v3;
	v2 =	vmul.u32 $0x8, v2;
	s10 =	sadd.s32 $0x9000, s10;
	s11 =	smax.u32 s11, $0x1;
	v0 =	vmov s18;
	s18 =	simm.s32 $0x1880  }
.LBB2_5:
0x12: {  	[tilespmem:s5], [sflag:$0x1] =	stream.linear.gather [hbm4b:s9+s5], $0x8, $0x38;
	[tilespmem:$0x2D00] =	vst v63  }
0x13: {  	_ =	swait.ge [sflag:s12], $0x8  }
0x14: {  	[sflag:s12] =	ssyncset.done $0x0  }
0x15: {  	[sflag:s12] =	ssyncadd.s32 $0xFFFFFFF8  }
0x16: {  	v5 =	vld.msk [tilespmem:$0x0], $0xff;
	_ =	sdelay $0x4  }
0x17: {  	v6 =	vshll.u32 v5, $0x1  }
0x18: {  	v5 =	vand.u32 $0x7, v5;
	v6 =	vand.u32 $0xFFFFFFF0, v6  }
0x19: {  	v5 =	vor.u32 v5, v6  }
0x1a: {  	v5 =	vperm.xlane v5, v1;
	_ =	sdelay $0x1  }
0x1b: {  	v5 =	vadd.s32 v2, v5;
	_ =	sdelay $0x4  }
0x1c: {  	[tilespmem:s13], [sflag:$0x4] =	stream.indirect_vreg.gather [hbm4b:s1+s5], $0x80, v5, vm0, $0xb8;
	[tilespmem:$0x2D00] =	vst v63  }
0x1d: {  	_ =	swait.ge [sflag:s14], $0x800  }
0x1e: {  	[sflag:s14] =	ssyncset.done $0x0  }
0x1f: {  	[sflag:s14] =	ssyncadd.s32 $0xFFFFF800  }
0x20: {  	[hbm4b:s10+s5] =	stream.linear.scatter [tilespmem:s13], [sflag:$0x5], $0x800, $0x38;
	[tilespmem:$0x2D00] =	vst v63  }
0x21: {  	_ =	swait.ge [sflag:s15], $0x800  }
0x22: {  	[sflag:s15] =	ssyncset.done $0x0  }
0x23: {  	[sflag:s15] =	ssyncadd.s32 $0xFFFFF800  }
.LBB2_6:
0x24: {  	s11 =	sadd.s32 $0xFFFFFFFF, s11  }
0x25: {  	p2 =	sne.s32 s11, $0x0  }
.Ltmp1:
0x26: {  	_ = 	snop;
	(pc) =	sbr.rel @!p2 .LBB2_7-.Ltmp1, $1  }
0x27: {  	_ =	sdelay $0x3  }
.LBB2_1:
.Ltmp2:
0x28: {  	(pc) =	sbr.rel @p0 .LBB2_5-.Ltmp2, $1  }
0x29: {  	_ =	sdelay $0x3  }
0x2a: {  	[tilespmem:s5], [sflag:$0x1] =	stream.linear.gather [hbm4b:s6+s5], $0x20, $0x38;
	[tilespmem:$0x2D00] =	vst v63  }
0x2b: {  	_ =	swait.ge [sflag:s12], $0x20  }
0x2c: {  	[sflag:s12] =	ssyncset.done $0x0  }
0x2d: {  	[sflag:s12] =	ssyncadd.s32 $0xFFFFFFE0  }
0x2e: {  	v5 =	vld [tilespmem:$0x0];
	_ =	sdelay $0x4  }
0x2f: {  	v6 =	vshll.u32 v5, $0x1  }
0x30: {  	v5 =	vand.u32 $0x7, v5;
	v6 =	vand.u32 $0xFFFFFFF0, v6  }
0x31: {  	v5 =	vor.u32 v5, v6  }
0x32: {  	v6 =	vperm.xlane v5, v1;
	_ =	sdelay $0x1  }
0x33: {  	v5 =	vperm.xlane v5, v3;
	v6 =	vadd.s32 v2, v6;
	_ =	sdelay $0x1  }
0x34: {  	v5 =	vadd.s32 v2, v5;
	_ =	sdelay $0x2  }
0x35: {  	[tilespmem:s13], [sflag:$0x4] =	stream.indirect_vreg.gather [hbm4b:s1+s5], $0x80, v6, vm0, $0xb8;
	[tilespmem:$0x2D00] =	vst v63  }
0x36: {  	_ = 	snop  }
0x37: {  	[tilespmem:s16], [sflag:$0x4] =	stream.indirect_vreg.gather [hbm4b:s1+s5], $0x80, v5, vm0, $0xb8;
	[tilespmem:$0x2D00] =	vst v63  }
0x38: {  	v5 =	vld [tilespmem:$0x10];
	_ =	sdelay $0x4  }
0x39: {  	v6 =	vshll.u32 v5, $0x1  }
0x3a: {  	v5 =	vand.u32 $0x7, v5;
	v6 =	vand.u32 $0xFFFFFFF0, v6  }
0x3b: {  	v5 =	vor.u32 v5, v6  }
0x3c: {  	v6 =	vperm.xlane v5, v1;
	_ =	sdelay $0x1  }
0x3d: {  	v5 =	vperm.xlane v5, v3;
	v6 =	vadd.s32 v2, v6;
	_ =	sdelay $0x1  }
0x3e: {  	v5 =	vadd.s32 v2, v5  }
.Ltmp3:
0x3f: {  	_ = 	snop;
	(pc) =	sbr.rel @p1 .LBB2_4-.Ltmp3, $4  }
0x40: {  	_ = 	snop  }
0x41: {  	[tilespmem:s17], [sflag:$0x4] =	stream.indirect_vreg.gather [hbm4b:s1+s5], $0x80, v6, vm0, $0xb8;
	[tilespmem:$0x2D00] =	vst v63  }
0x42: {  	_ = 	snop  }
0x43: {  	[tilespmem:s18], [sflag:$0x4] =	stream.indirect_vreg.gather [hbm4b:s1+s5], $0x80, v5, vm0, $0xb8;
	[tilespmem:$0x2D00] =	vst v63  }
0x44: {  	[tilespmem:s19], [sflag:$0x2] =	stream.linear.gather [hbm4b:s3+s5], $0x400, $0x38;
	[tilespmem:$0x2D00] =	vst v63  }
0x45: {  	_ = 	snop  }
0x46: {  	[tilespmem:s20], [sflag:$0x3] =	stream.linear.gather [hbm4b:s4+s5], $0x80, $0x38;
	[tilespmem:$0x2D00] =	vst v63  }
0x47: {  	[tilespmem:$0x2480] =	vst v4  }
0x48: {  	[tilespmem:$0x2490] =	vst v4  }
0x49: {  	[tilespmem:$0x24A0] =	vst v4  }
0x4a: {  	[tilespmem:$0x24B0] =	vst v4  }
0x4b: {  	[tilespmem:$0x24C0] =	vst v4  }
0x4c: {  	[tilespmem:$0x24D0] =	vst v4  }
0x4d: {  	[tilespmem:$0x24E0] =	vst v4  }
0x4e: {  	[tilespmem:$0x24F0] =	vst v4  }
0x4f: {  	[tilespmem:$0x2500] =	vst v4  }
0x50: {  	[tilespmem:$0x2510] =	vst v4  }
0x51: {  	[tilespmem:$0x2520] =	vst v4  }
0x52: {  	[tilespmem:$0x2530] =	vst v4  }
0x53: {  	[tilespmem:$0x2540] =	vst v4  }
0x54: {  	[tilespmem:$0x2550] =	vst v4  }
0x55: {  	[tilespmem:$0x2560] =	vst v4  }
0x56: {  	[tilespmem:$0x2570] =	vst v4  }
0x57: {  	[tilespmem:$0x2580] =	vst v4  }
0x58: {  	[tilespmem:$0x2590] =	vst v4  }
0x59: {  	[tilespmem:$0x25A0] =	vst v4  }
0x5a: {  	[tilespmem:$0x25B0] =	vst v4  }
0x5b: {  	[tilespmem:$0x25C0] =	vst v4  }
0x5c: {  	[tilespmem:$0x25D0] =	vst v4  }
0x5d: {  	[tilespmem:$0x25E0] =	vst v4  }
0x5e: {  	[tilespmem:$0x25F0] =	vst v4  }
0x5f: {  	[tilespmem:$0x2600] =	vst v4  }
0x60: {  	[tilespmem:$0x2610] =	vst v4  }
0x61: {  	[tilespmem:$0x2620] =	vst v4  }
0x62: {  	[tilespmem:$0x2630] =	vst v4  }
0x63: {  	[tilespmem:$0x2640] =	vst v4  }
0x64: {  	[tilespmem:$0x2650] =	vst v4  }
0x65: {  	[tilespmem:$0x2660] =	vst v4  }
0x66: {  	[tilespmem:$0x2670] =	vst v4  }
0x67: {  	[tilespmem:$0x2680] =	vst v4  }
0x68: {  	[tilespmem:$0x2690] =	vst v4  }
0x69: {  	[tilespmem:$0x26A0] =	vst v4  }
0x6a: {  	[tilespmem:$0x26B0] =	vst v4  }
0x6b: {  	[tilespmem:$0x26C0] =	vst v4  }
0x6c: {  	[tilespmem:$0x26D0] =	vst v4  }
0x6d: {  	[tilespmem:$0x26E0] =	vst v4  }
0x6e: {  	[tilespmem:$0x26F0] =	vst v4  }
0x6f: {  	[tilespmem:$0x2700] =	vst v4  }
0x70: {  	[tilespmem:$0x2710] =	vst v4  }
0x71: {  	[tilespmem:$0x2720] =	vst v4  }
0x72: {  	[tilespmem:$0x2730] =	vst v4  }
0x73: {  	[tilespmem:$0x2740] =	vst v4  }
0x74: {  	[tilespmem:$0x2750] =	vst v4  }
0x75: {  	[tilespmem:$0x2760] =	vst v4  }
0x76: {  	[tilespmem:$0x2770] =	vst v4  }
0x77: {  	[tilespmem:$0x2780] =	vst v4  }
0x78: {  	[tilespmem:$0x2790] =	vst v4  }
0x79: {  	[tilespmem:$0x27A0] =	vst v4  }
0x7a: {  	[tilespmem:$0x27B0] =	vst v4  }
0x7b: {  	[tilespmem:$0x27C0] =	vst v4  }
0x7c: {  	[tilespmem:$0x27D0] =	vst v4  }
0x7d: {  	[tilespmem:$0x27E0] =	vst v4  }
0x7e: {  	[tilespmem:$0x27F0] =	vst v4  }
0x7f: {  	[tilespmem:$0x2800] =	vst v4  }
0x80: {  	[tilespmem:$0x2810] =	vst v4  }
0x81: {  	[tilespmem:$0x2820] =	vst v4  }
0x82: {  	[tilespmem:$0x2830] =	vst v4  }
0x83: {  	[tilespmem:$0x2840] =	vst v4  }
0x84: {  	[tilespmem:$0x2850] =	vst v4  }
0x85: {  	[tilespmem:$0x2860] =	vst v4  }
0x86: {  	[tilespmem:$0x2870] =	vst v4  }
0x87: {  	[tilespmem:$0x2880] =	vst v4  }
0x88: {  	[tilespmem:$0x2890] =	vst v4  }
0x89: {  	[tilespmem:$0x28A0] =	vst v4  }
0x8a: {  	[tilespmem:$0x28B0] =	vst v4  }
0x8b: {  	[tilespmem:$0x28C0] =	vst v4  }
0x8c: {  	[tilespmem:$0x28D0] =	vst v4  }
0x8d: {  	[tilespmem:$0x28E0] =	vst v4  }
0x8e: {  	[tilespmem:$0x28F0] =	vst v4  }
0x8f: {  	[tilespmem:$0x2900] =	vst v4  }
0x90: {  	[tilespmem:$0x2910] =	vst v4  }
0x91: {  	[tilespmem:$0x2920] =	vst v4  }
0x92: {  	[tilespmem:$0x2930] =	vst v4  }
0x93: {  	[tilespmem:$0x2940] =	vst v4  }
0x94: {  	[tilespmem:$0x2950] =	vst v4  }
0x95: {  	[tilespmem:$0x2960] =	vst v4  }
0x96: {  	[tilespmem:$0x2970] =	vst v4  }
0x97: {  	[tilespmem:$0x2980] =	vst v4  }
0x98: {  	[tilespmem:$0x2990] =	vst v4  }
0x99: {  	[tilespmem:$0x29A0] =	vst v4  }
0x9a: {  	[tilespmem:$0x29B0] =	vst v4  }
0x9b: {  	[tilespmem:$0x29C0] =	vst v4  }
0x9c: {  	[tilespmem:$0x29D0] =	vst v4  }
0x9d: {  	[tilespmem:$0x29E0] =	vst v4  }
0x9e: {  	[tilespmem:$0x29F0] =	vst v4  }
0x9f: {  	[tilespmem:$0x2A00] =	vst v4  }
0xa0: {  	[tilespmem:$0x2A10] =	vst v4  }
0xa1: {  	[tilespmem:$0x2A20] =	vst v4  }
0xa2: {  	[tilespmem:$0x2A30] =	vst v4  }
0xa3: {  	[tilespmem:$0x2A40] =	vst v4  }
0xa4: {  	[tilespmem:$0x2A50] =	vst v4  }
0xa5: {  	[tilespmem:$0x2A60] =	vst v4  }
0xa6: {  	[tilespmem:$0x2A70] =	vst v4  }
0xa7: {  	[tilespmem:$0x2A80] =	vst v4  }
0xa8: {  	[tilespmem:$0x2A90] =	vst v4  }
0xa9: {  	[tilespmem:$0x2AA0] =	vst v4  }
0xaa: {  	[tilespmem:$0x2AB0] =	vst v4  }
0xab: {  	[tilespmem:$0x2AC0] =	vst v4  }
0xac: {  	[tilespmem:$0x2AD0] =	vst v4  }
0xad: {  	[tilespmem:$0x2AE0] =	vst v4  }
0xae: {  	[tilespmem:$0x2AF0] =	vst v4  }
0xaf: {  	[tilespmem:$0x2B00] =	vst v4  }
0xb0: {  	[tilespmem:$0x2B10] =	vst v4  }
0xb1: {  	[tilespmem:$0x2B20] =	vst v4  }
0xb2: {  	[tilespmem:$0x2B30] =	vst v4  }
0xb3: {  	[tilespmem:$0x2B40] =	vst v4  }
0xb4: {  	[tilespmem:$0x2B50] =	vst v4  }
0xb5: {  	[tilespmem:$0x2B60] =	vst v4  }
0xb6: {  	[tilespmem:$0x2B70] =	vst v4  }
0xb7: {  	[tilespmem:$0x2B80] =	vst v4  }
0xb8: {  	[tilespmem:$0x2B90] =	vst v4  }
0xb9: {  	[tilespmem:$0x2BA0] =	vst v4  }
0xba: {  	[tilespmem:$0x2BB0] =	vst v4  }
0xbb: {  	[tilespmem:$0x2BC0] =	vst v4  }
0xbc: {  	[tilespmem:$0x2BD0] =	vst v4  }
0xbd: {  	[tilespmem:$0x2BE0] =	vst v4  }
0xbe: {  	[tilespmem:$0x2BF0] =	vst v4  }
0xbf: {  	[tilespmem:$0x2C00] =	vst v4  }
0xc0: {  	[tilespmem:$0x2C10] =	vst v4  }
0xc1: {  	[tilespmem:$0x2C20] =	vst v4  }
0xc2: {  	[tilespmem:$0x2C30] =	vst v4  }
0xc3: {  	[tilespmem:$0x2C40] =	vst v4  }
0xc4: {  	_ =	swait.ge [sflag:s21], $0x400  }
0xc5: {  	[sflag:s21] =	ssyncset.done $0x0  }
0xc6: {  	[sflag:s21] =	ssyncadd.s32 $0xFFFFFC00  }
0xc7: {  	_ =	swait.ge [sflag:s22], $0x80  }
0xc8: {  	[sflag:s22] =	ssyncset.done $0x0  }
0xc9: {  	[sflag:s22] =	ssyncadd.s32 $0xFFFFFF80  }
0xca: {  	v5 =	vld [tilespmem:$0x2080];
	_ =	sdelay $0x4  }
0xcb: {  	v5 =	vsub.s32 v5, v0  }
0xcc: {  	vm1 =	vgt.s32 v5, $0x0  }
0xcd: {  	vm2 =	vlt.u32 v5, $0x7D0;
	v6 =	vnsel vm1, $0x0, v5  }
0xce: {  	v5 =	vld [tilespmem:$0x2C80];
	v6 =	vmin.u32 v6, $0x7CF;
	_ =	sdelay $0x4  }
0xcf: {  	[tilespmem:v6+s23+$0x0] =	vst.idx.msk vm2, v5  }
0xd0: {  	v6 =	vld [tilespmem:$0x2090];
	_ =	sdelay $0x4  }
0xd1: {  	v6 =	vsub.s32 v6, v0  }
0xd2: {  	vm1 =	vgt.s32 v6, $0x0  }
0xd3: {  	vm2 =	vlt.u32 v6, $0x7D0;
	v6 =	vnsel vm1, $0x0, v6  }
0xd4: {  	v6 =	vmin.u32 v6, $0x7CF;
	_ =	sdelay $0x4  }
0xd5: {  	[tilespmem:v6+s23+$0x0] =	vst.idx.msk vm2, v5  }
0xd6: {  	v6 =	vld [tilespmem:$0x20A0];
	_ =	sdelay $0x4  }
0xd7: {  	v6 =	vsub.s32 v6, v0  }
0xd8: {  	vm1 =	vgt.s32 v6, $0x0  }
0xd9: {  	vm2 =	vlt.u32 v6, $0x7D0;
	v6 =	vnsel vm1, $0x0, v6  }
0xda: {  	v6 =	vmin.u32 v6, $0x7CF;
	_ =	sdelay $0x4  }
0xdb: {  	[tilespmem:v6+s23+$0x0] =	vst.idx.msk vm2, v5  }
0xdc: {  	v6 =	vld [tilespmem:$0x20B0];
	_ =	sdelay $0x4  }
0xdd: {  	v6 =	vsub.s32 v6, v0  }
0xde: {  	vm1 =	vgt.s32 v6, $0x0  }
0xdf: {  	vm2 =	vlt.u32 v6, $0x7D0;
	v6 =	vnsel vm1, $0x0, v6  }
0xe0: {  	v6 =	vmin.u32 v6, $0x7CF;
	_ =	sdelay $0x4  }
0xe1: {  	[tilespmem:v6+s23+$0x0] =	vst.idx.msk vm2, v5  }
0xe2: {  	v6 =	vld [tilespmem:$0x20C0];
	_ =	sdelay $0x4  }
0xe3: {  	v6 =	vsub.s32 v6, v0  }
0xe4: {  	vm1 =	vgt.s32 v6, $0x0  }
0xe5: {  	vm2 =	vlt.u32 v6, $0x7D0;
	v6 =	vnsel vm1, $0x0, v6  }
0xe6: {  	v6 =	vmin.u32 v6, $0x7CF;
	_ =	sdelay $0x4  }
0xe7: {  	[tilespmem:v6+s23+$0x0] =	vst.idx.msk vm2, v5  }
0xe8: {  	v6 =	vld [tilespmem:$0x20D0];
	_ =	sdelay $0x4  }
0xe9: {  	v6 =	vsub.s32 v6, v0  }
0xea: {  	vm1 =	vgt.s32 v6, $0x0  }
0xeb: {  	vm2 =	vlt.u32 v6, $0x7D0;
	v6 =	vnsel vm1, $0x0, v6  }
0xec: {  	v6 =	vmin.u32 v6, $0x7CF;
	_ =	sdelay $0x4  }
0xed: {  	[tilespmem:v6+s23+$0x0] =	vst.idx.msk vm2, v5  }
0xee: {  	v6 =	vld [tilespmem:$0x20E0];
	_ =	sdelay $0x4  }
0xef: {  	v6 =	vsub.s32 v6, v0  }
0xf0: {  	vm1 =	vgt.s32 v6, $0x0  }
0xf1: {  	vm2 =	vlt.u32 v6, $0x7D0;
	v6 =	vnsel vm1, $0x0, v6  }
0xf2: {  	v6 =	vmin.u32 v6, $0x7CF;
	_ =	sdelay $0x4  }
0xf3: {  	[tilespmem:v6+s23+$0x0] =	vst.idx.msk vm2, v5  }
0xf4: {  	v6 =	vld [tilespmem:$0x20F0];
	_ =	sdelay $0x4  }
0xf5: {  	v6 =	vsub.s32 v6, v0  }
0xf6: {  	vm1 =	vgt.s32 v6, $0x0  }
0xf7: {  	vm2 =	vlt.u32 v6, $0x7D0;
	v6 =	vnsel vm1, $0x0, v6  }
0xf8: {  	v6 =	vmin.u32 v6, $0x7CF;
	_ =	sdelay $0x4  }
0xf9: {  	[tilespmem:v6+s23+$0x0] =	vst.idx.msk vm2, v5  }
0xfa: {  	v6 =	vld [tilespmem:$0x2100];
	_ =	sdelay $0x4  }
0xfb: {  	v6 =	vsub.s32 v6, v0  }
0xfc: {  	vm1 =	vgt.s32 v6, $0x0  }
0xfd: {  	vm2 =	vlt.u32 v6, $0x7D0;
	v6 =	vnsel vm1, $0x0, v6  }
0xfe: {  	v6 =	vmin.u32 v6, $0x7CF;
	_ =	sdelay $0x4  }
0xff: {  	[tilespmem:v6+s23+$0x0] =	vst.idx.msk vm2, v5  }
0x100: {  	v6 =	vld [tilespmem:$0x2110];
	_ =	sdelay $0x4  }
0x101: {  	v6 =	vsub.s32 v6, v0  }
0x102: {  	vm1 =	vgt.s32 v6, $0x0  }
0x103: {  	vm2 =	vlt.u32 v6, $0x7D0;
	v6 =	vnsel vm1, $0x0, v6  }
0x104: {  	v6 =	vmin.u32 v6, $0x7CF;
	_ =	sdelay $0x4  }
0x105: {  	[tilespmem:v6+s23+$0x0] =	vst.idx.msk vm2, v5  }
0x106: {  	v6 =	vld [tilespmem:$0x2120];
	_ =	sdelay $0x4  }
0x107: {  	v6 =	vsub.s32 v6, v0  }
0x108: {  	vm1 =	vgt.s32 v6, $0x0  }
0x109: {  	vm2 =	vlt.u32 v6, $0x7D0;
	v6 =	vnsel vm1, $0x0, v6  }
0x10a: {  	v6 =	vmin.u32 v6, $0x7CF;
	_ =	sdelay $0x4  }
0x10b: {  	[tilespmem:v6+s23+$0x0] =	vst.idx.msk vm2, v5  }
0x10c: {  	v6 =	vld [tilespmem:$0x2130];
	_ =	sdelay $0x4  }
0x10d: {  	v6 =	vsub.s32 v6, v0  }
0x10e: {  	vm1 =	vgt.s32 v6, $0x0  }
0x10f: {  	vm2 =	vlt.u32 v6, $0x7D0;
	v6 =	vnsel vm1, $0x0, v6  }
0x110: {  	v6 =	vmin.u32 v6, $0x7CF;
	_ =	sdelay $0x4  }
0x111: {  	[tilespmem:v6+s23+$0x0] =	vst.idx.msk vm2, v5  }
0x112: {  	v6 =	vld [tilespmem:$0x2140];
	_ =	sdelay $0x4  }
0x113: {  	v6 =	vsub.s32 v6, v0  }
0x114: {  	vm1 =	vgt.s32 v6, $0x0  }
0x115: {  	vm2 =	vlt.u32 v6, $0x7D0;
	v6 =	vnsel vm1, $0x0, v6  }
0x116: {  	v6 =	vmin.u32 v6, $0x7CF;
	_ =	sdelay $0x4  }
0x117: {  	[tilespmem:v6+s23+$0x0] =	vst.idx.msk vm2, v5  }
0x118: {  	v6 =	vld [tilespmem:$0x2150];
	_ =	sdelay $0x4  }
0x119: {  	v6 =	vsub.s32 v6, v0  }
0x11a: {  	vm1 =	vgt.s32 v6, $0x0  }
0x11b: {  	vm2 =	vlt.u32 v6, $0x7D0;
	v6 =	vnsel vm1, $0x0, v6  }
0x11c: {  	v6 =	vmin.u32 v6, $0x7CF;
	_ =	sdelay $0x4  }
0x11d: {  	[tilespmem:v6+s23+$0x0] =	vst.idx.msk vm2, v5  }
0x11e: {  	v6 =	vld [tilespmem:$0x2160];
	_ =	sdelay $0x4  }
0x11f: {  	v6 =	vsub.s32 v6, v0  }
0x120: {  	vm1 =	vgt.s32 v6, $0x0  }
0x121: {  	vm2 =	vlt.u32 v6, $0x7D0;
	v6 =	vnsel vm1, $0x0, v6  }
0x122: {  	v6 =	vmin.u32 v6, $0x7CF;
	_ =	sdelay $0x4  }
0x123: {  	[tilespmem:v6+s23+$0x0] =	vst.idx.msk vm2, v5  }
0x124: {  	v6 =	vld [tilespmem:$0x2170];
	_ =	sdelay $0x4  }
0x125: {  	v6 =	vsub.s32 v6, v0  }
0x126: {  	vm1 =	vgt.s32 v6, $0x0  }
0x127: {  	vm2 =	vlt.u32 v6, $0x7D0;
	v6 =	vnsel vm1, $0x0, v6  }
0x128: {  	v6 =	vmin.u32 v6, $0x7CF;
	_ =	sdelay $0x4  }
0x129: {  	[tilespmem:v6+s23+$0x0] =	vst.idx.msk vm2, v5  }
0x12a: {  	v6 =	vld [tilespmem:$0x2180];
	_ =	sdelay $0x4  }
0x12b: {  	v6 =	vsub.s32 v6, v0  }
0x12c: {  	vm1 =	vgt.s32 v6, $0x0  }
0x12d: {  	vm2 =	vlt.u32 v6, $0x7D0;
	v6 =	vnsel vm1, $0x0, v6  }
0x12e: {  	v6 =	vmin.u32 v6, $0x7CF;
	_ =	sdelay $0x4  }
0x12f: {  	[tilespmem:v6+s23+$0x0] =	vst.idx.msk vm2, v5  }
0x130: {  	v6 =	vld [tilespmem:$0x2190];
	_ =	sdelay $0x4  }
0x131: {  	v6 =	vsub.s32 v6, v0  }
0x132: {  	vm1 =	vgt.s32 v6, $0x0  }
0x133: {  	vm2 =	vlt.u32 v6, $0x7D0;
	v6 =	vnsel vm1, $0x0, v6  }
0x134: {  	v6 =	vmin.u32 v6, $0x7CF;
	_ =	sdelay $0x4  }
0x135: {  	[tilespmem:v6+s23+$0x0] =	vst.idx.msk vm2, v5  }
0x136: {  	v6 =	vld [tilespmem:$0x21A0];
	_ =	sdelay $0x4  }
0x137: {  	v6 =	vsub.s32 v6, v0  }
0x138: {  	vm1 =	vgt.s32 v6, $0x0  }
0x139: {  	vm2 =	vlt.u32 v6, $0x7D0;
	v6 =	vnsel vm1, $0x0, v6  }
0x13a: {  	v6 =	vmin.u32 v6, $0x7CF;
	_ =	sdelay $0x4  }
0x13b: {  	[tilespmem:v6+s23+$0x0] =	vst.idx.msk vm2, v5  }
0x13c: {  	v6 =	vld [tilespmem:$0x21B0];
	_ =	sdelay $0x4  }
0x13d: {  	v6 =	vsub.s32 v6, v0  }
0x13e: {  	vm1 =	vgt.s32 v6, $0x0  }
0x13f: {  	vm2 =	vlt.u32 v6, $0x7D0;
	v6 =	vnsel vm1, $0x0, v6  }
0x140: {  	v6 =	vmin.u32 v6, $0x7CF;
	_ =	sdelay $0x4  }
0x141: {  	[tilespmem:v6+s23+$0x0] =	vst.idx.msk vm2, v5  }
0x142: {  	v6 =	vld [tilespmem:$0x21C0];
	_ =	sdelay $0x4  }
0x143: {  	v6 =	vsub.s32 v6, v0  }
0x144: {  	vm1 =	vgt.s32 v6, $0x0  }
0x145: {  	vm2 =	vlt.u32 v6, $0x7D0;
	v6 =	vnsel vm1, $0x0, v6  }
0x146: {  	v6 =	vmin.u32 v6, $0x7CF;
	_ =	sdelay $0x4  }
0x147: {  	[tilespmem:v6+s23+$0x0] =	vst.idx.msk vm2, v5  }
0x148: {  	v6 =	vld [tilespmem:$0x21D0];
	_ =	sdelay $0x4  }
0x149: {  	v6 =	vsub.s32 v6, v0  }
0x14a: {  	vm1 =	vgt.s32 v6, $0x0  }
0x14b: {  	vm2 =	vlt.u32 v6, $0x7D0;
	v6 =	vnsel vm1, $0x0, v6  }
0x14c: {  	v6 =	vmin.u32 v6, $0x7CF;
	_ =	sdelay $0x4  }
0x14d: {  	[tilespmem:v6+s23+$0x0] =	vst.idx.msk vm2, v5  }
0x14e: {  	v6 =	vld [tilespmem:$0x21E0];
	_ =	sdelay $0x4  }
0x14f: {  	v6 =	vsub.s32 v6, v0  }
0x150: {  	vm1 =	vgt.s32 v6, $0x0  }
0x151: {  	vm2 =	vlt.u32 v6, $0x7D0;
	v6 =	vnsel vm1, $0x0, v6  }
0x152: {  	v6 =	vmin.u32 v6, $0x7CF;
	_ =	sdelay $0x4  }
0x153: {  	[tilespmem:v6+s23+$0x0] =	vst.idx.msk vm2, v5  }
0x154: {  	v6 =	vld [tilespmem:$0x21F0];
	_ =	sdelay $0x4  }
0x155: {  	v6 =	vsub.s32 v6, v0  }
0x156: {  	vm1 =	vgt.s32 v6, $0x0  }
0x157: {  	vm2 =	vlt.u32 v6, $0x7D0;
	v6 =	vnsel vm1, $0x0, v6  }
0x158: {  	v6 =	vmin.u32 v6, $0x7CF;
	_ =	sdelay $0x4  }
0x159: {  	[tilespmem:v6+s23+$0x0] =	vst.idx.msk vm2, v5  }
0x15a: {  	v6 =	vld [tilespmem:$0x2200];
	_ =	sdelay $0x4  }
0x15b: {  	v6 =	vsub.s32 v6, v0  }
0x15c: {  	vm1 =	vgt.s32 v6, $0x0  }
0x15d: {  	vm2 =	vlt.u32 v6, $0x7D0;
	v6 =	vnsel vm1, $0x0, v6  }
0x15e: {  	v6 =	vmin.u32 v6, $0x7CF;
	_ =	sdelay $0x4  }
0x15f: {  	[tilespmem:v6+s23+$0x0] =	vst.idx.msk vm2, v5  }
0x160: {  	v6 =	vld [tilespmem:$0x2210];
	_ =	sdelay $0x4  }
0x161: {  	v6 =	vsub.s32 v6, v0  }
0x162: {  	vm1 =	vgt.s32 v6, $0x0  }
0x163: {  	vm2 =	vlt.u32 v6, $0x7D0;
	v6 =	vnsel vm1, $0x0, v6  }
0x164: {  	v6 =	vmin.u32 v6, $0x7CF;
	_ =	sdelay $0x4  }
0x165: {  	[tilespmem:v6+s23+$0x0] =	vst.idx.msk vm2, v5  }
0x166: {  	v6 =	vld [tilespmem:$0x2220];
	_ =	sdelay $0x4  }
0x167: {  	v6 =	vsub.s32 v6, v0  }
0x168: {  	vm1 =	vgt.s32 v6, $0x0  }
0x169: {  	vm2 =	vlt.u32 v6, $0x7D0;
	v6 =	vnsel vm1, $0x0, v6  }
0x16a: {  	v6 =	vmin.u32 v6, $0x7CF;
	_ =	sdelay $0x4  }
0x16b: {  	[tilespmem:v6+s23+$0x0] =	vst.idx.msk vm2, v5  }
0x16c: {  	v6 =	vld [tilespmem:$0x2230];
	_ =	sdelay $0x4  }
0x16d: {  	v6 =	vsub.s32 v6, v0  }
0x16e: {  	vm1 =	vgt.s32 v6, $0x0  }
0x16f: {  	vm2 =	vlt.u32 v6, $0x7D0;
	v6 =	vnsel vm1, $0x0, v6  }
0x170: {  	v6 =	vmin.u32 v6, $0x7CF;
	_ =	sdelay $0x4  }
0x171: {  	[tilespmem:v6+s23+$0x0] =	vst.idx.msk vm2, v5  }
0x172: {  	v6 =	vld [tilespmem:$0x2240];
	_ =	sdelay $0x4  }
0x173: {  	v6 =	vsub.s32 v6, v0  }
0x174: {  	vm1 =	vgt.s32 v6, $0x0  }
0x175: {  	vm2 =	vlt.u32 v6, $0x7D0;
	v6 =	vnsel vm1, $0x0, v6  }
0x176: {  	v6 =	vmin.u32 v6, $0x7CF;
	_ =	sdelay $0x4  }
0x177: {  	[tilespmem:v6+s23+$0x0] =	vst.idx.msk vm2, v5  }
0x178: {  	v6 =	vld [tilespmem:$0x2250];
	_ =	sdelay $0x4  }
0x179: {  	v6 =	vsub.s32 v6, v0  }
0x17a: {  	vm1 =	vgt.s32 v6, $0x0  }
0x17b: {  	vm2 =	vlt.u32 v6, $0x7D0;
	v6 =	vnsel vm1, $0x0, v6  }
0x17c: {  	v6 =	vmin.u32 v6, $0x7CF;
	_ =	sdelay $0x4  }
0x17d: {  	[tilespmem:v6+s23+$0x0] =	vst.idx.msk vm2, v5  }
0x17e: {  	v6 =	vld [tilespmem:$0x2260];
	_ =	sdelay $0x4  }
0x17f: {  	v6 =	vsub.s32 v6, v0  }
0x180: {  	vm1 =	vgt.s32 v6, $0x0  }
0x181: {  	vm2 =	vlt.u32 v6, $0x7D0;
	v6 =	vnsel vm1, $0x0, v6  }
0x182: {  	v6 =	vmin.u32 v6, $0x7CF;
	_ =	sdelay $0x4  }
0x183: {  	[tilespmem:v6+s23+$0x0] =	vst.idx.msk vm2, v5  }
0x184: {  	v6 =	vld [tilespmem:$0x2270];
	_ =	sdelay $0x4  }
0x185: {  	v6 =	vsub.s32 v6, v0  }
0x186: {  	vm1 =	vgt.s32 v6, $0x0  }
0x187: {  	vm2 =	vlt.u32 v6, $0x7D0;
	v6 =	vnsel vm1, $0x0, v6  }
0x188: {  	v6 =	vmin.u32 v6, $0x7CF;
	_ =	sdelay $0x4  }
0x189: {  	[tilespmem:v6+s23+$0x0] =	vst.idx.msk vm2, v5  }
0x18a: {  	v6 =	vld [tilespmem:$0x2280];
	_ =	sdelay $0x4  }
0x18b: {  	v6 =	vsub.s32 v6, v0  }
0x18c: {  	vm1 =	vgt.s32 v6, $0x0  }
0x18d: {  	vm2 =	vlt.u32 v6, $0x7D0;
	v6 =	vnsel vm1, $0x0, v6  }
0x18e: {  	v6 =	vmin.u32 v6, $0x7CF;
	_ =	sdelay $0x4  }
0x18f: {  	[tilespmem:v6+s23+$0x0] =	vst.idx.msk vm2, v5  }
0x190: {  	v6 =	vld [tilespmem:$0x2290];
	_ =	sdelay $0x4  }
0x191: {  	v6 =	vsub.s32 v6, v0  }
0x192: {  	vm1 =	vgt.s32 v6, $0x0  }
0x193: {  	vm2 =	vlt.u32 v6, $0x7D0;
	v6 =	vnsel vm1, $0x0, v6  }
0x194: {  	v6 =	vmin.u32 v6, $0x7CF;
	_ =	sdelay $0x4  }
0x195: {  	[tilespmem:v6+s23+$0x0] =	vst.idx.msk vm2, v5  }
0x196: {  	v6 =	vld [tilespmem:$0x22A0];
	_ =	sdelay $0x4  }
0x197: {  	v6 =	vsub.s32 v6, v0  }
0x198: {  	vm1 =	vgt.s32 v6, $0x0  }
0x199: {  	vm2 =	vlt.u32 v6, $0x7D0;
	v6 =	vnsel vm1, $0x0, v6  }
0x19a: {  	v6 =	vmin.u32 v6, $0x7CF;
	_ =	sdelay $0x4  }
0x19b: {  	[tilespmem:v6+s23+$0x0] =	vst.idx.msk vm2, v5  }
0x19c: {  	v6 =	vld [tilespmem:$0x22B0];
	_ =	sdelay $0x4  }
0x19d: {  	v6 =	vsub.s32 v6, v0  }
0x19e: {  	vm1 =	vgt.s32 v6, $0x0  }
0x19f: {  	vm2 =	vlt.u32 v6, $0x7D0;
	v6 =	vnsel vm1, $0x0, v6  }
0x1a0: {  	v6 =	vmin.u32 v6, $0x7CF;
	_ =	sdelay $0x4  }
0x1a1: {  	[tilespmem:v6+s23+$0x0] =	vst.idx.msk vm2, v5  }
0x1a2: {  	v6 =	vld [tilespmem:$0x22C0];
	_ =	sdelay $0x4  }
0x1a3: {  	v6 =	vsub.s32 v6, v0  }
0x1a4: {  	vm1 =	vgt.s32 v6, $0x0  }
0x1a5: {  	vm2 =	vlt.u32 v6, $0x7D0;
	v6 =	vnsel vm1, $0x0, v6  }
0x1a6: {  	v6 =	vmin.u32 v6, $0x7CF;
	_ =	sdelay $0x4  }
0x1a7: {  	[tilespmem:v6+s23+$0x0] =	vst.idx.msk vm2, v5  }
0x1a8: {  	v6 =	vld [tilespmem:$0x22D0];
	_ =	sdelay $0x4  }
0x1a9: {  	v6 =	vsub.s32 v6, v0  }
0x1aa: {  	vm1 =	vgt.s32 v6, $0x0  }
0x1ab: {  	vm2 =	vlt.u32 v6, $0x7D0;
	v6 =	vnsel vm1, $0x0, v6  }
0x1ac: {  	v6 =	vmin.u32 v6, $0x7CF;
	_ =	sdelay $0x4  }
0x1ad: {  	[tilespmem:v6+s23+$0x0] =	vst.idx.msk vm2, v5  }
0x1ae: {  	v6 =	vld [tilespmem:$0x22E0];
	_ =	sdelay $0x4  }
0x1af: {  	v6 =	vsub.s32 v6, v0  }
0x1b0: {  	vm1 =	vgt.s32 v6, $0x0  }
0x1b1: {  	vm2 =	vlt.u32 v6, $0x7D0;
	v6 =	vnsel vm1, $0x0, v6  }
0x1b2: {  	v6 =	vmin.u32 v6, $0x7CF;
	_ =	sdelay $0x4  }
0x1b3: {  	[tilespmem:v6+s23+$0x0] =	vst.idx.msk vm2, v5  }
0x1b4: {  	v6 =	vld [tilespmem:$0x22F0];
	_ =	sdelay $0x4  }
0x1b5: {  	v6 =	vsub.s32 v6, v0  }
0x1b6: {  	vm1 =	vgt.s32 v6, $0x0  }
0x1b7: {  	vm2 =	vlt.u32 v6, $0x7D0;
	v6 =	vnsel vm1, $0x0, v6  }
0x1b8: {  	v6 =	vmin.u32 v6, $0x7CF;
	_ =	sdelay $0x4  }
0x1b9: {  	[tilespmem:v6+s23+$0x0] =	vst.idx.msk vm2, v5  }
0x1ba: {  	v6 =	vld [tilespmem:$0x2300];
	_ =	sdelay $0x4  }
0x1bb: {  	v6 =	vsub.s32 v6, v0  }
0x1bc: {  	vm1 =	vgt.s32 v6, $0x0  }
0x1bd: {  	vm2 =	vlt.u32 v6, $0x7D0;
	v6 =	vnsel vm1, $0x0, v6  }
0x1be: {  	v6 =	vmin.u32 v6, $0x7CF;
	_ =	sdelay $0x4  }
0x1bf: {  	[tilespmem:v6+s23+$0x0] =	vst.idx.msk vm2, v5  }
0x1c0: {  	v6 =	vld [tilespmem:$0x2310];
	_ =	sdelay $0x4  }
0x1c1: {  	v6 =	vsub.s32 v6, v0  }
0x1c2: {  	vm1 =	vgt.s32 v6, $0x0  }
0x1c3: {  	vm2 =	vlt.u32 v6, $0x7D0;
	v6 =	vnsel vm1, $0x0, v6  }
0x1c4: {  	v6 =	vmin.u32 v6, $0x7CF;
	_ =	sdelay $0x4  }
0x1c5: {  	[tilespmem:v6+s23+$0x0] =	vst.idx.msk vm2, v5  }
0x1c6: {  	v6 =	vld [tilespmem:$0x2320];
	_ =	sdelay $0x4  }
0x1c7: {  	v6 =	vsub.s32 v6, v0  }
0x1c8: {  	vm1 =	vgt.s32 v6, $0x0  }
0x1c9: {  	vm2 =	vlt.u32 v6, $0x7D0;
	v6 =	vnsel vm1, $0x0, v6  }
0x1ca: {  	v6 =	vmin.u32 v6, $0x7CF;
	_ =	sdelay $0x4  }
0x1cb: {  	[tilespmem:v6+s23+$0x0] =	vst.idx.msk vm2, v5  }
0x1cc: {  	v6 =	vld [tilespmem:$0x2330];
	_ =	sdelay $0x4  }
0x1cd: {  	v6 =	vsub.s32 v6, v0  }
0x1ce: {  	vm1 =	vgt.s32 v6, $0x0  }
0x1cf: {  	vm2 =	vlt.u32 v6, $0x7D0;
	v6 =	vnsel vm1, $0x0, v6  }
0x1d0: {  	v6 =	vmin.u32 v6, $0x7CF;
	_ =	sdelay $0x4  }
0x1d1: {  	[tilespmem:v6+s23+$0x0] =	vst.idx.msk vm2, v5  }
0x1d2: {  	v6 =	vld [tilespmem:$0x2340];
	_ =	sdelay $0x4  }
0x1d3: {  	v6 =	vsub.s32 v6, v0  }
0x1d4: {  	vm1 =	vgt.s32 v6, $0x0  }
0x1d5: {  	vm2 =	vlt.u32 v6, $0x7D0;
	v6 =	vnsel vm1, $0x0, v6  }
0x1d6: {  	v6 =	vmin.u32 v6, $0x7CF;
	_ =	sdelay $0x4  }
0x1d7: {  	[tilespmem:v6+s23+$0x0] =	vst.idx.msk vm2, v5  }
0x1d8: {  	v6 =	vld [tilespmem:$0x2350];
	_ =	sdelay $0x4  }
0x1d9: {  	v6 =	vsub.s32 v6, v0  }
0x1da: {  	vm1 =	vgt.s32 v6, $0x0  }
0x1db: {  	vm2 =	vlt.u32 v6, $0x7D0;
	v6 =	vnsel vm1, $0x0, v6  }
0x1dc: {  	v6 =	vmin.u32 v6, $0x7CF;
	_ =	sdelay $0x4  }
0x1dd: {  	[tilespmem:v6+s23+$0x0] =	vst.idx.msk vm2, v5  }
0x1de: {  	v6 =	vld [tilespmem:$0x2360];
	_ =	sdelay $0x4  }
0x1df: {  	v6 =	vsub.s32 v6, v0  }
0x1e0: {  	vm1 =	vgt.s32 v6, $0x0  }
0x1e1: {  	vm2 =	vlt.u32 v6, $0x7D0;
	v6 =	vnsel vm1, $0x0, v6  }
0x1e2: {  	v6 =	vmin.u32 v6, $0x7CF;
	_ =	sdelay $0x4  }
0x1e3: {  	[tilespmem:v6+s23+$0x0] =	vst.idx.msk vm2, v5  }
0x1e4: {  	v6 =	vld [tilespmem:$0x2370];
	_ =	sdelay $0x4  }
0x1e5: {  	v6 =	vsub.s32 v6, v0  }
0x1e6: {  	vm1 =	vgt.s32 v6, $0x0  }
0x1e7: {  	vm2 =	vlt.u32 v6, $0x7D0;
	v6 =	vnsel vm1, $0x0, v6  }
0x1e8: {  	v6 =	vmin.u32 v6, $0x7CF;
	_ =	sdelay $0x4  }
0x1e9: {  	[tilespmem:v6+s23+$0x0] =	vst.idx.msk vm2, v5  }
0x1ea: {  	v6 =	vld [tilespmem:$0x2380];
	_ =	sdelay $0x4  }
0x1eb: {  	v6 =	vsub.s32 v6, v0  }
0x1ec: {  	vm1 =	vgt.s32 v6, $0x0  }
0x1ed: {  	vm2 =	vlt.u32 v6, $0x7D0;
	v6 =	vnsel vm1, $0x0, v6  }
0x1ee: {  	v6 =	vmin.u32 v6, $0x7CF;
	_ =	sdelay $0x4  }
0x1ef: {  	[tilespmem:v6+s23+$0x0] =	vst.idx.msk vm2, v5  }
0x1f0: {  	v6 =	vld [tilespmem:$0x2390];
	_ =	sdelay $0x4  }
0x1f1: {  	v6 =	vsub.s32 v6, v0  }
0x1f2: {  	vm1 =	vgt.s32 v6, $0x0  }
0x1f3: {  	vm2 =	vlt.u32 v6, $0x7D0;
	v6 =	vnsel vm1, $0x0, v6  }
0x1f4: {  	v6 =	vmin.u32 v6, $0x7CF;
	_ =	sdelay $0x4  }
0x1f5: {  	[tilespmem:v6+s23+$0x0] =	vst.idx.msk vm2, v5  }
0x1f6: {  	v6 =	vld [tilespmem:$0x23A0];
	_ =	sdelay $0x4  }
0x1f7: {  	v6 =	vsub.s32 v6, v0  }
0x1f8: {  	vm1 =	vgt.s32 v6, $0x0  }
0x1f9: {  	vm2 =	vlt.u32 v6, $0x7D0;
	v6 =	vnsel vm1, $0x0, v6  }
0x1fa: {  	v6 =	vmin.u32 v6, $0x7CF;
	_ =	sdelay $0x4  }
0x1fb: {  	[tilespmem:v6+s23+$0x0] =	vst.idx.msk vm2, v5  }
0x1fc: {  	v6 =	vld [tilespmem:$0x23B0];
	_ =	sdelay $0x4  }
0x1fd: {  	v6 =	vsub.s32 v6, v0  }
0x1fe: {  	vm1 =	vgt.s32 v6, $0x0  }
0x1ff: {  	vm2 =	vlt.u32 v6, $0x7D0;
	v6 =	vnsel vm1, $0x0, v6  }
0x200: {  	v6 =	vmin.u32 v6, $0x7CF;
	_ =	sdelay $0x4  }
0x201: {  	[tilespmem:v6+s23+$0x0] =	vst.idx.msk vm2, v5  }
0x202: {  	v6 =	vld [tilespmem:$0x23C0];
	_ =	sdelay $0x4  }
0x203: {  	v6 =	vsub.s32 v6, v0  }
0x204: {  	vm1 =	vgt.s32 v6, $0x0  }
0x205: {  	vm2 =	vlt.u32 v6, $0x7D0;
	v6 =	vnsel vm1, $0x0, v6  }
0x206: {  	v6 =	vmin.u32 v6, $0x7CF;
	_ =	sdelay $0x4  }
0x207: {  	[tilespmem:v6+s23+$0x0] =	vst.idx.msk vm2, v5  }
0x208: {  	v6 =	vld [tilespmem:$0x23D0];
	_ =	sdelay $0x4  }
0x209: {  	v6 =	vsub.s32 v6, v0  }
0x20a: {  	vm1 =	vgt.s32 v6, $0x0  }
0x20b: {  	vm2 =	vlt.u32 v6, $0x7D0;
	v6 =	vnsel vm1, $0x0, v6  }
0x20c: {  	v6 =	vmin.u32 v6, $0x7CF;
	_ =	sdelay $0x4  }
0x20d: {  	[tilespmem:v6+s23+$0x0] =	vst.idx.msk vm2, v5  }
0x20e: {  	v6 =	vld [tilespmem:$0x23E0];
	_ =	sdelay $0x4  }
0x20f: {  	v6 =	vsub.s32 v6, v0  }
0x210: {  	vm1 =	vgt.s32 v6, $0x0  }
0x211: {  	vm2 =	vlt.u32 v6, $0x7D0;
	v6 =	vnsel vm1, $0x0, v6  }
0x212: {  	v6 =	vmin.u32 v6, $0x7CF;
	_ =	sdelay $0x4  }
0x213: {  	[tilespmem:v6+s23+$0x0] =	vst.idx.msk vm2, v5  }
0x214: {  	v6 =	vld [tilespmem:$0x23F0];
	_ =	sdelay $0x4  }
0x215: {  	v6 =	vsub.s32 v6, v0  }
0x216: {  	vm1 =	vgt.s32 v6, $0x0  }
0x217: {  	vm2 =	vlt.u32 v6, $0x7D0;
	v6 =	vnsel vm1, $0x0, v6  }
0x218: {  	v6 =	vmin.u32 v6, $0x7CF;
	_ =	sdelay $0x4  }
0x219: {  	[tilespmem:v6+s23+$0x0] =	vst.idx.msk vm2, v5  }
0x21a: {  	v6 =	vld [tilespmem:$0x2400];
	_ =	sdelay $0x4  }
0x21b: {  	v6 =	vsub.s32 v6, v0  }
0x21c: {  	vm1 =	vgt.s32 v6, $0x0  }
0x21d: {  	vm2 =	vlt.u32 v6, $0x7D0;
	v6 =	vnsel vm1, $0x0, v6  }
0x21e: {  	v6 =	vmin.u32 v6, $0x7CF;
	_ =	sdelay $0x4  }
0x21f: {  	[tilespmem:v6+s23+$0x0] =	vst.idx.msk vm2, v5  }
0x220: {  	v6 =	vld [tilespmem:$0x2410];
	_ =	sdelay $0x4  }
0x221: {  	v6 =	vsub.s32 v6, v0  }
0x222: {  	vm1 =	vgt.s32 v6, $0x0  }
0x223: {  	vm2 =	vlt.u32 v6, $0x7D0;
	v6 =	vnsel vm1, $0x0, v6  }
0x224: {  	v6 =	vmin.u32 v6, $0x7CF;
	_ =	sdelay $0x4  }
0x225: {  	[tilespmem:v6+s23+$0x0] =	vst.idx.msk vm2, v5  }
0x226: {  	v6 =	vld [tilespmem:$0x2420];
	_ =	sdelay $0x4  }
0x227: {  	v6 =	vsub.s32 v6, v0  }
0x228: {  	vm1 =	vgt.s32 v6, $0x0  }
0x229: {  	vm2 =	vlt.u32 v6, $0x7D0;
	v6 =	vnsel vm1, $0x0, v6  }
0x22a: {  	v6 =	vmin.u32 v6, $0x7CF;
	_ =	sdelay $0x4  }
0x22b: {  	[tilespmem:v6+s23+$0x0] =	vst.idx.msk vm2, v5  }
0x22c: {  	v6 =	vld [tilespmem:$0x2430];
	_ =	sdelay $0x4  }
0x22d: {  	v6 =	vsub.s32 v6, v0  }
0x22e: {  	vm1 =	vgt.s32 v6, $0x0  }
0x22f: {  	vm2 =	vlt.u32 v6, $0x7D0;
	v6 =	vnsel vm1, $0x0, v6  }
0x230: {  	v6 =	vmin.u32 v6, $0x7CF;
	_ =	sdelay $0x4  }
0x231: {  	[tilespmem:v6+s23+$0x0] =	vst.idx.msk vm2, v5  }
0x232: {  	v6 =	vld [tilespmem:$0x2440];
	_ =	sdelay $0x4  }
0x233: {  	v6 =	vsub.s32 v6, v0  }
0x234: {  	vm1 =	vgt.s32 v6, $0x0  }
0x235: {  	vm2 =	vlt.u32 v6, $0x7D0;
	v6 =	vnsel vm1, $0x0, v6  }
0x236: {  	v6 =	vmin.u32 v6, $0x7CF;
	_ =	sdelay $0x4  }
0x237: {  	[tilespmem:v6+s23+$0x0] =	vst.idx.msk vm2, v5  }
0x238: {  	v6 =	vld [tilespmem:$0x2450];
	_ =	sdelay $0x4  }
0x239: {  	v6 =	vsub.s32 v6, v0  }
0x23a: {  	vm1 =	vgt.s32 v6, $0x0  }
0x23b: {  	vm2 =	vlt.u32 v6, $0x7D0;
	v6 =	vnsel vm1, $0x0, v6  }
0x23c: {  	v6 =	vmin.u32 v6, $0x7CF;
	_ =	sdelay $0x4  }
0x23d: {  	[tilespmem:v6+s23+$0x0] =	vst.idx.msk vm2, v5  }
0x23e: {  	v6 =	vld [tilespmem:$0x2458];
	_ =	sdelay $0x4  }
0x23f: {  	v6 =	vsub.s32 v6, v0  }
0x240: {  	vm1 =	vgt.s32 v6, $0x0  }
0x241: {  	vm2 =	vlt.u32 v6, $0x7D0;
	v6 =	vnsel vm1, $0x0, v6  }
0x242: {  	v6 =	vmin.u32 v6, $0x7CF;
	_ =	sdelay $0x4  }
0x243: {  	[tilespmem:v6+s23+$0x0] =	vst.idx.msk vm2, v5  }
0x244: {  	[hbm4b:s7+s5] =	stream.linear.scatter [tilespmem:s23], [sflag:$0x5], $0x800, $0x38;
	[tilespmem:$0x2D00] =	vst v63  }
0x245: {  	_ =	swait.ge [sflag:s15], $0x800  }
0x246: {  	[sflag:s15] =	ssyncset.done $0x0  }
0x247: {  	[sflag:s15] =	ssyncadd.s32 $0xFFFFF800  }
.LBB2_4:
0x248: {  	_ =	swait.ge [sflag:s14], $0x2000  }
0x249: {  	[sflag:s14] =	ssyncset.done $0x0  }
.Ltmp4:
0x24a: {  	[sflag:s14] =	ssyncadd.s32 $0xFFFFE000;
	(pc) =	sbr.rel .LBB2_6-.Ltmp4, $4  }
0x24b: {  	[hbm4b:s8+s5] =	stream.linear.scatter [tilespmem:s13], [sflag:$0x5], $0x2000, $0x38;
	[tilespmem:$0x2D00] =	vst v63  }
0x24c: {  	_ =	swait.ge [sflag:s15], $0x2000  }
0x24d: {  	[sflag:s15] =	ssyncset.done $0x0  }
0x24e: {  	[sflag:s15] =	ssyncadd.s32 $0xFFFFE000  }
.LBB2_7:
0x24f: {  	_ =	sfence.sel $0x180000  }
0x250: {  	[bflag:$0x0] =	sbarrier.arrive $0xFFFF  }
0x251: {  	p0 =	sne.s32 s0, $0x0;
	_ =	strace $0x90000047  }
0x252: {  	s0 =	sadd.s32 @!p0 $0x100000, s2;
	[bflag:$0x2] =	sbarrier.arrive $0xFFFF  }
0x253: {  	[sflag:s0] =	ssyncadd.tile.s32 @!p0 $0x1;
	_ =	shalt  }
.Lfunc_end2:
_tile_overlayer_lowered:
.L_overlay_start_2:
0x254: {  	(tag) =	ssettag $0x2  }
0x255: {  	s0 =	rddreg [dreg:$0x0];
	s2 =	stileid.u32  }
0x256: {  	s1 =	rddreg [dreg:$0x1];
	p0 =	sne.s32 s2, $0x0  }
0x257: {  	s3 =	rddreg [dreg:$0x2];
	[bflag:$0x3] =	sbarrier.arrive $0xFFFF;
	s2 =	simm.s32 @!p0 $0x1C05  }
0x258: {  	[timem:s3], [sflag:s2] =	dma.local @!p0 [hbm:s0], s1  }
0x259: {  	s0 =	simm.s32 @!p0 $0x5  }
0x25a: {  	_ =	swait.ge @!p0 [sflag:s0], s1  }
0x25b: {  	s1 =	ssub.s32 @!p0 $0x0, s1;
	[sflag:s0] =	ssyncset.done @!p0 $0x0  }
0x25c: {  	[sflag:s0] =	ssyncadd.s32 @!p0 s1  }
0x25d: {  	[bflag:$0x3] =	sbarrier.arrive $0xFFFF  }
0x25e: {  	_ =	shalt  }

</sc_bundles>
